<compile_context>
chip_gen: v7x
topology: tpu7x:2x2x1
jax: 0.10.2.dev20260603
libtpu: 0.0.44.dev20260713+nightly
codegen_flags: <defaults>
</compile_context>

<pallas_src>
import functools

import jax
import jax.numpy as jnp
from jax import lax
from jax.experimental import pallas as pl
from jax.experimental.pallas import tpu as pltpu
from jax.experimental.pallas import tpu_sc as plsc

N_INPUT = 1000
N_HIDDEN = 64
N_LATENT = 32
B = 1024

NC = 2
NS = 16
L = 16
NW = NC * NS
BPW = B // NW
NFULL = N_INPUT // L
TAIL_OFF = N_INPUT - L


XPAD = 1024


def _prologue_body(m_ref, x_ref, xo_ref):
    m2 = m_ref[...]
    cols = lax.broadcasted_iota(jnp.int32, (1, N_INPUT), 1)
    hit = jnp.any(m2 == cols, axis=0, keepdims=True)
    colmask = jnp.where(hit, 0.0, 1.0)
    xo_ref[:, :N_INPUT] = jnp.log1p(x_ref[...] * colmask)
    xo_ref[:, N_INPUT:] = jnp.zeros((B, XPAD - N_INPUT), jnp.float32)


NPAIR = BPW // 2
HFLUSH = 4


def _sc_matvec_body(x_hbm, m_hbm, tab_hbm, h_hbm,
                    m_v, idx_b, x0, x1, a0, a1, h_8, hstage,
                    sem_a0, sem_a1, sem_x0, sem_x1):
    wid = lax.axis_index("s") * NC + lax.axis_index("c")
    pltpu.sync_copy(m_hbm.at[pl.ds((wid // 4) * 128, 128)], m_v)
    mbase = (wid % 4) * BPW
    base = wid * BPW
    lane = lax.iota(jnp.int32, L)
    tail_mask = (lane >= L - N_INPUT % L).astype(jnp.float32)

    def gene16(e):
        return plsc.load_gather(m_v, [jnp.full((L,), mbase + e, jnp.int32)])

    def start_a(slot, m16, a_ref, sem):
        idx_b[pl.ds(L * slot, L)] = m16
        pltpu.async_copy(tab_hbm.at[idx_b.at[pl.ds(L * slot, 1)]], a_ref, sem)

    def drain_a(slot, a_ref, sem):
        pltpu.make_async_copy(tab_hbm.at[idx_b.at[pl.ds(L * slot, 1)]], a_ref,
                              sem).wait()

    def compute_example(a_ref, x_ref, e):
        for g in range(N_HIDDEN // L):
            def kbody(k, accs):
                off = pl.multiple_of(L * k, L)
                xk = x_ref[pl.ds(off, L)]
                return tuple(
                    accs[j]
                    + a_ref[0, pl.ds((L * g + j) * N_INPUT + off, L)] * xk
                    for j in range(L))
            accs = lax.fori_loop(
                0, NFULL, kbody,
                tuple(jnp.zeros((L,), jnp.float32) for _ in range(L)))
            xt = x_ref[pl.ds(TAIL_OFF, L)] * tail_mask
            for j in range(L):
                hstage[pl.ds(L * j, L)] = (
                    accs[j]
                    + a_ref[0, pl.ds((L * g + j) * N_INPUT + TAIL_OFF, L)] * xt)
            hvec = jnp.zeros((L,), jnp.float32)
            for c in range(L):
                hvec = hvec + plsc.load_gather(hstage, [lane * L + c])
            off_h = pl.multiple_of((e % HFLUSH) * N_HIDDEN + L * g, L)
            h_8[pl.ds(off_h, L)] = hvec

    def pair_body(i, carry):
        e0 = 2 * i
        e1 = 2 * i + 1
        cpx0 = pltpu.async_copy(x_hbm.at[base + e0], x0, sem_x0)
        cpx1 = pltpu.async_copy(x_hbm.at[base + e1], x1, sem_x1)
        m16_e0 = gene16(e0)
        m16_e1 = gene16(e1)

        @pl.when(i == 0)
        def _first_fetch():
            start_a(0, m16_e0, a0, sem_a0)

        start_a(1, m16_e1, a1, sem_a1)
        drain_a(0, a0, sem_a0)
        cpx0.wait()
        compute_example(a0, x0, e0)

        @pl.when(i < NPAIR - 1)
        def _prefetch_next():
            start_a(0, gene16(e0 + 2), a0, sem_a0)

        drain_a(1, a1, sem_a1)
        cpx1.wait()
        compute_example(a1, x1, e1)

        @pl.when(i % (HFLUSH // 2) == (HFLUSH // 2) - 1)
        def _flush_h():
            q = i // (HFLUSH // 2)
            pltpu.sync_copy(
                h_8,
                h_hbm.at[pl.ds((base + HFLUSH * q) * N_HIDDEN,
                               HFLUSH * N_HIDDEN)])

        return carry

    lax.fori_loop(0, NPAIR, pair_body, 0)


def _epilogue_body(h_ref, m_ref, bvt_ref, w1_ref, b1_ref, s_ref, lb_ref,
                   w3_ref, b3_ref, w4_ref, b4_ref, mean_ref, scale_ref):
    cols = lax.broadcasted_iota(jnp.int32, (B, N_INPUT), 1)
    onehot = (m_ref[...] == cols).astype(jnp.float32)
    h = h_ref[...] + jnp.dot(onehot, bvt_ref[...],
                             preferred_element_type=jnp.float32)
    h = jnp.dot(h, w1_ref[...], preferred_element_type=jnp.float32) + b1_ref[...]
    mu = jnp.mean(h, axis=-1, keepdims=True)
    var = jnp.mean((h - mu) ** 2, axis=-1, keepdims=True)
    h = (h - mu) * lax.rsqrt(var + 1e-6) * s_ref[...] + lb_ref[...]
    h = jnp.maximum(h, 0.0)
    mean_ref[...] = jnp.dot(h, w3_ref[...], preferred_element_type=jnp.float32) + b3_ref[...]
    scale_ref[...] = jnp.exp(
        jnp.dot(h, w4_ref[...], preferred_element_type=jnp.float32) + b4_ref[...])


def kernel(x, masked_genes, amats_table, bvecs_table, W1, b1, ln_scale, ln_bias,
           W3, b3, W4, b4):
    m = masked_genes.astype(jnp.int32)

    x_ = pl.pallas_call(
        _prologue_body,
        out_shape=jax.ShapeDtypeStruct((B, XPAD), jnp.float32),
    )(m.reshape(B, 1), x)

    sc = pl.kernel(
        _sc_matvec_body,
        out_type=jax.ShapeDtypeStruct((B * N_HIDDEN,), jnp.float32),
        mesh=plsc.VectorSubcoreMesh(core_axis_name="c", subcore_axis_name="s"),
        compiler_params=pltpu.CompilerParams(needs_layout_passes=False,
                                             use_tc_tiling_on_sc=True),
        scratch_types=[
            pltpu.VMEM((128,), jnp.int32),
            pltpu.VMEM((2 * L,), jnp.int32),
            pltpu.VMEM((XPAD,), jnp.float32),
            pltpu.VMEM((XPAD,), jnp.float32),
            pltpu.VMEM((1, N_HIDDEN * N_INPUT), jnp.float32),
            pltpu.VMEM((1, N_HIDDEN * N_INPUT), jnp.float32),
            pltpu.VMEM((HFLUSH * N_HIDDEN,), jnp.float32),
            pltpu.VMEM((L * L,), jnp.float32),
            pltpu.SemaphoreType.DMA,
            pltpu.SemaphoreType.DMA,
            pltpu.SemaphoreType.DMA,
            pltpu.SemaphoreType.DMA,
        ],
    )
    h = sc(x_, m, amats_table)

    mean, scale = pl.pallas_call(
        _epilogue_body,
        out_shape=(
            jax.ShapeDtypeStruct((B, N_LATENT), jnp.float32),
            jax.ShapeDtypeStruct((B, N_LATENT), jnp.float32),
        ),
    )(h.reshape(B, N_HIDDEN), m.reshape(B, 1), bvecs_table,
      W1, b1.reshape(1, N_HIDDEN),
      ln_scale.reshape(1, N_HIDDEN), ln_bias.reshape(1, N_HIDDEN),
      W3, b3.reshape(1, N_LATENT), W4, b4.reshape(1, N_LATENT))
    return (mean, scale)

# --- scband reference (transcript-rebuilt; emitter-appended) ---
"""Pipeline reference for scband-gibbs-encoder-20461224198819 (READ-ONLY COPY).

The authoritative reference and input builder live on the scoring server;
editing this copy changes nothing except your own understanding.
"""

import jax, jax.numpy as jnp
import numpy as np

N_INPUT = 1000
N_HIDDEN = 64
N_LATENT = 32
B = 1024


def setup_inputs(seed: int = 0) -> dict:
    key = jax.random.key(seed)
    ks = jax.random.split(key, 12)
    x = jax.random.uniform(ks[0], (B, N_INPUT), dtype=jnp.float32)
    masked_genes = jax.random.randint(ks[1], (B,), 0, N_INPUT, dtype=jnp.int64)
    amats_table = jax.random.normal(ks[2], (N_INPUT, N_INPUT * N_HIDDEN), dtype=jnp.float32) * 0.02
    bvecs_table = jax.random.normal(ks[3], (N_INPUT, N_HIDDEN), dtype=jnp.float32) * 0.02
    W1 = jax.random.normal(ks[4], (N_HIDDEN, N_HIDDEN), dtype=jnp.float32) * 0.05
    b1 = jnp.zeros((N_HIDDEN,), dtype=jnp.float32)
    ln_scale = jnp.ones((N_HIDDEN,), dtype=jnp.float32)
    ln_bias = jnp.zeros((N_HIDDEN,), dtype=jnp.float32)
    W3 = jax.random.normal(ks[5], (N_HIDDEN, N_LATENT), dtype=jnp.float32) * 0.05
    b3 = jnp.zeros((N_LATENT,), dtype=jnp.float32)
    W4 = jax.random.normal(ks[6], (N_HIDDEN, N_LATENT), dtype=jnp.float32) * 0.01
    b4 = jnp.zeros((N_LATENT,), dtype=jnp.float32)
    return {"x": x, "masked_genes": masked_genes, "amats_table": amats_table,
            "bvecs_table": bvecs_table, "W1": W1, "b1": b1, "ln_scale": ln_scale,
            "ln_bias": ln_bias, "W3": W3, "b3": b3, "W4": W4, "b4": b4}


def reference(x, masked_genes, amats_table, bvecs_table, W1, b1, ln_scale, ln_bias, W3, b3, W4, b4):
    m = masked_genes.astype(jnp.int32)
    # zero masked columns (note: original zeroes these columns for ALL rows)
    x_ = x.at[:, m].set(0.0)
    masks_oh = jax.nn.one_hot(m, N_INPUT, dtype=x.dtype)
    x_ = (1.0 - masks_oh) * x_
    x_ = jnp.log1p(x_)
    # per-gene weight matrix lookup (the big gather)
    amats = jnp.take(amats_table, m, axis=0).reshape((x.shape[0], N_HIDDEN, N_INPUT))
    bvecs = jnp.take(bvecs_table, m, axis=0)
    h = jnp.einsum('ijk,ik->ij', amats, x_)
    h = h + bvecs
    h = h @ W1 + b1
    mu = jnp.mean(h, axis=-1, keepdims=True)
    var = jnp.var(h, axis=-1, keepdims=True)
    h = (h - mu) / jnp.sqrt(var + 1e-6) * ln_scale + ln_bias
    h = jax.nn.relu(h)
    mean = h @ W3 + b3
    log_var = h @ W4 + b4
    # dist.Normal(mean, exp(log_var)) -> return (loc, scale)
    return (mean, jnp.exp(log_var))

if __name__ == "__main__":
    import jax
    _d = setup_inputs()
    print(jax.jit(kernel)(*tuple(_d.values())))

</pallas_src>

<mosaic_0001>
#map = affine_map<(d0, d1) -> (0, 0)>
#map1 = affine_map<(d0, d1) -> (0)>
module attributes {stable_mosaic.version = 14 : i64} {
  func.func @_sc_matvec_body(%arg0: i32, %arg1: i32, %arg2: memref<1024x1024xf32, #tpu.memory_space<hbm>>, %arg3: memref<1024xi32, #tpu.memory_space<hbm>>, %arg4: memref<1000x64000xf32, #tpu.memory_space<hbm>>, %arg5: memref<65536xf32, #tpu.memory_space<hbm>>, %arg6: memref<128xi32, #tpu.memory_space<vmem>>, %arg7: memref<32xi32, #tpu.memory_space<vmem>>, %arg8: memref<1024xf32, #tpu.memory_space<vmem>>, %arg9: memref<1024xf32, #tpu.memory_space<vmem>>, %arg10: memref<1x64000xf32, #tpu.memory_space<vmem>>, %arg11: memref<1x64000xf32, #tpu.memory_space<vmem>>, %arg12: memref<256xf32, #tpu.memory_space<vmem>>, %arg13: memref<256xf32, #tpu.memory_space<vmem>>, %arg14: memref<!tpu.dma_semaphore, #tpu.memory_space<semaphore_mem>>, %arg15: memref<!tpu.dma_semaphore, #tpu.memory_space<semaphore_mem>>, %arg16: memref<!tpu.dma_semaphore, #tpu.memory_space<semaphore_mem>>, %arg17: memref<!tpu.dma_semaphore, #tpu.memory_space<semaphore_mem>>) attributes {dimension_semantics = [#tpu.dimension_semantics<core_parallel>, #tpu.dimension_semantics<subcore_parallel>], iteration_bounds = array<i64: 2, 16>, scalar_prefetch = 0 : i64, scratch_operands = 12 : i64, tpu.core_type = #tpu.core_type<sc_vector_subcore>, window_params = [{transform_indices = #map}, {transform_indices = #map1}, {transform_indices = #map}, {transform_indices = #map1}]} {
    %mul3A = arith.constant 2 : i32
    %mul3A_0 = arith.muli %arg1, %mul3A : i32
    %add3A = arith.addi %mul3A_0, %arg0 : i32
    %jit3A = arith.constant 4 : i32
    %div3A = arith.divsi %add3A, %jit3A : i32
    %sign3A = arith.constant 0 : i32
    %sign3A_1 = arith.cmpi sgt, %add3A, %sign3A : i32
    %sign3A_2 = arith.extui %sign3A_1 : i1 to i32
    %sign3A_3 = arith.constant 0 : i32
    %sign3A_4 = arith.cmpi slt, %add3A, %sign3A_3 : i32
    %sign3A_5 = arith.extui %sign3A_4 : i1 to i32
    %sign3A_6 = arith.subi %sign3A_2, %sign3A_5 : i32
    %sign3A_7 = arith.constant 0 : i32
    %sign3A_8 = arith.cmpi sgt, %jit3A, %sign3A_7 : i32
    %sign3A_9 = arith.extui %sign3A_8 : i1 to i32
    %sign3A_10 = arith.constant 0 : i32
    %sign3A_11 = arith.cmpi slt, %jit3A, %sign3A_10 : i32
    %sign3A_12 = arith.extui %sign3A_11 : i1 to i32
    %sign3A_13 = arith.subi %sign3A_9, %sign3A_12 : i32
    %ne3A = arith.cmpi ne, %sign3A_6, %sign3A_13 : i32
    %rem3A = arith.remsi %add3A, %jit3A : i32
    %ne3A_14 = arith.constant 0 : i32
    %ne3A_15 = arith.cmpi ne, %rem3A, %ne3A_14 : i32
    %and3A = arith.andi %ne3A, %ne3A_15 : i1
    %sub3A = arith.constant 1 : i32
    %sub3A_16 = arith.subi %div3A, %sub3A : i32
    %select_n3A = arith.select %and3A, %sub3A_16, %div3A : i32
    %mul3A_17 = arith.constant 128 : i32
    %mul3A_18 = arith.muli %select_n3A, %mul3A_17 : i32
    "tpu.region"() ({
      %run_scoped3A = tpu.sem_alloc : memref<!tpu.dma_semaphore, #tpu.memory_space<semaphore_mem>>
      %dma_start3A = tpu.memref_slice %arg3[%mul3A_18] : memref<1024xi32, #tpu.memory_space<hbm>> -> memref<128xi32, #tpu.memory_space<hbm>>
      %dma_start3A_45 = tpu.memref_slice %arg3[%mul3A_18] : memref<1024xi32, #tpu.memory_space<hbm>> -> memref<128xi32, #tpu.memory_space<hbm>>
      tpu.enqueue_dma source(%dma_start3A_45 : memref<128xi32, #tpu.memory_space<hbm>>) target(%arg6 : memref<128xi32, #tpu.memory_space<vmem>>) target_semaphore(%run_scoped3A : memref<!tpu.dma_semaphore, #tpu.memory_space<semaphore_mem>>)
      %dma_wait3A = tpu.memref_slice %arg3[%mul3A_18] : memref<1024xi32, #tpu.memory_space<hbm>> -> memref<128xi32, #tpu.memory_space<hbm>>
      %dma_wait3A_46 = tpu.memref_slice %arg3[%mul3A_18] : memref<1024xi32, #tpu.memory_space<hbm>> -> memref<128xi32, #tpu.memory_space<hbm>>
      tpu.wait_dma2 semaphore(%run_scoped3A : memref<!tpu.dma_semaphore, #tpu.memory_space<semaphore_mem>>) src(%dma_wait3A_46 : memref<128xi32, #tpu.memory_space<hbm>>) dst(%arg6 : memref<128xi32, #tpu.memory_space<vmem>>)
      tpu.yield
    }) : () -> ()
    %jit3A_19 = arith.constant 4 : i32
    %eq3A = arith.constant 0 : i32
    %eq3A_20 = arith.cmpi eq, %jit3A_19, %eq3A : i32
    %jit3A_21 = arith.constant 1 : i32
    %select_n3A_22 = arith.select %eq3A_20, %jit3A_21, %jit3A_19 : i32
    %rem3A_23 = arith.remsi %add3A, %select_n3A_22 : i32
    %ne3A_24 = arith.constant 0 : i32
    %ne3A_25 = arith.cmpi ne, %rem3A_23, %ne3A_24 : i32
    %lt3A = arith.constant 0 : i32
    %lt3A_26 = arith.cmpi slt, %rem3A_23, %lt3A : i32
    %lt3A_27 = arith.constant 0 : i32
    %lt3A_28 = arith.cmpi slt, %select_n3A_22, %lt3A_27 : i32
    %ne3A_29 = arith.xori %lt3A_26, %lt3A_28 : i1
    %and3A_30 = arith.andi %ne3A_29, %ne3A_25 : i1
    %add3A_31 = arith.addi %rem3A_23, %select_n3A_22 : i32
    %select_n3A_32 = arith.select %and3A_30, %add3A_31, %rem3A_23 : i32
    %mul3A_33 = arith.constant 32 : i32
    %mul3A_34 = arith.muli %select_n3A_32, %mul3A_33 : i32
    %mul3A_35 = arith.constant 32 : i32
    %mul3A_36 = arith.muli %add3A, %mul3A_35 : i32
    %iota3A = tpu.iota {dimensions = array<i32: 0>} : vector<16xi32>
    %ge3A = arith.constant 8 : i32
    %ge3A_37 = vector.broadcast %ge3A : i32 to vector<16xi32>
    %ge3A_38 = arith.cmpi sge, %iota3A, %ge3A_37 : vector<16xi32>
    %convert_element_type3A = arith.extui %ge3A_38 : vector<16xi1> to vector<16xi32>
    %convert_element_type3A_39 = arith.sitofp %convert_element_type3A : vector<16xi32> to vector<16xf32>
    %scan3A = arith.constant 0 : i32
    %scan3A_40 = arith.constant 0 : i32
    %scan3A_41 = arith.constant 16 : i32
    %scan3A_42 = arith.addi %scan3A_40, %scan3A_41 : i32
    %scan3A_43 = arith.constant 1 : i32
    scf.for %scan3A_45 = %scan3A_40 to %scan3A_42 step %scan3A_43  : i32 {
      %mul3A_46 = arith.constant 2 : i32
      %mul3A_47 = arith.muli %mul3A_46, %scan3A_45 : i32
      %mul3A_48 = arith.constant 2 : i32
      %mul3A_49 = arith.muli %mul3A_48, %scan3A_45 : i32
      %add3A_50 = arith.constant 1 : i32
      %add3A_51 = arith.addi %mul3A_49, %add3A_50 : i32
      %add3A_52 = arith.addi %mul3A_36, %mul3A_47 : i32
      %dma_start3A = arith.constant 0 : i32
      %dma_start3A_53 = tpu.memref_slice %arg2[%add3A_52, %dma_start3A] : memref<1024x1024xf32, #tpu.memory_space<hbm>> -> memref<1x1024xf32, #tpu.memory_space<hbm>>
      %dma_start3A_54 = tpu.memref_squeeze %dma_start3A_53 : memref<1x1024xf32, #tpu.memory_space<hbm>> -> memref<1024xf32, #tpu.memory_space<hbm>>
      %dma_start3A_55 = arith.constant 0 : i32
      %dma_start3A_56 = tpu.memref_slice %arg2[%add3A_52, %dma_start3A_55] : memref<1024x1024xf32, #tpu.memory_space<hbm>> -> memref<1x1024xf32, #tpu.memory_space<hbm>>
      %dma_start3A_57 = tpu.memref_squeeze %dma_start3A_56 : memref<1x1024xf32, #tpu.memory_space<hbm>> -> memref<1024xf32, #tpu.memory_space<hbm>>
      tpu.enqueue_dma source(%dma_start3A_57 : memref<1024xf32, #tpu.memory_space<hbm>>) target(%arg8 : memref<1024xf32, #tpu.memory_space<vmem>>) target_semaphore(%arg16 : memref<!tpu.dma_semaphore, #tpu.memory_space<semaphore_mem>>)
      %add3A_58 = arith.addi %mul3A_36, %add3A_51 : i32
      %dma_start3A_59 = arith.constant 0 : i32
      %dma_start3A_60 = tpu.memref_slice %arg2[%add3A_58, %dma_start3A_59] : memref<1024x1024xf32, #tpu.memory_space<hbm>> -> memref<1x1024xf32, #tpu.memory_space<hbm>>
      %dma_start3A_61 = tpu.memref_squeeze %dma_start3A_60 : memref<1x1024xf32, #tpu.memory_space<hbm>> -> memref<1024xf32, #tpu.memory_space<hbm>>
      %dma_start3A_62 = arith.constant 0 : i32
      %dma_start3A_63 = tpu.memref_slice %arg2[%add3A_58, %dma_start3A_62] : memref<1024x1024xf32, #tpu.memory_space<hbm>> -> memref<1x1024xf32, #tpu.memory_space<hbm>>
      %dma_start3A_64 = tpu.memref_squeeze %dma_start3A_63 : memref<1x1024xf32, #tpu.memory_space<hbm>> -> memref<1024xf32, #tpu.memory_space<hbm>>
      tpu.enqueue_dma source(%dma_start3A_64 : memref<1024xf32, #tpu.memory_space<hbm>>) target(%arg9 : memref<1024xf32, #tpu.memory_space<vmem>>) target_semaphore(%arg17 : memref<!tpu.dma_semaphore, #tpu.memory_space<semaphore_mem>>)
      %add3A_65 = arith.addi %mul3A_34, %mul3A_47 : i32
      %broadcast_in_dim3A = vector.broadcast %add3A_65 : i32 to vector<16xi32>
      %gather3A = tpu.vector_load_idx %arg6[%broadcast_in_dim3A] : memref<128xi32, #tpu.memory_space<vmem>>[vector<16xi32>], vector<16xi32>,
      %add3A_66 = arith.addi %mul3A_34, %add3A_51 : i32
      %broadcast_in_dim3A_67 = vector.broadcast %add3A_66 : i32 to vector<16xi32>
      %gather3A_68 = tpu.vector_load_idx %arg6[%broadcast_in_dim3A_67] : memref<128xi32, #tpu.memory_space<vmem>>[vector<16xi32>], vector<16xi32>,
      %eq3A_69 = arith.constant 0 : i32
      %eq3A_70 = arith.cmpi eq, %scan3A_45, %eq3A_69 : i32
      %convert_element_type3A_71 = arith.extui %eq3A_70 : i1 to i32
      %cond3A = arith.constant 0 : i32
      %cond3A_72 = arith.cmpi ne, %convert_element_type3A_71, %cond3A : i32
      scf.if %cond3A_72 {
        %swap3A_2700 = arith.constant 0 : index
        %swap3A_2701 = tpu.vector_load %arg7[%swap3A_2700] {strides = array<i32>} : memref<32xi32, #tpu.memory_space<vmem>>, vector<16xi32>,
        tpu.vector_store %arg7[%swap3A_2700], %gather3A {strides = array<i32>} : memref<32xi32, #tpu.memory_space<vmem>>, vector<16xi32>,
        %dma_start3A_2702 = arith.constant 0 : i32
        %dma_start3A_2703 = tpu.memref_slice %arg7[%dma_start3A_2702] : memref<32xi32, #tpu.memory_space<vmem>> -> memref<1xi32, #tpu.memory_space<vmem>>
        %dma_start3A_2704 = arith.constant 0 : i32
        %dma_start3A_2705 = arith.constant 0 : i32
        %dma_start3A_2706 = tpu.memref_slice %arg4[%dma_start3A_2704, %dma_start3A_2705] : memref<1000x64000xf32, #tpu.memory_space<hbm>> -> memref<1000x64000xf32, #tpu.memory_space<hbm>>
        tpu.enqueue_indirect_dma source(%dma_start3A_2706 : memref<1000x64000xf32, #tpu.memory_space<hbm>>) target(%arg10 : memref<1x64000xf32, #tpu.memory_space<vmem>>) offsets(%dma_start3A_2703 : memref<1xi32, #tpu.memory_space<vmem>>) semaphore(%arg14 : memref<!tpu.dma_semaphore, #tpu.memory_space<semaphore_mem>>)
      } else {
      }
      %swap3A = arith.constant 16 : index
      %swap3A_73 = tpu.vector_load %arg7[%swap3A] {strides = array<i32>} : memref<32xi32, #tpu.memory_space<vmem>>, vector<16xi32>,
      tpu.vector_store %arg7[%swap3A], %gather3A_68 {strides = array<i32>} : memref<32xi32, #tpu.memory_space<vmem>>, vector<16xi32>,
      %dma_start3A_74 = arith.constant 16 : i32
      %dma_start3A_75 = tpu.memref_slice %arg7[%dma_start3A_74] : memref<32xi32, #tpu.memory_space<vmem>> -> memref<1xi32, #tpu.memory_space<vmem>>
      %dma_start3A_76 = arith.constant 0 : i32
      %dma_start3A_77 = arith.constant 0 : i32
      %dma_start3A_78 = tpu.memref_slice %arg4[%dma_start3A_76, %dma_start3A_77] : memref<1000x64000xf32, #tpu.memory_space<hbm>> -> memref<1000x64000xf32, #tpu.memory_space<hbm>>
      tpu.enqueue_indirect_dma source(%dma_start3A_78 : memref<1000x64000xf32, #tpu.memory_space<hbm>>) target(%arg11 : memref<1x64000xf32, #tpu.memory_space<vmem>>) offsets(%dma_start3A_75 : memref<1xi32, #tpu.memory_space<vmem>>) semaphore(%arg15 : memref<!tpu.dma_semaphore, #tpu.memory_space<semaphore_mem>>)
      %dma_wait3A = arith.constant 0 : i32
      %dma_wait3A_79 = tpu.memref_slice %arg7[%dma_wait3A] : memref<32xi32, #tpu.memory_space<vmem>> -> memref<1xi32, #tpu.memory_space<vmem>>
      %dma_wait3A_80 = arith.constant 0 : i32
      %dma_wait3A_81 = arith.constant 0 : i32
      %dma_wait3A_82 = tpu.memref_slice %arg4[%dma_wait3A_80, %dma_wait3A_81] : memref<1000x64000xf32, #tpu.memory_space<hbm>> -> memref<1000x64000xf32, #tpu.memory_space<hbm>>
      tpu.wait_indirect_dma semaphore(%arg14 : memref<!tpu.dma_semaphore, #tpu.memory_space<semaphore_mem>>) src(%dma_wait3A_82 : memref<1000x64000xf32, #tpu.memory_space<hbm>>) dst(%arg10 : memref<1x64000xf32, #tpu.memory_space<vmem>>)
      %dma_wait3A_83 = arith.constant 0 : i32
      %dma_wait3A_84 = tpu.memref_slice %arg2[%add3A_52, %dma_wait3A_83] : memref<1024x1024xf32, #tpu.memory_space<hbm>> -> memref<1x1024xf32, #tpu.memory_space<hbm>>
      %dma_wait3A_85 = tpu.memref_squeeze %dma_wait3A_84 : memref<1x1024xf32, #tpu.memory_space<hbm>> -> memref<1024xf32, #tpu.memory_space<hbm>>
      %dma_wait3A_86 = arith.constant 0 : i32
      %dma_wait3A_87 = tpu.memref_slice %arg2[%add3A_52, %dma_wait3A_86] : memref<1024x1024xf32, #tpu.memory_space<hbm>> -> memref<1x1024xf32, #tpu.memory_space<hbm>>
      %dma_wait3A_88 = tpu.memref_squeeze %dma_wait3A_87 : memref<1x1024xf32, #tpu.memory_space<hbm>> -> memref<1024xf32, #tpu.memory_space<hbm>>
      tpu.wait_dma2 semaphore(%arg16 : memref<!tpu.dma_semaphore, #tpu.memory_space<semaphore_mem>>) src(%dma_wait3A_88 : memref<1024xf32, #tpu.memory_space<hbm>>) dst(%arg8 : memref<1024xf32, #tpu.memory_space<vmem>>)
      %broadcast_in_dim3A_89 = arith.constant 0.000000e+00 : f32
      %broadcast_in_dim3A_90 = vector.broadcast %broadcast_in_dim3A_89 : f32 to vector<16xf32>
      %broadcast_in_dim3A_91 = arith.constant 0.000000e+00 : f32
      %broadcast_in_dim3A_92 = vector.broadcast %broadcast_in_dim3A_91 : f32 to vector<16xf32>
      %broadcast_in_dim3A_93 = arith.constant 0.000000e+00 : f32
      %broadcast_in_dim3A_94 = vector.broadcast %broadcast_in_dim3A_93 : f32 to vector<16xf32>
      %broadcast_in_dim3A_95 = arith.constant 0.000000e+00 : f32
      %broadcast_in_dim3A_96 = vector.broadcast %broadcast_in_dim3A_95 : f32 to vector<16xf32>
      %broadcast_in_dim3A_97 = arith.constant 0.000000e+00 : f32
      %broadcast_in_dim3A_98 = vector.broadcast %broadcast_in_dim3A_97 : f32 to vector<16xf32>
      %broadcast_in_dim3A_99 = arith.constant 0.000000e+00 : f32
      %broadcast_in_dim3A_100 = vector.broadcast %broadcast_in_dim3A_99 : f32 to vector<16xf32>
      %broadcast_in_dim3A_101 = arith.constant 0.000000e+00 : f32
      %broadcast_in_dim3A_102 = vector.broadcast %broadcast_in_dim3A_101 : f32 to vector<16xf32>
      %broadcast_in_dim3A_103 = arith.constant 0.000000e+00 : f32
      %broadcast_in_dim3A_104 = vector.broadcast %broadcast_in_dim3A_103 : f32 to vector<16xf32>
      %broadcast_in_dim3A_105 = arith.constant 0.000000e+00 : f32
      %broadcast_in_dim3A_106 = vector.broadcast %broadcast_in_dim3A_105 : f32 to vector<16xf32>
      %broadcast_in_dim3A_107 = arith.constant 0.000000e+00 : f32
      %broadcast_in_dim3A_108 = vector.broadcast %broadcast_in_dim3A_107 : f32 to vector<16xf32>
      %broadcast_in_dim3A_109 = arith.constant 0.000000e+00 : f32
      %broadcast_in_dim3A_110 = vector.broadcast %broadcast_in_dim3A_109 : f32 to vector<16xf32>
      %broadcast_in_dim3A_111 = arith.constant 0.000000e+00 : f32
      %broadcast_in_dim3A_112 = vector.broadcast %broadcast_in_dim3A_111 : f32 to vector<16xf32>
      %broadcast_in_dim3A_113 = arith.constant 0.000000e+00 : f32
      %broadcast_in_dim3A_114 = vector.broadcast %broadcast_in_dim3A_113 : f32 to vector<16xf32>
      %broadcast_in_dim3A_115 = arith.constant 0.000000e+00 : f32
      %broadcast_in_dim3A_116 = vector.broadcast %broadcast_in_dim3A_115 : f32 to vector<16xf32>
      %broadcast_in_dim3A_117 = arith.constant 0.000000e+00 : f32
      %broadcast_in_dim3A_118 = vector.broadcast %broadcast_in_dim3A_117 : f32 to vector<16xf32>
      %broadcast_in_dim3A_119 = arith.constant 0.000000e+00 : f32
      %broadcast_in_dim3A_120 = vector.broadcast %broadcast_in_dim3A_119 : f32 to vector<16xf32>
      %scan3A_121 = arith.constant 0 : i32
      %scan3A_122 = arith.constant 62 : i32
      %scan3A_123 = arith.addi %scan3A_121, %scan3A_122 : i32
      %scan3A_124 = arith.constant 1 : i32
      %scan3A_125:16 = scf.for %scan3A_2700 = %scan3A_121 to %scan3A_123 step %scan3A_124 iter_args(%scan3A_2701 = %broadcast_in_dim3A_90, %scan3A_2702 = %broadcast_in_dim3A_92, %scan3A_2703 = %broadcast_in_dim3A_94, %scan3A_2704 = %broadcast_in_dim3A_96, %scan3A_2705 = %broadcast_in_dim3A_98, %scan3A_2706 = %broadcast_in_dim3A_100, %scan3A_2707 = %broadcast_in_dim3A_102, %scan3A_2708 = %broadcast_in_dim3A_104, %scan3A_2709 = %broadcast_in_dim3A_106, %scan3A_2710 = %broadcast_in_dim3A_108, %scan3A_2711 = %broadcast_in_dim3A_110, %scan3A_2712 = %broadcast_in_dim3A_112, %scan3A_2713 = %broadcast_in_dim3A_114, %scan3A_2714 = %broadcast_in_dim3A_116, %scan3A_2715 = %broadcast_in_dim3A_118, %scan3A_2716 = %broadcast_in_dim3A_120) -> (vector<16xf32>, vector<16xf32>, vector<16xf32>, vector<16xf32>, vector<16xf32>, vector<16xf32>, vector<16xf32>, vector<16xf32>, vector<16xf32>, vector<16xf32>, vector<16xf32>, vector<16xf32>, vector<16xf32>, vector<16xf32>, vector<16xf32>, vector<16xf32>)  : i32 {
        %mul3A_2717 = arith.constant 16 : i32
        %mul3A_2718 = arith.muli %mul3A_2717, %scan3A_2700 : i32
        %multiple_of3A_2719 = tpu.assume_multiple %mul3A_2718, 16 : i32
        %get3A_2720 = arith.index_cast %multiple_of3A_2719 : i32 to index
        %get3A_2721 = tpu.vector_load %arg8[%get3A_2720] {strides = array<i32>} : memref<1024xf32, #tpu.memory_space<vmem>>, vector<16xf32>,
        %add3A_2722 = arith.constant 0 : i32
        %add3A_2723 = arith.addi %add3A_2722, %multiple_of3A_2719 : i32
        %get3A_2724 = arith.constant 0 : i32
        %get3A_2725 = arith.index_cast %get3A_2724 : i32 to index
        %get3A_2726 = arith.index_cast %add3A_2723 : i32 to index
        %get3A_2727 = tpu.vector_load %arg10[%get3A_2725, %get3A_2726] {strides = array<i32>} : memref<1x64000xf32, #tpu.memory_space<vmem>>, vector<16xf32>,
        %mul3A_2728 = arith.mulf %get3A_2727, %get3A_2721 : vector<16xf32>
        %add3A_2729 = arith.addf %scan3A_2701, %mul3A_2728 : vector<16xf32>
        %add3A_2730 = arith.constant 1000 : i32
        %add3A_2731 = arith.addi %add3A_2730, %multiple_of3A_2719 : i32
        %get3A_2732 = arith.constant 0 : i32
        %get3A_2733 = arith.index_cast %get3A_2732 : i32 to index
        %get3A_2734 = arith.index_cast %add3A_2731 : i32 to index
        %get3A_2735 = tpu.vector_load %arg10[%get3A_2733, %get3A_2734] {strides = array<i32>} : memref<1x64000xf32, #tpu.memory_space<vmem>>, vector<16xf32>,
        %mul3A_2736 = arith.mulf %get3A_2735, %get3A_2721 : vector<16xf32>
        %add3A_2737 = arith.addf %scan3A_2702, %mul3A_2736 : vector<16xf32>
        %add3A_2738 = arith.constant 2000 : i32
        %add3A_2739 = arith.addi %add3A_2738, %multiple_of3A_2719 : i32
        %get3A_2740 = arith.constant 0 : i32
        %get3A_2741 = arith.index_cast %get3A_2740 : i32 to index
        %get3A_2742 = arith.index_cast %add3A_2739 : i32 to index
        %get3A_2743 = tpu.vector_load %arg10[%get3A_2741, %get3A_2742] {strides = array<i32>} : memref<1x64000xf32, #tpu.memory_space<vmem>>, vector<16xf32>,
        %mul3A_2744 = arith.mulf %get3A_2743, %get3A_2721 : vector<16xf32>
        %add3A_2745 = arith.addf %scan3A_2703, %mul3A_2744 : vector<16xf32>
        %add3A_2746 = arith.constant 3000 : i32
        %add3A_2747 = arith.addi %add3A_2746, %multiple_of3A_2719 : i32
        %get3A_2748 = arith.constant 0 : i32
        %get3A_2749 = arith.index_cast %get3A_2748 : i32 to index
        %get3A_2750 = arith.index_cast %add3A_2747 : i32 to index
        %get3A_2751 = tpu.vector_load %arg10[%get3A_2749, %get3A_2750] {strides = array<i32>} : memref<1x64000xf32, #tpu.memory_space<vmem>>, vector<16xf32>,
        %mul3A_2752 = arith.mulf %get3A_2751, %get3A_2721 : vector<16xf32>
        %add3A_2753 = arith.addf %scan3A_2704, %mul3A_2752 : vector<16xf32>
        %add3A_2754 = arith.constant 4000 : i32
        %add3A_2755 = arith.addi %add3A_2754, %multiple_of3A_2719 : i32
        %get3A_2756 = arith.constant 0 : i32
        %get3A_2757 = arith.index_cast %get3A_2756 : i32 to index
        %get3A_2758 = arith.index_cast %add3A_2755 : i32 to index
        %get3A_2759 = tpu.vector_load %arg10[%get3A_2757, %get3A_2758] {strides = array<i32>} : memref<1x64000xf32, #tpu.memory_space<vmem>>, vector<16xf32>,
        %mul3A_2760 = arith.mulf %get3A_2759, %get3A_2721 : vector<16xf32>
        %add3A_2761 = arith.addf %scan3A_2705, %mul3A_2760 : vector<16xf32>
        %add3A_2762 = arith.constant 5000 : i32
        %add3A_2763 = arith.addi %add3A_2762, %multiple_of3A_2719 : i32
        %get3A_2764 = arith.constant 0 : i32
        %get3A_2765 = arith.index_cast %get3A_2764 : i32 to index
        %get3A_2766 = arith.index_cast %add3A_2763 : i32 to index
        %get3A_2767 = tpu.vector_load %arg10[%get3A_2765, %get3A_2766] {strides = array<i32>} : memref<1x64000xf32, #tpu.memory_space<vmem>>, vector<16xf32>,
        %mul3A_2768 = arith.mulf %get3A_2767, %get3A_2721 : vector<16xf32>
        %add3A_2769 = arith.addf %scan3A_2706, %mul3A_2768 : vector<16xf32>
        %add3A_2770 = arith.constant 6000 : i32
        %add3A_2771 = arith.addi %add3A_2770, %multiple_of3A_2719 : i32
        %get3A_2772 = arith.constant 0 : i32
        %get3A_2773 = arith.index_cast %get3A_2772 : i32 to index
        %get3A_2774 = arith.index_cast %add3A_2771 : i32 to index
        %get3A_2775 = tpu.vector_load %arg10[%get3A_2773, %get3A_2774] {strides = array<i32>} : memref<1x64000xf32, #tpu.memory_space<vmem>>, vector<16xf32>,
        %mul3A_2776 = arith.mulf %get3A_2775, %get3A_2721 : vector<16xf32>
        %add3A_2777 = arith.addf %scan3A_2707, %mul3A_2776 : vector<16xf32>
        %add3A_2778 = arith.constant 7000 : i32
        %add3A_2779 = arith.addi %add3A_2778, %multiple_of3A_2719 : i32
        %get3A_2780 = arith.constant 0 : i32
        %get3A_2781 = arith.index_cast %get3A_2780 : i32 to index
        %get3A_2782 = arith.index_cast %add3A_2779 : i32 to index
        %get3A_2783 = tpu.vector_load %arg10[%get3A_2781, %get3A_2782] {strides = array<i32>} : memref<1x64000xf32, #tpu.memory_space<vmem>>, vector<16xf32>,
        %mul3A_2784 = arith.mulf %get3A_2783, %get3A_2721 : vector<16xf32>
        %add3A_2785 = arith.addf %scan3A_2708, %mul3A_2784 : vector<16xf32>
        %add3A_2786 = arith.constant 8000 : i32
        %add3A_2787 = arith.addi %add3A_2786, %multiple_of3A_2719 : i32
        %get3A_2788 = arith.constant 0 : i32
        %get3A_2789 = arith.index_cast %get3A_2788 : i32 to index
        %get3A_2790 = arith.index_cast %add3A_2787 : i32 to index
        %get3A_2791 = tpu.vector_load %arg10[%get3A_2789, %get3A_2790] {strides = array<i32>} : memref<1x64000xf32, #tpu.memory_space<vmem>>, vector<16xf32>,
        %mul3A_2792 = arith.mulf %get3A_2791, %get3A_2721 : vector<16xf32>
        %add3A_2793 = arith.addf %scan3A_2709, %mul3A_2792 : vector<16xf32>
        %add3A_2794 = arith.constant 9000 : i32
        %add3A_2795 = arith.addi %add3A_2794, %multiple_of3A_2719 : i32
        %get3A_2796 = arith.constant 0 : i32
        %get3A_2797 = arith.index_cast %get3A_2796 : i32 to index
        %get3A_2798 = arith.index_cast %add3A_2795 : i32 to index
        %get3A_2799 = tpu.vector_load %arg10[%get3A_2797, %get3A_2798] {strides = array<i32>} : memref<1x64000xf32, #tpu.memory_space<vmem>>, vector<16xf32>,
        %mul3A_2800 = arith.mulf %get3A_2799, %get3A_2721 : vector<16xf32>
        %add3A_2801 = arith.addf %scan3A_2710, %mul3A_2800 : vector<16xf32>
        %add3A_2802 = arith.constant 10000 : i32
        %add3A_2803 = arith.addi %add3A_2802, %multiple_of3A_2719 : i32
        %get3A_2804 = arith.constant 0 : i32
        %get3A_2805 = arith.index_cast %get3A_2804 : i32 to index
        %get3A_2806 = arith.index_cast %add3A_2803 : i32 to index
        %get3A_2807 = tpu.vector_load %arg10[%get3A_2805, %get3A_2806] {strides = array<i32>} : memref<1x64000xf32, #tpu.memory_space<vmem>>, vector<16xf32>,
        %mul3A_2808 = arith.mulf %get3A_2807, %get3A_2721 : vector<16xf32>
        %add3A_2809 = arith.addf %scan3A_2711, %mul3A_2808 : vector<16xf32>
        %add3A_2810 = arith.constant 11000 : i32
        %add3A_2811 = arith.addi %add3A_2810, %multiple_of3A_2719 : i32
        %get3A_2812 = arith.constant 0 : i32
        %get3A_2813 = arith.index_cast %get3A_2812 : i32 to index
        %get3A_2814 = arith.index_cast %add3A_2811 : i32 to index
        %get3A_2815 = tpu.vector_load %arg10[%get3A_2813, %get3A_2814] {strides = array<i32>} : memref<1x64000xf32, #tpu.memory_space<vmem>>, vector<16xf32>,
        %mul3A_2816 = arith.mulf %get3A_2815, %get3A_2721 : vector<16xf32>
        %add3A_2817 = arith.addf %scan3A_2712, %mul3A_2816 : vector<16xf32>
        %add3A_2818 = arith.constant 12000 : i32
        %add3A_2819 = arith.addi %add3A_2818, %multiple_of3A_2719 : i32
        %get3A_2820 = arith.constant 0 : i32
        %get3A_2821 = arith.index_cast %get3A_2820 : i32 to index
        %get3A_2822 = arith.index_cast %add3A_2819 : i32 to index
        %get3A_2823 = tpu.vector_load %arg10[%get3A_2821, %get3A_2822] {strides = array<i32>} : memref<1x64000xf32, #tpu.memory_space<vmem>>, vector<16xf32>,
        %mul3A_2824 = arith.mulf %get3A_2823, %get3A_2721 : vector<16xf32>
        %add3A_2825 = arith.addf %scan3A_2713, %mul3A_2824 : vector<16xf32>
        %add3A_2826 = arith.constant 13000 : i32
        %add3A_2827 = arith.addi %add3A_2826, %multiple_of3A_2719 : i32
        %get3A_2828 = arith.constant 0 : i32
        %get3A_2829 = arith.index_cast %get3A_2828 : i32 to index
        %get3A_2830 = arith.index_cast %add3A_2827 : i32 to index
        %get3A_2831 = tpu.vector_load %arg10[%get3A_2829, %get3A_2830] {strides = array<i32>} : memref<1x64000xf32, #tpu.memory_space<vmem>>, vector<16xf32>,
        %mul3A_2832 = arith.mulf %get3A_2831, %get3A_2721 : vector<16xf32>
        %add3A_2833 = arith.addf %scan3A_2714, %mul3A_2832 : vector<16xf32>
        %add3A_2834 = arith.constant 14000 : i32
        %add3A_2835 = arith.addi %add3A_2834, %multiple_of3A_2719 : i32
        %get3A_2836 = arith.constant 0 : i32
        %get3A_2837 = arith.index_cast %get3A_2836 : i32 to index
        %get3A_2838 = arith.index_cast %add3A_2835 : i32 to index
        %get3A_2839 = tpu.vector_load %arg10[%get3A_2837, %get3A_2838] {strides = array<i32>} : memref<1x64000xf32, #tpu.memory_space<vmem>>, vector<16xf32>,
        %mul3A_2840 = arith.mulf %get3A_2839, %get3A_2721 : vector<16xf32>
        %add3A_2841 = arith.addf %scan3A_2715, %mul3A_2840 : vector<16xf32>
        %add3A_2842 = arith.constant 15000 : i32
        %add3A_2843 = arith.addi %add3A_2842, %multiple_of3A_2719 : i32
        %get3A_2844 = arith.constant 0 : i32
        %get3A_2845 = arith.index_cast %get3A_2844 : i32 to index
        %get3A_2846 = arith.index_cast %add3A_2843 : i32 to index
        %get3A_2847 = tpu.vector_load %arg10[%get3A_2845, %get3A_2846] {strides = array<i32>} : memref<1x64000xf32, #tpu.memory_space<vmem>>, vector<16xf32>,
        %mul3A_2848 = arith.mulf %get3A_2847, %get3A_2721 : vector<16xf32>
        %add3A_2849 = arith.addf %scan3A_2716, %mul3A_2848 : vector<16xf32>
        scf.yield %add3A_2729, %add3A_2737, %add3A_2745, %add3A_2753, %add3A_2761, %add3A_2769, %add3A_2777, %add3A_2785, %add3A_2793, %add3A_2801, %add3A_2809, %add3A_2817, %add3A_2825, %add3A_2833, %add3A_2841, %add3A_2849 : vector<16xf32>, vector<16xf32>, vector<16xf32>, vector<16xf32>, vector<16xf32>, vector<16xf32>, vector<16xf32>, vector<16xf32>, vector<16xf32>, vector<16xf32>, vector<16xf32>, vector<16xf32>, vector<16xf32>, vector<16xf32>, vector<16xf32>, vector<16xf32>
      }
      %scan3A_126 = arith.constant 62 : i32
      %get3A = arith.constant 984 : index
      %get3A_127 = tpu.vector_load %arg8[%get3A] {strides = array<i32>} : memref<1024xf32, #tpu.memory_space<vmem>>, vector<16xf32>,
      %mul3A_128 = arith.mulf %get3A_127, %convert_element_type3A_39 : vector<16xf32>
      %get3A_129 = arith.constant 0 : i32
      %get3A_130 = arith.index_cast %get3A_129 : i32 to index
      %get3A_131 = arith.constant 984 : index
      %get3A_132 = tpu.vector_load %arg10[%get3A_130, %get3A_131] {strides = array<i32>} : memref<1x64000xf32, #tpu.memory_space<vmem>>, vector<16xf32>,
      %mul3A_133 = arith.mulf %get3A_132, %mul3A_128 : vector<16xf32>
      %add3A_134 = arith.addf %scan3A_125#0, %mul3A_133 : vector<16xf32>
      %swap3A_135 = arith.constant 0 : index
      %swap3A_136 = tpu.vector_load %arg13[%swap3A_135] {strides = array<i32>} : memref<256xf32, #tpu.memory_space<vmem>>, vector<16xf32>,
      tpu.vector_store %arg13[%swap3A_135], %add3A_134 {strides = array<i32>} : memref<256xf32, #tpu.memory_space<vmem>>, vector<16xf32>,
      %get3A_137 = arith.constant 0 : i32
      %get3A_138 = arith.index_cast %get3A_137 : i32 to index
      %get3A_139 = arith.constant 1984 : index
      %get3A_140 = tpu.vector_load %arg10[%get3A_138, %get3A_139] {strides = array<i32>} : memref<1x64000xf32, #tpu.memory_space<vmem>>, vector<16xf32>,
      %mul3A_141 = arith.mulf %get3A_140, %mul3A_128 : vector<16xf32>
      %add3A_142 = arith.addf %scan3A_125#1, %mul3A_141 : vector<16xf32>
      %swap3A_143 = arith.constant 16 : index
      %swap3A_144 = tpu.vector_load %arg13[%swap3A_143] {strides = array<i32>} : memref<256xf32, #tpu.memory_space<vmem>>, vector<16xf32>,
      tpu.vector_store %arg13[%swap3A_143], %add3A_142 {strides = array<i32>} : memref<256xf32, #tpu.memory_space<vmem>>, vector<16xf32>,
      %get3A_145 = arith.constant 0 : i32
      %get3A_146 = arith.index_cast %get3A_145 : i32 to index
      %get3A_147 = arith.constant 2984 : index
      %get3A_148 = tpu.vector_load %arg10[%get3A_146, %get3A_147] {strides = array<i32>} : memref<1x64000xf32, #tpu.memory_space<vmem>>, vector<16xf32>,
      %mul3A_149 = arith.mulf %get3A_148, %mul3A_128 : vector<16xf32>
      %add3A_150 = arith.addf %scan3A_125#2, %mul3A_149 : vector<16xf32>
      %swap3A_151 = arith.constant 32 : index
      %swap3A_152 = tpu.vector_load %arg13[%swap3A_151] {strides = array<i32>} : memref<256xf32, #tpu.memory_space<vmem>>, vector<16xf32>,
      tpu.vector_store %arg13[%swap3A_151], %add3A_150 {strides = array<i32>} : memref<256xf32, #tpu.memory_space<vmem>>, vector<16xf32>,
      %get3A_153 = arith.constant 0 : i32
      %get3A_154 = arith.index_cast %get3A_153 : i32 to index
      %get3A_155 = arith.constant 3984 : index
      %get3A_156 = tpu.vector_load %arg10[%get3A_154, %get3A_155] {strides = array<i32>} : memref<1x64000xf32, #tpu.memory_space<vmem>>, vector<16xf32>,
      %mul3A_157 = arith.mulf %get3A_156, %mul3A_128 : vector<16xf32>
      %add3A_158 = arith.addf %scan3A_125#3, %mul3A_157 : vector<16xf32>
      %swap3A_159 = arith.constant 48 : index
      %swap3A_160 = tpu.vector_load %arg13[%swap3A_159] {strides = array<i32>} : memref<256xf32, #tpu.memory_space<vmem>>, vector<16xf32>,
      tpu.vector_store %arg13[%swap3A_159], %add3A_158 {strides = array<i32>} : memref<256xf32, #tpu.memory_space<vmem>>, vector<16xf32>,
      %get3A_161 = arith.constant 0 : i32
      %get3A_162 = arith.index_cast %get3A_161 : i32 to index
      %get3A_163 = arith.constant 4984 : index
      %get3A_164 = tpu.vector_load %arg10[%get3A_162, %get3A_163] {strides = array<i32>} : memref<1x64000xf32, #tpu.memory_space<vmem>>, vector<16xf32>,
      %mul3A_165 = arith.mulf %get3A_164, %mul3A_128 : vector<16xf32>
      %add3A_166 = arith.addf %scan3A_125#4, %mul3A_165 : vector<16xf32>
      %swap3A_167 = arith.constant 64 : index
      %swap3A_168 = tpu.vector_load %arg13[%swap3A_167] {strides = array<i32>} : memref<256xf32, #tpu.memory_space<vmem>>, vector<16xf32>,
      tpu.vector_store %arg13[%swap3A_167], %add3A_166 {strides = array<i32>} : memref<256xf32, #tpu.memory_space<vmem>>, vector<16xf32>,
      %get3A_169 = arith.constant 0 : i32
      %get3A_170 = arith.index_cast %get3A_169 : i32 to index
      %get3A_171 = arith.constant 5984 : index
      %get3A_172 = tpu.vector_load %arg10[%get3A_170, %get3A_171] {strides = array<i32>} : memref<1x64000xf32, #tpu.memory_space<vmem>>, vector<16xf32>,
      %mul3A_173 = arith.mulf %get3A_172, %mul3A_128 : vector<16xf32>
      %add3A_174 = arith.addf %scan3A_125#5, %mul3A_173 : vector<16xf32>
      %swap3A_175 = arith.constant 80 : index
      %swap3A_176 = tpu.vector_load %arg13[%swap3A_175] {strides = array<i32>} : memref<256xf32, #tpu.memory_space<vmem>>, vector<16xf32>,
      tpu.vector_store %arg13[%swap3A_175], %add3A_174 {strides = array<i32>} : memref<256xf32, #tpu.memory_space<vmem>>, vector<16xf32>,
      %get3A_177 = arith.constant 0 : i32
      %get3A_178 = arith.index_cast %get3A_177 : i32 to index
      %get3A_179 = arith.constant 6984 : index
      %get3A_180 = tpu.vector_load %arg10[%get3A_178, %get3A_179] {strides = array<i32>} : memref<1x64000xf32, #tpu.memory_space<vmem>>, vector<16xf32>,
      %mul3A_181 = arith.mulf %get3A_180, %mul3A_128 : vector<16xf32>
      %add3A_182 = arith.addf %scan3A_125#6, %mul3A_181 : vector<16xf32>
      %swap3A_183 = arith.constant 96 : index
      %swap3A_184 = tpu.vector_load %arg13[%swap3A_183] {strides = array<i32>} : memref<256xf32, #tpu.memory_space<vmem>>, vector<16xf32>,
      tpu.vector_store %arg13[%swap3A_183], %add3A_182 {strides = array<i32>} : memref<256xf32, #tpu.memory_space<vmem>>, vector<16xf32>,
      %get3A_185 = arith.constant 0 : i32
      %get3A_186 = arith.index_cast %get3A_185 : i32 to index
      %get3A_187 = arith.constant 7984 : index
      %get3A_188 = tpu.vector_load %arg10[%get3A_186, %get3A_187] {strides = array<i32>} : memref<1x64000xf32, #tpu.memory_space<vmem>>, vector<16xf32>,
      %mul3A_189 = arith.mulf %get3A_188, %mul3A_128 : vector<16xf32>
      %add3A_190 = arith.addf %scan3A_125#7, %mul3A_189 : vector<16xf32>
      %swap3A_191 = arith.constant 112 : index
      %swap3A_192 = tpu.vector_load %arg13[%swap3A_191] {strides = array<i32>} : memref<256xf32, #tpu.memory_space<vmem>>, vector<16xf32>,
      tpu.vector_store %arg13[%swap3A_191], %add3A_190 {strides = array<i32>} : memref<256xf32, #tpu.memory_space<vmem>>, vector<16xf32>,
      %get3A_193 = arith.constant 0 : i32
      %get3A_194 = arith.index_cast %get3A_193 : i32 to index
      %get3A_195 = arith.constant 8984 : index
      %get3A_196 = tpu.vector_load %arg10[%get3A_194, %get3A_195] {strides = array<i32>} : memref<1x64000xf32, #tpu.memory_space<vmem>>, vector<16xf32>,
      %mul3A_197 = arith.mulf %get3A_196, %mul3A_128 : vector<16xf32>
      %add3A_198 = arith.addf %scan3A_125#8, %mul3A_197 : vector<16xf32>
      %swap3A_199 = arith.constant 128 : index
      %swap3A_200 = tpu.vector_load %arg13[%swap3A_199] {strides = array<i32>} : memref<256xf32, #tpu.memory_space<vmem>>, vector<16xf32>,
      tpu.vector_store %arg13[%swap3A_199], %add3A_198 {strides = array<i32>} : memref<256xf32, #tpu.memory_space<vmem>>, vector<16xf32>,
      %get3A_201 = arith.constant 0 : i32
      %get3A_202 = arith.index_cast %get3A_201 : i32 to index
      %get3A_203 = arith.constant 9984 : index
      %get3A_204 = tpu.vector_load %arg10[%get3A_202, %get3A_203] {strides = array<i32>} : memref<1x64000xf32, #tpu.memory_space<vmem>>, vector<16xf32>,
      %mul3A_205 = arith.mulf %get3A_204, %mul3A_128 : vector<16xf32>
      %add3A_206 = arith.addf %scan3A_125#9, %mul3A_205 : vector<16xf32>
      %swap3A_207 = arith.constant 144 : index
      %swap3A_208 = tpu.vector_load %arg13[%swap3A_207] {strides = array<i32>} : memref<256xf32, #tpu.memory_space<vmem>>, vector<16xf32>,
      tpu.vector_store %arg13[%swap3A_207], %add3A_206 {strides = array<i32>} : memref<256xf32, #tpu.memory_space<vmem>>, vector<16xf32>,
      %get3A_209 = arith.constant 0 : i32
      %get3A_210 = arith.index_cast %get3A_209 : i32 to index
      %get3A_211 = arith.constant 10984 : index
      %get3A_212 = tpu.vector_load %arg10[%get3A_210, %get3A_211] {strides = array<i32>} : memref<1x64000xf32, #tpu.memory_space<vmem>>, vector<16xf32>,
      %mul3A_213 = arith.mulf %get3A_212, %mul3A_128 : vector<16xf32>
      %add3A_214 = arith.addf %scan3A_125#10, %mul3A_213 : vector<16xf32>
      %swap3A_215 = arith.constant 160 : index
      %swap3A_216 = tpu.vector_load %arg13[%swap3A_215] {strides = array<i32>} : memref<256xf32, #tpu.memory_space<vmem>>, vector<16xf32>,
      tpu.vector_store %arg13[%swap3A_215], %add3A_214 {strides = array<i32>} : memref<256xf32, #tpu.memory_space<vmem>>, vector<16xf32>,
      %get3A_217 = arith.constant 0 : i32
      %get3A_218 = arith.index_cast %get3A_217 : i32 to index
      %get3A_219 = arith.constant 11984 : index
      %get3A_220 = tpu.vector_load %arg10[%get3A_218, %get3A_219] {strides = array<i32>} : memref<1x64000xf32, #tpu.memory_space<vmem>>, vector<16xf32>,
      %mul3A_221 = arith.mulf %get3A_220, %mul3A_128 : vector<16xf32>
      %add3A_222 = arith.addf %scan3A_125#11, %mul3A_221 : vector<16xf32>
      %swap3A_223 = arith.constant 176 : index
      %swap3A_224 = tpu.vector_load %arg13[%swap3A_223] {strides = array<i32>} : memref<256xf32, #tpu.memory_space<vmem>>, vector<16xf32>,
      tpu.vector_store %arg13[%swap3A_223], %add3A_222 {strides = array<i32>} : memref<256xf32, #tpu.memory_space<vmem>>, vector<16xf32>,
      %get3A_225 = arith.constant 0 : i32
      %get3A_226 = arith.index_cast %get3A_225 : i32 to index
      %get3A_227 = arith.constant 12984 : index
      %get3A_228 = tpu.vector_load %arg10[%get3A_226, %get3A_227] {strides = array<i32>} : memref<1x64000xf32, #tpu.memory_space<vmem>>, vector<16xf32>,
      %mul3A_229 = arith.mulf %get3A_228, %mul3A_128 : vector<16xf32>
      %add3A_230 = arith.addf %scan3A_125#12, %mul3A_229 : vector<16xf32>
      %swap3A_231 = arith.constant 192 : index
      %swap3A_232 = tpu.vector_load %arg13[%swap3A_231] {strides = array<i32>} : memref<256xf32, #tpu.memory_space<vmem>>, vector<16xf32>,
      tpu.vector_store %arg13[%swap3A_231], %add3A_230 {strides = array<i32>} : memref<256xf32, #tpu.memory_space<vmem>>, vector<16xf32>,
      %get3A_233 = arith.constant 0 : i32
      %get3A_234 = arith.index_cast %get3A_233 : i32 to index
      %get3A_235 = arith.constant 13984 : index
      %get3A_236 = tpu.vector_load %arg10[%get3A_234, %get3A_235] {strides = array<i32>} : memref<1x64000xf32, #tpu.memory_space<vmem>>, vector<16xf32>,
      %mul3A_237 = arith.mulf %get3A_236, %mul3A_128 : vector<16xf32>
      %add3A_238 = arith.addf %scan3A_125#13, %mul3A_237 : vector<16xf32>
      %swap3A_239 = arith.constant 208 : index
      %swap3A_240 = tpu.vector_load %arg13[%swap3A_239] {strides = array<i32>} : memref<256xf32, #tpu.memory_space<vmem>>, vector<16xf32>,
      tpu.vector_store %arg13[%swap3A_239], %add3A_238 {strides = array<i32>} : memref<256xf32, #tpu.memory_space<vmem>>, vector<16xf32>,
      %get3A_241 = arith.constant 0 : i32
      %get3A_242 = arith.index_cast %get3A_241 : i32 to index
      %get3A_243 = arith.constant 14984 : index
      %get3A_244 = tpu.vector_load %arg10[%get3A_242, %get3A_243] {strides = array<i32>} : memref<1x64000xf32, #tpu.memory_space<vmem>>, vector<16xf32>,
      %mul3A_245 = arith.mulf %get3A_244, %mul3A_128 : vector<16xf32>
      %add3A_246 = arith.addf %scan3A_125#14, %mul3A_245 : vector<16xf32>
      %swap3A_247 = arith.constant 224 : index
      %swap3A_248 = tpu.vector_load %arg13[%swap3A_247] {strides = array<i32>} : memref<256xf32, #tpu.memory_space<vmem>>, vector<16xf32>,
      tpu.vector_store %arg13[%swap3A_247], %add3A_246 {strides = array<i32>} : memref<256xf32, #tpu.memory_space<vmem>>, vector<16xf32>,
      %get3A_249 = arith.constant 0 : i32
      %get3A_250 = arith.index_cast %get3A_249 : i32 to index
      %get3A_251 = arith.constant 15984 : index
      %get3A_252 = tpu.vector_load %arg10[%get3A_250, %get3A_251] {strides = array<i32>} : memref<1x64000xf32, #tpu.memory_space<vmem>>, vector<16xf32>,
      %mul3A_253 = arith.mulf %get3A_252, %mul3A_128 : vector<16xf32>
      %add3A_254 = arith.addf %scan3A_125#15, %mul3A_253 : vector<16xf32>
      %swap3A_255 = arith.constant 240 : index
      %swap3A_256 = tpu.vector_load %arg13[%swap3A_255] {strides = array<i32>} : memref<256xf32, #tpu.memory_space<vmem>>, vector<16xf32>,
      tpu.vector_store %arg13[%swap3A_255], %add3A_254 {strides = array<i32>} : memref<256xf32, #tpu.memory_space<vmem>>, vector<16xf32>,
      %broadcast_in_dim3A_257 = arith.constant 0.000000e+00 : f32
      %broadcast_in_dim3A_258 = vector.broadcast %broadcast_in_dim3A_257 : f32 to vector<16xf32>
      %mul3A_259 = arith.constant 16 : i32
      %mul3A_260 = vector.broadcast %mul3A_259 : i32 to vector<16xi32>
      %mul3A_261 = arith.muli %iota3A, %mul3A_260 : vector<16xi32>
      %add3A_262 = arith.constant 0 : i32
      %add3A_263 = vector.broadcast %add3A_262 : i32 to vector<16xi32>
      %add3A_264 = arith.addi %mul3A_261, %add3A_263 : vector<16xi32>
      %gather3A_265 = tpu.vector_load_idx %arg13[%add3A_264] : memref<256xf32, #tpu.memory_space<vmem>>[vector<16xi32>], vector<16xf32>,
      %add3A_266 = arith.addf %broadcast_in_dim3A_258, %gather3A_265 : vector<16xf32>
      %mul3A_267 = arith.constant 16 : i32
      %mul3A_268 = vector.broadcast %mul3A_267 : i32 to vector<16xi32>
      %mul3A_269 = arith.muli %iota3A, %mul3A_268 : vector<16xi32>
      %add3A_270 = arith.constant 1 : i32
      %add3A_271 = vector.broadcast %add3A_270 : i32 to vector<16xi32>
      %add3A_272 = arith.addi %mul3A_269, %add3A_271 : vector<16xi32>
      %gather3A_273 = tpu.vector_load_idx %arg13[%add3A_272] : memref<256xf32, #tpu.memory_space<vmem>>[vector<16xi32>], vector<16xf32>,
      %add3A_274 = arith.addf %add3A_266, %gather3A_273 : vector<16xf32>
      %mul3A_275 = arith.constant 16 : i32
      %mul3A_276 = vector.broadcast %mul3A_275 : i32 to vector<16xi32>
      %mul3A_277 = arith.muli %iota3A, %mul3A_276 : vector<16xi32>
      %add3A_278 = arith.constant 2 : i32
      %add3A_279 = vector.broadcast %add3A_278 : i32 to vector<16xi32>
      %add3A_280 = arith.addi %mul3A_277, %add3A_279 : vector<16xi32>
      %gather3A_281 = tpu.vector_load_idx %arg13[%add3A_280] : memref<256xf32, #tpu.memory_space<vmem>>[vector<16xi32>], vector<16xf32>,
      %add3A_282 = arith.addf %add3A_274, %gather3A_281 : vector<16xf32>
      %mul3A_283 = arith.constant 16 : i32
      %mul3A_284 = vector.broadcast %mul3A_283 : i32 to vector<16xi32>
      %mul3A_285 = arith.muli %iota3A, %mul3A_284 : vector<16xi32>
      %add3A_286 = arith.constant 3 : i32
      %add3A_287 = vector.broadcast %add3A_286 : i32 to vector<16xi32>
      %add3A_288 = arith.addi %mul3A_285, %add3A_287 : vector<16xi32>
      %gather3A_289 = tpu.vector_load_idx %arg13[%add3A_288] : memref<256xf32, #tpu.memory_space<vmem>>[vector<16xi32>], vector<16xf32>,
      %add3A_290 = arith.addf %add3A_282, %gather3A_289 : vector<16xf32>
      %mul3A_291 = arith.constant 16 : i32
      %mul3A_292 = vector.broadcast %mul3A_291 : i32 to vector<16xi32>
      %mul3A_293 = arith.muli %iota3A, %mul3A_292 : vector<16xi32>
      %add3A_294 = arith.constant 4 : i32
      %add3A_295 = vector.broadcast %add3A_294 : i32 to vector<16xi32>
      %add3A_296 = arith.addi %mul3A_293, %add3A_295 : vector<16xi32>
      %gather3A_297 = tpu.vector_load_idx %arg13[%add3A_296] : memref<256xf32, #tpu.memory_space<vmem>>[vector<16xi32>], vector<16xf32>,
      %add3A_298 = arith.addf %add3A_290, %gather3A_297 : vector<16xf32>
      %mul3A_299 = arith.constant 16 : i32
      %mul3A_300 = vector.broadcast %mul3A_299 : i32 to vector<16xi32>
      %mul3A_301 = arith.muli %iota3A, %mul3A_300 : vector<16xi32>
      %add3A_302 = arith.constant 5 : i32
      %add3A_303 = vector.broadcast %add3A_302 : i32 to vector<16xi32>
      %add3A_304 = arith.addi %mul3A_301, %add3A_303 : vector<16xi32>
      %gather3A_305 = tpu.vector_load_idx %arg13[%add3A_304] : memref<256xf32, #tpu.memory_space<vmem>>[vector<16xi32>], vector<16xf32>,
      %add3A_306 = arith.addf %add3A_298, %gather3A_305 : vector<16xf32>
      %mul3A_307 = arith.constant 16 : i32
      %mul3A_308 = vector.broadcast %mul3A_307 : i32 to vector<16xi32>
      %mul3A_309 = arith.muli %iota3A, %mul3A_308 : vector<16xi32>
      %add3A_310 = arith.constant 6 : i32
      %add3A_311 = vector.broadcast %add3A_310 : i32 to vector<16xi32>
      %add3A_312 = arith.addi %mul3A_309, %add3A_311 : vector<16xi32>
      %gather3A_313 = tpu.vector_load_idx %arg13[%add3A_312] : memref<256xf32, #tpu.memory_space<vmem>>[vector<16xi32>], vector<16xf32>,
      %add3A_314 = arith.addf %add3A_306, %gather3A_313 : vector<16xf32>
      %mul3A_315 = arith.constant 16 : i32
      %mul3A_316 = vector.broadcast %mul3A_315 : i32 to vector<16xi32>
      %mul3A_317 = arith.muli %iota3A, %mul3A_316 : vector<16xi32>
      %add3A_318 = arith.constant 7 : i32
      %add3A_319 = vector.broadcast %add3A_318 : i32 to vector<16xi32>
      %add3A_320 = arith.addi %mul3A_317, %add3A_319 : vector<16xi32>
      %gather3A_321 = tpu.vector_load_idx %arg13[%add3A_320] : memref<256xf32, #tpu.memory_space<vmem>>[vector<16xi32>], vector<16xf32>,
      %add3A_322 = arith.addf %add3A_314, %gather3A_321 : vector<16xf32>
      %mul3A_323 = arith.constant 16 : i32
      %mul3A_324 = vector.broadcast %mul3A_323 : i32 to vector<16xi32>
      %mul3A_325 = arith.muli %iota3A, %mul3A_324 : vector<16xi32>
      %add3A_326 = arith.constant 8 : i32
      %add3A_327 = vector.broadcast %add3A_326 : i32 to vector<16xi32>
      %add3A_328 = arith.addi %mul3A_325, %add3A_327 : vector<16xi32>
      %gather3A_329 = tpu.vector_load_idx %arg13[%add3A_328] : memref<256xf32, #tpu.memory_space<vmem>>[vector<16xi32>], vector<16xf32>,
      %add3A_330 = arith.addf %add3A_322, %gather3A_329 : vector<16xf32>
      %mul3A_331 = arith.constant 16 : i32
      %mul3A_332 = vector.broadcast %mul3A_331 : i32 to vector<16xi32>
      %mul3A_333 = arith.muli %iota3A, %mul3A_332 : vector<16xi32>
      %add3A_334 = arith.constant 9 : i32
      %add3A_335 = vector.broadcast %add3A_334 : i32 to vector<16xi32>
      %add3A_336 = arith.addi %mul3A_333, %add3A_335 : vector<16xi32>
      %gather3A_337 = tpu.vector_load_idx %arg13[%add3A_336] : memref<256xf32, #tpu.memory_space<vmem>>[vector<16xi32>], vector<16xf32>,
      %add3A_338 = arith.addf %add3A_330, %gather3A_337 : vector<16xf32>
      %mul3A_339 = arith.constant 16 : i32
      %mul3A_340 = vector.broadcast %mul3A_339 : i32 to vector<16xi32>
      %mul3A_341 = arith.muli %iota3A, %mul3A_340 : vector<16xi32>
      %add3A_342 = arith.constant 10 : i32
      %add3A_343 = vector.broadcast %add3A_342 : i32 to vector<16xi32>
      %add3A_344 = arith.addi %mul3A_341, %add3A_343 : vector<16xi32>
      %gather3A_345 = tpu.vector_load_idx %arg13[%add3A_344] : memref<256xf32, #tpu.memory_space<vmem>>[vector<16xi32>], vector<16xf32>,
      %add3A_346 = arith.addf %add3A_338, %gather3A_345 : vector<16xf32>
      %mul3A_347 = arith.constant 16 : i32
      %mul3A_348 = vector.broadcast %mul3A_347 : i32 to vector<16xi32>
      %mul3A_349 = arith.muli %iota3A, %mul3A_348 : vector<16xi32>
      %add3A_350 = arith.constant 11 : i32
      %add3A_351 = vector.broadcast %add3A_350 : i32 to vector<16xi32>
      %add3A_352 = arith.addi %mul3A_349, %add3A_351 : vector<16xi32>
      %gather3A_353 = tpu.vector_load_idx %arg13[%add3A_352] : memref<256xf32, #tpu.memory_space<vmem>>[vector<16xi32>], vector<16xf32>,
      %add3A_354 = arith.addf %add3A_346, %gather3A_353 : vector<16xf32>
      %mul3A_355 = arith.constant 16 : i32
      %mul3A_356 = vector.broadcast %mul3A_355 : i32 to vector<16xi32>
      %mul3A_357 = arith.muli %iota3A, %mul3A_356 : vector<16xi32>
      %add3A_358 = arith.constant 12 : i32
      %add3A_359 = vector.broadcast %add3A_358 : i32 to vector<16xi32>
      %add3A_360 = arith.addi %mul3A_357, %add3A_359 : vector<16xi32>
      %gather3A_361 = tpu.vector_load_idx %arg13[%add3A_360] : memref<256xf32, #tpu.memory_space<vmem>>[vector<16xi32>], vector<16xf32>,
      %add3A_362 = arith.addf %add3A_354, %gather3A_361 : vector<16xf32>
      %mul3A_363 = arith.constant 16 : i32
      %mul3A_364 = vector.broadcast %mul3A_363 : i32 to vector<16xi32>
      %mul3A_365 = arith.muli %iota3A, %mul3A_364 : vector<16xi32>
      %add3A_366 = arith.constant 13 : i32
      %add3A_367 = vector.broadcast %add3A_366 : i32 to vector<16xi32>
      %add3A_368 = arith.addi %mul3A_365, %add3A_367 : vector<16xi32>
      %gather3A_369 = tpu.vector_load_idx %arg13[%add3A_368] : memref<256xf32, #tpu.memory_space<vmem>>[vector<16xi32>], vector<16xf32>,
      %add3A_370 = arith.addf %add3A_362, %gather3A_369 : vector<16xf32>
      %mul3A_371 = arith.constant 16 : i32
      %mul3A_372 = vector.broadcast %mul3A_371 : i32 to vector<16xi32>
      %mul3A_373 = arith.muli %iota3A, %mul3A_372 : vector<16xi32>
      %add3A_374 = arith.constant 14 : i32
      %add3A_375 = vector.broadcast %add3A_374 : i32 to vector<16xi32>
      %add3A_376 = arith.addi %mul3A_373, %add3A_375 : vector<16xi32>
      %gather3A_377 = tpu.vector_load_idx %arg13[%add3A_376] : memref<256xf32, #tpu.memory_space<vmem>>[vector<16xi32>], vector<16xf32>,
      %add3A_378 = arith.addf %add3A_370, %gather3A_377 : vector<16xf32>
      %mul3A_379 = arith.constant 16 : i32
      %mul3A_380 = vector.broadcast %mul3A_379 : i32 to vector<16xi32>
      %mul3A_381 = arith.muli %iota3A, %mul3A_380 : vector<16xi32>
      %add3A_382 = arith.constant 15 : i32
      %add3A_383 = vector.broadcast %add3A_382 : i32 to vector<16xi32>
      %add3A_384 = arith.addi %mul3A_381, %add3A_383 : vector<16xi32>
      %gather3A_385 = tpu.vector_load_idx %arg13[%add3A_384] : memref<256xf32, #tpu.memory_space<vmem>>[vector<16xi32>], vector<16xf32>,
      %add3A_386 = arith.addf %add3A_378, %gather3A_385 : vector<16xf32>
      %jit3A_387 = arith.constant 4 : i32
      %eq3A_388 = arith.constant 0 : i32
      %eq3A_389 = arith.cmpi eq, %jit3A_387, %eq3A_388 : i32
      %jit3A_390 = arith.constant 1 : i32
      %select_n3A_391 = arith.select %eq3A_389, %jit3A_390, %jit3A_387 : i32
      %rem3A_392 = arith.remsi %mul3A_47, %select_n3A_391 : i32
      %ne3A_393 = arith.constant 0 : i32
      %ne3A_394 = arith.cmpi ne, %rem3A_392, %ne3A_393 : i32
      %lt3A_395 = arith.constant 0 : i32
      %lt3A_396 = arith.cmpi slt, %rem3A_392, %lt3A_395 : i32
      %lt3A_397 = arith.constant 0 : i32
      %lt3A_398 = arith.cmpi slt, %select_n3A_391, %lt3A_397 : i32
      %ne3A_399 = arith.xori %lt3A_396, %lt3A_398 : i1
      %and3A_400 = arith.andi %ne3A_399, %ne3A_394 : i1
      %add3A_401 = arith.addi %rem3A_392, %select_n3A_391 : i32
      %select_n3A_402 = arith.select %and3A_400, %add3A_401, %rem3A_392 : i32
      %mul3A_403 = arith.constant 64 : i32
      %mul3A_404 = arith.muli %select_n3A_402, %mul3A_403 : i32
      %add3A_405 = arith.constant 0 : i32
      %add3A_406 = arith.addi %mul3A_404, %add3A_405 : i32
      %multiple_of3A = tpu.assume_multiple %add3A_406, 16 : i32
      %swap3A_407 = arith.index_cast %multiple_of3A : i32 to index
      %swap3A_408 = tpu.vector_load %arg12[%swap3A_407] {strides = array<i32>} : memref<256xf32, #tpu.memory_space<vmem>>, vector<16xf32>,
      tpu.vector_store %arg12[%swap3A_407], %add3A_386 {strides = array<i32>} : memref<256xf32, #tpu.memory_space<vmem>>, vector<16xf32>,
      %broadcast_in_dim3A_409 = arith.constant 0.000000e+00 : f32
      %broadcast_in_dim3A_410 = vector.broadcast %broadcast_in_dim3A_409 : f32 to vector<16xf32>
      %broadcast_in_dim3A_411 = arith.constant 0.000000e+00 : f32
      %broadcast_in_dim3A_412 = vector.broadcast %broadcast_in_dim3A_411 : f32 to vector<16xf32>
      %broadcast_in_dim3A_413 = arith.constant 0.000000e+00 : f32
      %broadcast_in_dim3A_414 = vector.broadcast %broadcast_in_dim3A_413 : f32 to vector<16xf32>
      %broadcast_in_dim3A_415 = arith.constant 0.000000e+00 : f32
      %broadcast_in_dim3A_416 = vector.broadcast %broadcast_in_dim3A_415 : f32 to vector<16xf32>
      %broadcast_in_dim3A_417 = arith.constant 0.000000e+00 : f32
      %broadcast_in_dim3A_418 = vector.broadcast %broadcast_in_dim3A_417 : f32 to vector<16xf32>
      %broadcast_in_dim3A_419 = arith.constant 0.000000e+00 : f32
      %broadcast_in_dim3A_420 = vector.broadcast %broadcast_in_dim3A_419 : f32 to vector<16xf32>
      %broadcast_in_dim3A_421 = arith.constant 0.000000e+00 : f32
      %broadcast_in_dim3A_422 = vector.broadcast %broadcast_in_dim3A_421 : f32 to vector<16xf32>
      %broadcast_in_dim3A_423 = arith.constant 0.000000e+00 : f32
      %broadcast_in_dim3A_424 = vector.broadcast %broadcast_in_dim3A_423 : f32 to vector<16xf32>
      %broadcast_in_dim3A_425 = arith.constant 0.000000e+00 : f32
      %broadcast_in_dim3A_426 = vector.broadcast %broadcast_in_dim3A_425 : f32 to vector<16xf32>
      %broadcast_in_dim3A_427 = arith.constant 0.000000e+00 : f32
      %broadcast_in_dim3A_428 = vector.broadcast %broadcast_in_dim3A_427 : f32 to vector<16xf32>
      %broadcast_in_dim3A_429 = arith.constant 0.000000e+00 : f32
      %broadcast_in_dim3A_430 = vector.broadcast %broadcast_in_dim3A_429 : f32 to vector<16xf32>
      %broadcast_in_dim3A_431 = arith.constant 0.000000e+00 : f32
      %broadcast_in_dim3A_432 = vector.broadcast %broadcast_in_dim3A_431 : f32 to vector<16xf32>
      %broadcast_in_dim3A_433 = arith.constant 0.000000e+00 : f32
      %broadcast_in_dim3A_434 = vector.broadcast %broadcast_in_dim3A_433 : f32 to vector<16xf32>
      %broadcast_in_dim3A_435 = arith.constant 0.000000e+00 : f32
      %broadcast_in_dim3A_436 = vector.broadcast %broadcast_in_dim3A_435 : f32 to vector<16xf32>
      %broadcast_in_dim3A_437 = arith.constant 0.000000e+00 : f32
      %broadcast_in_dim3A_438 = vector.broadcast %broadcast_in_dim3A_437 : f32 to vector<16xf32>
      %broadcast_in_dim3A_439 = arith.constant 0.000000e+00 : f32
      %broadcast_in_dim3A_440 = vector.broadcast %broadcast_in_dim3A_439 : f32 to vector<16xf32>
      %scan3A_441 = arith.constant 0 : i32
      %scan3A_442 = arith.constant 62 : i32
      %scan3A_443 = arith.addi %scan3A_441, %scan3A_442 : i32
      %scan3A_444 = arith.constant 1 : i32
      %scan3A_445:16 = scf.for %scan3A_2700 = %scan3A_441 to %scan3A_443 step %scan3A_444 iter_args(%scan3A_2701 = %broadcast_in_dim3A_410, %scan3A_2702 = %broadcast_in_dim3A_412, %scan3A_2703 = %broadcast_in_dim3A_414, %scan3A_2704 = %broadcast_in_dim3A_416, %scan3A_2705 = %broadcast_in_dim3A_418, %scan3A_2706 = %broadcast_in_dim3A_420, %scan3A_2707 = %broadcast_in_dim3A_422, %scan3A_2708 = %broadcast_in_dim3A_424, %scan3A_2709 = %broadcast_in_dim3A_426, %scan3A_2710 = %broadcast_in_dim3A_428, %scan3A_2711 = %broadcast_in_dim3A_430, %scan3A_2712 = %broadcast_in_dim3A_432, %scan3A_2713 = %broadcast_in_dim3A_434, %scan3A_2714 = %broadcast_in_dim3A_436, %scan3A_2715 = %broadcast_in_dim3A_438, %scan3A_2716 = %broadcast_in_dim3A_440) -> (vector<16xf32>, vector<16xf32>, vector<16xf32>, vector<16xf32>, vector<16xf32>, vector<16xf32>, vector<16xf32>, vector<16xf32>, vector<16xf32>, vector<16xf32>, vector<16xf32>, vector<16xf32>, vector<16xf32>, vector<16xf32>, vector<16xf32>, vector<16xf32>)  : i32 {
        %mul3A_2717 = arith.constant 16 : i32
        %mul3A_2718 = arith.muli %mul3A_2717, %scan3A_2700 : i32
        %multiple_of3A_2719 = tpu.assume_multiple %mul3A_2718, 16 : i32
        %get3A_2720 = arith.index_cast %multiple_of3A_2719 : i32 to index
        %get3A_2721 = tpu.vector_load %arg8[%get3A_2720] {strides = array<i32>} : memref<1024xf32, #tpu.memory_space<vmem>>, vector<16xf32>,
        %add3A_2722 = arith.constant 16000 : i32
        %add3A_2723 = arith.addi %add3A_2722, %multiple_of3A_2719 : i32
        %get3A_2724 = arith.constant 0 : i32
        %get3A_2725 = arith.index_cast %get3A_2724 : i32 to index
        %get3A_2726 = arith.index_cast %add3A_2723 : i32 to index
        %get3A_2727 = tpu.vector_load %arg10[%get3A_2725, %get3A_2726] {strides = array<i32>} : memref<1x64000xf32, #tpu.memory_space<vmem>>, vector<16xf32>,
        %mul3A_2728 = arith.mulf %get3A_2727, %get3A_2721 : vector<16xf32>
        %add3A_2729 = arith.addf %scan3A_2701, %mul3A_2728 : vector<16xf32>
        %add3A_2730 = arith.constant 17000 : i32
        %add3A_2731 = arith.addi %add3A_2730, %multiple_of3A_2719 : i32
        %get3A_2732 = arith.constant 0 : i32
        %get3A_2733 = arith.index_cast %get3A_2732 : i32 to index
        %get3A_2734 = arith.index_cast %add3A_2731 : i32 to index
        %get3A_2735 = tpu.vector_load %arg10[%get3A_2733, %get3A_2734] {strides = array<i32>} : memref<1x64000xf32, #tpu.memory_space<vmem>>, vector<16xf32>,
        %mul3A_2736 = arith.mulf %get3A_2735, %get3A_2721 : vector<16xf32>
        %add3A_2737 = arith.addf %scan3A_2702, %mul3A_2736 : vector<16xf32>
        %add3A_2738 = arith.constant 18000 : i32
        %add3A_2739 = arith.addi %add3A_2738, %multiple_of3A_2719 : i32
        %get3A_2740 = arith.constant 0 : i32
        %get3A_2741 = arith.index_cast %get3A_2740 : i32 to index
        %get3A_2742 = arith.index_cast %add3A_2739 : i32 to index
        %get3A_2743 = tpu.vector_load %arg10[%get3A_2741, %get3A_2742] {strides = array<i32>} : memref<1x64000xf32, #tpu.memory_space<vmem>>, vector<16xf32>,
        %mul3A_2744 = arith.mulf %get3A_2743, %get3A_2721 : vector<16xf32>
        %add3A_2745 = arith.addf %scan3A_2703, %mul3A_2744 : vector<16xf32>
        %add3A_2746 = arith.constant 19000 : i32
        %add3A_2747 = arith.addi %add3A_2746, %multiple_of3A_2719 : i32
        %get3A_2748 = arith.constant 0 : i32
        %get3A_2749 = arith.index_cast %get3A_2748 : i32 to index
        %get3A_2750 = arith.index_cast %add3A_2747 : i32 to index
        %get3A_2751 = tpu.vector_load %arg10[%get3A_2749, %get3A_2750] {strides = array<i32>} : memref<1x64000xf32, #tpu.memory_space<vmem>>, vector<16xf32>,
        %mul3A_2752 = arith.mulf %get3A_2751, %get3A_2721 : vector<16xf32>
        %add3A_2753 = arith.addf %scan3A_2704, %mul3A_2752 : vector<16xf32>
        %add3A_2754 = arith.constant 20000 : i32
        %add3A_2755 = arith.addi %add3A_2754, %multiple_of3A_2719 : i32
        %get3A_2756 = arith.constant 0 : i32
        %get3A_2757 = arith.index_cast %get3A_2756 : i32 to index
        %get3A_2758 = arith.index_cast %add3A_2755 : i32 to index
        %get3A_2759 = tpu.vector_load %arg10[%get3A_2757, %get3A_2758] {strides = array<i32>} : memref<1x64000xf32, #tpu.memory_space<vmem>>, vector<16xf32>,
        %mul3A_2760 = arith.mulf %get3A_2759, %get3A_2721 : vector<16xf32>
        %add3A_2761 = arith.addf %scan3A_2705, %mul3A_2760 : vector<16xf32>
        %add3A_2762 = arith.constant 21000 : i32
        %add3A_2763 = arith.addi %add3A_2762, %multiple_of3A_2719 : i32
        %get3A_2764 = arith.constant 0 : i32
        %get3A_2765 = arith.index_cast %get3A_2764 : i32 to index
        %get3A_2766 = arith.index_cast %add3A_2763 : i32 to index
        %get3A_2767 = tpu.vector_load %arg10[%get3A_2765, %get3A_2766] {strides = array<i32>} : memref<1x64000xf32, #tpu.memory_space<vmem>>, vector<16xf32>,
        %mul3A_2768 = arith.mulf %get3A_2767, %get3A_2721 : vector<16xf32>
        %add3A_2769 = arith.addf %scan3A_2706, %mul3A_2768 : vector<16xf32>
        %add3A_2770 = arith.constant 22000 : i32
        %add3A_2771 = arith.addi %add3A_2770, %multiple_of3A_2719 : i32
        %get3A_2772 = arith.constant 0 : i32
        %get3A_2773 = arith.index_cast %get3A_2772 : i32 to index
        %get3A_2774 = arith.index_cast %add3A_2771 : i32 to index
        %get3A_2775 = tpu.vector_load %arg10[%get3A_2773, %get3A_2774] {strides = array<i32>} : memref<1x64000xf32, #tpu.memory_space<vmem>>, vector<16xf32>,
        %mul3A_2776 = arith.mulf %get3A_2775, %get3A_2721 : vector<16xf32>
        %add3A_2777 = arith.addf %scan3A_2707, %mul3A_2776 : vector<16xf32>
        %add3A_2778 = arith.constant 23000 : i32
        %add3A_2779 = arith.addi %add3A_2778, %multiple_of3A_2719 : i32
        %get3A_2780 = arith.constant 0 : i32
        %get3A_2781 = arith.index_cast %get3A_2780 : i32 to index
        %get3A_2782 = arith.index_cast %add3A_2779 : i32 to index
        %get3A_2783 = tpu.vector_load %arg10[%get3A_2781, %get3A_2782] {strides = array<i32>} : memref<1x64000xf32, #tpu.memory_space<vmem>>, vector<16xf32>,
        %mul3A_2784 = arith.mulf %get3A_2783, %get3A_2721 : vector<16xf32>
        %add3A_2785 = arith.addf %scan3A_2708, %mul3A_2784 : vector<16xf32>
        %add3A_2786 = arith.constant 24000 : i32
        %add3A_2787 = arith.addi %add3A_2786, %multiple_of3A_2719 : i32
        %get3A_2788 = arith.constant 0 : i32
        %get3A_2789 = arith.index_cast %get3A_2788 : i32 to index
        %get3A_2790 = arith.index_cast %add3A_2787 : i32 to index
        %get3A_2791 = tpu.vector_load %arg10[%get3A_2789, %get3A_2790] {strides = array<i32>} : memref<1x64000xf32, #tpu.memory_space<vmem>>, vector<16xf32>,
        %mul3A_2792 = arith.mulf %get3A_2791, %get3A_2721 : vector<16xf32>
        %add3A_2793 = arith.addf %scan3A_2709, %mul3A_2792 : vector<16xf32>
        %add3A_2794 = arith.constant 25000 : i32
        %add3A_2795 = arith.addi %add3A_2794, %multiple_of3A_2719 : i32
        %get3A_2796 = arith.constant 0 : i32
        %get3A_2797 = arith.index_cast %get3A_2796 : i32 to index
        %get3A_2798 = arith.index_cast %add3A_2795 : i32 to index
        %get3A_2799 = tpu.vector_load %arg10[%get3A_2797, %get3A_2798] {strides = array<i32>} : memref<1x64000xf32, #tpu.memory_space<vmem>>, vector<16xf32>,
        %mul3A_2800 = arith.mulf %get3A_2799, %get3A_2721 : vector<16xf32>
        %add3A_2801 = arith.addf %scan3A_2710, %mul3A_2800 : vector<16xf32>
        %add3A_2802 = arith.constant 26000 : i32
        %add3A_2803 = arith.addi %add3A_2802, %multiple_of3A_2719 : i32
        %get3A_2804 = arith.constant 0 : i32
        %get3A_2805 = arith.index_cast %get3A_2804 : i32 to index
        %get3A_2806 = arith.index_cast %add3A_2803 : i32 to index
        %get3A_2807 = tpu.vector_load %arg10[%get3A_2805, %get3A_2806] {strides = array<i32>} : memref<1x64000xf32, #tpu.memory_space<vmem>>, vector<16xf32>,
        %mul3A_2808 = arith.mulf %get3A_2807, %get3A_2721 : vector<16xf32>
        %add3A_2809 = arith.addf %scan3A_2711, %mul3A_2808 : vector<16xf32>
        %add3A_2810 = arith.constant 27000 : i32
        %add3A_2811 = arith.addi %add3A_2810, %multiple_of3A_2719 : i32
        %get3A_2812 = arith.constant 0 : i32
        %get3A_2813 = arith.index_cast %get3A_2812 : i32 to index
        %get3A_2814 = arith.index_cast %add3A_2811 : i32 to index
        %get3A_2815 = tpu.vector_load %arg10[%get3A_2813, %get3A_2814] {strides = array<i32>} : memref<1x64000xf32, #tpu.memory_space<vmem>>, vector<16xf32>,
        %mul3A_2816 = arith.mulf %get3A_2815, %get3A_2721 : vector<16xf32>
        %add3A_2817 = arith.addf %scan3A_2712, %mul3A_2816 : vector<16xf32>
        %add3A_2818 = arith.constant 28000 : i32
        %add3A_2819 = arith.addi %add3A_2818, %multiple_of3A_2719 : i32
        %get3A_2820 = arith.constant 0 : i32
        %get3A_2821 = arith.index_cast %get3A_2820 : i32 to index
        %get3A_2822 = arith.index_cast %add3A_2819 : i32 to index
        %get3A_2823 = tpu.vector_load %arg10[%get3A_2821, %get3A_2822] {strides = array<i32>} : memref<1x64000xf32, #tpu.memory_space<vmem>>, vector<16xf32>,
        %mul3A_2824 = arith.mulf %get3A_2823, %get3A_2721 : vector<16xf32>
        %add3A_2825 = arith.addf %scan3A_2713, %mul3A_2824 : vector<16xf32>
        %add3A_2826 = arith.constant 29000 : i32
        %add3A_2827 = arith.addi %add3A_2826, %multiple_of3A_2719 : i32
        %get3A_2828 = arith.constant 0 : i32
        %get3A_2829 = arith.index_cast %get3A_2828 : i32 to index
        %get3A_2830 = arith.index_cast %add3A_2827 : i32 to index
        %get3A_2831 = tpu.vector_load %arg10[%get3A_2829, %get3A_2830] {strides = array<i32>} : memref<1x64000xf32, #tpu.memory_space<vmem>>, vector<16xf32>,
        %mul3A_2832 = arith.mulf %get3A_2831, %get3A_2721 : vector<16xf32>
        %add3A_2833 = arith.addf %scan3A_2714, %mul3A_2832 : vector<16xf32>
        %add3A_2834 = arith.constant 30000 : i32
        %add3A_2835 = arith.addi %add3A_2834, %multiple_of3A_2719 : i32
        %get3A_2836 = arith.constant 0 : i32
        %get3A_2837 = arith.index_cast %get3A_2836 : i32 to index
        %get3A_2838 = arith.index_cast %add3A_2835 : i32 to index
        %get3A_2839 = tpu.vector_load %arg10[%get3A_2837, %get3A_2838] {strides = array<i32>} : memref<1x64000xf32, #tpu.memory_space<vmem>>, vector<16xf32>,
        %mul3A_2840 = arith.mulf %get3A_2839, %get3A_2721 : vector<16xf32>
        %add3A_2841 = arith.addf %scan3A_2715, %mul3A_2840 : vector<16xf32>
        %add3A_2842 = arith.constant 31000 : i32
        %add3A_2843 = arith.addi %add3A_2842, %multiple_of3A_2719 : i32
        %get3A_2844 = arith.constant 0 : i32
        %get3A_2845 = arith.index_cast %get3A_2844 : i32 to index
        %get3A_2846 = arith.index_cast %add3A_2843 : i32 to index
        %get3A_2847 = tpu.vector_load %arg10[%get3A_2845, %get3A_2846] {strides = array<i32>} : memref<1x64000xf32, #tpu.memory_space<vmem>>, vector<16xf32>,
        %mul3A_2848 = arith.mulf %get3A_2847, %get3A_2721 : vector<16xf32>
        %add3A_2849 = arith.addf %scan3A_2716, %mul3A_2848 : vector<16xf32>
        scf.yield %add3A_2729, %add3A_2737, %add3A_2745, %add3A_2753, %add3A_2761, %add3A_2769, %add3A_2777, %add3A_2785, %add3A_2793, %add3A_2801, %add3A_2809, %add3A_2817, %add3A_2825, %add3A_2833, %add3A_2841, %add3A_2849 : vector<16xf32>, vector<16xf32>, vector<16xf32>, vector<16xf32>, vector<16xf32>, vector<16xf32>, vector<16xf32>, vector<16xf32>, vector<16xf32>, vector<16xf32>, vector<16xf32>, vector<16xf32>, vector<16xf32>, vector<16xf32>, vector<16xf32>, vector<16xf32>
      }
      %scan3A_446 = arith.constant 62 : i32
      %get3A_447 = arith.constant 984 : index
      %get3A_448 = tpu.vector_load %arg8[%get3A_447] {strides = array<i32>} : memref<1024xf32, #tpu.memory_space<vmem>>, vector<16xf32>,
      %mul3A_449 = arith.mulf %get3A_448, %convert_element_type3A_39 : vector<16xf32>
      %get3A_450 = arith.constant 0 : i32
      %get3A_451 = arith.index_cast %get3A_450 : i32 to index
      %get3A_452 = arith.constant 16984 : index
      %get3A_453 = tpu.vector_load %arg10[%get3A_451, %get3A_452] {strides = array<i32>} : memref<1x64000xf32, #tpu.memory_space<vmem>>, vector<16xf32>,
      %mul3A_454 = arith.mulf %get3A_453, %mul3A_449 : vector<16xf32>
      %add3A_455 = arith.addf %scan3A_445#0, %mul3A_454 : vector<16xf32>
      %swap3A_456 = arith.constant 0 : index
      %swap3A_457 = tpu.vector_load %arg13[%swap3A_456] {strides = array<i32>} : memref<256xf32, #tpu.memory_space<vmem>>, vector<16xf32>,
      tpu.vector_store %arg13[%swap3A_456], %add3A_455 {strides = array<i32>} : memref<256xf32, #tpu.memory_space<vmem>>, vector<16xf32>,
      %get3A_458 = arith.constant 0 : i32
      %get3A_459 = arith.index_cast %get3A_458 : i32 to index
      %get3A_460 = arith.constant 17984 : index
      %get3A_461 = tpu.vector_load %arg10[%get3A_459, %get3A_460] {strides = array<i32>} : memref<1x64000xf32, #tpu.memory_space<vmem>>, vector<16xf32>,
      %mul3A_462 = arith.mulf %get3A_461, %mul3A_449 : vector<16xf32>
      %add3A_463 = arith.addf %scan3A_445#1, %mul3A_462 : vector<16xf32>
      %swap3A_464 = arith.constant 16 : index
      %swap3A_465 = tpu.vector_load %arg13[%swap3A_464] {strides = array<i32>} : memref<256xf32, #tpu.memory_space<vmem>>, vector<16xf32>,
      tpu.vector_store %arg13[%swap3A_464], %add3A_463 {strides = array<i32>} : memref<256xf32, #tpu.memory_space<vmem>>, vector<16xf32>,
      %get3A_466 = arith.constant 0 : i32
      %get3A_467 = arith.index_cast %get3A_466 : i32 to index
      %get3A_468 = arith.constant 18984 : index
      %get3A_469 = tpu.vector_load %arg10[%get3A_467, %get3A_468] {strides = array<i32>} : memref<1x64000xf32, #tpu.memory_space<vmem>>, vector<16xf32>,
      %mul3A_470 = arith.mulf %get3A_469, %mul3A_449 : vector<16xf32>
      %add3A_471 = arith.addf %scan3A_445#2, %mul3A_470 : vector<16xf32>
      %swap3A_472 = arith.constant 32 : index
      %swap3A_473 = tpu.vector_load %arg13[%swap3A_472] {strides = array<i32>} : memref<256xf32, #tpu.memory_space<vmem>>, vector<16xf32>,
      tpu.vector_store %arg13[%swap3A_472], %add3A_471 {strides = array<i32>} : memref<256xf32, #tpu.memory_space<vmem>>, vector<16xf32>,
      %get3A_474 = arith.constant 0 : i32
      %get3A_475 = arith.index_cast %get3A_474 : i32 to index
      %get3A_476 = arith.constant 19984 : index
      %get3A_477 = tpu.vector_load %arg10[%get3A_475, %get3A_476] {strides = array<i32>} : memref<1x64000xf32, #tpu.memory_space<vmem>>, vector<16xf32>,
      %mul3A_478 = arith.mulf %get3A_477, %mul3A_449 : vector<16xf32>
      %add3A_479 = arith.addf %scan3A_445#3, %mul3A_478 : vector<16xf32>
      %swap3A_480 = arith.constant 48 : index
      %swap3A_481 = tpu.vector_load %arg13[%swap3A_480] {strides = array<i32>} : memref<256xf32, #tpu.memory_space<vmem>>, vector<16xf32>,
      tpu.vector_store %arg13[%swap3A_480], %add3A_479 {strides = array<i32>} : memref<256xf32, #tpu.memory_space<vmem>>, vector<16xf32>,
      %get3A_482 = arith.constant 0 : i32
      %get3A_483 = arith.index_cast %get3A_482 : i32 to index
      %get3A_484 = arith.constant 20984 : index
      %get3A_485 = tpu.vector_load %arg10[%get3A_483, %get3A_484] {strides = array<i32>} : memref<1x64000xf32, #tpu.memory_space<vmem>>, vector<16xf32>,
      %mul3A_486 = arith.mulf %get3A_485, %mul3A_449 : vector<16xf32>
      %add3A_487 = arith.addf %scan3A_445#4, %mul3A_486 : vector<16xf32>
      %swap3A_488 = arith.constant 64 : index
      %swap3A_489 = tpu.vector_load %arg13[%swap3A_488] {strides = array<i32>} : memref<256xf32, #tpu.memory_space<vmem>>, vector<16xf32>,
      tpu.vector_store %arg13[%swap3A_488], %add3A_487 {strides = array<i32>} : memref<256xf32, #tpu.memory_space<vmem>>, vector<16xf32>,
      %get3A_490 = arith.constant 0 : i32
      %get3A_491 = arith.index_cast %get3A_490 : i32 to index
      %get3A_492 = arith.constant 21984 : index
      %get3A_493 = tpu.vector_load %arg10[%get3A_491, %get3A_492] {strides = array<i32>} : memref<1x64000xf32, #tpu.memory_space<vmem>>, vector<16xf32>,
      %mul3A_494 = arith.mulf %get3A_493, %mul3A_449 : vector<16xf32>
      %add3A_495 = arith.addf %scan3A_445#5, %mul3A_494 : vector<16xf32>
      %swap3A_496 = arith.constant 80 : index
      %swap3A_497 = tpu.vector_load %arg13[%swap3A_496] {strides = array<i32>} : memref<256xf32, #tpu.memory_space<vmem>>, vector<16xf32>,
      tpu.vector_store %arg13[%swap3A_496], %add3A_495 {strides = array<i32>} : memref<256xf32, #tpu.memory_space<vmem>>, vector<16xf32>,
      %get3A_498 = arith.constant 0 : i32
      %get3A_499 = arith.index_cast %get3A_498 : i32 to index
      %get3A_500 = arith.constant 22984 : index
      %get3A_501 = tpu.vector_load %arg10[%get3A_499, %get3A_500] {strides = array<i32>} : memref<1x64000xf32, #tpu.memory_space<vmem>>, vector<16xf32>,
      %mul3A_502 = arith.mulf %get3A_501, %mul3A_449 : vector<16xf32>
      %add3A_503 = arith.addf %scan3A_445#6, %mul3A_502 : vector<16xf32>
      %swap3A_504 = arith.constant 96 : index
      %swap3A_505 = tpu.vector_load %arg13[%swap3A_504] {strides = array<i32>} : memref<256xf32, #tpu.memory_space<vmem>>, vector<16xf32>,
      tpu.vector_store %arg13[%swap3A_504], %add3A_503 {strides = array<i32>} : memref<256xf32, #tpu.memory_space<vmem>>, vector<16xf32>,
      %get3A_506 = arith.constant 0 : i32
      %get3A_507 = arith.index_cast %get3A_506 : i32 to index
      %get3A_508 = arith.constant 23984 : index
      %get3A_509 = tpu.vector_load %arg10[%get3A_507, %get3A_508] {strides = array<i32>} : memref<1x64000xf32, #tpu.memory_space<vmem>>, vector<16xf32>,
      %mul3A_510 = arith.mulf %get3A_509, %mul3A_449 : vector<16xf32>
      %add3A_511 = arith.addf %scan3A_445#7, %mul3A_510 : vector<16xf32>
      %swap3A_512 = arith.constant 112 : index
      %swap3A_513 = tpu.vector_load %arg13[%swap3A_512] {strides = array<i32>} : memref<256xf32, #tpu.memory_space<vmem>>, vector<16xf32>,
      tpu.vector_store %arg13[%swap3A_512], %add3A_511 {strides = array<i32>} : memref<256xf32, #tpu.memory_space<vmem>>, vector<16xf32>,
      %get3A_514 = arith.constant 0 : i32
      %get3A_515 = arith.index_cast %get3A_514 : i32 to index
      %get3A_516 = arith.constant 24984 : index
      %get3A_517 = tpu.vector_load %arg10[%get3A_515, %get3A_516] {strides = array<i32>} : memref<1x64000xf32, #tpu.memory_space<vmem>>, vector<16xf32>,
      %mul3A_518 = arith.mulf %get3A_517, %mul3A_449 : vector<16xf32>
      %add3A_519 = arith.addf %scan3A_445#8, %mul3A_518 : vector<16xf32>
      %swap3A_520 = arith.constant 128 : index
      %swap3A_521 = tpu.vector_load %arg13[%swap3A_520] {strides = array<i32>} : memref<256xf32, #tpu.memory_space<vmem>>, vector<16xf32>,
      tpu.vector_store %arg13[%swap3A_520], %add3A_519 {strides = array<i32>} : memref<256xf32, #tpu.memory_space<vmem>>, vector<16xf32>,
      %get3A_522 = arith.constant 0 : i32
      %get3A_523 = arith.index_cast %get3A_522 : i32 to index
      %get3A_524 = arith.constant 25984 : index
      %get3A_525 = tpu.vector_load %arg10[%get3A_523, %get3A_524] {strides = array<i32>} : memref<1x64000xf32, #tpu.memory_space<vmem>>, vector<16xf32>,
      %mul3A_526 = arith.mulf %get3A_525, %mul3A_449 : vector<16xf32>
      %add3A_527 = arith.addf %scan3A_445#9, %mul3A_526 : vector<16xf32>
      %swap3A_528 = arith.constant 144 : index
      %swap3A_529 = tpu.vector_load %arg13[%swap3A_528] {strides = array<i32>} : memref<256xf32, #tpu.memory_space<vmem>>, vector<16xf32>,
      tpu.vector_store %arg13[%swap3A_528], %add3A_527 {strides = array<i32>} : memref<256xf32, #tpu.memory_space<vmem>>, vector<16xf32>,
      %get3A_530 = arith.constant 0 : i32
      %get3A_531 = arith.index_cast %get3A_530 : i32 to index
      %get3A_532 = arith.constant 26984 : index
      %get3A_533 = tpu.vector_load %arg10[%get3A_531, %get3A_532] {strides = array<i32>} : memref<1x64000xf32, #tpu.memory_space<vmem>>, vector<16xf32>,
      %mul3A_534 = arith.mulf %get3A_533, %mul3A_449 : vector<16xf32>
      %add3A_535 = arith.addf %scan3A_445#10, %mul3A_534 : vector<16xf32>
      %swap3A_536 = arith.constant 160 : index
      %swap3A_537 = tpu.vector_load %arg13[%swap3A_536] {strides = array<i32>} : memref<256xf32, #tpu.memory_space<vmem>>, vector<16xf32>,
      tpu.vector_store %arg13[%swap3A_536], %add3A_535 {strides = array<i32>} : memref<256xf32, #tpu.memory_space<vmem>>, vector<16xf32>,
      %get3A_538 = arith.constant 0 : i32
      %get3A_539 = arith.index_cast %get3A_538 : i32 to index
      %get3A_540 = arith.constant 27984 : index
      %get3A_541 = tpu.vector_load %arg10[%get3A_539, %get3A_540] {strides = array<i32>} : memref<1x64000xf32, #tpu.memory_space<vmem>>, vector<16xf32>,
      %mul3A_542 = arith.mulf %get3A_541, %mul3A_449 : vector<16xf32>
      %add3A_543 = arith.addf %scan3A_445#11, %mul3A_542 : vector<16xf32>
      %swap3A_544 = arith.constant 176 : index
      %swap3A_545 = tpu.vector_load %arg13[%swap3A_544] {strides = array<i32>} : memref<256xf32, #tpu.memory_space<vmem>>, vector<16xf32>,
      tpu.vector_store %arg13[%swap3A_544], %add3A_543 {strides = array<i32>} : memref<256xf32, #tpu.memory_space<vmem>>, vector<16xf32>,
      %get3A_546 = arith.constant 0 : i32
      %get3A_547 = arith.index_cast %get3A_546 : i32 to index
      %get3A_548 = arith.constant 28984 : index
      %get3A_549 = tpu.vector_load %arg10[%get3A_547, %get3A_548] {strides = array<i32>} : memref<1x64000xf32, #tpu.memory_space<vmem>>, vector<16xf32>,
      %mul3A_550 = arith.mulf %get3A_549, %mul3A_449 : vector<16xf32>
      %add3A_551 = arith.addf %scan3A_445#12, %mul3A_550 : vector<16xf32>
      %swap3A_552 = arith.constant 192 : index
      %swap3A_553 = tpu.vector_load %arg13[%swap3A_552] {strides = array<i32>} : memref<256xf32, #tpu.memory_space<vmem>>, vector<16xf32>,
      tpu.vector_store %arg13[%swap3A_552], %add3A_551 {strides = array<i32>} : memref<256xf32, #tpu.memory_space<vmem>>, vector<16xf32>,
      %get3A_554 = arith.constant 0 : i32
      %get3A_555 = arith.index_cast %get3A_554 : i32 to index
      %get3A_556 = arith.constant 29984 : index
      %get3A_557 = tpu.vector_load %arg10[%get3A_555, %get3A_556] {strides = array<i32>} : memref<1x64000xf32, #tpu.memory_space<vmem>>, vector<16xf32>,
      %mul3A_558 = arith.mulf %get3A_557, %mul3A_449 : vector<16xf32>
      %add3A_559 = arith.addf %scan3A_445#13, %mul3A_558 : vector<16xf32>
      %swap3A_560 = arith.constant 208 : index
      %swap3A_561 = tpu.vector_load %arg13[%swap3A_560] {strides = array<i32>} : memref<256xf32, #tpu.memory_space<vmem>>, vector<16xf32>,
      tpu.vector_store %arg13[%swap3A_560], %add3A_559 {strides = array<i32>} : memref<256xf32, #tpu.memory_space<vmem>>, vector<16xf32>,
      %get3A_562 = arith.constant 0 : i32
      %get3A_563 = arith.index_cast %get3A_562 : i32 to index
      %get3A_564 = arith.constant 30984 : index
      %get3A_565 = tpu.vector_load %arg10[%get3A_563, %get3A_564] {strides = array<i32>} : memref<1x64000xf32, #tpu.memory_space<vmem>>, vector<16xf32>,
      %mul3A_566 = arith.mulf %get3A_565, %mul3A_449 : vector<16xf32>
      %add3A_567 = arith.addf %scan3A_445#14, %mul3A_566 : vector<16xf32>
      %swap3A_568 = arith.constant 224 : index
      %swap3A_569 = tpu.vector_load %arg13[%swap3A_568] {strides = array<i32>} : memref<256xf32, #tpu.memory_space<vmem>>, vector<16xf32>,
      tpu.vector_store %arg13[%swap3A_568], %add3A_567 {strides = array<i32>} : memref<256xf32, #tpu.memory_space<vmem>>, vector<16xf32>,
      %get3A_570 = arith.constant 0 : i32
      %get3A_571 = arith.index_cast %get3A_570 : i32 to index
      %get3A_572 = arith.constant 31984 : index
      %get3A_573 = tpu.vector_load %arg10[%get3A_571, %get3A_572] {strides = array<i32>} : memref<1x64000xf32, #tpu.memory_space<vmem>>, vector<16xf32>,
      %mul3A_574 = arith.mulf %get3A_573, %mul3A_449 : vector<16xf32>
      %add3A_575 = arith.addf %scan3A_445#15, %mul3A_574 : vector<16xf32>
      %swap3A_576 = arith.constant 240 : index
      %swap3A_577 = tpu.vector_load %arg13[%swap3A_576] {strides = array<i32>} : memref<256xf32, #tpu.memory_space<vmem>>, vector<16xf32>,
      tpu.vector_store %arg13[%swap3A_576], %add3A_575 {strides = array<i32>} : memref<256xf32, #tpu.memory_space<vmem>>, vector<16xf32>,
      %broadcast_in_dim3A_578 = arith.constant 0.000000e+00 : f32
      %broadcast_in_dim3A_579 = vector.broadcast %broadcast_in_dim3A_578 : f32 to vector<16xf32>
      %mul3A_580 = arith.constant 16 : i32
      %mul3A_581 = vector.broadcast %mul3A_580 : i32 to vector<16xi32>
      %mul3A_582 = arith.muli %iota3A, %mul3A_581 : vector<16xi32>
      %add3A_583 = arith.constant 0 : i32
      %add3A_584 = vector.broadcast %add3A_583 : i32 to vector<16xi32>
      %add3A_585 = arith.addi %mul3A_582, %add3A_584 : vector<16xi32>
      %gather3A_586 = tpu.vector_load_idx %arg13[%add3A_585] : memref<256xf32, #tpu.memory_space<vmem>>[vector<16xi32>], vector<16xf32>,
      %add3A_587 = arith.addf %broadcast_in_dim3A_579, %gather3A_586 : vector<16xf32>
      %mul3A_588 = arith.constant 16 : i32
      %mul3A_589 = vector.broadcast %mul3A_588 : i32 to vector<16xi32>
      %mul3A_590 = arith.muli %iota3A, %mul3A_589 : vector<16xi32>
      %add3A_591 = arith.constant 1 : i32
      %add3A_592 = vector.broadcast %add3A_591 : i32 to vector<16xi32>
      %add3A_593 = arith.addi %mul3A_590, %add3A_592 : vector<16xi32>
      %gather3A_594 = tpu.vector_load_idx %arg13[%add3A_593] : memref<256xf32, #tpu.memory_space<vmem>>[vector<16xi32>], vector<16xf32>,
      %add3A_595 = arith.addf %add3A_587, %gather3A_594 : vector<16xf32>
      %mul3A_596 = arith.constant 16 : i32
      %mul3A_597 = vector.broadcast %mul3A_596 : i32 to vector<16xi32>
      %mul3A_598 = arith.muli %iota3A, %mul3A_597 : vector<16xi32>
      %add3A_599 = arith.constant 2 : i32
      %add3A_600 = vector.broadcast %add3A_599 : i32 to vector<16xi32>
      %add3A_601 = arith.addi %mul3A_598, %add3A_600 : vector<16xi32>
      %gather3A_602 = tpu.vector_load_idx %arg13[%add3A_601] : memref<256xf32, #tpu.memory_space<vmem>>[vector<16xi32>], vector<16xf32>,
      %add3A_603 = arith.addf %add3A_595, %gather3A_602 : vector<16xf32>
      %mul3A_604 = arith.constant 16 : i32
      %mul3A_605 = vector.broadcast %mul3A_604 : i32 to vector<16xi32>
      %mul3A_606 = arith.muli %iota3A, %mul3A_605 : vector<16xi32>
      %add3A_607 = arith.constant 3 : i32
      %add3A_608 = vector.broadcast %add3A_607 : i32 to vector<16xi32>
      %add3A_609 = arith.addi %mul3A_606, %add3A_608 : vector<16xi32>
      %gather3A_610 = tpu.vector_load_idx %arg13[%add3A_609] : memref<256xf32, #tpu.memory_space<vmem>>[vector<16xi32>], vector<16xf32>,
      %add3A_611 = arith.addf %add3A_603, %gather3A_610 : vector<16xf32>
      %mul3A_612 = arith.constant 16 : i32
      %mul3A_613 = vector.broadcast %mul3A_612 : i32 to vector<16xi32>
      %mul3A_614 = arith.muli %iota3A, %mul3A_613 : vector<16xi32>
      %add3A_615 = arith.constant 4 : i32
      %add3A_616 = vector.broadcast %add3A_615 : i32 to vector<16xi32>
      %add3A_617 = arith.addi %mul3A_614, %add3A_616 : vector<16xi32>
      %gather3A_618 = tpu.vector_load_idx %arg13[%add3A_617] : memref<256xf32, #tpu.memory_space<vmem>>[vector<16xi32>], vector<16xf32>,
      %add3A_619 = arith.addf %add3A_611, %gather3A_618 : vector<16xf32>
      %mul3A_620 = arith.constant 16 : i32
      %mul3A_621 = vector.broadcast %mul3A_620 : i32 to vector<16xi32>
      %mul3A_622 = arith.muli %iota3A, %mul3A_621 : vector<16xi32>
      %add3A_623 = arith.constant 5 : i32
      %add3A_624 = vector.broadcast %add3A_623 : i32 to vector<16xi32>
      %add3A_625 = arith.addi %mul3A_622, %add3A_624 : vector<16xi32>
      %gather3A_626 = tpu.vector_load_idx %arg13[%add3A_625] : memref<256xf32, #tpu.memory_space<vmem>>[vector<16xi32>], vector<16xf32>,
      %add3A_627 = arith.addf %add3A_619, %gather3A_626 : vector<16xf32>
      %mul3A_628 = arith.constant 16 : i32
      %mul3A_629 = vector.broadcast %mul3A_628 : i32 to vector<16xi32>
      %mul3A_630 = arith.muli %iota3A, %mul3A_629 : vector<16xi32>
      %add3A_631 = arith.constant 6 : i32
      %add3A_632 = vector.broadcast %add3A_631 : i32 to vector<16xi32>
      %add3A_633 = arith.addi %mul3A_630, %add3A_632 : vector<16xi32>
      %gather3A_634 = tpu.vector_load_idx %arg13[%add3A_633] : memref<256xf32, #tpu.memory_space<vmem>>[vector<16xi32>], vector<16xf32>,
      %add3A_635 = arith.addf %add3A_627, %gather3A_634 : vector<16xf32>
      %mul3A_636 = arith.constant 16 : i32
      %mul3A_637 = vector.broadcast %mul3A_636 : i32 to vector<16xi32>
      %mul3A_638 = arith.muli %iota3A, %mul3A_637 : vector<16xi32>
      %add3A_639 = arith.constant 7 : i32
      %add3A_640 = vector.broadcast %add3A_639 : i32 to vector<16xi32>
      %add3A_641 = arith.addi %mul3A_638, %add3A_640 : vector<16xi32>
      %gather3A_642 = tpu.vector_load_idx %arg13[%add3A_641] : memref<256xf32, #tpu.memory_space<vmem>>[vector<16xi32>], vector<16xf32>,
      %add3A_643 = arith.addf %add3A_635, %gather3A_642 : vector<16xf32>
      %mul3A_644 = arith.constant 16 : i32
      %mul3A_645 = vector.broadcast %mul3A_644 : i32 to vector<16xi32>
      %mul3A_646 = arith.muli %iota3A, %mul3A_645 : vector<16xi32>
      %add3A_647 = arith.constant 8 : i32
      %add3A_648 = vector.broadcast %add3A_647 : i32 to vector<16xi32>
      %add3A_649 = arith.addi %mul3A_646, %add3A_648 : vector<16xi32>
      %gather3A_650 = tpu.vector_load_idx %arg13[%add3A_649] : memref<256xf32, #tpu.memory_space<vmem>>[vector<16xi32>], vector<16xf32>,
      %add3A_651 = arith.addf %add3A_643, %gather3A_650 : vector<16xf32>
      %mul3A_652 = arith.constant 16 : i32
      %mul3A_653 = vector.broadcast %mul3A_652 : i32 to vector<16xi32>
      %mul3A_654 = arith.muli %iota3A, %mul3A_653 : vector<16xi32>
      %add3A_655 = arith.constant 9 : i32
      %add3A_656 = vector.broadcast %add3A_655 : i32 to vector<16xi32>
      %add3A_657 = arith.addi %mul3A_654, %add3A_656 : vector<16xi32>
      %gather3A_658 = tpu.vector_load_idx %arg13[%add3A_657] : memref<256xf32, #tpu.memory_space<vmem>>[vector<16xi32>], vector<16xf32>,
      %add3A_659 = arith.addf %add3A_651, %gather3A_658 : vector<16xf32>
      %mul3A_660 = arith.constant 16 : i32
      %mul3A_661 = vector.broadcast %mul3A_660 : i32 to vector<16xi32>
      %mul3A_662 = arith.muli %iota3A, %mul3A_661 : vector<16xi32>
      %add3A_663 = arith.constant 10 : i32
      %add3A_664 = vector.broadcast %add3A_663 : i32 to vector<16xi32>
      %add3A_665 = arith.addi %mul3A_662, %add3A_664 : vector<16xi32>
      %gather3A_666 = tpu.vector_load_idx %arg13[%add3A_665] : memref<256xf32, #tpu.memory_space<vmem>>[vector<16xi32>], vector<16xf32>,
      %add3A_667 = arith.addf %add3A_659, %gather3A_666 : vector<16xf32>
      %mul3A_668 = arith.constant 16 : i32
      %mul3A_669 = vector.broadcast %mul3A_668 : i32 to vector<16xi32>
      %mul3A_670 = arith.muli %iota3A, %mul3A_669 : vector<16xi32>
      %add3A_671 = arith.constant 11 : i32
      %add3A_672 = vector.broadcast %add3A_671 : i32 to vector<16xi32>
      %add3A_673 = arith.addi %mul3A_670, %add3A_672 : vector<16xi32>
      %gather3A_674 = tpu.vector_load_idx %arg13[%add3A_673] : memref<256xf32, #tpu.memory_space<vmem>>[vector<16xi32>], vector<16xf32>,
      %add3A_675 = arith.addf %add3A_667, %gather3A_674 : vector<16xf32>
      %mul3A_676 = arith.constant 16 : i32
      %mul3A_677 = vector.broadcast %mul3A_676 : i32 to vector<16xi32>
      %mul3A_678 = arith.muli %iota3A, %mul3A_677 : vector<16xi32>
      %add3A_679 = arith.constant 12 : i32
      %add3A_680 = vector.broadcast %add3A_679 : i32 to vector<16xi32>
      %add3A_681 = arith.addi %mul3A_678, %add3A_680 : vector<16xi32>
      %gather3A_682 = tpu.vector_load_idx %arg13[%add3A_681] : memref<256xf32, #tpu.memory_space<vmem>>[vector<16xi32>], vector<16xf32>,
      %add3A_683 = arith.addf %add3A_675, %gather3A_682 : vector<16xf32>
      %mul3A_684 = arith.constant 16 : i32
      %mul3A_685 = vector.broadcast %mul3A_684 : i32 to vector<16xi32>
      %mul3A_686 = arith.muli %iota3A, %mul3A_685 : vector<16xi32>
      %add3A_687 = arith.constant 13 : i32
      %add3A_688 = vector.broadcast %add3A_687 : i32 to vector<16xi32>
      %add3A_689 = arith.addi %mul3A_686, %add3A_688 : vector<16xi32>
      %gather3A_690 = tpu.vector_load_idx %arg13[%add3A_689] : memref<256xf32, #tpu.memory_space<vmem>>[vector<16xi32>], vector<16xf32>,
      %add3A_691 = arith.addf %add3A_683, %gather3A_690 : vector<16xf32>
      %mul3A_692 = arith.constant 16 : i32
      %mul3A_693 = vector.broadcast %mul3A_692 : i32 to vector<16xi32>
      %mul3A_694 = arith.muli %iota3A, %mul3A_693 : vector<16xi32>
      %add3A_695 = arith.constant 14 : i32
      %add3A_696 = vector.broadcast %add3A_695 : i32 to vector<16xi32>
      %add3A_697 = arith.addi %mul3A_694, %add3A_696 : vector<16xi32>
      %gather3A_698 = tpu.vector_load_idx %arg13[%add3A_697] : memref<256xf32, #tpu.memory_space<vmem>>[vector<16xi32>], vector<16xf32>,
      %add3A_699 = arith.addf %add3A_691, %gather3A_698 : vector<16xf32>
      %mul3A_700 = arith.constant 16 : i32
      %mul3A_701 = vector.broadcast %mul3A_700 : i32 to vector<16xi32>
      %mul3A_702 = arith.muli %iota3A, %mul3A_701 : vector<16xi32>
      %add3A_703 = arith.constant 15 : i32
      %add3A_704 = vector.broadcast %add3A_703 : i32 to vector<16xi32>
      %add3A_705 = arith.addi %mul3A_702, %add3A_704 : vector<16xi32>
      %gather3A_706 = tpu.vector_load_idx %arg13[%add3A_705] : memref<256xf32, #tpu.memory_space<vmem>>[vector<16xi32>], vector<16xf32>,
      %add3A_707 = arith.addf %add3A_699, %gather3A_706 : vector<16xf32>
      %jit3A_708 = arith.constant 4 : i32
      %eq3A_709 = arith.constant 0 : i32
      %eq3A_710 = arith.cmpi eq, %jit3A_708, %eq3A_709 : i32
      %jit3A_711 = arith.constant 1 : i32
      %select_n3A_712 = arith.select %eq3A_710, %jit3A_711, %jit3A_708 : i32
      %rem3A_713 = arith.remsi %mul3A_47, %select_n3A_712 : i32
      %ne3A_714 = arith.constant 0 : i32
      %ne3A_715 = arith.cmpi ne, %rem3A_713, %ne3A_714 : i32
      %lt3A_716 = arith.constant 0 : i32
      %lt3A_717 = arith.cmpi slt, %rem3A_713, %lt3A_716 : i32
      %lt3A_718 = arith.constant 0 : i32
      %lt3A_719 = arith.cmpi slt, %select_n3A_712, %lt3A_718 : i32
      %ne3A_720 = arith.xori %lt3A_717, %lt3A_719 : i1
      %and3A_721 = arith.andi %ne3A_720, %ne3A_715 : i1
      %add3A_722 = arith.addi %rem3A_713, %select_n3A_712 : i32
      %select_n3A_723 = arith.select %and3A_721, %add3A_722, %rem3A_713 : i32
      %mul3A_724 = arith.constant 64 : i32
      %mul3A_725 = arith.muli %select_n3A_723, %mul3A_724 : i32
      %add3A_726 = arith.constant 16 : i32
      %add3A_727 = arith.addi %mul3A_725, %add3A_726 : i32
      %multiple_of3A_728 = tpu.assume_multiple %add3A_727, 16 : i32
      %swap3A_729 = arith.index_cast %multiple_of3A_728 : i32 to index
      %swap3A_730 = tpu.vector_load %arg12[%swap3A_729] {strides = array<i32>} : memref<256xf32, #tpu.memory_space<vmem>>, vector<16xf32>,
      tpu.vector_store %arg12[%swap3A_729], %add3A_707 {strides = array<i32>} : memref<256xf32, #tpu.memory_space<vmem>>, vector<16xf32>,
      %broadcast_in_dim3A_731 = arith.constant 0.000000e+00 : f32
      %broadcast_in_dim3A_732 = vector.broadcast %broadcast_in_dim3A_731 : f32 to vector<16xf32>
      %broadcast_in_dim3A_733 = arith.constant 0.000000e+00 : f32
      %broadcast_in_dim3A_734 = vector.broadcast %broadcast_in_dim3A_733 : f32 to vector<16xf32>
      %broadcast_in_dim3A_735 = arith.constant 0.000000e+00 : f32
      %broadcast_in_dim3A_736 = vector.broadcast %broadcast_in_dim3A_735 : f32 to vector<16xf32>
      %broadcast_in_dim3A_737 = arith.constant 0.000000e+00 : f32
      %broadcast_in_dim3A_738 = vector.broadcast %broadcast_in_dim3A_737 : f32 to vector<16xf32>
      %broadcast_in_dim3A_739 = arith.constant 0.000000e+00 : f32
      %broadcast_in_dim3A_740 = vector.broadcast %broadcast_in_dim3A_739 : f32 to vector<16xf32>
      %broadcast_in_dim3A_741 = arith.constant 0.000000e+00 : f32
      %broadcast_in_dim3A_742 = vector.broadcast %broadcast_in_dim3A_741 : f32 to vector<16xf32>
      %broadcast_in_dim3A_743 = arith.constant 0.000000e+00 : f32
      %broadcast_in_dim3A_744 = vector.broadcast %broadcast_in_dim3A_743 : f32 to vector<16xf32>
      %broadcast_in_dim3A_745 = arith.constant 0.000000e+00 : f32
      %broadcast_in_dim3A_746 = vector.broadcast %broadcast_in_dim3A_745 : f32 to vector<16xf32>
      %broadcast_in_dim3A_747 = arith.constant 0.000000e+00 : f32
      %broadcast_in_dim3A_748 = vector.broadcast %broadcast_in_dim3A_747 : f32 to vector<16xf32>
      %broadcast_in_dim3A_749 = arith.constant 0.000000e+00 : f32
      %broadcast_in_dim3A_750 = vector.broadcast %broadcast_in_dim3A_749 : f32 to vector<16xf32>
      %broadcast_in_dim3A_751 = arith.constant 0.000000e+00 : f32
      %broadcast_in_dim3A_752 = vector.broadcast %broadcast_in_dim3A_751 : f32 to vector<16xf32>
      %broadcast_in_dim3A_753 = arith.constant 0.000000e+00 : f32
      %broadcast_in_dim3A_754 = vector.broadcast %broadcast_in_dim3A_753 : f32 to vector<16xf32>
      %broadcast_in_dim3A_755 = arith.constant 0.000000e+00 : f32
      %broadcast_in_dim3A_756 = vector.broadcast %broadcast_in_dim3A_755 : f32 to vector<16xf32>
      %broadcast_in_dim3A_757 = arith.constant 0.000000e+00 : f32
      %broadcast_in_dim3A_758 = vector.broadcast %broadcast_in_dim3A_757 : f32 to vector<16xf32>
      %broadcast_in_dim3A_759 = arith.constant 0.000000e+00 : f32
      %broadcast_in_dim3A_760 = vector.broadcast %broadcast_in_dim3A_759 : f32 to vector<16xf32>
      %broadcast_in_dim3A_761 = arith.constant 0.000000e+00 : f32
      %broadcast_in_dim3A_762 = vector.broadcast %broadcast_in_dim3A_761 : f32 to vector<16xf32>
      %scan3A_763 = arith.constant 0 : i32
      %scan3A_764 = arith.constant 62 : i32
      %scan3A_765 = arith.addi %scan3A_763, %scan3A_764 : i32
      %scan3A_766 = arith.constant 1 : i32
      %scan3A_767:16 = scf.for %scan3A_2700 = %scan3A_763 to %scan3A_765 step %scan3A_766 iter_args(%scan3A_2701 = %broadcast_in_dim3A_732, %scan3A_2702 = %broadcast_in_dim3A_734, %scan3A_2703 = %broadcast_in_dim3A_736, %scan3A_2704 = %broadcast_in_dim3A_738, %scan3A_2705 = %broadcast_in_dim3A_740, %scan3A_2706 = %broadcast_in_dim3A_742, %scan3A_2707 = %broadcast_in_dim3A_744, %scan3A_2708 = %broadcast_in_dim3A_746, %scan3A_2709 = %broadcast_in_dim3A_748, %scan3A_2710 = %broadcast_in_dim3A_750, %scan3A_2711 = %broadcast_in_dim3A_752, %scan3A_2712 = %broadcast_in_dim3A_754, %scan3A_2713 = %broadcast_in_dim3A_756, %scan3A_2714 = %broadcast_in_dim3A_758, %scan3A_2715 = %broadcast_in_dim3A_760, %scan3A_2716 = %broadcast_in_dim3A_762) -> (vector<16xf32>, vector<16xf32>, vector<16xf32>, vector<16xf32>, vector<16xf32>, vector<16xf32>, vector<16xf32>, vector<16xf32>, vector<16xf32>, vector<16xf32>, vector<16xf32>, vector<16xf32>, vector<16xf32>, vector<16xf32>, vector<16xf32>, vector<16xf32>)  : i32 {
        %mul3A_2717 = arith.constant 16 : i32
        %mul3A_2718 = arith.muli %mul3A_2717, %scan3A_2700 : i32
        %multiple_of3A_2719 = tpu.assume_multiple %mul3A_2718, 16 : i32
        %get3A_2720 = arith.index_cast %multiple_of3A_2719 : i32 to index
        %get3A_2721 = tpu.vector_load %arg8[%get3A_2720] {strides = array<i32>} : memref<1024xf32, #tpu.memory_space<vmem>>, vector<16xf32>,
        %add3A_2722 = arith.constant 32000 : i32
        %add3A_2723 = arith.addi %add3A_2722, %multiple_of3A_2719 : i32
        %get3A_2724 = arith.constant 0 : i32
        %get3A_2725 = arith.index_cast %get3A_2724 : i32 to index
        %get3A_2726 = arith.index_cast %add3A_2723 : i32 to index
        %get3A_2727 = tpu.vector_load %arg10[%get3A_2725, %get3A_2726] {strides = array<i32>} : memref<1x64000xf32, #tpu.memory_space<vmem>>, vector<16xf32>,
        %mul3A_2728 = arith.mulf %get3A_2727, %get3A_2721 : vector<16xf32>
        %add3A_2729 = arith.addf %scan3A_2701, %mul3A_2728 : vector<16xf32>
        %add3A_2730 = arith.constant 33000 : i32
        %add3A_2731 = arith.addi %add3A_2730, %multiple_of3A_2719 : i32
        %get3A_2732 = arith.constant 0 : i32
        %get3A_2733 = arith.index_cast %get3A_2732 : i32 to index
        %get3A_2734 = arith.index_cast %add3A_2731 : i32 to index
        %get3A_2735 = tpu.vector_load %arg10[%get3A_2733, %get3A_2734] {strides = array<i32>} : memref<1x64000xf32, #tpu.memory_space<vmem>>, vector<16xf32>,
        %mul3A_2736 = arith.mulf %get3A_2735, %get3A_2721 : vector<16xf32>
        %add3A_2737 = arith.addf %scan3A_2702, %mul3A_2736 : vector<16xf32>
        %add3A_2738 = arith.constant 34000 : i32
        %add3A_2739 = arith.addi %add3A_2738, %multiple_of3A_2719 : i32
        %get3A_2740 = arith.constant 0 : i32
        %get3A_2741 = arith.index_cast %get3A_2740 : i32 to index
        %get3A_2742 = arith.index_cast %add3A_2739 : i32 to index
        %get3A_2743 = tpu.vector_load %arg10[%get3A_2741, %get3A_2742] {strides = array<i32>} : memref<1x64000xf32, #tpu.memory_space<vmem>>, vector<16xf32>,
        %mul3A_2744 = arith.mulf %get3A_2743, %get3A_2721 : vector<16xf32>
        %add3A_2745 = arith.addf %scan3A_2703, %mul3A_2744 : vector<16xf32>
        %add3A_2746 = arith.constant 35000 : i32
        %add3A_2747 = arith.addi %add3A_2746, %multiple_of3A_2719 : i32
        %get3A_2748 = arith.constant 0 : i32
        %get3A_2749 = arith.index_cast %get3A_2748 : i32 to index
        %get3A_2750 = arith.index_cast %add3A_2747 : i32 to index
        %get3A_2751 = tpu.vector_load %arg10[%get3A_2749, %get3A_2750] {strides = array<i32>} : memref<1x64000xf32, #tpu.memory_space<vmem>>, vector<16xf32>,
        %mul3A_2752 = arith.mulf %get3A_2751, %get3A_2721 : vector<16xf32>
        %add3A_2753 = arith.addf %scan3A_2704, %mul3A_2752 : vector<16xf32>
        %add3A_2754 = arith.constant 36000 : i32
        %add3A_2755 = arith.addi %add3A_2754, %multiple_of3A_2719 : i32
        %get3A_2756 = arith.constant 0 : i32
        %get3A_2757 = arith.index_cast %get3A_2756 : i32 to index
        %get3A_2758 = arith.index_cast %add3A_2755 : i32 to index
        %get3A_2759 = tpu.vector_load %arg10[%get3A_2757, %get3A_2758] {strides = array<i32>} : memref<1x64000xf32, #tpu.memory_space<vmem>>, vector<16xf32>,
        %mul3A_2760 = arith.mulf %get3A_2759, %get3A_2721 : vector<16xf32>
        %add3A_2761 = arith.addf %scan3A_2705, %mul3A_2760 : vector<16xf32>
        %add3A_2762 = arith.constant 37000 : i32
        %add3A_2763 = arith.addi %add3A_2762, %multiple_of3A_2719 : i32
        %get3A_2764 = arith.constant 0 : i32
        %get3A_2765 = arith.index_cast %get3A_2764 : i32 to index
        %get3A_2766 = arith.index_cast %add3A_2763 : i32 to index
        %get3A_2767 = tpu.vector_load %arg10[%get3A_2765, %get3A_2766] {strides = array<i32>} : memref<1x64000xf32, #tpu.memory_space<vmem>>, vector<16xf32>,
        %mul3A_2768 = arith.mulf %get3A_2767, %get3A_2721 : vector<16xf32>
        %add3A_2769 = arith.addf %scan3A_2706, %mul3A_2768 : vector<16xf32>
        %add3A_2770 = arith.constant 38000 : i32
        %add3A_2771 = arith.addi %add3A_2770, %multiple_of3A_2719 : i32
        %get3A_2772 = arith.constant 0 : i32
        %get3A_2773 = arith.index_cast %get3A_2772 : i32 to index
        %get3A_2774 = arith.index_cast %add3A_2771 : i32 to index
        %get3A_2775 = tpu.vector_load %arg10[%get3A_2773, %get3A_2774] {strides = array<i32>} : memref<1x64000xf32, #tpu.memory_space<vmem>>, vector<16xf32>,
        %mul3A_2776 = arith.mulf %get3A_2775, %get3A_2721 : vector<16xf32>
        %add3A_2777 = arith.addf %scan3A_2707, %mul3A_2776 : vector<16xf32>
        %add3A_2778 = arith.constant 39000 : i32
        %add3A_2779 = arith.addi %add3A_2778, %multiple_of3A_2719 : i32
        %get3A_2780 = arith.constant 0 : i32
        %get3A_2781 = arith.index_cast %get3A_2780 : i32 to index
        %get3A_2782 = arith.index_cast %add3A_2779 : i32 to index
        %get3A_2783 = tpu.vector_load %arg10[%get3A_2781, %get3A_2782] {strides = array<i32>} : memref<1x64000xf32, #tpu.memory_space<vmem>>, vector<16xf32>,
        %mul3A_2784 = arith.mulf %get3A_2783, %get3A_2721 : vector<16xf32>
        %add3A_2785 = arith.addf %scan3A_2708, %mul3A_2784 : vector<16xf32>
        %add3A_2786 = arith.constant 40000 : i32
        %add3A_2787 = arith.addi %add3A_2786, %multiple_of3A_2719 : i32
        %get3A_2788 = arith.constant 0 : i32
        %get3A_2789 = arith.index_cast %get3A_2788 : i32 to index
        %get3A_2790 = arith.index_cast %add3A_2787 : i32 to index
        %get3A_2791 = tpu.vector_load %arg10[%get3A_2789, %get3A_2790] {strides = array<i32>} : memref<1x64000xf32, #tpu.memory_space<vmem>>, vector<16xf32>,
        %mul3A_2792 = arith.mulf %get3A_2791, %get3A_2721 : vector<16xf32>
        %add3A_2793 = arith.addf %scan3A_2709, %mul3A_2792 : vector<16xf32>
        %add3A_2794 = arith.constant 41000 : i32
        %add3A_2795 = arith.addi %add3A_2794, %multiple_of3A_2719 : i32
        %get3A_2796 = arith.constant 0 : i32
        %get3A_2797 = arith.index_cast %get3A_2796 : i32 to index
        %get3A_2798 = arith.index_cast %add3A_2795 : i32 to index
        %get3A_2799 = tpu.vector_load %arg10[%get3A_2797, %get3A_2798] {strides = array<i32>} : memref<1x64000xf32, #tpu.memory_space<vmem>>, vector<16xf32>,
        %mul3A_2800 = arith.mulf %get3A_2799, %get3A_2721 : vector<16xf32>
        %add3A_2801 = arith.addf %scan3A_2710, %mul3A_2800 : vector<16xf32>
        %add3A_2802 = arith.constant 42000 : i32
        %add3A_2803 = arith.addi %add3A_2802, %multiple_of3A_2719 : i32
        %get3A_2804 = arith.constant 0 : i32
        %get3A_2805 = arith.index_cast %get3A_2804 : i32 to index
        %get3A_2806 = arith.index_cast %add3A_2803 : i32 to index
        %get3A_2807 = tpu.vector_load %arg10[%get3A_2805, %get3A_2806] {strides = array<i32>} : memref<1x64000xf32, #tpu.memory_space<vmem>>, vector<16xf32>,
        %mul3A_2808 = arith.mulf %get3A_2807, %get3A_2721 : vector<16xf32>
        %add3A_2809 = arith.addf %scan3A_2711, %mul3A_2808 : vector<16xf32>
        %add3A_2810 = arith.constant 43000 : i32
        %add3A_2811 = arith.addi %add3A_2810, %multiple_of3A_2719 : i32
        %get3A_2812 = arith.constant 0 : i32
        %get3A_2813 = arith.index_cast %get3A_2812 : i32 to index
        %get3A_2814 = arith.index_cast %add3A_2811 : i32 to index
        %get3A_2815 = tpu.vector_load %arg10[%get3A_2813, %get3A_2814] {strides = array<i32>} : memref<1x64000xf32, #tpu.memory_space<vmem>>, vector<16xf32>,
        %mul3A_2816 = arith.mulf %get3A_2815, %get3A_2721 : vector<16xf32>
        %add3A_2817 = arith.addf %scan3A_2712, %mul3A_2816 : vector<16xf32>
        %add3A_2818 = arith.constant 44000 : i32
        %add3A_2819 = arith.addi %add3A_2818, %multiple_of3A_2719 : i32
        %get3A_2820 = arith.constant 0 : i32
        %get3A_2821 = arith.index_cast %get3A_2820 : i32 to index
        %get3A_2822 = arith.index_cast %add3A_2819 : i32 to index
        %get3A_2823 = tpu.vector_load %arg10[%get3A_2821, %get3A_2822] {strides = array<i32>} : memref<1x64000xf32, #tpu.memory_space<vmem>>, vector<16xf32>,
        %mul3A_2824 = arith.mulf %get3A_2823, %get3A_2721 : vector<16xf32>
        %add3A_2825 = arith.addf %scan3A_2713, %mul3A_2824 : vector<16xf32>
        %add3A_2826 = arith.constant 45000 : i32
        %add3A_2827 = arith.addi %add3A_2826, %multiple_of3A_2719 : i32
        %get3A_2828 = arith.constant 0 : i32
        %get3A_2829 = arith.index_cast %get3A_2828 : i32 to index
        %get3A_2830 = arith.index_cast %add3A_2827 : i32 to index
        %get3A_2831 = tpu.vector_load %arg10[%get3A_2829, %get3A_2830] {strides = array<i32>} : memref<1x64000xf32, #tpu.memory_space<vmem>>, vector<16xf32>,
        %mul3A_2832 = arith.mulf %get3A_2831, %get3A_2721 : vector<16xf32>
        %add3A_2833 = arith.addf %scan3A_2714, %mul3A_2832 : vector<16xf32>
        %add3A_2834 = arith.constant 46000 : i32
        %add3A_2835 = arith.addi %add3A_2834, %multiple_of3A_2719 : i32
        %get3A_2836 = arith.constant 0 : i32
        %get3A_2837 = arith.index_cast %get3A_2836 : i32 to index
        %get3A_2838 = arith.index_cast %add3A_2835 : i32 to index
        %get3A_2839 = tpu.vector_load %arg10[%get3A_2837, %get3A_2838] {strides = array<i32>} : memref<1x64000xf32, #tpu.memory_space<vmem>>, vector<16xf32>,
        %mul3A_2840 = arith.mulf %get3A_2839, %get3A_2721 : vector<16xf32>
        %add3A_2841 = arith.addf %scan3A_2715, %mul3A_2840 : vector<16xf32>
        %add3A_2842 = arith.constant 47000 : i32
        %add3A_2843 = arith.addi %add3A_2842, %multiple_of3A_2719 : i32
        %get3A_2844 = arith.constant 0 : i32
        %get3A_2845 = arith.index_cast %get3A_2844 : i32 to index
        %get3A_2846 = arith.index_cast %add3A_2843 : i32 to index
        %get3A_2847 = tpu.vector_load %arg10[%get3A_2845, %get3A_2846] {strides = array<i32>} : memref<1x64000xf32, #tpu.memory_space<vmem>>, vector<16xf32>,
        %mul3A_2848 = arith.mulf %get3A_2847, %get3A_2721 : vector<16xf32>
        %add3A_2849 = arith.addf %scan3A_2716, %mul3A_2848 : vector<16xf32>
        scf.yield %add3A_2729, %add3A_2737, %add3A_2745, %add3A_2753, %add3A_2761, %add3A_2769, %add3A_2777, %add3A_2785, %add3A_2793, %add3A_2801, %add3A_2809, %add3A_2817, %add3A_2825, %add3A_2833, %add3A_2841, %add3A_2849 : vector<16xf32>, vector<16xf32>, vector<16xf32>, vector<16xf32>, vector<16xf32>, vector<16xf32>, vector<16xf32>, vector<16xf32>, vector<16xf32>, vector<16xf32>, vector<16xf32>, vector<16xf32>, vector<16xf32>, vector<16xf32>, vector<16xf32>, vector<16xf32>
      }
      %scan3A_768 = arith.constant 62 : i32
      %get3A_769 = arith.constant 984 : index
      %get3A_770 = tpu.vector_load %arg8[%get3A_769] {strides = array<i32>} : memref<1024xf32, #tpu.memory_space<vmem>>, vector<16xf32>,
      %mul3A_771 = arith.mulf %get3A_770, %convert_element_type3A_39 : vector<16xf32>
      %get3A_772 = arith.constant 0 : i32
      %get3A_773 = arith.index_cast %get3A_772 : i32 to index
      %get3A_774 = arith.constant 32984 : index
      %get3A_775 = tpu.vector_load %arg10[%get3A_773, %get3A_774] {strides = array<i32>} : memref<1x64000xf32, #tpu.memory_space<vmem>>, vector<16xf32>,
      %mul3A_776 = arith.mulf %get3A_775, %mul3A_771 : vector<16xf32>
      %add3A_777 = arith.addf %scan3A_767#0, %mul3A_776 : vector<16xf32>
      %swap3A_778 = arith.constant 0 : index
      %swap3A_779 = tpu.vector_load %arg13[%swap3A_778] {strides = array<i32>} : memref<256xf32, #tpu.memory_space<vmem>>, vector<16xf32>,
      tpu.vector_store %arg13[%swap3A_778], %add3A_777 {strides = array<i32>} : memref<256xf32, #tpu.memory_space<vmem>>, vector<16xf32>,
      %get3A_780 = arith.constant 0 : i32
      %get3A_781 = arith.index_cast %get3A_780 : i32 to index
      %get3A_782 = arith.constant 33984 : index
      %get3A_783 = tpu.vector_load %arg10[%get3A_781, %get3A_782] {strides = array<i32>} : memref<1x64000xf32, #tpu.memory_space<vmem>>, vector<16xf32>,
      %mul3A_784 = arith.mulf %get3A_783, %mul3A_771 : vector<16xf32>
      %add3A_785 = arith.addf %scan3A_767#1, %mul3A_784 : vector<16xf32>
      %swap3A_786 = arith.constant 16 : index
      %swap3A_787 = tpu.vector_load %arg13[%swap3A_786] {strides = array<i32>} : memref<256xf32, #tpu.memory_space<vmem>>, vector<16xf32>,
      tpu.vector_store %arg13[%swap3A_786], %add3A_785 {strides = array<i32>} : memref<256xf32, #tpu.memory_space<vmem>>, vector<16xf32>,
      %get3A_788 = arith.constant 0 : i32
      %get3A_789 = arith.index_cast %get3A_788 : i32 to index
      %get3A_790 = arith.constant 34984 : index
      %get3A_791 = tpu.vector_load %arg10[%get3A_789, %get3A_790] {strides = array<i32>} : memref<1x64000xf32, #tpu.memory_space<vmem>>, vector<16xf32>,
      %mul3A_792 = arith.mulf %get3A_791, %mul3A_771 : vector<16xf32>
      %add3A_793 = arith.addf %scan3A_767#2, %mul3A_792 : vector<16xf32>
      %swap3A_794 = arith.constant 32 : index
      %swap3A_795 = tpu.vector_load %arg13[%swap3A_794] {strides = array<i32>} : memref<256xf32, #tpu.memory_space<vmem>>, vector<16xf32>,
      tpu.vector_store %arg13[%swap3A_794], %add3A_793 {strides = array<i32>} : memref<256xf32, #tpu.memory_space<vmem>>, vector<16xf32>,
      %get3A_796 = arith.constant 0 : i32
      %get3A_797 = arith.index_cast %get3A_796 : i32 to index
      %get3A_798 = arith.constant 35984 : index
      %get3A_799 = tpu.vector_load %arg10[%get3A_797, %get3A_798] {strides = array<i32>} : memref<1x64000xf32, #tpu.memory_space<vmem>>, vector<16xf32>,
      %mul3A_800 = arith.mulf %get3A_799, %mul3A_771 : vector<16xf32>
      %add3A_801 = arith.addf %scan3A_767#3, %mul3A_800 : vector<16xf32>
      %swap3A_802 = arith.constant 48 : index
      %swap3A_803 = tpu.vector_load %arg13[%swap3A_802] {strides = array<i32>} : memref<256xf32, #tpu.memory_space<vmem>>, vector<16xf32>,
      tpu.vector_store %arg13[%swap3A_802], %add3A_801 {strides = array<i32>} : memref<256xf32, #tpu.memory_space<vmem>>, vector<16xf32>,
      %get3A_804 = arith.constant 0 : i32
      %get3A_805 = arith.index_cast %get3A_804 : i32 to index
      %get3A_806 = arith.constant 36984 : index
      %get3A_807 = tpu.vector_load %arg10[%get3A_805, %get3A_806] {strides = array<i32>} : memref<1x64000xf32, #tpu.memory_space<vmem>>, vector<16xf32>,
      %mul3A_808 = arith.mulf %get3A_807, %mul3A_771 : vector<16xf32>
      %add3A_809 = arith.addf %scan3A_767#4, %mul3A_808 : vector<16xf32>
      %swap3A_810 = arith.constant 64 : index
      %swap3A_811 = tpu.vector_load %arg13[%swap3A_810] {strides = array<i32>} : memref<256xf32, #tpu.memory_space<vmem>>, vector<16xf32>,
      tpu.vector_store %arg13[%swap3A_810], %add3A_809 {strides = array<i32>} : memref<256xf32, #tpu.memory_space<vmem>>, vector<16xf32>,
      %get3A_812 = arith.constant 0 : i32
      %get3A_813 = arith.index_cast %get3A_812 : i32 to index
      %get3A_814 = arith.constant 37984 : index
      %get3A_815 = tpu.vector_load %arg10[%get3A_813, %get3A_814] {strides = array<i32>} : memref<1x64000xf32, #tpu.memory_space<vmem>>, vector<16xf32>,
      %mul3A_816 = arith.mulf %get3A_815, %mul3A_771 : vector<16xf32>
      %add3A_817 = arith.addf %scan3A_767#5, %mul3A_816 : vector<16xf32>
      %swap3A_818 = arith.constant 80 : index
      %swap3A_819 = tpu.vector_load %arg13[%swap3A_818] {strides = array<i32>} : memref<256xf32, #tpu.memory_space<vmem>>, vector<16xf32>,
      tpu.vector_store %arg13[%swap3A_818], %add3A_817 {strides = array<i32>} : memref<256xf32, #tpu.memory_space<vmem>>, vector<16xf32>,
      %get3A_820 = arith.constant 0 : i32
      %get3A_821 = arith.index_cast %get3A_820 : i32 to index
      %get3A_822 = arith.constant 38984 : index
      %get3A_823 = tpu.vector_load %arg10[%get3A_821, %get3A_822] {strides = array<i32>} : memref<1x64000xf32, #tpu.memory_space<vmem>>, vector<16xf32>,
      %mul3A_824 = arith.mulf %get3A_823, %mul3A_771 : vector<16xf32>
      %add3A_825 = arith.addf %scan3A_767#6, %mul3A_824 : vector<16xf32>
      %swap3A_826 = arith.constant 96 : index
      %swap3A_827 = tpu.vector_load %arg13[%swap3A_826] {strides = array<i32>} : memref<256xf32, #tpu.memory_space<vmem>>, vector<16xf32>,
      tpu.vector_store %arg13[%swap3A_826], %add3A_825 {strides = array<i32>} : memref<256xf32, #tpu.memory_space<vmem>>, vector<16xf32>,
      %get3A_828 = arith.constant 0 : i32
      %get3A_829 = arith.index_cast %get3A_828 : i32 to index
      %get3A_830 = arith.constant 39984 : index
      %get3A_831 = tpu.vector_load %arg10[%get3A_829, %get3A_830] {strides = array<i32>} : memref<1x64000xf32, #tpu.memory_space<vmem>>, vector<16xf32>,
      %mul3A_832 = arith.mulf %get3A_831, %mul3A_771 : vector<16xf32>
      %add3A_833 = arith.addf %scan3A_767#7, %mul3A_832 : vector<16xf32>
      %swap3A_834 = arith.constant 112 : index
      %swap3A_835 = tpu.vector_load %arg13[%swap3A_834] {strides = array<i32>} : memref<256xf32, #tpu.memory_space<vmem>>, vector<16xf32>,
      tpu.vector_store %arg13[%swap3A_834], %add3A_833 {strides = array<i32>} : memref<256xf32, #tpu.memory_space<vmem>>, vector<16xf32>,
      %get3A_836 = arith.constant 0 : i32
      %get3A_837 = arith.index_cast %get3A_836 : i32 to index
      %get3A_838 = arith.constant 40984 : index
      %get3A_839 = tpu.vector_load %arg10[%get3A_837, %get3A_838] {strides = array<i32>} : memref<1x64000xf32, #tpu.memory_space<vmem>>, vector<16xf32>,
      %mul3A_840 = arith.mulf %get3A_839, %mul3A_771 : vector<16xf32>
      %add3A_841 = arith.addf %scan3A_767#8, %mul3A_840 : vector<16xf32>
      %swap3A_842 = arith.constant 128 : index
      %swap3A_843 = tpu.vector_load %arg13[%swap3A_842] {strides = array<i32>} : memref<256xf32, #tpu.memory_space<vmem>>, vector<16xf32>,
      tpu.vector_store %arg13[%swap3A_842], %add3A_841 {strides = array<i32>} : memref<256xf32, #tpu.memory_space<vmem>>, vector<16xf32>,
      %get3A_844 = arith.constant 0 : i32
      %get3A_845 = arith.index_cast %get3A_844 : i32 to index
      %get3A_846 = arith.constant 41984 : index
      %get3A_847 = tpu.vector_load %arg10[%get3A_845, %get3A_846] {strides = array<i32>} : memref<1x64000xf32, #tpu.memory_space<vmem>>, vector<16xf32>,
      %mul3A_848 = arith.mulf %get3A_847, %mul3A_771 : vector<16xf32>
      %add3A_849 = arith.addf %scan3A_767#9, %mul3A_848 : vector<16xf32>
      %swap3A_850 = arith.constant 144 : index
      %swap3A_851 = tpu.vector_load %arg13[%swap3A_850] {strides = array<i32>} : memref<256xf32, #tpu.memory_space<vmem>>, vector<16xf32>,
      tpu.vector_store %arg13[%swap3A_850], %add3A_849 {strides = array<i32>} : memref<256xf32, #tpu.memory_space<vmem>>, vector<16xf32>,
      %get3A_852 = arith.constant 0 : i32
      %get3A_853 = arith.index_cast %get3A_852 : i32 to index
      %get3A_854 = arith.constant 42984 : index
      %get3A_855 = tpu.vector_load %arg10[%get3A_853, %get3A_854] {strides = array<i32>} : memref<1x64000xf32, #tpu.memory_space<vmem>>, vector<16xf32>,
      %mul3A_856 = arith.mulf %get3A_855, %mul3A_771 : vector<16xf32>
      %add3A_857 = arith.addf %scan3A_767#10, %mul3A_856 : vector<16xf32>
      %swap3A_858 = arith.constant 160 : index
      %swap3A_859 = tpu.vector_load %arg13[%swap3A_858] {strides = array<i32>} : memref<256xf32, #tpu.memory_space<vmem>>, vector<16xf32>,
      tpu.vector_store %arg13[%swap3A_858], %add3A_857 {strides = array<i32>} : memref<256xf32, #tpu.memory_space<vmem>>, vector<16xf32>,
      %get3A_860 = arith.constant 0 : i32
      %get3A_861 = arith.index_cast %get3A_860 : i32 to index
      %get3A_862 = arith.constant 43984 : index
      %get3A_863 = tpu.vector_load %arg10[%get3A_861, %get3A_862] {strides = array<i32>} : memref<1x64000xf32, #tpu.memory_space<vmem>>, vector<16xf32>,
      %mul3A_864 = arith.mulf %get3A_863, %mul3A_771 : vector<16xf32>
      %add3A_865 = arith.addf %scan3A_767#11, %mul3A_864 : vector<16xf32>
      %swap3A_866 = arith.constant 176 : index
      %swap3A_867 = tpu.vector_load %arg13[%swap3A_866] {strides = array<i32>} : memref<256xf32, #tpu.memory_space<vmem>>, vector<16xf32>,
      tpu.vector_store %arg13[%swap3A_866], %add3A_865 {strides = array<i32>} : memref<256xf32, #tpu.memory_space<vmem>>, vector<16xf32>,
      %get3A_868 = arith.constant 0 : i32
      %get3A_869 = arith.index_cast %get3A_868 : i32 to index
      %get3A_870 = arith.constant 44984 : index
      %get3A_871 = tpu.vector_load %arg10[%get3A_869, %get3A_870] {strides = array<i32>} : memref<1x64000xf32, #tpu.memory_space<vmem>>, vector<16xf32>,
      %mul3A_872 = arith.mulf %get3A_871, %mul3A_771 : vector<16xf32>
      %add3A_873 = arith.addf %scan3A_767#12, %mul3A_872 : vector<16xf32>
      %swap3A_874 = arith.constant 192 : index
      %swap3A_875 = tpu.vector_load %arg13[%swap3A_874] {strides = array<i32>} : memref<256xf32, #tpu.memory_space<vmem>>, vector<16xf32>,
      tpu.vector_store %arg13[%swap3A_874], %add3A_873 {strides = array<i32>} : memref<256xf32, #tpu.memory_space<vmem>>, vector<16xf32>,
      %get3A_876 = arith.constant 0 : i32
      %get3A_877 = arith.index_cast %get3A_876 : i32 to index
      %get3A_878 = arith.constant 45984 : index
      %get3A_879 = tpu.vector_load %arg10[%get3A_877, %get3A_878] {strides = array<i32>} : memref<1x64000xf32, #tpu.memory_space<vmem>>, vector<16xf32>,
      %mul3A_880 = arith.mulf %get3A_879, %mul3A_771 : vector<16xf32>
      %add3A_881 = arith.addf %scan3A_767#13, %mul3A_880 : vector<16xf32>
      %swap3A_882 = arith.constant 208 : index
      %swap3A_883 = tpu.vector_load %arg13[%swap3A_882] {strides = array<i32>} : memref<256xf32, #tpu.memory_space<vmem>>, vector<16xf32>,
      tpu.vector_store %arg13[%swap3A_882], %add3A_881 {strides = array<i32>} : memref<256xf32, #tpu.memory_space<vmem>>, vector<16xf32>,
      %get3A_884 = arith.constant 0 : i32
      %get3A_885 = arith.index_cast %get3A_884 : i32 to index
      %get3A_886 = arith.constant 46984 : index
      %get3A_887 = tpu.vector_load %arg10[%get3A_885, %get3A_886] {strides = array<i32>} : memref<1x64000xf32, #tpu.memory_space<vmem>>, vector<16xf32>,
      %mul3A_888 = arith.mulf %get3A_887, %mul3A_771 : vector<16xf32>
      %add3A_889 = arith.addf %scan3A_767#14, %mul3A_888 : vector<16xf32>
      %swap3A_890 = arith.constant 224 : index
      %swap3A_891 = tpu.vector_load %arg13[%swap3A_890] {strides = array<i32>} : memref<256xf32, #tpu.memory_space<vmem>>, vector<16xf32>,
      tpu.vector_store %arg13[%swap3A_890], %add3A_889 {strides = array<i32>} : memref<256xf32, #tpu.memory_space<vmem>>, vector<16xf32>,
      %get3A_892 = arith.constant 0 : i32
      %get3A_893 = arith.index_cast %get3A_892 : i32 to index
      %get3A_894 = arith.constant 47984 : index
      %get3A_895 = tpu.vector_load %arg10[%get3A_893, %get3A_894] {strides = array<i32>} : memref<1x64000xf32, #tpu.memory_space<vmem>>, vector<16xf32>,
      %mul3A_896 = arith.mulf %get3A_895, %mul3A_771 : vector<16xf32>
      %add3A_897 = arith.addf %scan3A_767#15, %mul3A_896 : vector<16xf32>
      %swap3A_898 = arith.constant 240 : index
      %swap3A_899 = tpu.vector_load %arg13[%swap3A_898] {strides = array<i32>} : memref<256xf32, #tpu.memory_space<vmem>>, vector<16xf32>,
      tpu.vector_store %arg13[%swap3A_898], %add3A_897 {strides = array<i32>} : memref<256xf32, #tpu.memory_space<vmem>>, vector<16xf32>,
      %broadcast_in_dim3A_900 = arith.constant 0.000000e+00 : f32
      %broadcast_in_dim3A_901 = vector.broadcast %broadcast_in_dim3A_900 : f32 to vector<16xf32>
      %mul3A_902 = arith.constant 16 : i32
      %mul3A_903 = vector.broadcast %mul3A_902 : i32 to vector<16xi32>
      %mul3A_904 = arith.muli %iota3A, %mul3A_903 : vector<16xi32>
      %add3A_905 = arith.constant 0 : i32
      %add3A_906 = vector.broadcast %add3A_905 : i32 to vector<16xi32>
      %add3A_907 = arith.addi %mul3A_904, %add3A_906 : vector<16xi32>
      %gather3A_908 = tpu.vector_load_idx %arg13[%add3A_907] : memref<256xf32, #tpu.memory_space<vmem>>[vector<16xi32>], vector<16xf32>,
      %add3A_909 = arith.addf %broadcast_in_dim3A_901, %gather3A_908 : vector<16xf32>
      %mul3A_910 = arith.constant 16 : i32
      %mul3A_911 = vector.broadcast %mul3A_910 : i32 to vector<16xi32>
      %mul3A_912 = arith.muli %iota3A, %mul3A_911 : vector<16xi32>
      %add3A_913 = arith.constant 1 : i32
      %add3A_914 = vector.broadcast %add3A_913 : i32 to vector<16xi32>
      %add3A_915 = arith.addi %mul3A_912, %add3A_914 : vector<16xi32>
      %gather3A_916 = tpu.vector_load_idx %arg13[%add3A_915] : memref<256xf32, #tpu.memory_space<vmem>>[vector<16xi32>], vector<16xf32>,
      %add3A_917 = arith.addf %add3A_909, %gather3A_916 : vector<16xf32>
      %mul3A_918 = arith.constant 16 : i32
      %mul3A_919 = vector.broadcast %mul3A_918 : i32 to vector<16xi32>
      %mul3A_920 = arith.muli %iota3A, %mul3A_919 : vector<16xi32>
      %add3A_921 = arith.constant 2 : i32
      %add3A_922 = vector.broadcast %add3A_921 : i32 to vector<16xi32>
      %add3A_923 = arith.addi %mul3A_920, %add3A_922 : vector<16xi32>
      %gather3A_924 = tpu.vector_load_idx %arg13[%add3A_923] : memref<256xf32, #tpu.memory_space<vmem>>[vector<16xi32>], vector<16xf32>,
      %add3A_925 = arith.addf %add3A_917, %gather3A_924 : vector<16xf32>
      %mul3A_926 = arith.constant 16 : i32
      %mul3A_927 = vector.broadcast %mul3A_926 : i32 to vector<16xi32>
      %mul3A_928 = arith.muli %iota3A, %mul3A_927 : vector<16xi32>
      %add3A_929 = arith.constant 3 : i32
      %add3A_930 = vector.broadcast %add3A_929 : i32 to vector<16xi32>
      %add3A_931 = arith.addi %mul3A_928, %add3A_930 : vector<16xi32>
      %gather3A_932 = tpu.vector_load_idx %arg13[%add3A_931] : memref<256xf32, #tpu.memory_space<vmem>>[vector<16xi32>], vector<16xf32>,
      %add3A_933 = arith.addf %add3A_925, %gather3A_932 : vector<16xf32>
      %mul3A_934 = arith.constant 16 : i32
      %mul3A_935 = vector.broadcast %mul3A_934 : i32 to vector<16xi32>
      %mul3A_936 = arith.muli %iota3A, %mul3A_935 : vector<16xi32>
      %add3A_937 = arith.constant 4 : i32
      %add3A_938 = vector.broadcast %add3A_937 : i32 to vector<16xi32>
      %add3A_939 = arith.addi %mul3A_936, %add3A_938 : vector<16xi32>
      %gather3A_940 = tpu.vector_load_idx %arg13[%add3A_939] : memref<256xf32, #tpu.memory_space<vmem>>[vector<16xi32>], vector<16xf32>,
      %add3A_941 = arith.addf %add3A_933, %gather3A_940 : vector<16xf32>
      %mul3A_942 = arith.constant 16 : i32
      %mul3A_943 = vector.broadcast %mul3A_942 : i32 to vector<16xi32>
      %mul3A_944 = arith.muli %iota3A, %mul3A_943 : vector<16xi32>
      %add3A_945 = arith.constant 5 : i32
      %add3A_946 = vector.broadcast %add3A_945 : i32 to vector<16xi32>
      %add3A_947 = arith.addi %mul3A_944, %add3A_946 : vector<16xi32>
      %gather3A_948 = tpu.vector_load_idx %arg13[%add3A_947] : memref<256xf32, #tpu.memory_space<vmem>>[vector<16xi32>], vector<16xf32>,
      %add3A_949 = arith.addf %add3A_941, %gather3A_948 : vector<16xf32>
      %mul3A_950 = arith.constant 16 : i32
      %mul3A_951 = vector.broadcast %mul3A_950 : i32 to vector<16xi32>
      %mul3A_952 = arith.muli %iota3A, %mul3A_951 : vector<16xi32>
      %add3A_953 = arith.constant 6 : i32
      %add3A_954 = vector.broadcast %add3A_953 : i32 to vector<16xi32>
      %add3A_955 = arith.addi %mul3A_952, %add3A_954 : vector<16xi32>
      %gather3A_956 = tpu.vector_load_idx %arg13[%add3A_955] : memref<256xf32, #tpu.memory_space<vmem>>[vector<16xi32>], vector<16xf32>,
      %add3A_957 = arith.addf %add3A_949, %gather3A_956 : vector<16xf32>
      %mul3A_958 = arith.constant 16 : i32
      %mul3A_959 = vector.broadcast %mul3A_958 : i32 to vector<16xi32>
      %mul3A_960 = arith.muli %iota3A, %mul3A_959 : vector<16xi32>
      %add3A_961 = arith.constant 7 : i32
      %add3A_962 = vector.broadcast %add3A_961 : i32 to vector<16xi32>
      %add3A_963 = arith.addi %mul3A_960, %add3A_962 : vector<16xi32>
      %gather3A_964 = tpu.vector_load_idx %arg13[%add3A_963] : memref<256xf32, #tpu.memory_space<vmem>>[vector<16xi32>], vector<16xf32>,
      %add3A_965 = arith.addf %add3A_957, %gather3A_964 : vector<16xf32>
      %mul3A_966 = arith.constant 16 : i32
      %mul3A_967 = vector.broadcast %mul3A_966 : i32 to vector<16xi32>
      %mul3A_968 = arith.muli %iota3A, %mul3A_967 : vector<16xi32>
      %add3A_969 = arith.constant 8 : i32
      %add3A_970 = vector.broadcast %add3A_969 : i32 to vector<16xi32>
      %add3A_971 = arith.addi %mul3A_968, %add3A_970 : vector<16xi32>
      %gather3A_972 = tpu.vector_load_idx %arg13[%add3A_971] : memref<256xf32, #tpu.memory_space<vmem>>[vector<16xi32>], vector<16xf32>,
      %add3A_973 = arith.addf %add3A_965, %gather3A_972 : vector<16xf32>
      %mul3A_974 = arith.constant 16 : i32
      %mul3A_975 = vector.broadcast %mul3A_974 : i32 to vector<16xi32>
      %mul3A_976 = arith.muli %iota3A, %mul3A_975 : vector<16xi32>
      %add3A_977 = arith.constant 9 : i32
      %add3A_978 = vector.broadcast %add3A_977 : i32 to vector<16xi32>
      %add3A_979 = arith.addi %mul3A_976, %add3A_978 : vector<16xi32>
      %gather3A_980 = tpu.vector_load_idx %arg13[%add3A_979] : memref<256xf32, #tpu.memory_space<vmem>>[vector<16xi32>], vector<16xf32>,
      %add3A_981 = arith.addf %add3A_973, %gather3A_980 : vector<16xf32>
      %mul3A_982 = arith.constant 16 : i32
      %mul3A_983 = vector.broadcast %mul3A_982 : i32 to vector<16xi32>
      %mul3A_984 = arith.muli %iota3A, %mul3A_983 : vector<16xi32>
      %add3A_985 = arith.constant 10 : i32
      %add3A_986 = vector.broadcast %add3A_985 : i32 to vector<16xi32>
      %add3A_987 = arith.addi %mul3A_984, %add3A_986 : vector<16xi32>
      %gather3A_988 = tpu.vector_load_idx %arg13[%add3A_987] : memref<256xf32, #tpu.memory_space<vmem>>[vector<16xi32>], vector<16xf32>,
      %add3A_989 = arith.addf %add3A_981, %gather3A_988 : vector<16xf32>
      %mul3A_990 = arith.constant 16 : i32
      %mul3A_991 = vector.broadcast %mul3A_990 : i32 to vector<16xi32>
      %mul3A_992 = arith.muli %iota3A, %mul3A_991 : vector<16xi32>
      %add3A_993 = arith.constant 11 : i32
      %add3A_994 = vector.broadcast %add3A_993 : i32 to vector<16xi32>
      %add3A_995 = arith.addi %mul3A_992, %add3A_994 : vector<16xi32>
      %gather3A_996 = tpu.vector_load_idx %arg13[%add3A_995] : memref<256xf32, #tpu.memory_space<vmem>>[vector<16xi32>], vector<16xf32>,
      %add3A_997 = arith.addf %add3A_989, %gather3A_996 : vector<16xf32>
      %mul3A_998 = arith.constant 16 : i32
      %mul3A_999 = vector.broadcast %mul3A_998 : i32 to vector<16xi32>
      %mul3A_1000 = arith.muli %iota3A, %mul3A_999 : vector<16xi32>
      %add3A_1001 = arith.constant 12 : i32
      %add3A_1002 = vector.broadcast %add3A_1001 : i32 to vector<16xi32>
      %add3A_1003 = arith.addi %mul3A_1000, %add3A_1002 : vector<16xi32>
      %gather3A_1004 = tpu.vector_load_idx %arg13[%add3A_1003] : memref<256xf32, #tpu.memory_space<vmem>>[vector<16xi32>], vector<16xf32>,
      %add3A_1005 = arith.addf %add3A_997, %gather3A_1004 : vector<16xf32>
      %mul3A_1006 = arith.constant 16 : i32
      %mul3A_1007 = vector.broadcast %mul3A_1006 : i32 to vector<16xi32>
      %mul3A_1008 = arith.muli %iota3A, %mul3A_1007 : vector<16xi32>
      %add3A_1009 = arith.constant 13 : i32
      %add3A_1010 = vector.broadcast %add3A_1009 : i32 to vector<16xi32>
      %add3A_1011 = arith.addi %mul3A_1008, %add3A_1010 : vector<16xi32>
      %gather3A_1012 = tpu.vector_load_idx %arg13[%add3A_1011] : memref<256xf32, #tpu.memory_space<vmem>>[vector<16xi32>], vector<16xf32>,
      %add3A_1013 = arith.addf %add3A_1005, %gather3A_1012 : vector<16xf32>
      %mul3A_1014 = arith.constant 16 : i32
      %mul3A_1015 = vector.broadcast %mul3A_1014 : i32 to vector<16xi32>
      %mul3A_1016 = arith.muli %iota3A, %mul3A_1015 : vector<16xi32>
      %add3A_1017 = arith.constant 14 : i32
      %add3A_1018 = vector.broadcast %add3A_1017 : i32 to vector<16xi32>
      %add3A_1019 = arith.addi %mul3A_1016, %add3A_1018 : vector<16xi32>
      %gather3A_1020 = tpu.vector_load_idx %arg13[%add3A_1019] : memref<256xf32, #tpu.memory_space<vmem>>[vector<16xi32>], vector<16xf32>,
      %add3A_1021 = arith.addf %add3A_1013, %gather3A_1020 : vector<16xf32>
      %mul3A_1022 = arith.constant 16 : i32
      %mul3A_1023 = vector.broadcast %mul3A_1022 : i32 to vector<16xi32>
      %mul3A_1024 = arith.muli %iota3A, %mul3A_1023 : vector<16xi32>
      %add3A_1025 = arith.constant 15 : i32
      %add3A_1026 = vector.broadcast %add3A_1025 : i32 to vector<16xi32>
      %add3A_1027 = arith.addi %mul3A_1024, %add3A_1026 : vector<16xi32>
      %gather3A_1028 = tpu.vector_load_idx %arg13[%add3A_1027] : memref<256xf32, #tpu.memory_space<vmem>>[vector<16xi32>], vector<16xf32>,
      %add3A_1029 = arith.addf %add3A_1021, %gather3A_1028 : vector<16xf32>
      %jit3A_1030 = arith.constant 4 : i32
      %eq3A_1031 = arith.constant 0 : i32
      %eq3A_1032 = arith.cmpi eq, %jit3A_1030, %eq3A_1031 : i32
      %jit3A_1033 = arith.constant 1 : i32
      %select_n3A_1034 = arith.select %eq3A_1032, %jit3A_1033, %jit3A_1030 : i32
      %rem3A_1035 = arith.remsi %mul3A_47, %select_n3A_1034 : i32
      %ne3A_1036 = arith.constant 0 : i32
      %ne3A_1037 = arith.cmpi ne, %rem3A_1035, %ne3A_1036 : i32
      %lt3A_1038 = arith.constant 0 : i32
      %lt3A_1039 = arith.cmpi slt, %rem3A_1035, %lt3A_1038 : i32
      %lt3A_1040 = arith.constant 0 : i32
      %lt3A_1041 = arith.cmpi slt, %select_n3A_1034, %lt3A_1040 : i32
      %ne3A_1042 = arith.xori %lt3A_1039, %lt3A_1041 : i1
      %and3A_1043 = arith.andi %ne3A_1042, %ne3A_1037 : i1
      %add3A_1044 = arith.addi %rem3A_1035, %select_n3A_1034 : i32
      %select_n3A_1045 = arith.select %and3A_1043, %add3A_1044, %rem3A_1035 : i32
      %mul3A_1046 = arith.constant 64 : i32
      %mul3A_1047 = arith.muli %select_n3A_1045, %mul3A_1046 : i32
      %add3A_1048 = arith.constant 32 : i32
      %add3A_1049 = arith.addi %mul3A_1047, %add3A_1048 : i32
      %multiple_of3A_1050 = tpu.assume_multiple %add3A_1049, 16 : i32
      %swap3A_1051 = arith.index_cast %multiple_of3A_1050 : i32 to index
      %swap3A_1052 = tpu.vector_load %arg12[%swap3A_1051] {strides = array<i32>} : memref<256xf32, #tpu.memory_space<vmem>>, vector<16xf32>,
      tpu.vector_store %arg12[%swap3A_1051], %add3A_1029 {strides = array<i32>} : memref<256xf32, #tpu.memory_space<vmem>>, vector<16xf32>,
      %broadcast_in_dim3A_1053 = arith.constant 0.000000e+00 : f32
      %broadcast_in_dim3A_1054 = vector.broadcast %broadcast_in_dim3A_1053 : f32 to vector<16xf32>
      %broadcast_in_dim3A_1055 = arith.constant 0.000000e+00 : f32
      %broadcast_in_dim3A_1056 = vector.broadcast %broadcast_in_dim3A_1055 : f32 to vector<16xf32>
      %broadcast_in_dim3A_1057 = arith.constant 0.000000e+00 : f32
      %broadcast_in_dim3A_1058 = vector.broadcast %broadcast_in_dim3A_1057 : f32 to vector<16xf32>
      %broadcast_in_dim3A_1059 = arith.constant 0.000000e+00 : f32
      %broadcast_in_dim3A_1060 = vector.broadcast %broadcast_in_dim3A_1059 : f32 to vector<16xf32>
      %broadcast_in_dim3A_1061 = arith.constant 0.000000e+00 : f32
      %broadcast_in_dim3A_1062 = vector.broadcast %broadcast_in_dim3A_1061 : f32 to vector<16xf32>
      %broadcast_in_dim3A_1063 = arith.constant 0.000000e+00 : f32
      %broadcast_in_dim3A_1064 = vector.broadcast %broadcast_in_dim3A_1063 : f32 to vector<16xf32>
      %broadcast_in_dim3A_1065 = arith.constant 0.000000e+00 : f32
      %broadcast_in_dim3A_1066 = vector.broadcast %broadcast_in_dim3A_1065 : f32 to vector<16xf32>
      %broadcast_in_dim3A_1067 = arith.constant 0.000000e+00 : f32
      %broadcast_in_dim3A_1068 = vector.broadcast %broadcast_in_dim3A_1067 : f32 to vector<16xf32>
      %broadcast_in_dim3A_1069 = arith.constant 0.000000e+00 : f32
      %broadcast_in_dim3A_1070 = vector.broadcast %broadcast_in_dim3A_1069 : f32 to vector<16xf32>
      %broadcast_in_dim3A_1071 = arith.constant 0.000000e+00 : f32
      %broadcast_in_dim3A_1072 = vector.broadcast %broadcast_in_dim3A_1071 : f32 to vector<16xf32>
      %broadcast_in_dim3A_1073 = arith.constant 0.000000e+00 : f32
      %broadcast_in_dim3A_1074 = vector.broadcast %broadcast_in_dim3A_1073 : f32 to vector<16xf32>
      %broadcast_in_dim3A_1075 = arith.constant 0.000000e+00 : f32
      %broadcast_in_dim3A_1076 = vector.broadcast %broadcast_in_dim3A_1075 : f32 to vector<16xf32>
      %broadcast_in_dim3A_1077 = arith.constant 0.000000e+00 : f32
      %broadcast_in_dim3A_1078 = vector.broadcast %broadcast_in_dim3A_1077 : f32 to vector<16xf32>
      %broadcast_in_dim3A_1079 = arith.constant 0.000000e+00 : f32
      %broadcast_in_dim3A_1080 = vector.broadcast %broadcast_in_dim3A_1079 : f32 to vector<16xf32>
      %broadcast_in_dim3A_1081 = arith.constant 0.000000e+00 : f32
      %broadcast_in_dim3A_1082 = vector.broadcast %broadcast_in_dim3A_1081 : f32 to vector<16xf32>
      %broadcast_in_dim3A_1083 = arith.constant 0.000000e+00 : f32
      %broadcast_in_dim3A_1084 = vector.broadcast %broadcast_in_dim3A_1083 : f32 to vector<16xf32>
      %scan3A_1085 = arith.constant 0 : i32
      %scan3A_1086 = arith.constant 62 : i32
      %scan3A_1087 = arith.addi %scan3A_1085, %scan3A_1086 : i32
      %scan3A_1088 = arith.constant 1 : i32
      %scan3A_1089:16 = scf.for %scan3A_2700 = %scan3A_1085 to %scan3A_1087 step %scan3A_1088 iter_args(%scan3A_2701 = %broadcast_in_dim3A_1054, %scan3A_2702 = %broadcast_in_dim3A_1056, %scan3A_2703 = %broadcast_in_dim3A_1058, %scan3A_2704 = %broadcast_in_dim3A_1060, %scan3A_2705 = %broadcast_in_dim3A_1062, %scan3A_2706 = %broadcast_in_dim3A_1064, %scan3A_2707 = %broadcast_in_dim3A_1066, %scan3A_2708 = %broadcast_in_dim3A_1068, %scan3A_2709 = %broadcast_in_dim3A_1070, %scan3A_2710 = %broadcast_in_dim3A_1072, %scan3A_2711 = %broadcast_in_dim3A_1074, %scan3A_2712 = %broadcast_in_dim3A_1076, %scan3A_2713 = %broadcast_in_dim3A_1078, %scan3A_2714 = %broadcast_in_dim3A_1080, %scan3A_2715 = %broadcast_in_dim3A_1082, %scan3A_2716 = %broadcast_in_dim3A_1084) -> (vector<16xf32>, vector<16xf32>, vector<16xf32>, vector<16xf32>, vector<16xf32>, vector<16xf32>, vector<16xf32>, vector<16xf32>, vector<16xf32>, vector<16xf32>, vector<16xf32>, vector<16xf32>, vector<16xf32>, vector<16xf32>, vector<16xf32>, vector<16xf32>)  : i32 {
        %mul3A_2717 = arith.constant 16 : i32
        %mul3A_2718 = arith.muli %mul3A_2717, %scan3A_2700 : i32
        %multiple_of3A_2719 = tpu.assume_multiple %mul3A_2718, 16 : i32
        %get3A_2720 = arith.index_cast %multiple_of3A_2719 : i32 to index
        %get3A_2721 = tpu.vector_load %arg8[%get3A_2720] {strides = array<i32>} : memref<1024xf32, #tpu.memory_space<vmem>>, vector<16xf32>,
        %add3A_2722 = arith.constant 48000 : i32
        %add3A_2723 = arith.addi %add3A_2722, %multiple_of3A_2719 : i32
        %get3A_2724 = arith.constant 0 : i32
        %get3A_2725 = arith.index_cast %get3A_2724 : i32 to index
        %get3A_2726 = arith.index_cast %add3A_2723 : i32 to index
        %get3A_2727 = tpu.vector_load %arg10[%get3A_2725, %get3A_2726] {strides = array<i32>} : memref<1x64000xf32, #tpu.memory_space<vmem>>, vector<16xf32>,
        %mul3A_2728 = arith.mulf %get3A_2727, %get3A_2721 : vector<16xf32>
        %add3A_2729 = arith.addf %scan3A_2701, %mul3A_2728 : vector<16xf32>
        %add3A_2730 = arith.constant 49000 : i32
        %add3A_2731 = arith.addi %add3A_2730, %multiple_of3A_2719 : i32
        %get3A_2732 = arith.constant 0 : i32
        %get3A_2733 = arith.index_cast %get3A_2732 : i32 to index
        %get3A_2734 = arith.index_cast %add3A_2731 : i32 to index
        %get3A_2735 = tpu.vector_load %arg10[%get3A_2733, %get3A_2734] {strides = array<i32>} : memref<1x64000xf32, #tpu.memory_space<vmem>>, vector<16xf32>,
        %mul3A_2736 = arith.mulf %get3A_2735, %get3A_2721 : vector<16xf32>
        %add3A_2737 = arith.addf %scan3A_2702, %mul3A_2736 : vector<16xf32>
        %add3A_2738 = arith.constant 50000 : i32
        %add3A_2739 = arith.addi %add3A_2738, %multiple_of3A_2719 : i32
        %get3A_2740 = arith.constant 0 : i32
        %get3A_2741 = arith.index_cast %get3A_2740 : i32 to index
        %get3A_2742 = arith.index_cast %add3A_2739 : i32 to index
        %get3A_2743 = tpu.vector_load %arg10[%get3A_2741, %get3A_2742] {strides = array<i32>} : memref<1x64000xf32, #tpu.memory_space<vmem>>, vector<16xf32>,
        %mul3A_2744 = arith.mulf %get3A_2743, %get3A_2721 : vector<16xf32>
        %add3A_2745 = arith.addf %scan3A_2703, %mul3A_2744 : vector<16xf32>
        %add3A_2746 = arith.constant 51000 : i32
        %add3A_2747 = arith.addi %add3A_2746, %multiple_of3A_2719 : i32
        %get3A_2748 = arith.constant 0 : i32
        %get3A_2749 = arith.index_cast %get3A_2748 : i32 to index
        %get3A_2750 = arith.index_cast %add3A_2747 : i32 to index
        %get3A_2751 = tpu.vector_load %arg10[%get3A_2749, %get3A_2750] {strides = array<i32>} : memref<1x64000xf32, #tpu.memory_space<vmem>>, vector<16xf32>,
        %mul3A_2752 = arith.mulf %get3A_2751, %get3A_2721 : vector<16xf32>
        %add3A_2753 = arith.addf %scan3A_2704, %mul3A_2752 : vector<16xf32>
        %add3A_2754 = arith.constant 52000 : i32
        %add3A_2755 = arith.addi %add3A_2754, %multiple_of3A_2719 : i32
        %get3A_2756 = arith.constant 0 : i32
        %get3A_2757 = arith.index_cast %get3A_2756 : i32 to index
        %get3A_2758 = arith.index_cast %add3A_2755 : i32 to index
        %get3A_2759 = tpu.vector_load %arg10[%get3A_2757, %get3A_2758] {strides = array<i32>} : memref<1x64000xf32, #tpu.memory_space<vmem>>, vector<16xf32>,
        %mul3A_2760 = arith.mulf %get3A_2759, %get3A_2721 : vector<16xf32>
        %add3A_2761 = arith.addf %scan3A_2705, %mul3A_2760 : vector<16xf32>
        %add3A_2762 = arith.constant 53000 : i32
        %add3A_2763 = arith.addi %add3A_2762, %multiple_of3A_2719 : i32
        %get3A_2764 = arith.constant 0 : i32
        %get3A_2765 = arith.index_cast %get3A_2764 : i32 to index
        %get3A_2766 = arith.index_cast %add3A_2763 : i32 to index
        %get3A_2767 = tpu.vector_load %arg10[%get3A_2765, %get3A_2766] {strides = array<i32>} : memref<1x64000xf32, #tpu.memory_space<vmem>>, vector<16xf32>,
        %mul3A_2768 = arith.mulf %get3A_2767, %get3A_2721 : vector<16xf32>
        %add3A_2769 = arith.addf %scan3A_2706, %mul3A_2768 : vector<16xf32>
        %add3A_2770 = arith.constant 54000 : i32
        %add3A_2771 = arith.addi %add3A_2770, %multiple_of3A_2719 : i32
        %get3A_2772 = arith.constant 0 : i32
        %get3A_2773 = arith.index_cast %get3A_2772 : i32 to index
        %get3A_2774 = arith.index_cast %add3A_2771 : i32 to index
        %get3A_2775 = tpu.vector_load %arg10[%get3A_2773, %get3A_2774] {strides = array<i32>} : memref<1x64000xf32, #tpu.memory_space<vmem>>, vector<16xf32>,
        %mul3A_2776 = arith.mulf %get3A_2775, %get3A_2721 : vector<16xf32>
        %add3A_2777 = arith.addf %scan3A_2707, %mul3A_2776 : vector<16xf32>
        %add3A_2778 = arith.constant 55000 : i32
        %add3A_2779 = arith.addi %add3A_2778, %multiple_of3A_2719 : i32
        %get3A_2780 = arith.constant 0 : i32
        %get3A_2781 = arith.index_cast %get3A_2780 : i32 to index
        %get3A_2782 = arith.index_cast %add3A_2779 : i32 to index
        %get3A_2783 = tpu.vector_load %arg10[%get3A_2781, %get3A_2782] {strides = array<i32>} : memref<1x64000xf32, #tpu.memory_space<vmem>>, vector<16xf32>,
        %mul3A_2784 = arith.mulf %get3A_2783, %get3A_2721 : vector<16xf32>
        %add3A_2785 = arith.addf %scan3A_2708, %mul3A_2784 : vector<16xf32>
        %add3A_2786 = arith.constant 56000 : i32
        %add3A_2787 = arith.addi %add3A_2786, %multiple_of3A_2719 : i32
        %get3A_2788 = arith.constant 0 : i32
        %get3A_2789 = arith.index_cast %get3A_2788 : i32 to index
        %get3A_2790 = arith.index_cast %add3A_2787 : i32 to index
        %get3A_2791 = tpu.vector_load %arg10[%get3A_2789, %get3A_2790] {strides = array<i32>} : memref<1x64000xf32, #tpu.memory_space<vmem>>, vector<16xf32>,
        %mul3A_2792 = arith.mulf %get3A_2791, %get3A_2721 : vector<16xf32>
        %add3A_2793 = arith.addf %scan3A_2709, %mul3A_2792 : vector<16xf32>
        %add3A_2794 = arith.constant 57000 : i32
        %add3A_2795 = arith.addi %add3A_2794, %multiple_of3A_2719 : i32
        %get3A_2796 = arith.constant 0 : i32
        %get3A_2797 = arith.index_cast %get3A_2796 : i32 to index
        %get3A_2798 = arith.index_cast %add3A_2795 : i32 to index
        %get3A_2799 = tpu.vector_load %arg10[%get3A_2797, %get3A_2798] {strides = array<i32>} : memref<1x64000xf32, #tpu.memory_space<vmem>>, vector<16xf32>,
        %mul3A_2800 = arith.mulf %get3A_2799, %get3A_2721 : vector<16xf32>
        %add3A_2801 = arith.addf %scan3A_2710, %mul3A_2800 : vector<16xf32>
        %add3A_2802 = arith.constant 58000 : i32
        %add3A_2803 = arith.addi %add3A_2802, %multiple_of3A_2719 : i32
        %get3A_2804 = arith.constant 0 : i32
        %get3A_2805 = arith.index_cast %get3A_2804 : i32 to index
        %get3A_2806 = arith.index_cast %add3A_2803 : i32 to index
        %get3A_2807 = tpu.vector_load %arg10[%get3A_2805, %get3A_2806] {strides = array<i32>} : memref<1x64000xf32, #tpu.memory_space<vmem>>, vector<16xf32>,
        %mul3A_2808 = arith.mulf %get3A_2807, %get3A_2721 : vector<16xf32>
        %add3A_2809 = arith.addf %scan3A_2711, %mul3A_2808 : vector<16xf32>
        %add3A_2810 = arith.constant 59000 : i32
        %add3A_2811 = arith.addi %add3A_2810, %multiple_of3A_2719 : i32
        %get3A_2812 = arith.constant 0 : i32
        %get3A_2813 = arith.index_cast %get3A_2812 : i32 to index
        %get3A_2814 = arith.index_cast %add3A_2811 : i32 to index
        %get3A_2815 = tpu.vector_load %arg10[%get3A_2813, %get3A_2814] {strides = array<i32>} : memref<1x64000xf32, #tpu.memory_space<vmem>>, vector<16xf32>,
        %mul3A_2816 = arith.mulf %get3A_2815, %get3A_2721 : vector<16xf32>
        %add3A_2817 = arith.addf %scan3A_2712, %mul3A_2816 : vector<16xf32>
        %add3A_2818 = arith.constant 60000 : i32
        %add3A_2819 = arith.addi %add3A_2818, %multiple_of3A_2719 : i32
        %get3A_2820 = arith.constant 0 : i32
        %get3A_2821 = arith.index_cast %get3A_2820 : i32 to index
        %get3A_2822 = arith.index_cast %add3A_2819 : i32 to index
        %get3A_2823 = tpu.vector_load %arg10[%get3A_2821, %get3A_2822] {strides = array<i32>} : memref<1x64000xf32, #tpu.memory_space<vmem>>, vector<16xf32>,
        %mul3A_2824 = arith.mulf %get3A_2823, %get3A_2721 : vector<16xf32>
        %add3A_2825 = arith.addf %scan3A_2713, %mul3A_2824 : vector<16xf32>
        %add3A_2826 = arith.constant 61000 : i32
        %add3A_2827 = arith.addi %add3A_2826, %multiple_of3A_2719 : i32
        %get3A_2828 = arith.constant 0 : i32
        %get3A_2829 = arith.index_cast %get3A_2828 : i32 to index
        %get3A_2830 = arith.index_cast %add3A_2827 : i32 to index
        %get3A_2831 = tpu.vector_load %arg10[%get3A_2829, %get3A_2830] {strides = array<i32>} : memref<1x64000xf32, #tpu.memory_space<vmem>>, vector<16xf32>,
        %mul3A_2832 = arith.mulf %get3A_2831, %get3A_2721 : vector<16xf32>
        %add3A_2833 = arith.addf %scan3A_2714, %mul3A_2832 : vector<16xf32>
        %add3A_2834 = arith.constant 62000 : i32
        %add3A_2835 = arith.addi %add3A_2834, %multiple_of3A_2719 : i32
        %get3A_2836 = arith.constant 0 : i32
        %get3A_2837 = arith.index_cast %get3A_2836 : i32 to index
        %get3A_2838 = arith.index_cast %add3A_2835 : i32 to index
        %get3A_2839 = tpu.vector_load %arg10[%get3A_2837, %get3A_2838] {strides = array<i32>} : memref<1x64000xf32, #tpu.memory_space<vmem>>, vector<16xf32>,
        %mul3A_2840 = arith.mulf %get3A_2839, %get3A_2721 : vector<16xf32>
        %add3A_2841 = arith.addf %scan3A_2715, %mul3A_2840 : vector<16xf32>
        %add3A_2842 = arith.constant 63000 : i32
        %add3A_2843 = arith.addi %add3A_2842, %multiple_of3A_2719 : i32
        %get3A_2844 = arith.constant 0 : i32
        %get3A_2845 = arith.index_cast %get3A_2844 : i32 to index
        %get3A_2846 = arith.index_cast %add3A_2843 : i32 to index
        %get3A_2847 = tpu.vector_load %arg10[%get3A_2845, %get3A_2846] {strides = array<i32>} : memref<1x64000xf32, #tpu.memory_space<vmem>>, vector<16xf32>,
        %mul3A_2848 = arith.mulf %get3A_2847, %get3A_2721 : vector<16xf32>
        %add3A_2849 = arith.addf %scan3A_2716, %mul3A_2848 : vector<16xf32>
        scf.yield %add3A_2729, %add3A_2737, %add3A_2745, %add3A_2753, %add3A_2761, %add3A_2769, %add3A_2777, %add3A_2785, %add3A_2793, %add3A_2801, %add3A_2809, %add3A_2817, %add3A_2825, %add3A_2833, %add3A_2841, %add3A_2849 : vector<16xf32>, vector<16xf32>, vector<16xf32>, vector<16xf32>, vector<16xf32>, vector<16xf32>, vector<16xf32>, vector<16xf32>, vector<16xf32>, vector<16xf32>, vector<16xf32>, vector<16xf32>, vector<16xf32>, vector<16xf32>, vector<16xf32>, vector<16xf32>
      }
      %scan3A_1090 = arith.constant 62 : i32
      %get3A_1091 = arith.constant 984 : index
      %get3A_1092 = tpu.vector_load %arg8[%get3A_1091] {strides = array<i32>} : memref<1024xf32, #tpu.memory_space<vmem>>, vector<16xf32>,
      %mul3A_1093 = arith.mulf %get3A_1092, %convert_element_type3A_39 : vector<16xf32>
      %get3A_1094 = arith.constant 0 : i32
      %get3A_1095 = arith.index_cast %get3A_1094 : i32 to index
      %get3A_1096 = arith.constant 48984 : index
      %get3A_1097 = tpu.vector_load %arg10[%get3A_1095, %get3A_1096] {strides = array<i32>} : memref<1x64000xf32, #tpu.memory_space<vmem>>, vector<16xf32>,
      %mul3A_1098 = arith.mulf %get3A_1097, %mul3A_1093 : vector<16xf32>
      %add3A_1099 = arith.addf %scan3A_1089#0, %mul3A_1098 : vector<16xf32>
      %swap3A_1100 = arith.constant 0 : index
      %swap3A_1101 = tpu.vector_load %arg13[%swap3A_1100] {strides = array<i32>} : memref<256xf32, #tpu.memory_space<vmem>>, vector<16xf32>,
      tpu.vector_store %arg13[%swap3A_1100], %add3A_1099 {strides = array<i32>} : memref<256xf32, #tpu.memory_space<vmem>>, vector<16xf32>,
      %get3A_1102 = arith.constant 0 : i32
      %get3A_1103 = arith.index_cast %get3A_1102 : i32 to index
      %get3A_1104 = arith.constant 49984 : index
      %get3A_1105 = tpu.vector_load %arg10[%get3A_1103, %get3A_1104] {strides = array<i32>} : memref<1x64000xf32, #tpu.memory_space<vmem>>, vector<16xf32>,
      %mul3A_1106 = arith.mulf %get3A_1105, %mul3A_1093 : vector<16xf32>
      %add3A_1107 = arith.addf %scan3A_1089#1, %mul3A_1106 : vector<16xf32>
      %swap3A_1108 = arith.constant 16 : index
      %swap3A_1109 = tpu.vector_load %arg13[%swap3A_1108] {strides = array<i32>} : memref<256xf32, #tpu.memory_space<vmem>>, vector<16xf32>,
      tpu.vector_store %arg13[%swap3A_1108], %add3A_1107 {strides = array<i32>} : memref<256xf32, #tpu.memory_space<vmem>>, vector<16xf32>,
      %get3A_1110 = arith.constant 0 : i32
      %get3A_1111 = arith.index_cast %get3A_1110 : i32 to index
      %get3A_1112 = arith.constant 50984 : index
      %get3A_1113 = tpu.vector_load %arg10[%get3A_1111, %get3A_1112] {strides = array<i32>} : memref<1x64000xf32, #tpu.memory_space<vmem>>, vector<16xf32>,
      %mul3A_1114 = arith.mulf %get3A_1113, %mul3A_1093 : vector<16xf32>
      %add3A_1115 = arith.addf %scan3A_1089#2, %mul3A_1114 : vector<16xf32>
      %swap3A_1116 = arith.constant 32 : index
      %swap3A_1117 = tpu.vector_load %arg13[%swap3A_1116] {strides = array<i32>} : memref<256xf32, #tpu.memory_space<vmem>>, vector<16xf32>,
      tpu.vector_store %arg13[%swap3A_1116], %add3A_1115 {strides = array<i32>} : memref<256xf32, #tpu.memory_space<vmem>>, vector<16xf32>,
      %get3A_1118 = arith.constant 0 : i32
      %get3A_1119 = arith.index_cast %get3A_1118 : i32 to index
      %get3A_1120 = arith.constant 51984 : index
      %get3A_1121 = tpu.vector_load %arg10[%get3A_1119, %get3A_1120] {strides = array<i32>} : memref<1x64000xf32, #tpu.memory_space<vmem>>, vector<16xf32>,
      %mul3A_1122 = arith.mulf %get3A_1121, %mul3A_1093 : vector<16xf32>
      %add3A_1123 = arith.addf %scan3A_1089#3, %mul3A_1122 : vector<16xf32>
      %swap3A_1124 = arith.constant 48 : index
      %swap3A_1125 = tpu.vector_load %arg13[%swap3A_1124] {strides = array<i32>} : memref<256xf32, #tpu.memory_space<vmem>>, vector<16xf32>,
      tpu.vector_store %arg13[%swap3A_1124], %add3A_1123 {strides = array<i32>} : memref<256xf32, #tpu.memory_space<vmem>>, vector<16xf32>,
      %get3A_1126 = arith.constant 0 : i32
      %get3A_1127 = arith.index_cast %get3A_1126 : i32 to index
      %get3A_1128 = arith.constant 52984 : index
      %get3A_1129 = tpu.vector_load %arg10[%get3A_1127, %get3A_1128] {strides = array<i32>} : memref<1x64000xf32, #tpu.memory_space<vmem>>, vector<16xf32>,
      %mul3A_1130 = arith.mulf %get3A_1129, %mul3A_1093 : vector<16xf32>
      %add3A_1131 = arith.addf %scan3A_1089#4, %mul3A_1130 : vector<16xf32>
      %swap3A_1132 = arith.constant 64 : index
      %swap3A_1133 = tpu.vector_load %arg13[%swap3A_1132] {strides = array<i32>} : memref<256xf32, #tpu.memory_space<vmem>>, vector<16xf32>,
      tpu.vector_store %arg13[%swap3A_1132], %add3A_1131 {strides = array<i32>} : memref<256xf32, #tpu.memory_space<vmem>>, vector<16xf32>,
      %get3A_1134 = arith.constant 0 : i32
      %get3A_1135 = arith.index_cast %get3A_1134 : i32 to index
      %get3A_1136 = arith.constant 53984 : index
      %get3A_1137 = tpu.vector_load %arg10[%get3A_1135, %get3A_1136] {strides = array<i32>} : memref<1x64000xf32, #tpu.memory_space<vmem>>, vector<16xf32>,
      %mul3A_1138 = arith.mulf %get3A_1137, %mul3A_1093 : vector<16xf32>
      %add3A_1139 = arith.addf %scan3A_1089#5, %mul3A_1138 : vector<16xf32>
      %swap3A_1140 = arith.constant 80 : index
      %swap3A_1141 = tpu.vector_load %arg13[%swap3A_1140] {strides = array<i32>} : memref<256xf32, #tpu.memory_space<vmem>>, vector<16xf32>,
      tpu.vector_store %arg13[%swap3A_1140], %add3A_1139 {strides = array<i32>} : memref<256xf32, #tpu.memory_space<vmem>>, vector<16xf32>,
      %get3A_1142 = arith.constant 0 : i32
      %get3A_1143 = arith.index_cast %get3A_1142 : i32 to index
      %get3A_1144 = arith.constant 54984 : index
      %get3A_1145 = tpu.vector_load %arg10[%get3A_1143, %get3A_1144] {strides = array<i32>} : memref<1x64000xf32, #tpu.memory_space<vmem>>, vector<16xf32>,
      %mul3A_1146 = arith.mulf %get3A_1145, %mul3A_1093 : vector<16xf32>
      %add3A_1147 = arith.addf %scan3A_1089#6, %mul3A_1146 : vector<16xf32>
      %swap3A_1148 = arith.constant 96 : index
      %swap3A_1149 = tpu.vector_load %arg13[%swap3A_1148] {strides = array<i32>} : memref<256xf32, #tpu.memory_space<vmem>>, vector<16xf32>,
      tpu.vector_store %arg13[%swap3A_1148], %add3A_1147 {strides = array<i32>} : memref<256xf32, #tpu.memory_space<vmem>>, vector<16xf32>,
      %get3A_1150 = arith.constant 0 : i32
      %get3A_1151 = arith.index_cast %get3A_1150 : i32 to index
      %get3A_1152 = arith.constant 55984 : index
      %get3A_1153 = tpu.vector_load %arg10[%get3A_1151, %get3A_1152] {strides = array<i32>} : memref<1x64000xf32, #tpu.memory_space<vmem>>, vector<16xf32>,
      %mul3A_1154 = arith.mulf %get3A_1153, %mul3A_1093 : vector<16xf32>
      %add3A_1155 = arith.addf %scan3A_1089#7, %mul3A_1154 : vector<16xf32>
      %swap3A_1156 = arith.constant 112 : index
      %swap3A_1157 = tpu.vector_load %arg13[%swap3A_1156] {strides = array<i32>} : memref<256xf32, #tpu.memory_space<vmem>>, vector<16xf32>,
      tpu.vector_store %arg13[%swap3A_1156], %add3A_1155 {strides = array<i32>} : memref<256xf32, #tpu.memory_space<vmem>>, vector<16xf32>,
      %get3A_1158 = arith.constant 0 : i32
      %get3A_1159 = arith.index_cast %get3A_1158 : i32 to index
      %get3A_1160 = arith.constant 56984 : index
      %get3A_1161 = tpu.vector_load %arg10[%get3A_1159, %get3A_1160] {strides = array<i32>} : memref<1x64000xf32, #tpu.memory_space<vmem>>, vector<16xf32>,
      %mul3A_1162 = arith.mulf %get3A_1161, %mul3A_1093 : vector<16xf32>
      %add3A_1163 = arith.addf %scan3A_1089#8, %mul3A_1162 : vector<16xf32>
      %swap3A_1164 = arith.constant 128 : index
      %swap3A_1165 = tpu.vector_load %arg13[%swap3A_1164] {strides = array<i32>} : memref<256xf32, #tpu.memory_space<vmem>>, vector<16xf32>,
      tpu.vector_store %arg13[%swap3A_1164], %add3A_1163 {strides = array<i32>} : memref<256xf32, #tpu.memory_space<vmem>>, vector<16xf32>,
      %get3A_1166 = arith.constant 0 : i32
      %get3A_1167 = arith.index_cast %get3A_1166 : i32 to index
      %get3A_1168 = arith.constant 57984 : index
      %get3A_1169 = tpu.vector_load %arg10[%get3A_1167, %get3A_1168] {strides = array<i32>} : memref<1x64000xf32, #tpu.memory_space<vmem>>, vector<16xf32>,
      %mul3A_1170 = arith.mulf %get3A_1169, %mul3A_1093 : vector<16xf32>
      %add3A_1171 = arith.addf %scan3A_1089#9, %mul3A_1170 : vector<16xf32>
      %swap3A_1172 = arith.constant 144 : index
      %swap3A_1173 = tpu.vector_load %arg13[%swap3A_1172] {strides = array<i32>} : memref<256xf32, #tpu.memory_space<vmem>>, vector<16xf32>,
      tpu.vector_store %arg13[%swap3A_1172], %add3A_1171 {strides = array<i32>} : memref<256xf32, #tpu.memory_space<vmem>>, vector<16xf32>,
      %get3A_1174 = arith.constant 0 : i32
      %get3A_1175 = arith.index_cast %get3A_1174 : i32 to index
      %get3A_1176 = arith.constant 58984 : index
      %get3A_1177 = tpu.vector_load %arg10[%get3A_1175, %get3A_1176] {strides = array<i32>} : memref<1x64000xf32, #tpu.memory_space<vmem>>, vector<16xf32>,
      %mul3A_1178 = arith.mulf %get3A_1177, %mul3A_1093 : vector<16xf32>
      %add3A_1179 = arith.addf %scan3A_1089#10, %mul3A_1178 : vector<16xf32>
      %swap3A_1180 = arith.constant 160 : index
      %swap3A_1181 = tpu.vector_load %arg13[%swap3A_1180] {strides = array<i32>} : memref<256xf32, #tpu.memory_space<vmem>>, vector<16xf32>,
      tpu.vector_store %arg13[%swap3A_1180], %add3A_1179 {strides = array<i32>} : memref<256xf32, #tpu.memory_space<vmem>>, vector<16xf32>,
      %get3A_1182 = arith.constant 0 : i32
      %get3A_1183 = arith.index_cast %get3A_1182 : i32 to index
      %get3A_1184 = arith.constant 59984 : index
      %get3A_1185 = tpu.vector_load %arg10[%get3A_1183, %get3A_1184] {strides = array<i32>} : memref<1x64000xf32, #tpu.memory_space<vmem>>, vector<16xf32>,
      %mul3A_1186 = arith.mulf %get3A_1185, %mul3A_1093 : vector<16xf32>
      %add3A_1187 = arith.addf %scan3A_1089#11, %mul3A_1186 : vector<16xf32>
      %swap3A_1188 = arith.constant 176 : index
      %swap3A_1189 = tpu.vector_load %arg13[%swap3A_1188] {strides = array<i32>} : memref<256xf32, #tpu.memory_space<vmem>>, vector<16xf32>,
      tpu.vector_store %arg13[%swap3A_1188], %add3A_1187 {strides = array<i32>} : memref<256xf32, #tpu.memory_space<vmem>>, vector<16xf32>,
      %get3A_1190 = arith.constant 0 : i32
      %get3A_1191 = arith.index_cast %get3A_1190 : i32 to index
      %get3A_1192 = arith.constant 60984 : index
      %get3A_1193 = tpu.vector_load %arg10[%get3A_1191, %get3A_1192] {strides = array<i32>} : memref<1x64000xf32, #tpu.memory_space<vmem>>, vector<16xf32>,
      %mul3A_1194 = arith.mulf %get3A_1193, %mul3A_1093 : vector<16xf32>
      %add3A_1195 = arith.addf %scan3A_1089#12, %mul3A_1194 : vector<16xf32>
      %swap3A_1196 = arith.constant 192 : index
      %swap3A_1197 = tpu.vector_load %arg13[%swap3A_1196] {strides = array<i32>} : memref<256xf32, #tpu.memory_space<vmem>>, vector<16xf32>,
      tpu.vector_store %arg13[%swap3A_1196], %add3A_1195 {strides = array<i32>} : memref<256xf32, #tpu.memory_space<vmem>>, vector<16xf32>,
      %get3A_1198 = arith.constant 0 : i32
      %get3A_1199 = arith.index_cast %get3A_1198 : i32 to index
      %get3A_1200 = arith.constant 61984 : index
      %get3A_1201 = tpu.vector_load %arg10[%get3A_1199, %get3A_1200] {strides = array<i32>} : memref<1x64000xf32, #tpu.memory_space<vmem>>, vector<16xf32>,
      %mul3A_1202 = arith.mulf %get3A_1201, %mul3A_1093 : vector<16xf32>
      %add3A_1203 = arith.addf %scan3A_1089#13, %mul3A_1202 : vector<16xf32>
      %swap3A_1204 = arith.constant 208 : index
      %swap3A_1205 = tpu.vector_load %arg13[%swap3A_1204] {strides = array<i32>} : memref<256xf32, #tpu.memory_space<vmem>>, vector<16xf32>,
      tpu.vector_store %arg13[%swap3A_1204], %add3A_1203 {strides = array<i32>} : memref<256xf32, #tpu.memory_space<vmem>>, vector<16xf32>,
      %get3A_1206 = arith.constant 0 : i32
      %get3A_1207 = arith.index_cast %get3A_1206 : i32 to index
      %get3A_1208 = arith.constant 62984 : index
      %get3A_1209 = tpu.vector_load %arg10[%get3A_1207, %get3A_1208] {strides = array<i32>} : memref<1x64000xf32, #tpu.memory_space<vmem>>, vector<16xf32>,
      %mul3A_1210 = arith.mulf %get3A_1209, %mul3A_1093 : vector<16xf32>
      %add3A_1211 = arith.addf %scan3A_1089#14, %mul3A_1210 : vector<16xf32>
      %swap3A_1212 = arith.constant 224 : index
      %swap3A_1213 = tpu.vector_load %arg13[%swap3A_1212] {strides = array<i32>} : memref<256xf32, #tpu.memory_space<vmem>>, vector<16xf32>,
      tpu.vector_store %arg13[%swap3A_1212], %add3A_1211 {strides = array<i32>} : memref<256xf32, #tpu.memory_space<vmem>>, vector<16xf32>,
      %get3A_1214 = arith.constant 0 : i32
      %get3A_1215 = arith.index_cast %get3A_1214 : i32 to index
      %get3A_1216 = arith.constant 63984 : index
      %get3A_1217 = tpu.vector_load %arg10[%get3A_1215, %get3A_1216] {strides = array<i32>} : memref<1x64000xf32, #tpu.memory_space<vmem>>, vector<16xf32>,
      %mul3A_1218 = arith.mulf %get3A_1217, %mul3A_1093 : vector<16xf32>
      %add3A_1219 = arith.addf %scan3A_1089#15, %mul3A_1218 : vector<16xf32>
      %swap3A_1220 = arith.constant 240 : index
      %swap3A_1221 = tpu.vector_load %arg13[%swap3A_1220] {strides = array<i32>} : memref<256xf32, #tpu.memory_space<vmem>>, vector<16xf32>,
      tpu.vector_store %arg13[%swap3A_1220], %add3A_1219 {strides = array<i32>} : memref<256xf32, #tpu.memory_space<vmem>>, vector<16xf32>,
      %broadcast_in_dim3A_1222 = arith.constant 0.000000e+00 : f32
      %broadcast_in_dim3A_1223 = vector.broadcast %broadcast_in_dim3A_1222 : f32 to vector<16xf32>
      %mul3A_1224 = arith.constant 16 : i32
      %mul3A_1225 = vector.broadcast %mul3A_1224 : i32 to vector<16xi32>
      %mul3A_1226 = arith.muli %iota3A, %mul3A_1225 : vector<16xi32>
      %add3A_1227 = arith.constant 0 : i32
      %add3A_1228 = vector.broadcast %add3A_1227 : i32 to vector<16xi32>
      %add3A_1229 = arith.addi %mul3A_1226, %add3A_1228 : vector<16xi32>
      %gather3A_1230 = tpu.vector_load_idx %arg13[%add3A_1229] : memref<256xf32, #tpu.memory_space<vmem>>[vector<16xi32>], vector<16xf32>,
      %add3A_1231 = arith.addf %broadcast_in_dim3A_1223, %gather3A_1230 : vector<16xf32>
      %mul3A_1232 = arith.constant 16 : i32
      %mul3A_1233 = vector.broadcast %mul3A_1232 : i32 to vector<16xi32>
      %mul3A_1234 = arith.muli %iota3A, %mul3A_1233 : vector<16xi32>
      %add3A_1235 = arith.constant 1 : i32
      %add3A_1236 = vector.broadcast %add3A_1235 : i32 to vector<16xi32>
      %add3A_1237 = arith.addi %mul3A_1234, %add3A_1236 : vector<16xi32>
      %gather3A_1238 = tpu.vector_load_idx %arg13[%add3A_1237] : memref<256xf32, #tpu.memory_space<vmem>>[vector<16xi32>], vector<16xf32>,
      %add3A_1239 = arith.addf %add3A_1231, %gather3A_1238 : vector<16xf32>
      %mul3A_1240 = arith.constant 16 : i32
      %mul3A_1241 = vector.broadcast %mul3A_1240 : i32 to vector<16xi32>
      %mul3A_1242 = arith.muli %iota3A, %mul3A_1241 : vector<16xi32>
      %add3A_1243 = arith.constant 2 : i32
      %add3A_1244 = vector.broadcast %add3A_1243 : i32 to vector<16xi32>
      %add3A_1245 = arith.addi %mul3A_1242, %add3A_1244 : vector<16xi32>
      %gather3A_1246 = tpu.vector_load_idx %arg13[%add3A_1245] : memref<256xf32, #tpu.memory_space<vmem>>[vector<16xi32>], vector<16xf32>,
      %add3A_1247 = arith.addf %add3A_1239, %gather3A_1246 : vector<16xf32>
      %mul3A_1248 = arith.constant 16 : i32
      %mul3A_1249 = vector.broadcast %mul3A_1248 : i32 to vector<16xi32>
      %mul3A_1250 = arith.muli %iota3A, %mul3A_1249 : vector<16xi32>
      %add3A_1251 = arith.constant 3 : i32
      %add3A_1252 = vector.broadcast %add3A_1251 : i32 to vector<16xi32>
      %add3A_1253 = arith.addi %mul3A_1250, %add3A_1252 : vector<16xi32>
      %gather3A_1254 = tpu.vector_load_idx %arg13[%add3A_1253] : memref<256xf32, #tpu.memory_space<vmem>>[vector<16xi32>], vector<16xf32>,
      %add3A_1255 = arith.addf %add3A_1247, %gather3A_1254 : vector<16xf32>
      %mul3A_1256 = arith.constant 16 : i32
      %mul3A_1257 = vector.broadcast %mul3A_1256 : i32 to vector<16xi32>
      %mul3A_1258 = arith.muli %iota3A, %mul3A_1257 : vector<16xi32>
      %add3A_1259 = arith.constant 4 : i32
      %add3A_1260 = vector.broadcast %add3A_1259 : i32 to vector<16xi32>
      %add3A_1261 = arith.addi %mul3A_1258, %add3A_1260 : vector<16xi32>
      %gather3A_1262 = tpu.vector_load_idx %arg13[%add3A_1261] : memref<256xf32, #tpu.memory_space<vmem>>[vector<16xi32>], vector<16xf32>,
      %add3A_1263 = arith.addf %add3A_1255, %gather3A_1262 : vector<16xf32>
      %mul3A_1264 = arith.constant 16 : i32
      %mul3A_1265 = vector.broadcast %mul3A_1264 : i32 to vector<16xi32>
      %mul3A_1266 = arith.muli %iota3A, %mul3A_1265 : vector<16xi32>
      %add3A_1267 = arith.constant 5 : i32
      %add3A_1268 = vector.broadcast %add3A_1267 : i32 to vector<16xi32>
      %add3A_1269 = arith.addi %mul3A_1266, %add3A_1268 : vector<16xi32>
      %gather3A_1270 = tpu.vector_load_idx %arg13[%add3A_1269] : memref<256xf32, #tpu.memory_space<vmem>>[vector<16xi32>], vector<16xf32>,
      %add3A_1271 = arith.addf %add3A_1263, %gather3A_1270 : vector<16xf32>
      %mul3A_1272 = arith.constant 16 : i32
      %mul3A_1273 = vector.broadcast %mul3A_1272 : i32 to vector<16xi32>
      %mul3A_1274 = arith.muli %iota3A, %mul3A_1273 : vector<16xi32>
      %add3A_1275 = arith.constant 6 : i32
      %add3A_1276 = vector.broadcast %add3A_1275 : i32 to vector<16xi32>
      %add3A_1277 = arith.addi %mul3A_1274, %add3A_1276 : vector<16xi32>
      %gather3A_1278 = tpu.vector_load_idx %arg13[%add3A_1277] : memref<256xf32, #tpu.memory_space<vmem>>[vector<16xi32>], vector<16xf32>,
      %add3A_1279 = arith.addf %add3A_1271, %gather3A_1278 : vector<16xf32>
      %mul3A_1280 = arith.constant 16 : i32
      %mul3A_1281 = vector.broadcast %mul3A_1280 : i32 to vector<16xi32>
      %mul3A_1282 = arith.muli %iota3A, %mul3A_1281 : vector<16xi32>
      %add3A_1283 = arith.constant 7 : i32
      %add3A_1284 = vector.broadcast %add3A_1283 : i32 to vector<16xi32>
      %add3A_1285 = arith.addi %mul3A_1282, %add3A_1284 : vector<16xi32>
      %gather3A_1286 = tpu.vector_load_idx %arg13[%add3A_1285] : memref<256xf32, #tpu.memory_space<vmem>>[vector<16xi32>], vector<16xf32>,
      %add3A_1287 = arith.addf %add3A_1279, %gather3A_1286 : vector<16xf32>
      %mul3A_1288 = arith.constant 16 : i32
      %mul3A_1289 = vector.broadcast %mul3A_1288 : i32 to vector<16xi32>
      %mul3A_1290 = arith.muli %iota3A, %mul3A_1289 : vector<16xi32>
      %add3A_1291 = arith.constant 8 : i32
      %add3A_1292 = vector.broadcast %add3A_1291 : i32 to vector<16xi32>
      %add3A_1293 = arith.addi %mul3A_1290, %add3A_1292 : vector<16xi32>
      %gather3A_1294 = tpu.vector_load_idx %arg13[%add3A_1293] : memref<256xf32, #tpu.memory_space<vmem>>[vector<16xi32>], vector<16xf32>,
      %add3A_1295 = arith.addf %add3A_1287, %gather3A_1294 : vector<16xf32>
      %mul3A_1296 = arith.constant 16 : i32
      %mul3A_1297 = vector.broadcast %mul3A_1296 : i32 to vector<16xi32>
      %mul3A_1298 = arith.muli %iota3A, %mul3A_1297 : vector<16xi32>
      %add3A_1299 = arith.constant 9 : i32
      %add3A_1300 = vector.broadcast %add3A_1299 : i32 to vector<16xi32>
      %add3A_1301 = arith.addi %mul3A_1298, %add3A_1300 : vector<16xi32>
      %gather3A_1302 = tpu.vector_load_idx %arg13[%add3A_1301] : memref<256xf32, #tpu.memory_space<vmem>>[vector<16xi32>], vector<16xf32>,
      %add3A_1303 = arith.addf %add3A_1295, %gather3A_1302 : vector<16xf32>
      %mul3A_1304 = arith.constant 16 : i32
      %mul3A_1305 = vector.broadcast %mul3A_1304 : i32 to vector<16xi32>
      %mul3A_1306 = arith.muli %iota3A, %mul3A_1305 : vector<16xi32>
      %add3A_1307 = arith.constant 10 : i32
      %add3A_1308 = vector.broadcast %add3A_1307 : i32 to vector<16xi32>
      %add3A_1309 = arith.addi %mul3A_1306, %add3A_1308 : vector<16xi32>
      %gather3A_1310 = tpu.vector_load_idx %arg13[%add3A_1309] : memref<256xf32, #tpu.memory_space<vmem>>[vector<16xi32>], vector<16xf32>,
      %add3A_1311 = arith.addf %add3A_1303, %gather3A_1310 : vector<16xf32>
      %mul3A_1312 = arith.constant 16 : i32
      %mul3A_1313 = vector.broadcast %mul3A_1312 : i32 to vector<16xi32>
      %mul3A_1314 = arith.muli %iota3A, %mul3A_1313 : vector<16xi32>
      %add3A_1315 = arith.constant 11 : i32
      %add3A_1316 = vector.broadcast %add3A_1315 : i32 to vector<16xi32>
      %add3A_1317 = arith.addi %mul3A_1314, %add3A_1316 : vector<16xi32>
      %gather3A_1318 = tpu.vector_load_idx %arg13[%add3A_1317] : memref<256xf32, #tpu.memory_space<vmem>>[vector<16xi32>], vector<16xf32>,
      %add3A_1319 = arith.addf %add3A_1311, %gather3A_1318 : vector<16xf32>
      %mul3A_1320 = arith.constant 16 : i32
      %mul3A_1321 = vector.broadcast %mul3A_1320 : i32 to vector<16xi32>
      %mul3A_1322 = arith.muli %iota3A, %mul3A_1321 : vector<16xi32>
      %add3A_1323 = arith.constant 12 : i32
      %add3A_1324 = vector.broadcast %add3A_1323 : i32 to vector<16xi32>
      %add3A_1325 = arith.addi %mul3A_1322, %add3A_1324 : vector<16xi32>
      %gather3A_1326 = tpu.vector_load_idx %arg13[%add3A_1325] : memref<256xf32, #tpu.memory_space<vmem>>[vector<16xi32>], vector<16xf32>,
      %add3A_1327 = arith.addf %add3A_1319, %gather3A_1326 : vector<16xf32>
      %mul3A_1328 = arith.constant 16 : i32
      %mul3A_1329 = vector.broadcast %mul3A_1328 : i32 to vector<16xi32>
      %mul3A_1330 = arith.muli %iota3A, %mul3A_1329 : vector<16xi32>
      %add3A_1331 = arith.constant 13 : i32
      %add3A_1332 = vector.broadcast %add3A_1331 : i32 to vector<16xi32>
      %add3A_1333 = arith.addi %mul3A_1330, %add3A_1332 : vector<16xi32>
      %gather3A_1334 = tpu.vector_load_idx %arg13[%add3A_1333] : memref<256xf32, #tpu.memory_space<vmem>>[vector<16xi32>], vector<16xf32>,
      %add3A_1335 = arith.addf %add3A_1327, %gather3A_1334 : vector<16xf32>
      %mul3A_1336 = arith.constant 16 : i32
      %mul3A_1337 = vector.broadcast %mul3A_1336 : i32 to vector<16xi32>
      %mul3A_1338 = arith.muli %iota3A, %mul3A_1337 : vector<16xi32>
      %add3A_1339 = arith.constant 14 : i32
      %add3A_1340 = vector.broadcast %add3A_1339 : i32 to vector<16xi32>
      %add3A_1341 = arith.addi %mul3A_1338, %add3A_1340 : vector<16xi32>
      %gather3A_1342 = tpu.vector_load_idx %arg13[%add3A_1341] : memref<256xf32, #tpu.memory_space<vmem>>[vector<16xi32>], vector<16xf32>,
      %add3A_1343 = arith.addf %add3A_1335, %gather3A_1342 : vector<16xf32>
      %mul3A_1344 = arith.constant 16 : i32
      %mul3A_1345 = vector.broadcast %mul3A_1344 : i32 to vector<16xi32>
      %mul3A_1346 = arith.muli %iota3A, %mul3A_1345 : vector<16xi32>
      %add3A_1347 = arith.constant 15 : i32
      %add3A_1348 = vector.broadcast %add3A_1347 : i32 to vector<16xi32>
      %add3A_1349 = arith.addi %mul3A_1346, %add3A_1348 : vector<16xi32>
      %gather3A_1350 = tpu.vector_load_idx %arg13[%add3A_1349] : memref<256xf32, #tpu.memory_space<vmem>>[vector<16xi32>], vector<16xf32>,
      %add3A_1351 = arith.addf %add3A_1343, %gather3A_1350 : vector<16xf32>
      %jit3A_1352 = arith.constant 4 : i32
      %eq3A_1353 = arith.constant 0 : i32
      %eq3A_1354 = arith.cmpi eq, %jit3A_1352, %eq3A_1353 : i32
      %jit3A_1355 = arith.constant 1 : i32
      %select_n3A_1356 = arith.select %eq3A_1354, %jit3A_1355, %jit3A_1352 : i32
      %rem3A_1357 = arith.remsi %mul3A_47, %select_n3A_1356 : i32
      %ne3A_1358 = arith.constant 0 : i32
      %ne3A_1359 = arith.cmpi ne, %rem3A_1357, %ne3A_1358 : i32
      %lt3A_1360 = arith.constant 0 : i32
      %lt3A_1361 = arith.cmpi slt, %rem3A_1357, %lt3A_1360 : i32
      %lt3A_1362 = arith.constant 0 : i32
      %lt3A_1363 = arith.cmpi slt, %select_n3A_1356, %lt3A_1362 : i32
      %ne3A_1364 = arith.xori %lt3A_1361, %lt3A_1363 : i1
      %and3A_1365 = arith.andi %ne3A_1364, %ne3A_1359 : i1
      %add3A_1366 = arith.addi %rem3A_1357, %select_n3A_1356 : i32
      %select_n3A_1367 = arith.select %and3A_1365, %add3A_1366, %rem3A_1357 : i32
      %mul3A_1368 = arith.constant 64 : i32
      %mul3A_1369 = arith.muli %select_n3A_1367, %mul3A_1368 : i32
      %add3A_1370 = arith.constant 48 : i32
      %add3A_1371 = arith.addi %mul3A_1369, %add3A_1370 : i32
      %multiple_of3A_1372 = tpu.assume_multiple %add3A_1371, 16 : i32
      %swap3A_1373 = arith.index_cast %multiple_of3A_1372 : i32 to index
      %swap3A_1374 = tpu.vector_load %arg12[%swap3A_1373] {strides = array<i32>} : memref<256xf32, #tpu.memory_space<vmem>>, vector<16xf32>,
      tpu.vector_store %arg12[%swap3A_1373], %add3A_1351 {strides = array<i32>} : memref<256xf32, #tpu.memory_space<vmem>>, vector<16xf32>,
      %lt3A_1375 = arith.constant 15 : i32
      %lt3A_1376 = arith.cmpi slt, %scan3A_45, %lt3A_1375 : i32
      %convert_element_type3A_1377 = arith.extui %lt3A_1376 : i1 to i32
      %cond3A_1378 = arith.constant 0 : i32
      %cond3A_1379 = arith.cmpi ne, %convert_element_type3A_1377, %cond3A_1378 : i32
      scf.if %cond3A_1379 {
        %add3A_2700 = arith.constant 2 : i32
        %add3A_2701 = arith.addi %mul3A_47, %add3A_2700 : i32
        %add3A_2702 = arith.addi %mul3A_34, %add3A_2701 : i32
        %broadcast_in_dim3A_2703 = vector.broadcast %add3A_2702 : i32 to vector<16xi32>
        %gather3A_2704 = tpu.vector_load_idx %arg6[%broadcast_in_dim3A_2703] : memref<128xi32, #tpu.memory_space<vmem>>[vector<16xi32>], vector<16xi32>,
        %swap3A_2705 = arith.constant 0 : index
        %swap3A_2706 = tpu.vector_load %arg7[%swap3A_2705] {strides = array<i32>} : memref<32xi32, #tpu.memory_space<vmem>>, vector<16xi32>,
        tpu.vector_store %arg7[%swap3A_2705], %gather3A_2704 {strides = array<i32>} : memref<32xi32, #tpu.memory_space<vmem>>, vector<16xi32>,
        %dma_start3A_2707 = arith.constant 0 : i32
        %dma_start3A_2708 = tpu.memref_slice %arg7[%dma_start3A_2707] : memref<32xi32, #tpu.memory_space<vmem>> -> memref<1xi32, #tpu.memory_space<vmem>>
        %dma_start3A_2709 = arith.constant 0 : i32
        %dma_start3A_2710 = arith.constant 0 : i32
        %dma_start3A_2711 = tpu.memref_slice %arg4[%dma_start3A_2709, %dma_start3A_2710] : memref<1000x64000xf32, #tpu.memory_space<hbm>> -> memref<1000x64000xf32, #tpu.memory_space<hbm>>
        tpu.enqueue_indirect_dma source(%dma_start3A_2711 : memref<1000x64000xf32, #tpu.memory_space<hbm>>) target(%arg10 : memref<1x64000xf32, #tpu.memory_space<vmem>>) offsets(%dma_start3A_2708 : memref<1xi32, #tpu.memory_space<vmem>>) semaphore(%arg14 : memref<!tpu.dma_semaphore, #tpu.memory_space<semaphore_mem>>)
      } else {
      }
      %dma_wait3A_1380 = arith.constant 16 : i32
      %dma_wait3A_1381 = tpu.memref_slice %arg7[%dma_wait3A_1380] : memref<32xi32, #tpu.memory_space<vmem>> -> memref<1xi32, #tpu.memory_space<vmem>>
      %dma_wait3A_1382 = arith.constant 0 : i32
      %dma_wait3A_1383 = arith.constant 0 : i32
      %dma_wait3A_1384 = tpu.memref_slice %arg4[%dma_wait3A_1382, %dma_wait3A_1383] : memref<1000x64000xf32, #tpu.memory_space<hbm>> -> memref<1000x64000xf32, #tpu.memory_space<hbm>>
      tpu.wait_indirect_dma semaphore(%arg15 : memref<!tpu.dma_semaphore, #tpu.memory_space<semaphore_mem>>) src(%dma_wait3A_1384 : memref<1000x64000xf32, #tpu.memory_space<hbm>>) dst(%arg11 : memref<1x64000xf32, #tpu.memory_space<vmem>>)
      %dma_wait3A_1385 = arith.constant 0 : i32
      %dma_wait3A_1386 = tpu.memref_slice %arg2[%add3A_58, %dma_wait3A_1385] : memref<1024x1024xf32, #tpu.memory_space<hbm>> -> memref<1x1024xf32, #tpu.memory_space<hbm>>
      %dma_wait3A_1387 = tpu.memref_squeeze %dma_wait3A_1386 : memref<1x1024xf32, #tpu.memory_space<hbm>> -> memref<1024xf32, #tpu.memory_space<hbm>>
      %dma_wait3A_1388 = arith.constant 0 : i32
      %dma_wait3A_1389 = tpu.memref_slice %arg2[%add3A_58, %dma_wait3A_1388] : memref<1024x1024xf32, #tpu.memory_space<hbm>> -> memref<1x1024xf32, #tpu.memory_space<hbm>>
      %dma_wait3A_1390 = tpu.memref_squeeze %dma_wait3A_1389 : memref<1x1024xf32, #tpu.memory_space<hbm>> -> memref<1024xf32, #tpu.memory_space<hbm>>
      tpu.wait_dma2 semaphore(%arg17 : memref<!tpu.dma_semaphore, #tpu.memory_space<semaphore_mem>>) src(%dma_wait3A_1390 : memref<1024xf32, #tpu.memory_space<hbm>>) dst(%arg9 : memref<1024xf32, #tpu.memory_space<vmem>>)
      %broadcast_in_dim3A_1391 = arith.constant 0.000000e+00 : f32
      %broadcast_in_dim3A_1392 = vector.broadcast %broadcast_in_dim3A_1391 : f32 to vector<16xf32>
      %broadcast_in_dim3A_1393 = arith.constant 0.000000e+00 : f32
      %broadcast_in_dim3A_1394 = vector.broadcast %broadcast_in_dim3A_1393 : f32 to vector<16xf32>
      %broadcast_in_dim3A_1395 = arith.constant 0.000000e+00 : f32
      %broadcast_in_dim3A_1396 = vector.broadcast %broadcast_in_dim3A_1395 : f32 to vector<16xf32>
      %broadcast_in_dim3A_1397 = arith.constant 0.000000e+00 : f32
      %broadcast_in_dim3A_1398 = vector.broadcast %broadcast_in_dim3A_1397 : f32 to vector<16xf32>
      %broadcast_in_dim3A_1399 = arith.constant 0.000000e+00 : f32
      %broadcast_in_dim3A_1400 = vector.broadcast %broadcast_in_dim3A_1399 : f32 to vector<16xf32>
      %broadcast_in_dim3A_1401 = arith.constant 0.000000e+00 : f32
      %broadcast_in_dim3A_1402 = vector.broadcast %broadcast_in_dim3A_1401 : f32 to vector<16xf32>
      %broadcast_in_dim3A_1403 = arith.constant 0.000000e+00 : f32
      %broadcast_in_dim3A_1404 = vector.broadcast %broadcast_in_dim3A_1403 : f32 to vector<16xf32>
      %broadcast_in_dim3A_1405 = arith.constant 0.000000e+00 : f32
      %broadcast_in_dim3A_1406 = vector.broadcast %broadcast_in_dim3A_1405 : f32 to vector<16xf32>
      %broadcast_in_dim3A_1407 = arith.constant 0.000000e+00 : f32
      %broadcast_in_dim3A_1408 = vector.broadcast %broadcast_in_dim3A_1407 : f32 to vector<16xf32>
      %broadcast_in_dim3A_1409 = arith.constant 0.000000e+00 : f32
      %broadcast_in_dim3A_1410 = vector.broadcast %broadcast_in_dim3A_1409 : f32 to vector<16xf32>
      %broadcast_in_dim3A_1411 = arith.constant 0.000000e+00 : f32
      %broadcast_in_dim3A_1412 = vector.broadcast %broadcast_in_dim3A_1411 : f32 to vector<16xf32>
      %broadcast_in_dim3A_1413 = arith.constant 0.000000e+00 : f32
      %broadcast_in_dim3A_1414 = vector.broadcast %broadcast_in_dim3A_1413 : f32 to vector<16xf32>
      %broadcast_in_dim3A_1415 = arith.constant 0.000000e+00 : f32
      %broadcast_in_dim3A_1416 = vector.broadcast %broadcast_in_dim3A_1415 : f32 to vector<16xf32>
      %broadcast_in_dim3A_1417 = arith.constant 0.000000e+00 : f32
      %broadcast_in_dim3A_1418 = vector.broadcast %broadcast_in_dim3A_1417 : f32 to vector<16xf32>
      %broadcast_in_dim3A_1419 = arith.constant 0.000000e+00 : f32
      %broadcast_in_dim3A_1420 = vector.broadcast %broadcast_in_dim3A_1419 : f32 to vector<16xf32>
      %broadcast_in_dim3A_1421 = arith.constant 0.000000e+00 : f32
      %broadcast_in_dim3A_1422 = vector.broadcast %broadcast_in_dim3A_1421 : f32 to vector<16xf32>
      %scan3A_1423 = arith.constant 0 : i32
      %scan3A_1424 = arith.constant 62 : i32
      %scan3A_1425 = arith.addi %scan3A_1423, %scan3A_1424 : i32
      %scan3A_1426 = arith.constant 1 : i32
      %scan3A_1427:16 = scf.for %scan3A_2700 = %scan3A_1423 to %scan3A_1425 step %scan3A_1426 iter_args(%scan3A_2701 = %broadcast_in_dim3A_1392, %scan3A_2702 = %broadcast_in_dim3A_1394, %scan3A_2703 = %broadcast_in_dim3A_1396, %scan3A_2704 = %broadcast_in_dim3A_1398, %scan3A_2705 = %broadcast_in_dim3A_1400, %scan3A_2706 = %broadcast_in_dim3A_1402, %scan3A_2707 = %broadcast_in_dim3A_1404, %scan3A_2708 = %broadcast_in_dim3A_1406, %scan3A_2709 = %broadcast_in_dim3A_1408, %scan3A_2710 = %broadcast_in_dim3A_1410, %scan3A_2711 = %broadcast_in_dim3A_1412, %scan3A_2712 = %broadcast_in_dim3A_1414, %scan3A_2713 = %broadcast_in_dim3A_1416, %scan3A_2714 = %broadcast_in_dim3A_1418, %scan3A_2715 = %broadcast_in_dim3A_1420, %scan3A_2716 = %broadcast_in_dim3A_1422) -> (vector<16xf32>, vector<16xf32>, vector<16xf32>, vector<16xf32>, vector<16xf32>, vector<16xf32>, vector<16xf32>, vector<16xf32>, vector<16xf32>, vector<16xf32>, vector<16xf32>, vector<16xf32>, vector<16xf32>, vector<16xf32>, vector<16xf32>, vector<16xf32>)  : i32 {
        %mul3A_2717 = arith.constant 16 : i32
        %mul3A_2718 = arith.muli %mul3A_2717, %scan3A_2700 : i32
        %multiple_of3A_2719 = tpu.assume_multiple %mul3A_2718, 16 : i32
        %get3A_2720 = arith.index_cast %multiple_of3A_2719 : i32 to index
        %get3A_2721 = tpu.vector_load %arg9[%get3A_2720] {strides = array<i32>} : memref<1024xf32, #tpu.memory_space<vmem>>, vector<16xf32>,
        %add3A_2722 = arith.constant 0 : i32
        %add3A_2723 = arith.addi %add3A_2722, %multiple_of3A_2719 : i32
        %get3A_2724 = arith.constant 0 : i32
        %get3A_2725 = arith.index_cast %get3A_2724 : i32 to index
        %get3A_2726 = arith.index_cast %add3A_2723 : i32 to index
        %get3A_2727 = tpu.vector_load %arg11[%get3A_2725, %get3A_2726] {strides = array<i32>} : memref<1x64000xf32, #tpu.memory_space<vmem>>, vector<16xf32>,
        %mul3A_2728 = arith.mulf %get3A_2727, %get3A_2721 : vector<16xf32>
        %add3A_2729 = arith.addf %scan3A_2701, %mul3A_2728 : vector<16xf32>
        %add3A_2730 = arith.constant 1000 : i32
        %add3A_2731 = arith.addi %add3A_2730, %multiple_of3A_2719 : i32
        %get3A_2732 = arith.constant 0 : i32
        %get3A_2733 = arith.index_cast %get3A_2732 : i32 to index
        %get3A_2734 = arith.index_cast %add3A_2731 : i32 to index
        %get3A_2735 = tpu.vector_load %arg11[%get3A_2733, %get3A_2734] {strides = array<i32>} : memref<1x64000xf32, #tpu.memory_space<vmem>>, vector<16xf32>,
        %mul3A_2736 = arith.mulf %get3A_2735, %get3A_2721 : vector<16xf32>
        %add3A_2737 = arith.addf %scan3A_2702, %mul3A_2736 : vector<16xf32>
        %add3A_2738 = arith.constant 2000 : i32
        %add3A_2739 = arith.addi %add3A_2738, %multiple_of3A_2719 : i32
        %get3A_2740 = arith.constant 0 : i32
        %get3A_2741 = arith.index_cast %get3A_2740 : i32 to index
        %get3A_2742 = arith.index_cast %add3A_2739 : i32 to index
        %get3A_2743 = tpu.vector_load %arg11[%get3A_2741, %get3A_2742] {strides = array<i32>} : memref<1x64000xf32, #tpu.memory_space<vmem>>, vector<16xf32>,
        %mul3A_2744 = arith.mulf %get3A_2743, %get3A_2721 : vector<16xf32>
        %add3A_2745 = arith.addf %scan3A_2703, %mul3A_2744 : vector<16xf32>
        %add3A_2746 = arith.constant 3000 : i32
        %add3A_2747 = arith.addi %add3A_2746, %multiple_of3A_2719 : i32
        %get3A_2748 = arith.constant 0 : i32
        %get3A_2749 = arith.index_cast %get3A_2748 : i32 to index
        %get3A_2750 = arith.index_cast %add3A_2747 : i32 to index
        %get3A_2751 = tpu.vector_load %arg11[%get3A_2749, %get3A_2750] {strides = array<i32>} : memref<1x64000xf32, #tpu.memory_space<vmem>>, vector<16xf32>,
        %mul3A_2752 = arith.mulf %get3A_2751, %get3A_2721 : vector<16xf32>
        %add3A_2753 = arith.addf %scan3A_2704, %mul3A_2752 : vector<16xf32>
        %add3A_2754 = arith.constant 4000 : i32
        %add3A_2755 = arith.addi %add3A_2754, %multiple_of3A_2719 : i32
        %get3A_2756 = arith.constant 0 : i32
        %get3A_2757 = arith.index_cast %get3A_2756 : i32 to index
        %get3A_2758 = arith.index_cast %add3A_2755 : i32 to index
        %get3A_2759 = tpu.vector_load %arg11[%get3A_2757, %get3A_2758] {strides = array<i32>} : memref<1x64000xf32, #tpu.memory_space<vmem>>, vector<16xf32>,
        %mul3A_2760 = arith.mulf %get3A_2759, %get3A_2721 : vector<16xf32>
        %add3A_2761 = arith.addf %scan3A_2705, %mul3A_2760 : vector<16xf32>
        %add3A_2762 = arith.constant 5000 : i32
        %add3A_2763 = arith.addi %add3A_2762, %multiple_of3A_2719 : i32
        %get3A_2764 = arith.constant 0 : i32
        %get3A_2765 = arith.index_cast %get3A_2764 : i32 to index
        %get3A_2766 = arith.index_cast %add3A_2763 : i32 to index
        %get3A_2767 = tpu.vector_load %arg11[%get3A_2765, %get3A_2766] {strides = array<i32>} : memref<1x64000xf32, #tpu.memory_space<vmem>>, vector<16xf32>,
        %mul3A_2768 = arith.mulf %get3A_2767, %get3A_2721 : vector<16xf32>
        %add3A_2769 = arith.addf %scan3A_2706, %mul3A_2768 : vector<16xf32>
        %add3A_2770 = arith.constant 6000 : i32
        %add3A_2771 = arith.addi %add3A_2770, %multiple_of3A_2719 : i32
        %get3A_2772 = arith.constant 0 : i32
        %get3A_2773 = arith.index_cast %get3A_2772 : i32 to index
        %get3A_2774 = arith.index_cast %add3A_2771 : i32 to index
        %get3A_2775 = tpu.vector_load %arg11[%get3A_2773, %get3A_2774] {strides = array<i32>} : memref<1x64000xf32, #tpu.memory_space<vmem>>, vector<16xf32>,
        %mul3A_2776 = arith.mulf %get3A_2775, %get3A_2721 : vector<16xf32>
        %add3A_2777 = arith.addf %scan3A_2707, %mul3A_2776 : vector<16xf32>
        %add3A_2778 = arith.constant 7000 : i32
        %add3A_2779 = arith.addi %add3A_2778, %multiple_of3A_2719 : i32
        %get3A_2780 = arith.constant 0 : i32
        %get3A_2781 = arith.index_cast %get3A_2780 : i32 to index
        %get3A_2782 = arith.index_cast %add3A_2779 : i32 to index
        %get3A_2783 = tpu.vector_load %arg11[%get3A_2781, %get3A_2782] {strides = array<i32>} : memref<1x64000xf32, #tpu.memory_space<vmem>>, vector<16xf32>,
        %mul3A_2784 = arith.mulf %get3A_2783, %get3A_2721 : vector<16xf32>
        %add3A_2785 = arith.addf %scan3A_2708, %mul3A_2784 : vector<16xf32>
        %add3A_2786 = arith.constant 8000 : i32
        %add3A_2787 = arith.addi %add3A_2786, %multiple_of3A_2719 : i32
        %get3A_2788 = arith.constant 0 : i32
        %get3A_2789 = arith.index_cast %get3A_2788 : i32 to index
        %get3A_2790 = arith.index_cast %add3A_2787 : i32 to index
        %get3A_2791 = tpu.vector_load %arg11[%get3A_2789, %get3A_2790] {strides = array<i32>} : memref<1x64000xf32, #tpu.memory_space<vmem>>, vector<16xf32>,
        %mul3A_2792 = arith.mulf %get3A_2791, %get3A_2721 : vector<16xf32>
        %add3A_2793 = arith.addf %scan3A_2709, %mul3A_2792 : vector<16xf32>
        %add3A_2794 = arith.constant 9000 : i32
        %add3A_2795 = arith.addi %add3A_2794, %multiple_of3A_2719 : i32
        %get3A_2796 = arith.constant 0 : i32
        %get3A_2797 = arith.index_cast %get3A_2796 : i32 to index
        %get3A_2798 = arith.index_cast %add3A_2795 : i32 to index
        %get3A_2799 = tpu.vector_load %arg11[%get3A_2797, %get3A_2798] {strides = array<i32>} : memref<1x64000xf32, #tpu.memory_space<vmem>>, vector<16xf32>,
        %mul3A_2800 = arith.mulf %get3A_2799, %get3A_2721 : vector<16xf32>
        %add3A_2801 = arith.addf %scan3A_2710, %mul3A_2800 : vector<16xf32>
        %add3A_2802 = arith.constant 10000 : i32
        %add3A_2803 = arith.addi %add3A_2802, %multiple_of3A_2719 : i32
        %get3A_2804 = arith.constant 0 : i32
        %get3A_2805 = arith.index_cast %get3A_2804 : i32 to index
        %get3A_2806 = arith.index_cast %add3A_2803 : i32 to index
        %get3A_2807 = tpu.vector_load %arg11[%get3A_2805, %get3A_2806] {strides = array<i32>} : memref<1x64000xf32, #tpu.memory_space<vmem>>, vector<16xf32>,
        %mul3A_2808 = arith.mulf %get3A_2807, %get3A_2721 : vector<16xf32>
        %add3A_2809 = arith.addf %scan3A_2711, %mul3A_2808 : vector<16xf32>
        %add3A_2810 = arith.constant 11000 : i32
        %add3A_2811 = arith.addi %add3A_2810, %multiple_of3A_2719 : i32
        %get3A_2812 = arith.constant 0 : i32
        %get3A_2813 = arith.index_cast %get3A_2812 : i32 to index
        %get3A_2814 = arith.index_cast %add3A_2811 : i32 to index
        %get3A_2815 = tpu.vector_load %arg11[%get3A_2813, %get3A_2814] {strides = array<i32>} : memref<1x64000xf32, #tpu.memory_space<vmem>>, vector<16xf32>,
        %mul3A_2816 = arith.mulf %get3A_2815, %get3A_2721 : vector<16xf32>
        %add3A_2817 = arith.addf %scan3A_2712, %mul3A_2816 : vector<16xf32>
        %add3A_2818 = arith.constant 12000 : i32
        %add3A_2819 = arith.addi %add3A_2818, %multiple_of3A_2719 : i32
        %get3A_2820 = arith.constant 0 : i32
        %get3A_2821 = arith.index_cast %get3A_2820 : i32 to index
        %get3A_2822 = arith.index_cast %add3A_2819 : i32 to index
        %get3A_2823 = tpu.vector_load %arg11[%get3A_2821, %get3A_2822] {strides = array<i32>} : memref<1x64000xf32, #tpu.memory_space<vmem>>, vector<16xf32>,
        %mul3A_2824 = arith.mulf %get3A_2823, %get3A_2721 : vector<16xf32>
        %add3A_2825 = arith.addf %scan3A_2713, %mul3A_2824 : vector<16xf32>
        %add3A_2826 = arith.constant 13000 : i32
        %add3A_2827 = arith.addi %add3A_2826, %multiple_of3A_2719 : i32
        %get3A_2828 = arith.constant 0 : i32
        %get3A_2829 = arith.index_cast %get3A_2828 : i32 to index
        %get3A_2830 = arith.index_cast %add3A_2827 : i32 to index
        %get3A_2831 = tpu.vector_load %arg11[%get3A_2829, %get3A_2830] {strides = array<i32>} : memref<1x64000xf32, #tpu.memory_space<vmem>>, vector<16xf32>,
        %mul3A_2832 = arith.mulf %get3A_2831, %get3A_2721 : vector<16xf32>
        %add3A_2833 = arith.addf %scan3A_2714, %mul3A_2832 : vector<16xf32>
        %add3A_2834 = arith.constant 14000 : i32
        %add3A_2835 = arith.addi %add3A_2834, %multiple_of3A_2719 : i32
        %get3A_2836 = arith.constant 0 : i32
        %get3A_2837 = arith.index_cast %get3A_2836 : i32 to index
        %get3A_2838 = arith.index_cast %add3A_2835 : i32 to index
        %get3A_2839 = tpu.vector_load %arg11[%get3A_2837, %get3A_2838] {strides = array<i32>} : memref<1x64000xf32, #tpu.memory_space<vmem>>, vector<16xf32>,
        %mul3A_2840 = arith.mulf %get3A_2839, %get3A_2721 : vector<16xf32>
        %add3A_2841 = arith.addf %scan3A_2715, %mul3A_2840 : vector<16xf32>
        %add3A_2842 = arith.constant 15000 : i32
        %add3A_2843 = arith.addi %add3A_2842, %multiple_of3A_2719 : i32
        %get3A_2844 = arith.constant 0 : i32
        %get3A_2845 = arith.index_cast %get3A_2844 : i32 to index
        %get3A_2846 = arith.index_cast %add3A_2843 : i32 to index
        %get3A_2847 = tpu.vector_load %arg11[%get3A_2845, %get3A_2846] {strides = array<i32>} : memref<1x64000xf32, #tpu.memory_space<vmem>>, vector<16xf32>,
        %mul3A_2848 = arith.mulf %get3A_2847, %get3A_2721 : vector<16xf32>
        %add3A_2849 = arith.addf %scan3A_2716, %mul3A_2848 : vector<16xf32>
        scf.yield %add3A_2729, %add3A_2737, %add3A_2745, %add3A_2753, %add3A_2761, %add3A_2769, %add3A_2777, %add3A_2785, %add3A_2793, %add3A_2801, %add3A_2809, %add3A_2817, %add3A_2825, %add3A_2833, %add3A_2841, %add3A_2849 : vector<16xf32>, vector<16xf32>, vector<16xf32>, vector<16xf32>, vector<16xf32>, vector<16xf32>, vector<16xf32>, vector<16xf32>, vector<16xf32>, vector<16xf32>, vector<16xf32>, vector<16xf32>, vector<16xf32>, vector<16xf32>, vector<16xf32>, vector<16xf32>
      }
      %scan3A_1428 = arith.constant 62 : i32
      %get3A_1429 = arith.constant 984 : index
      %get3A_1430 = tpu.vector_load %arg9[%get3A_1429] {strides = array<i32>} : memref<1024xf32, #tpu.memory_space<vmem>>, vector<16xf32>,
      %mul3A_1431 = arith.mulf %get3A_1430, %convert_element_type3A_39 : vector<16xf32>
      %get3A_1432 = arith.constant 0 : i32
      %get3A_1433 = arith.index_cast %get3A_1432 : i32 to index
      %get3A_1434 = arith.constant 984 : index
      %get3A_1435 = tpu.vector_load %arg11[%get3A_1433, %get3A_1434] {strides = array<i32>} : memref<1x64000xf32, #tpu.memory_space<vmem>>, vector<16xf32>,
      %mul3A_1436 = arith.mulf %get3A_1435, %mul3A_1431 : vector<16xf32>
      %add3A_1437 = arith.addf %scan3A_1427#0, %mul3A_1436 : vector<16xf32>
      %swap3A_1438 = arith.constant 0 : index
      %swap3A_1439 = tpu.vector_load %arg13[%swap3A_1438] {strides = array<i32>} : memref<256xf32, #tpu.memory_space<vmem>>, vector<16xf32>,
      tpu.vector_store %arg13[%swap3A_1438], %add3A_1437 {strides = array<i32>} : memref<256xf32, #tpu.memory_space<vmem>>, vector<16xf32>,
      %get3A_1440 = arith.constant 0 : i32
      %get3A_1441 = arith.index_cast %get3A_1440 : i32 to index
      %get3A_1442 = arith.constant 1984 : index
      %get3A_1443 = tpu.vector_load %arg11[%get3A_1441, %get3A_1442] {strides = array<i32>} : memref<1x64000xf32, #tpu.memory_space<vmem>>, vector<16xf32>,
      %mul3A_1444 = arith.mulf %get3A_1443, %mul3A_1431 : vector<16xf32>
      %add3A_1445 = arith.addf %scan3A_1427#1, %mul3A_1444 : vector<16xf32>
      %swap3A_1446 = arith.constant 16 : index
      %swap3A_1447 = tpu.vector_load %arg13[%swap3A_1446] {strides = array<i32>} : memref<256xf32, #tpu.memory_space<vmem>>, vector<16xf32>,
      tpu.vector_store %arg13[%swap3A_1446], %add3A_1445 {strides = array<i32>} : memref<256xf32, #tpu.memory_space<vmem>>, vector<16xf32>,
      %get3A_1448 = arith.constant 0 : i32
      %get3A_1449 = arith.index_cast %get3A_1448 : i32 to index
      %get3A_1450 = arith.constant 2984 : index
      %get3A_1451 = tpu.vector_load %arg11[%get3A_1449, %get3A_1450] {strides = array<i32>} : memref<1x64000xf32, #tpu.memory_space<vmem>>, vector<16xf32>,
      %mul3A_1452 = arith.mulf %get3A_1451, %mul3A_1431 : vector<16xf32>
      %add3A_1453 = arith.addf %scan3A_1427#2, %mul3A_1452 : vector<16xf32>
      %swap3A_1454 = arith.constant 32 : index
      %swap3A_1455 = tpu.vector_load %arg13[%swap3A_1454] {strides = array<i32>} : memref<256xf32, #tpu.memory_space<vmem>>, vector<16xf32>,
      tpu.vector_store %arg13[%swap3A_1454], %add3A_1453 {strides = array<i32>} : memref<256xf32, #tpu.memory_space<vmem>>, vector<16xf32>,
      %get3A_1456 = arith.constant 0 : i32
      %get3A_1457 = arith.index_cast %get3A_1456 : i32 to index
      %get3A_1458 = arith.constant 3984 : index
      %get3A_1459 = tpu.vector_load %arg11[%get3A_1457, %get3A_1458] {strides = array<i32>} : memref<1x64000xf32, #tpu.memory_space<vmem>>, vector<16xf32>,
      %mul3A_1460 = arith.mulf %get3A_1459, %mul3A_1431 : vector<16xf32>
      %add3A_1461 = arith.addf %scan3A_1427#3, %mul3A_1460 : vector<16xf32>
      %swap3A_1462 = arith.constant 48 : index
      %swap3A_1463 = tpu.vector_load %arg13[%swap3A_1462] {strides = array<i32>} : memref<256xf32, #tpu.memory_space<vmem>>, vector<16xf32>,
      tpu.vector_store %arg13[%swap3A_1462], %add3A_1461 {strides = array<i32>} : memref<256xf32, #tpu.memory_space<vmem>>, vector<16xf32>,
      %get3A_1464 = arith.constant 0 : i32
      %get3A_1465 = arith.index_cast %get3A_1464 : i32 to index
      %get3A_1466 = arith.constant 4984 : index
      %get3A_1467 = tpu.vector_load %arg11[%get3A_1465, %get3A_1466] {strides = array<i32>} : memref<1x64000xf32, #tpu.memory_space<vmem>>, vector<16xf32>,
      %mul3A_1468 = arith.mulf %get3A_1467, %mul3A_1431 : vector<16xf32>
      %add3A_1469 = arith.addf %scan3A_1427#4, %mul3A_1468 : vector<16xf32>
      %swap3A_1470 = arith.constant 64 : index
      %swap3A_1471 = tpu.vector_load %arg13[%swap3A_1470] {strides = array<i32>} : memref<256xf32, #tpu.memory_space<vmem>>, vector<16xf32>,
      tpu.vector_store %arg13[%swap3A_1470], %add3A_1469 {strides = array<i32>} : memref<256xf32, #tpu.memory_space<vmem>>, vector<16xf32>,
      %get3A_1472 = arith.constant 0 : i32
      %get3A_1473 = arith.index_cast %get3A_1472 : i32 to index
      %get3A_1474 = arith.constant 5984 : index
      %get3A_1475 = tpu.vector_load %arg11[%get3A_1473, %get3A_1474] {strides = array<i32>} : memref<1x64000xf32, #tpu.memory_space<vmem>>, vector<16xf32>,
      %mul3A_1476 = arith.mulf %get3A_1475, %mul3A_1431 : vector<16xf32>
      %add3A_1477 = arith.addf %scan3A_1427#5, %mul3A_1476 : vector<16xf32>
      %swap3A_1478 = arith.constant 80 : index
      %swap3A_1479 = tpu.vector_load %arg13[%swap3A_1478] {strides = array<i32>} : memref<256xf32, #tpu.memory_space<vmem>>, vector<16xf32>,
      tpu.vector_store %arg13[%swap3A_1478], %add3A_1477 {strides = array<i32>} : memref<256xf32, #tpu.memory_space<vmem>>, vector<16xf32>,
      %get3A_1480 = arith.constant 0 : i32
      %get3A_1481 = arith.index_cast %get3A_1480 : i32 to index
      %get3A_1482 = arith.constant 6984 : index
      %get3A_1483 = tpu.vector_load %arg11[%get3A_1481, %get3A_1482] {strides = array<i32>} : memref<1x64000xf32, #tpu.memory_space<vmem>>, vector<16xf32>,
      %mul3A_1484 = arith.mulf %get3A_1483, %mul3A_1431 : vector<16xf32>
      %add3A_1485 = arith.addf %scan3A_1427#6, %mul3A_1484 : vector<16xf32>
      %swap3A_1486 = arith.constant 96 : index
      %swap3A_1487 = tpu.vector_load %arg13[%swap3A_1486] {strides = array<i32>} : memref<256xf32, #tpu.memory_space<vmem>>, vector<16xf32>,
      tpu.vector_store %arg13[%swap3A_1486], %add3A_1485 {strides = array<i32>} : memref<256xf32, #tpu.memory_space<vmem>>, vector<16xf32>,
      %get3A_1488 = arith.constant 0 : i32
      %get3A_1489 = arith.index_cast %get3A_1488 : i32 to index
      %get3A_1490 = arith.constant 7984 : index
      %get3A_1491 = tpu.vector_load %arg11[%get3A_1489, %get3A_1490] {strides = array<i32>} : memref<1x64000xf32, #tpu.memory_space<vmem>>, vector<16xf32>,
      %mul3A_1492 = arith.mulf %get3A_1491, %mul3A_1431 : vector<16xf32>
      %add3A_1493 = arith.addf %scan3A_1427#7, %mul3A_1492 : vector<16xf32>
      %swap3A_1494 = arith.constant 112 : index
      %swap3A_1495 = tpu.vector_load %arg13[%swap3A_1494] {strides = array<i32>} : memref<256xf32, #tpu.memory_space<vmem>>, vector<16xf32>,
      tpu.vector_store %arg13[%swap3A_1494], %add3A_1493 {strides = array<i32>} : memref<256xf32, #tpu.memory_space<vmem>>, vector<16xf32>,
      %get3A_1496 = arith.constant 0 : i32
      %get3A_1497 = arith.index_cast %get3A_1496 : i32 to index
      %get3A_1498 = arith.constant 8984 : index
      %get3A_1499 = tpu.vector_load %arg11[%get3A_1497, %get3A_1498] {strides = array<i32>} : memref<1x64000xf32, #tpu.memory_space<vmem>>, vector<16xf32>,
      %mul3A_1500 = arith.mulf %get3A_1499, %mul3A_1431 : vector<16xf32>
      %add3A_1501 = arith.addf %scan3A_1427#8, %mul3A_1500 : vector<16xf32>
      %swap3A_1502 = arith.constant 128 : index
      %swap3A_1503 = tpu.vector_load %arg13[%swap3A_1502] {strides = array<i32>} : memref<256xf32, #tpu.memory_space<vmem>>, vector<16xf32>,
      tpu.vector_store %arg13[%swap3A_1502], %add3A_1501 {strides = array<i32>} : memref<256xf32, #tpu.memory_space<vmem>>, vector<16xf32>,
      %get3A_1504 = arith.constant 0 : i32
      %get3A_1505 = arith.index_cast %get3A_1504 : i32 to index
      %get3A_1506 = arith.constant 9984 : index
      %get3A_1507 = tpu.vector_load %arg11[%get3A_1505, %get3A_1506] {strides = array<i32>} : memref<1x64000xf32, #tpu.memory_space<vmem>>, vector<16xf32>,
      %mul3A_1508 = arith.mulf %get3A_1507, %mul3A_1431 : vector<16xf32>
      %add3A_1509 = arith.addf %scan3A_1427#9, %mul3A_1508 : vector<16xf32>
      %swap3A_1510 = arith.constant 144 : index
      %swap3A_1511 = tpu.vector_load %arg13[%swap3A_1510] {strides = array<i32>} : memref<256xf32, #tpu.memory_space<vmem>>, vector<16xf32>,
      tpu.vector_store %arg13[%swap3A_1510], %add3A_1509 {strides = array<i32>} : memref<256xf32, #tpu.memory_space<vmem>>, vector<16xf32>,
      %get3A_1512 = arith.constant 0 : i32
      %get3A_1513 = arith.index_cast %get3A_1512 : i32 to index
      %get3A_1514 = arith.constant 10984 : index
      %get3A_1515 = tpu.vector_load %arg11[%get3A_1513, %get3A_1514] {strides = array<i32>} : memref<1x64000xf32, #tpu.memory_space<vmem>>, vector<16xf32>,
      %mul3A_1516 = arith.mulf %get3A_1515, %mul3A_1431 : vector<16xf32>
      %add3A_1517 = arith.addf %scan3A_1427#10, %mul3A_1516 : vector<16xf32>
      %swap3A_1518 = arith.constant 160 : index
      %swap3A_1519 = tpu.vector_load %arg13[%swap3A_1518] {strides = array<i32>} : memref<256xf32, #tpu.memory_space<vmem>>, vector<16xf32>,
      tpu.vector_store %arg13[%swap3A_1518], %add3A_1517 {strides = array<i32>} : memref<256xf32, #tpu.memory_space<vmem>>, vector<16xf32>,
      %get3A_1520 = arith.constant 0 : i32
      %get3A_1521 = arith.index_cast %get3A_1520 : i32 to index
      %get3A_1522 = arith.constant 11984 : index
      %get3A_1523 = tpu.vector_load %arg11[%get3A_1521, %get3A_1522] {strides = array<i32>} : memref<1x64000xf32, #tpu.memory_space<vmem>>, vector<16xf32>,
      %mul3A_1524 = arith.mulf %get3A_1523, %mul3A_1431 : vector<16xf32>
      %add3A_1525 = arith.addf %scan3A_1427#11, %mul3A_1524 : vector<16xf32>
      %swap3A_1526 = arith.constant 176 : index
      %swap3A_1527 = tpu.vector_load %arg13[%swap3A_1526] {strides = array<i32>} : memref<256xf32, #tpu.memory_space<vmem>>, vector<16xf32>,
      tpu.vector_store %arg13[%swap3A_1526], %add3A_1525 {strides = array<i32>} : memref<256xf32, #tpu.memory_space<vmem>>, vector<16xf32>,
      %get3A_1528 = arith.constant 0 : i32
      %get3A_1529 = arith.index_cast %get3A_1528 : i32 to index
      %get3A_1530 = arith.constant 12984 : index
      %get3A_1531 = tpu.vector_load %arg11[%get3A_1529, %get3A_1530] {strides = array<i32>} : memref<1x64000xf32, #tpu.memory_space<vmem>>, vector<16xf32>,
      %mul3A_1532 = arith.mulf %get3A_1531, %mul3A_1431 : vector<16xf32>
      %add3A_1533 = arith.addf %scan3A_1427#12, %mul3A_1532 : vector<16xf32>
      %swap3A_1534 = arith.constant 192 : index
      %swap3A_1535 = tpu.vector_load %arg13[%swap3A_1534] {strides = array<i32>} : memref<256xf32, #tpu.memory_space<vmem>>, vector<16xf32>,
      tpu.vector_store %arg13[%swap3A_1534], %add3A_1533 {strides = array<i32>} : memref<256xf32, #tpu.memory_space<vmem>>, vector<16xf32>,
      %get3A_1536 = arith.constant 0 : i32
      %get3A_1537 = arith.index_cast %get3A_1536 : i32 to index
      %get3A_1538 = arith.constant 13984 : index
      %get3A_1539 = tpu.vector_load %arg11[%get3A_1537, %get3A_1538] {strides = array<i32>} : memref<1x64000xf32, #tpu.memory_space<vmem>>, vector<16xf32>,
      %mul3A_1540 = arith.mulf %get3A_1539, %mul3A_1431 : vector<16xf32>
      %add3A_1541 = arith.addf %scan3A_1427#13, %mul3A_1540 : vector<16xf32>
      %swap3A_1542 = arith.constant 208 : index
      %swap3A_1543 = tpu.vector_load %arg13[%swap3A_1542] {strides = array<i32>} : memref<256xf32, #tpu.memory_space<vmem>>, vector<16xf32>,
      tpu.vector_store %arg13[%swap3A_1542], %add3A_1541 {strides = array<i32>} : memref<256xf32, #tpu.memory_space<vmem>>, vector<16xf32>,
      %get3A_1544 = arith.constant 0 : i32
      %get3A_1545 = arith.index_cast %get3A_1544 : i32 to index
      %get3A_1546 = arith.constant 14984 : index
      %get3A_1547 = tpu.vector_load %arg11[%get3A_1545, %get3A_1546] {strides = array<i32>} : memref<1x64000xf32, #tpu.memory_space<vmem>>, vector<16xf32>,
      %mul3A_1548 = arith.mulf %get3A_1547, %mul3A_1431 : vector<16xf32>
      %add3A_1549 = arith.addf %scan3A_1427#14, %mul3A_1548 : vector<16xf32>
      %swap3A_1550 = arith.constant 224 : index
      %swap3A_1551 = tpu.vector_load %arg13[%swap3A_1550] {strides = array<i32>} : memref<256xf32, #tpu.memory_space<vmem>>, vector<16xf32>,
      tpu.vector_store %arg13[%swap3A_1550], %add3A_1549 {strides = array<i32>} : memref<256xf32, #tpu.memory_space<vmem>>, vector<16xf32>,
      %get3A_1552 = arith.constant 0 : i32
      %get3A_1553 = arith.index_cast %get3A_1552 : i32 to index
      %get3A_1554 = arith.constant 15984 : index
      %get3A_1555 = tpu.vector_load %arg11[%get3A_1553, %get3A_1554] {strides = array<i32>} : memref<1x64000xf32, #tpu.memory_space<vmem>>, vector<16xf32>,
      %mul3A_1556 = arith.mulf %get3A_1555, %mul3A_1431 : vector<16xf32>
      %add3A_1557 = arith.addf %scan3A_1427#15, %mul3A_1556 : vector<16xf32>
      %swap3A_1558 = arith.constant 240 : index
      %swap3A_1559 = tpu.vector_load %arg13[%swap3A_1558] {strides = array<i32>} : memref<256xf32, #tpu.memory_space<vmem>>, vector<16xf32>,
      tpu.vector_store %arg13[%swap3A_1558], %add3A_1557 {strides = array<i32>} : memref<256xf32, #tpu.memory_space<vmem>>, vector<16xf32>,
      %broadcast_in_dim3A_1560 = arith.constant 0.000000e+00 : f32
      %broadcast_in_dim3A_1561 = vector.broadcast %broadcast_in_dim3A_1560 : f32 to vector<16xf32>
      %mul3A_1562 = arith.constant 16 : i32
      %mul3A_1563 = vector.broadcast %mul3A_1562 : i32 to vector<16xi32>
      %mul3A_1564 = arith.muli %iota3A, %mul3A_1563 : vector<16xi32>
      %add3A_1565 = arith.constant 0 : i32
      %add3A_1566 = vector.broadcast %add3A_1565 : i32 to vector<16xi32>
      %add3A_1567 = arith.addi %mul3A_1564, %add3A_1566 : vector<16xi32>
      %gather3A_1568 = tpu.vector_load_idx %arg13[%add3A_1567] : memref<256xf32, #tpu.memory_space<vmem>>[vector<16xi32>], vector<16xf32>,
      %add3A_1569 = arith.addf %broadcast_in_dim3A_1561, %gather3A_1568 : vector<16xf32>
      %mul3A_1570 = arith.constant 16 : i32
      %mul3A_1571 = vector.broadcast %mul3A_1570 : i32 to vector<16xi32>
      %mul3A_1572 = arith.muli %iota3A, %mul3A_1571 : vector<16xi32>
      %add3A_1573 = arith.constant 1 : i32
      %add3A_1574 = vector.broadcast %add3A_1573 : i32 to vector<16xi32>
      %add3A_1575 = arith.addi %mul3A_1572, %add3A_1574 : vector<16xi32>
      %gather3A_1576 = tpu.vector_load_idx %arg13[%add3A_1575] : memref<256xf32, #tpu.memory_space<vmem>>[vector<16xi32>], vector<16xf32>,
      %add3A_1577 = arith.addf %add3A_1569, %gather3A_1576 : vector<16xf32>
      %mul3A_1578 = arith.constant 16 : i32
      %mul3A_1579 = vector.broadcast %mul3A_1578 : i32 to vector<16xi32>
      %mul3A_1580 = arith.muli %iota3A, %mul3A_1579 : vector<16xi32>
      %add3A_1581 = arith.constant 2 : i32
      %add3A_1582 = vector.broadcast %add3A_1581 : i32 to vector<16xi32>
      %add3A_1583 = arith.addi %mul3A_1580, %add3A_1582 : vector<16xi32>
      %gather3A_1584 = tpu.vector_load_idx %arg13[%add3A_1583] : memref<256xf32, #tpu.memory_space<vmem>>[vector<16xi32>], vector<16xf32>,
      %add3A_1585 = arith.addf %add3A_1577, %gather3A_1584 : vector<16xf32>
      %mul3A_1586 = arith.constant 16 : i32
      %mul3A_1587 = vector.broadcast %mul3A_1586 : i32 to vector<16xi32>
      %mul3A_1588 = arith.muli %iota3A, %mul3A_1587 : vector<16xi32>
      %add3A_1589 = arith.constant 3 : i32
      %add3A_1590 = vector.broadcast %add3A_1589 : i32 to vector<16xi32>
      %add3A_1591 = arith.addi %mul3A_1588, %add3A_1590 : vector<16xi32>
      %gather3A_1592 = tpu.vector_load_idx %arg13[%add3A_1591] : memref<256xf32, #tpu.memory_space<vmem>>[vector<16xi32>], vector<16xf32>,
      %add3A_1593 = arith.addf %add3A_1585, %gather3A_1592 : vector<16xf32>
      %mul3A_1594 = arith.constant 16 : i32
      %mul3A_1595 = vector.broadcast %mul3A_1594 : i32 to vector<16xi32>
      %mul3A_1596 = arith.muli %iota3A, %mul3A_1595 : vector<16xi32>
      %add3A_1597 = arith.constant 4 : i32
      %add3A_1598 = vector.broadcast %add3A_1597 : i32 to vector<16xi32>
      %add3A_1599 = arith.addi %mul3A_1596, %add3A_1598 : vector<16xi32>
      %gather3A_1600 = tpu.vector_load_idx %arg13[%add3A_1599] : memref<256xf32, #tpu.memory_space<vmem>>[vector<16xi32>], vector<16xf32>,
      %add3A_1601 = arith.addf %add3A_1593, %gather3A_1600 : vector<16xf32>
      %mul3A_1602 = arith.constant 16 : i32
      %mul3A_1603 = vector.broadcast %mul3A_1602 : i32 to vector<16xi32>
      %mul3A_1604 = arith.muli %iota3A, %mul3A_1603 : vector<16xi32>
      %add3A_1605 = arith.constant 5 : i32
      %add3A_1606 = vector.broadcast %add3A_1605 : i32 to vector<16xi32>
      %add3A_1607 = arith.addi %mul3A_1604, %add3A_1606 : vector<16xi32>
      %gather3A_1608 = tpu.vector_load_idx %arg13[%add3A_1607] : memref<256xf32, #tpu.memory_space<vmem>>[vector<16xi32>], vector<16xf32>,
      %add3A_1609 = arith.addf %add3A_1601, %gather3A_1608 : vector<16xf32>
      %mul3A_1610 = arith.constant 16 : i32
      %mul3A_1611 = vector.broadcast %mul3A_1610 : i32 to vector<16xi32>
      %mul3A_1612 = arith.muli %iota3A, %mul3A_1611 : vector<16xi32>
      %add3A_1613 = arith.constant 6 : i32
      %add3A_1614 = vector.broadcast %add3A_1613 : i32 to vector<16xi32>
      %add3A_1615 = arith.addi %mul3A_1612, %add3A_1614 : vector<16xi32>
      %gather3A_1616 = tpu.vector_load_idx %arg13[%add3A_1615] : memref<256xf32, #tpu.memory_space<vmem>>[vector<16xi32>], vector<16xf32>,
      %add3A_1617 = arith.addf %add3A_1609, %gather3A_1616 : vector<16xf32>
      %mul3A_1618 = arith.constant 16 : i32
      %mul3A_1619 = vector.broadcast %mul3A_1618 : i32 to vector<16xi32>
      %mul3A_1620 = arith.muli %iota3A, %mul3A_1619 : vector<16xi32>
      %add3A_1621 = arith.constant 7 : i32
      %add3A_1622 = vector.broadcast %add3A_1621 : i32 to vector<16xi32>
      %add3A_1623 = arith.addi %mul3A_1620, %add3A_1622 : vector<16xi32>
      %gather3A_1624 = tpu.vector_load_idx %arg13[%add3A_1623] : memref<256xf32, #tpu.memory_space<vmem>>[vector<16xi32>], vector<16xf32>,
      %add3A_1625 = arith.addf %add3A_1617, %gather3A_1624 : vector<16xf32>
      %mul3A_1626 = arith.constant 16 : i32
      %mul3A_1627 = vector.broadcast %mul3A_1626 : i32 to vector<16xi32>
      %mul3A_1628 = arith.muli %iota3A, %mul3A_1627 : vector<16xi32>
      %add3A_1629 = arith.constant 8 : i32
      %add3A_1630 = vector.broadcast %add3A_1629 : i32 to vector<16xi32>
      %add3A_1631 = arith.addi %mul3A_1628, %add3A_1630 : vector<16xi32>
      %gather3A_1632 = tpu.vector_load_idx %arg13[%add3A_1631] : memref<256xf32, #tpu.memory_space<vmem>>[vector<16xi32>], vector<16xf32>,
      %add3A_1633 = arith.addf %add3A_1625, %gather3A_1632 : vector<16xf32>
      %mul3A_1634 = arith.constant 16 : i32
      %mul3A_1635 = vector.broadcast %mul3A_1634 : i32 to vector<16xi32>
      %mul3A_1636 = arith.muli %iota3A, %mul3A_1635 : vector<16xi32>
      %add3A_1637 = arith.constant 9 : i32
      %add3A_1638 = vector.broadcast %add3A_1637 : i32 to vector<16xi32>
      %add3A_1639 = arith.addi %mul3A_1636, %add3A_1638 : vector<16xi32>
      %gather3A_1640 = tpu.vector_load_idx %arg13[%add3A_1639] : memref<256xf32, #tpu.memory_space<vmem>>[vector<16xi32>], vector<16xf32>,
      %add3A_1641 = arith.addf %add3A_1633, %gather3A_1640 : vector<16xf32>
      %mul3A_1642 = arith.constant 16 : i32
      %mul3A_1643 = vector.broadcast %mul3A_1642 : i32 to vector<16xi32>
      %mul3A_1644 = arith.muli %iota3A, %mul3A_1643 : vector<16xi32>
      %add3A_1645 = arith.constant 10 : i32
      %add3A_1646 = vector.broadcast %add3A_1645 : i32 to vector<16xi32>
      %add3A_1647 = arith.addi %mul3A_1644, %add3A_1646 : vector<16xi32>
      %gather3A_1648 = tpu.vector_load_idx %arg13[%add3A_1647] : memref<256xf32, #tpu.memory_space<vmem>>[vector<16xi32>], vector<16xf32>,
      %add3A_1649 = arith.addf %add3A_1641, %gather3A_1648 : vector<16xf32>
      %mul3A_1650 = arith.constant 16 : i32
      %mul3A_1651 = vector.broadcast %mul3A_1650 : i32 to vector<16xi32>
      %mul3A_1652 = arith.muli %iota3A, %mul3A_1651 : vector<16xi32>
      %add3A_1653 = arith.constant 11 : i32
      %add3A_1654 = vector.broadcast %add3A_1653 : i32 to vector<16xi32>
      %add3A_1655 = arith.addi %mul3A_1652, %add3A_1654 : vector<16xi32>
      %gather3A_1656 = tpu.vector_load_idx %arg13[%add3A_1655] : memref<256xf32, #tpu.memory_space<vmem>>[vector<16xi32>], vector<16xf32>,
      %add3A_1657 = arith.addf %add3A_1649, %gather3A_1656 : vector<16xf32>
      %mul3A_1658 = arith.constant 16 : i32
      %mul3A_1659 = vector.broadcast %mul3A_1658 : i32 to vector<16xi32>
      %mul3A_1660 = arith.muli %iota3A, %mul3A_1659 : vector<16xi32>
      %add3A_1661 = arith.constant 12 : i32
      %add3A_1662 = vector.broadcast %add3A_1661 : i32 to vector<16xi32>
      %add3A_1663 = arith.addi %mul3A_1660, %add3A_1662 : vector<16xi32>
      %gather3A_1664 = tpu.vector_load_idx %arg13[%add3A_1663] : memref<256xf32, #tpu.memory_space<vmem>>[vector<16xi32>], vector<16xf32>,
      %add3A_1665 = arith.addf %add3A_1657, %gather3A_1664 : vector<16xf32>
      %mul3A_1666 = arith.constant 16 : i32
      %mul3A_1667 = vector.broadcast %mul3A_1666 : i32 to vector<16xi32>
      %mul3A_1668 = arith.muli %iota3A, %mul3A_1667 : vector<16xi32>
      %add3A_1669 = arith.constant 13 : i32
      %add3A_1670 = vector.broadcast %add3A_1669 : i32 to vector<16xi32>
      %add3A_1671 = arith.addi %mul3A_1668, %add3A_1670 : vector<16xi32>
      %gather3A_1672 = tpu.vector_load_idx %arg13[%add3A_1671] : memref<256xf32, #tpu.memory_space<vmem>>[vector<16xi32>], vector<16xf32>,
      %add3A_1673 = arith.addf %add3A_1665, %gather3A_1672 : vector<16xf32>
      %mul3A_1674 = arith.constant 16 : i32
      %mul3A_1675 = vector.broadcast %mul3A_1674 : i32 to vector<16xi32>
      %mul3A_1676 = arith.muli %iota3A, %mul3A_1675 : vector<16xi32>
      %add3A_1677 = arith.constant 14 : i32
      %add3A_1678 = vector.broadcast %add3A_1677 : i32 to vector<16xi32>
      %add3A_1679 = arith.addi %mul3A_1676, %add3A_1678 : vector<16xi32>
      %gather3A_1680 = tpu.vector_load_idx %arg13[%add3A_1679] : memref<256xf32, #tpu.memory_space<vmem>>[vector<16xi32>], vector<16xf32>,
      %add3A_1681 = arith.addf %add3A_1673, %gather3A_1680 : vector<16xf32>
      %mul3A_1682 = arith.constant 16 : i32
      %mul3A_1683 = vector.broadcast %mul3A_1682 : i32 to vector<16xi32>
      %mul3A_1684 = arith.muli %iota3A, %mul3A_1683 : vector<16xi32>
      %add3A_1685 = arith.constant 15 : i32
      %add3A_1686 = vector.broadcast %add3A_1685 : i32 to vector<16xi32>
      %add3A_1687 = arith.addi %mul3A_1684, %add3A_1686 : vector<16xi32>
      %gather3A_1688 = tpu.vector_load_idx %arg13[%add3A_1687] : memref<256xf32, #tpu.memory_space<vmem>>[vector<16xi32>], vector<16xf32>,
      %add3A_1689 = arith.addf %add3A_1681, %gather3A_1688 : vector<16xf32>
      %jit3A_1690 = arith.constant 4 : i32
      %eq3A_1691 = arith.constant 0 : i32
      %eq3A_1692 = arith.cmpi eq, %jit3A_1690, %eq3A_1691 : i32
      %jit3A_1693 = arith.constant 1 : i32
      %select_n3A_1694 = arith.select %eq3A_1692, %jit3A_1693, %jit3A_1690 : i32
      %rem3A_1695 = arith.remsi %add3A_51, %select_n3A_1694 : i32
      %ne3A_1696 = arith.constant 0 : i32
      %ne3A_1697 = arith.cmpi ne, %rem3A_1695, %ne3A_1696 : i32
      %lt3A_1698 = arith.constant 0 : i32
      %lt3A_1699 = arith.cmpi slt, %rem3A_1695, %lt3A_1698 : i32
      %lt3A_1700 = arith.constant 0 : i32
      %lt3A_1701 = arith.cmpi slt, %select_n3A_1694, %lt3A_1700 : i32
      %ne3A_1702 = arith.xori %lt3A_1699, %lt3A_1701 : i1
      %and3A_1703 = arith.andi %ne3A_1702, %ne3A_1697 : i1
      %add3A_1704 = arith.addi %rem3A_1695, %select_n3A_1694 : i32
      %select_n3A_1705 = arith.select %and3A_1703, %add3A_1704, %rem3A_1695 : i32
      %mul3A_1706 = arith.constant 64 : i32
      %mul3A_1707 = arith.muli %select_n3A_1705, %mul3A_1706 : i32
      %add3A_1708 = arith.constant 0 : i32
      %add3A_1709 = arith.addi %mul3A_1707, %add3A_1708 : i32
      %multiple_of3A_1710 = tpu.assume_multiple %add3A_1709, 16 : i32
      %swap3A_1711 = arith.index_cast %multiple_of3A_1710 : i32 to index
      %swap3A_1712 = tpu.vector_load %arg12[%swap3A_1711] {strides = array<i32>} : memref<256xf32, #tpu.memory_space<vmem>>, vector<16xf32>,
      tpu.vector_store %arg12[%swap3A_1711], %add3A_1689 {strides = array<i32>} : memref<256xf32, #tpu.memory_space<vmem>>, vector<16xf32>,
      %broadcast_in_dim3A_1713 = arith.constant 0.000000e+00 : f32
      %broadcast_in_dim3A_1714 = vector.broadcast %broadcast_in_dim3A_1713 : f32 to vector<16xf32>
      %broadcast_in_dim3A_1715 = arith.constant 0.000000e+00 : f32
      %broadcast_in_dim3A_1716 = vector.broadcast %broadcast_in_dim3A_1715 : f32 to vector<16xf32>
      %broadcast_in_dim3A_1717 = arith.constant 0.000000e+00 : f32
      %broadcast_in_dim3A_1718 = vector.broadcast %broadcast_in_dim3A_1717 : f32 to vector<16xf32>
      %broadcast_in_dim3A_1719 = arith.constant 0.000000e+00 : f32
      %broadcast_in_dim3A_1720 = vector.broadcast %broadcast_in_dim3A_1719 : f32 to vector<16xf32>
      %broadcast_in_dim3A_1721 = arith.constant 0.000000e+00 : f32
      %broadcast_in_dim3A_1722 = vector.broadcast %broadcast_in_dim3A_1721 : f32 to vector<16xf32>
      %broadcast_in_dim3A_1723 = arith.constant 0.000000e+00 : f32
      %broadcast_in_dim3A_1724 = vector.broadcast %broadcast_in_dim3A_1723 : f32 to vector<16xf32>
      %broadcast_in_dim3A_1725 = arith.constant 0.000000e+00 : f32
      %broadcast_in_dim3A_1726 = vector.broadcast %broadcast_in_dim3A_1725 : f32 to vector<16xf32>
      %broadcast_in_dim3A_1727 = arith.constant 0.000000e+00 : f32
      %broadcast_in_dim3A_1728 = vector.broadcast %broadcast_in_dim3A_1727 : f32 to vector<16xf32>
      %broadcast_in_dim3A_1729 = arith.constant 0.000000e+00 : f32
      %broadcast_in_dim3A_1730 = vector.broadcast %broadcast_in_dim3A_1729 : f32 to vector<16xf32>
      %broadcast_in_dim3A_1731 = arith.constant 0.000000e+00 : f32
      %broadcast_in_dim3A_1732 = vector.broadcast %broadcast_in_dim3A_1731 : f32 to vector<16xf32>
      %broadcast_in_dim3A_1733 = arith.constant 0.000000e+00 : f32
      %broadcast_in_dim3A_1734 = vector.broadcast %broadcast_in_dim3A_1733 : f32 to vector<16xf32>
      %broadcast_in_dim3A_1735 = arith.constant 0.000000e+00 : f32
      %broadcast_in_dim3A_1736 = vector.broadcast %broadcast_in_dim3A_1735 : f32 to vector<16xf32>
      %broadcast_in_dim3A_1737 = arith.constant 0.000000e+00 : f32
      %broadcast_in_dim3A_1738 = vector.broadcast %broadcast_in_dim3A_1737 : f32 to vector<16xf32>
      %broadcast_in_dim3A_1739 = arith.constant 0.000000e+00 : f32
      %broadcast_in_dim3A_1740 = vector.broadcast %broadcast_in_dim3A_1739 : f32 to vector<16xf32>
      %broadcast_in_dim3A_1741 = arith.constant 0.000000e+00 : f32
      %broadcast_in_dim3A_1742 = vector.broadcast %broadcast_in_dim3A_1741 : f32 to vector<16xf32>
      %broadcast_in_dim3A_1743 = arith.constant 0.000000e+00 : f32
      %broadcast_in_dim3A_1744 = vector.broadcast %broadcast_in_dim3A_1743 : f32 to vector<16xf32>
      %scan3A_1745 = arith.constant 0 : i32
      %scan3A_1746 = arith.constant 62 : i32
      %scan3A_1747 = arith.addi %scan3A_1745, %scan3A_1746 : i32
      %scan3A_1748 = arith.constant 1 : i32
      %scan3A_1749:16 = scf.for %scan3A_2700 = %scan3A_1745 to %scan3A_1747 step %scan3A_1748 iter_args(%scan3A_2701 = %broadcast_in_dim3A_1714, %scan3A_2702 = %broadcast_in_dim3A_1716, %scan3A_2703 = %broadcast_in_dim3A_1718, %scan3A_2704 = %broadcast_in_dim3A_1720, %scan3A_2705 = %broadcast_in_dim3A_1722, %scan3A_2706 = %broadcast_in_dim3A_1724, %scan3A_2707 = %broadcast_in_dim3A_1726, %scan3A_2708 = %broadcast_in_dim3A_1728, %scan3A_2709 = %broadcast_in_dim3A_1730, %scan3A_2710 = %broadcast_in_dim3A_1732, %scan3A_2711 = %broadcast_in_dim3A_1734, %scan3A_2712 = %broadcast_in_dim3A_1736, %scan3A_2713 = %broadcast_in_dim3A_1738, %scan3A_2714 = %broadcast_in_dim3A_1740, %scan3A_2715 = %broadcast_in_dim3A_1742, %scan3A_2716 = %broadcast_in_dim3A_1744) -> (vector<16xf32>, vector<16xf32>, vector<16xf32>, vector<16xf32>, vector<16xf32>, vector<16xf32>, vector<16xf32>, vector<16xf32>, vector<16xf32>, vector<16xf32>, vector<16xf32>, vector<16xf32>, vector<16xf32>, vector<16xf32>, vector<16xf32>, vector<16xf32>)  : i32 {
        %mul3A_2717 = arith.constant 16 : i32
        %mul3A_2718 = arith.muli %mul3A_2717, %scan3A_2700 : i32
        %multiple_of3A_2719 = tpu.assume_multiple %mul3A_2718, 16 : i32
        %get3A_2720 = arith.index_cast %multiple_of3A_2719 : i32 to index
        %get3A_2721 = tpu.vector_load %arg9[%get3A_2720] {strides = array<i32>} : memref<1024xf32, #tpu.memory_space<vmem>>, vector<16xf32>,
        %add3A_2722 = arith.constant 16000 : i32
        %add3A_2723 = arith.addi %add3A_2722, %multiple_of3A_2719 : i32
        %get3A_2724 = arith.constant 0 : i32
        %get3A_2725 = arith.index_cast %get3A_2724 : i32 to index
        %get3A_2726 = arith.index_cast %add3A_2723 : i32 to index
        %get3A_2727 = tpu.vector_load %arg11[%get3A_2725, %get3A_2726] {strides = array<i32>} : memref<1x64000xf32, #tpu.memory_space<vmem>>, vector<16xf32>,
        %mul3A_2728 = arith.mulf %get3A_2727, %get3A_2721 : vector<16xf32>
        %add3A_2729 = arith.addf %scan3A_2701, %mul3A_2728 : vector<16xf32>
        %add3A_2730 = arith.constant 17000 : i32
        %add3A_2731 = arith.addi %add3A_2730, %multiple_of3A_2719 : i32
        %get3A_2732 = arith.constant 0 : i32
        %get3A_2733 = arith.index_cast %get3A_2732 : i32 to index
        %get3A_2734 = arith.index_cast %add3A_2731 : i32 to index
        %get3A_2735 = tpu.vector_load %arg11[%get3A_2733, %get3A_2734] {strides = array<i32>} : memref<1x64000xf32, #tpu.memory_space<vmem>>, vector<16xf32>,
        %mul3A_2736 = arith.mulf %get3A_2735, %get3A_2721 : vector<16xf32>
        %add3A_2737 = arith.addf %scan3A_2702, %mul3A_2736 : vector<16xf32>
        %add3A_2738 = arith.constant 18000 : i32
        %add3A_2739 = arith.addi %add3A_2738, %multiple_of3A_2719 : i32
        %get3A_2740 = arith.constant 0 : i32
        %get3A_2741 = arith.index_cast %get3A_2740 : i32 to index
        %get3A_2742 = arith.index_cast %add3A_2739 : i32 to index
        %get3A_2743 = tpu.vector_load %arg11[%get3A_2741, %get3A_2742] {strides = array<i32>} : memref<1x64000xf32, #tpu.memory_space<vmem>>, vector<16xf32>,
        %mul3A_2744 = arith.mulf %get3A_2743, %get3A_2721 : vector<16xf32>
        %add3A_2745 = arith.addf %scan3A_2703, %mul3A_2744 : vector<16xf32>
        %add3A_2746 = arith.constant 19000 : i32
        %add3A_2747 = arith.addi %add3A_2746, %multiple_of3A_2719 : i32
        %get3A_2748 = arith.constant 0 : i32
        %get3A_2749 = arith.index_cast %get3A_2748 : i32 to index
        %get3A_2750 = arith.index_cast %add3A_2747 : i32 to index
        %get3A_2751 = tpu.vector_load %arg11[%get3A_2749, %get3A_2750] {strides = array<i32>} : memref<1x64000xf32, #tpu.memory_space<vmem>>, vector<16xf32>,
        %mul3A_2752 = arith.mulf %get3A_2751, %get3A_2721 : vector<16xf32>
        %add3A_2753 = arith.addf %scan3A_2704, %mul3A_2752 : vector<16xf32>
        %add3A_2754 = arith.constant 20000 : i32
        %add3A_2755 = arith.addi %add3A_2754, %multiple_of3A_2719 : i32
        %get3A_2756 = arith.constant 0 : i32
        %get3A_2757 = arith.index_cast %get3A_2756 : i32 to index
        %get3A_2758 = arith.index_cast %add3A_2755 : i32 to index
        %get3A_2759 = tpu.vector_load %arg11[%get3A_2757, %get3A_2758] {strides = array<i32>} : memref<1x64000xf32, #tpu.memory_space<vmem>>, vector<16xf32>,
        %mul3A_2760 = arith.mulf %get3A_2759, %get3A_2721 : vector<16xf32>
        %add3A_2761 = arith.addf %scan3A_2705, %mul3A_2760 : vector<16xf32>
        %add3A_2762 = arith.constant 21000 : i32
        %add3A_2763 = arith.addi %add3A_2762, %multiple_of3A_2719 : i32
        %get3A_2764 = arith.constant 0 : i32
        %get3A_2765 = arith.index_cast %get3A_2764 : i32 to index
        %get3A_2766 = arith.index_cast %add3A_2763 : i32 to index
        %get3A_2767 = tpu.vector_load %arg11[%get3A_2765, %get3A_2766] {strides = array<i32>} : memref<1x64000xf32, #tpu.memory_space<vmem>>, vector<16xf32>,
        %mul3A_2768 = arith.mulf %get3A_2767, %get3A_2721 : vector<16xf32>
        %add3A_2769 = arith.addf %scan3A_2706, %mul3A_2768 : vector<16xf32>
        %add3A_2770 = arith.constant 22000 : i32
        %add3A_2771 = arith.addi %add3A_2770, %multiple_of3A_2719 : i32
        %get3A_2772 = arith.constant 0 : i32
        %get3A_2773 = arith.index_cast %get3A_2772 : i32 to index
        %get3A_2774 = arith.index_cast %add3A_2771 : i32 to index
        %get3A_2775 = tpu.vector_load %arg11[%get3A_2773, %get3A_2774] {strides = array<i32>} : memref<1x64000xf32, #tpu.memory_space<vmem>>, vector<16xf32>,
        %mul3A_2776 = arith.mulf %get3A_2775, %get3A_2721 : vector<16xf32>
        %add3A_2777 = arith.addf %scan3A_2707, %mul3A_2776 : vector<16xf32>
        %add3A_2778 = arith.constant 23000 : i32
        %add3A_2779 = arith.addi %add3A_2778, %multiple_of3A_2719 : i32
        %get3A_2780 = arith.constant 0 : i32
        %get3A_2781 = arith.index_cast %get3A_2780 : i32 to index
        %get3A_2782 = arith.index_cast %add3A_2779 : i32 to index
        %get3A_2783 = tpu.vector_load %arg11[%get3A_2781, %get3A_2782] {strides = array<i32>} : memref<1x64000xf32, #tpu.memory_space<vmem>>, vector<16xf32>,
        %mul3A_2784 = arith.mulf %get3A_2783, %get3A_2721 : vector<16xf32>
        %add3A_2785 = arith.addf %scan3A_2708, %mul3A_2784 : vector<16xf32>
        %add3A_2786 = arith.constant 24000 : i32
        %add3A_2787 = arith.addi %add3A_2786, %multiple_of3A_2719 : i32
        %get3A_2788 = arith.constant 0 : i32
        %get3A_2789 = arith.index_cast %get3A_2788 : i32 to index
        %get3A_2790 = arith.index_cast %add3A_2787 : i32 to index
        %get3A_2791 = tpu.vector_load %arg11[%get3A_2789, %get3A_2790] {strides = array<i32>} : memref<1x64000xf32, #tpu.memory_space<vmem>>, vector<16xf32>,
        %mul3A_2792 = arith.mulf %get3A_2791, %get3A_2721 : vector<16xf32>
        %add3A_2793 = arith.addf %scan3A_2709, %mul3A_2792 : vector<16xf32>
        %add3A_2794 = arith.constant 25000 : i32
        %add3A_2795 = arith.addi %add3A_2794, %multiple_of3A_2719 : i32
        %get3A_2796 = arith.constant 0 : i32
        %get3A_2797 = arith.index_cast %get3A_2796 : i32 to index
        %get3A_2798 = arith.index_cast %add3A_2795 : i32 to index
        %get3A_2799 = tpu.vector_load %arg11[%get3A_2797, %get3A_2798] {strides = array<i32>} : memref<1x64000xf32, #tpu.memory_space<vmem>>, vector<16xf32>,
        %mul3A_2800 = arith.mulf %get3A_2799, %get3A_2721 : vector<16xf32>
        %add3A_2801 = arith.addf %scan3A_2710, %mul3A_2800 : vector<16xf32>
        %add3A_2802 = arith.constant 26000 : i32
        %add3A_2803 = arith.addi %add3A_2802, %multiple_of3A_2719 : i32
        %get3A_2804 = arith.constant 0 : i32
        %get3A_2805 = arith.index_cast %get3A_2804 : i32 to index
        %get3A_2806 = arith.index_cast %add3A_2803 : i32 to index
        %get3A_2807 = tpu.vector_load %arg11[%get3A_2805, %get3A_2806] {strides = array<i32>} : memref<1x64000xf32, #tpu.memory_space<vmem>>, vector<16xf32>,
        %mul3A_2808 = arith.mulf %get3A_2807, %get3A_2721 : vector<16xf32>
        %add3A_2809 = arith.addf %scan3A_2711, %mul3A_2808 : vector<16xf32>
        %add3A_2810 = arith.constant 27000 : i32
        %add3A_2811 = arith.addi %add3A_2810, %multiple_of3A_2719 : i32
        %get3A_2812 = arith.constant 0 : i32
        %get3A_2813 = arith.index_cast %get3A_2812 : i32 to index
        %get3A_2814 = arith.index_cast %add3A_2811 : i32 to index
        %get3A_2815 = tpu.vector_load %arg11[%get3A_2813, %get3A_2814] {strides = array<i32>} : memref<1x64000xf32, #tpu.memory_space<vmem>>, vector<16xf32>,
        %mul3A_2816 = arith.mulf %get3A_2815, %get3A_2721 : vector<16xf32>
        %add3A_2817 = arith.addf %scan3A_2712, %mul3A_2816 : vector<16xf32>
        %add3A_2818 = arith.constant 28000 : i32
        %add3A_2819 = arith.addi %add3A_2818, %multiple_of3A_2719 : i32
        %get3A_2820 = arith.constant 0 : i32
        %get3A_2821 = arith.index_cast %get3A_2820 : i32 to index
        %get3A_2822 = arith.index_cast %add3A_2819 : i32 to index
        %get3A_2823 = tpu.vector_load %arg11[%get3A_2821, %get3A_2822] {strides = array<i32>} : memref<1x64000xf32, #tpu.memory_space<vmem>>, vector<16xf32>,
        %mul3A_2824 = arith.mulf %get3A_2823, %get3A_2721 : vector<16xf32>
        %add3A_2825 = arith.addf %scan3A_2713, %mul3A_2824 : vector<16xf32>
        %add3A_2826 = arith.constant 29000 : i32
        %add3A_2827 = arith.addi %add3A_2826, %multiple_of3A_2719 : i32
        %get3A_2828 = arith.constant 0 : i32
        %get3A_2829 = arith.index_cast %get3A_2828 : i32 to index
        %get3A_2830 = arith.index_cast %add3A_2827 : i32 to index
        %get3A_2831 = tpu.vector_load %arg11[%get3A_2829, %get3A_2830] {strides = array<i32>} : memref<1x64000xf32, #tpu.memory_space<vmem>>, vector<16xf32>,
        %mul3A_2832 = arith.mulf %get3A_2831, %get3A_2721 : vector<16xf32>
        %add3A_2833 = arith.addf %scan3A_2714, %mul3A_2832 : vector<16xf32>
        %add3A_2834 = arith.constant 30000 : i32
        %add3A_2835 = arith.addi %add3A_2834, %multiple_of3A_2719 : i32
        %get3A_2836 = arith.constant 0 : i32
        %get3A_2837 = arith.index_cast %get3A_2836 : i32 to index
        %get3A_2838 = arith.index_cast %add3A_2835 : i32 to index
        %get3A_2839 = tpu.vector_load %arg11[%get3A_2837, %get3A_2838] {strides = array<i32>} : memref<1x64000xf32, #tpu.memory_space<vmem>>, vector<16xf32>,
        %mul3A_2840 = arith.mulf %get3A_2839, %get3A_2721 : vector<16xf32>
        %add3A_2841 = arith.addf %scan3A_2715, %mul3A_2840 : vector<16xf32>
        %add3A_2842 = arith.constant 31000 : i32
        %add3A_2843 = arith.addi %add3A_2842, %multiple_of3A_2719 : i32
        %get3A_2844 = arith.constant 0 : i32
        %get3A_2845 = arith.index_cast %get3A_2844 : i32 to index
        %get3A_2846 = arith.index_cast %add3A_2843 : i32 to index
        %get3A_2847 = tpu.vector_load %arg11[%get3A_2845, %get3A_2846] {strides = array<i32>} : memref<1x64000xf32, #tpu.memory_space<vmem>>, vector<16xf32>,
        %mul3A_2848 = arith.mulf %get3A_2847, %get3A_2721 : vector<16xf32>
        %add3A_2849 = arith.addf %scan3A_2716, %mul3A_2848 : vector<16xf32>
        scf.yield %add3A_2729, %add3A_2737, %add3A_2745, %add3A_2753, %add3A_2761, %add3A_2769, %add3A_2777, %add3A_2785, %add3A_2793, %add3A_2801, %add3A_2809, %add3A_2817, %add3A_2825, %add3A_2833, %add3A_2841, %add3A_2849 : vector<16xf32>, vector<16xf32>, vector<16xf32>, vector<16xf32>, vector<16xf32>, vector<16xf32>, vector<16xf32>, vector<16xf32>, vector<16xf32>, vector<16xf32>, vector<16xf32>, vector<16xf32>, vector<16xf32>, vector<16xf32>, vector<16xf32>, vector<16xf32>
      }
      %scan3A_1750 = arith.constant 62 : i32
      %get3A_1751 = arith.constant 984 : index
      %get3A_1752 = tpu.vector_load %arg9[%get3A_1751] {strides = array<i32>} : memref<1024xf32, #tpu.memory_space<vmem>>, vector<16xf32>,
      %mul3A_1753 = arith.mulf %get3A_1752, %convert_element_type3A_39 : vector<16xf32>
      %get3A_1754 = arith.constant 0 : i32
      %get3A_1755 = arith.index_cast %get3A_1754 : i32 to index
      %get3A_1756 = arith.constant 16984 : index
      %get3A_1757 = tpu.vector_load %arg11[%get3A_1755, %get3A_1756] {strides = array<i32>} : memref<1x64000xf32, #tpu.memory_space<vmem>>, vector<16xf32>,
      %mul3A_1758 = arith.mulf %get3A_1757, %mul3A_1753 : vector<16xf32>
      %add3A_1759 = arith.addf %scan3A_1749#0, %mul3A_1758 : vector<16xf32>
      %swap3A_1760 = arith.constant 0 : index
      %swap3A_1761 = tpu.vector_load %arg13[%swap3A_1760] {strides = array<i32>} : memref<256xf32, #tpu.memory_space<vmem>>, vector<16xf32>,
      tpu.vector_store %arg13[%swap3A_1760], %add3A_1759 {strides = array<i32>} : memref<256xf32, #tpu.memory_space<vmem>>, vector<16xf32>,
      %get3A_1762 = arith.constant 0 : i32
      %get3A_1763 = arith.index_cast %get3A_1762 : i32 to index
      %get3A_1764 = arith.constant 17984 : index
      %get3A_1765 = tpu.vector_load %arg11[%get3A_1763, %get3A_1764] {strides = array<i32>} : memref<1x64000xf32, #tpu.memory_space<vmem>>, vector<16xf32>,
      %mul3A_1766 = arith.mulf %get3A_1765, %mul3A_1753 : vector<16xf32>
      %add3A_1767 = arith.addf %scan3A_1749#1, %mul3A_1766 : vector<16xf32>
      %swap3A_1768 = arith.constant 16 : index
      %swap3A_1769 = tpu.vector_load %arg13[%swap3A_1768] {strides = array<i32>} : memref<256xf32, #tpu.memory_space<vmem>>, vector<16xf32>,
      tpu.vector_store %arg13[%swap3A_1768], %add3A_1767 {strides = array<i32>} : memref<256xf32, #tpu.memory_space<vmem>>, vector<16xf32>,
      %get3A_1770 = arith.constant 0 : i32
      %get3A_1771 = arith.index_cast %get3A_1770 : i32 to index
      %get3A_1772 = arith.constant 18984 : index
      %get3A_1773 = tpu.vector_load %arg11[%get3A_1771, %get3A_1772] {strides = array<i32>} : memref<1x64000xf32, #tpu.memory_space<vmem>>, vector<16xf32>,
      %mul3A_1774 = arith.mulf %get3A_1773, %mul3A_1753 : vector<16xf32>
      %add3A_1775 = arith.addf %scan3A_1749#2, %mul3A_1774 : vector<16xf32>
      %swap3A_1776 = arith.constant 32 : index
      %swap3A_1777 = tpu.vector_load %arg13[%swap3A_1776] {strides = array<i32>} : memref<256xf32, #tpu.memory_space<vmem>>, vector<16xf32>,
      tpu.vector_store %arg13[%swap3A_1776], %add3A_1775 {strides = array<i32>} : memref<256xf32, #tpu.memory_space<vmem>>, vector<16xf32>,
      %get3A_1778 = arith.constant 0 : i32
      %get3A_1779 = arith.index_cast %get3A_1778 : i32 to index
      %get3A_1780 = arith.constant 19984 : index
      %get3A_1781 = tpu.vector_load %arg11[%get3A_1779, %get3A_1780] {strides = array<i32>} : memref<1x64000xf32, #tpu.memory_space<vmem>>, vector<16xf32>,
      %mul3A_1782 = arith.mulf %get3A_1781, %mul3A_1753 : vector<16xf32>
      %add3A_1783 = arith.addf %scan3A_1749#3, %mul3A_1782 : vector<16xf32>
      %swap3A_1784 = arith.constant 48 : index
      %swap3A_1785 = tpu.vector_load %arg13[%swap3A_1784] {strides = array<i32>} : memref<256xf32, #tpu.memory_space<vmem>>, vector<16xf32>,
      tpu.vector_store %arg13[%swap3A_1784], %add3A_1783 {strides = array<i32>} : memref<256xf32, #tpu.memory_space<vmem>>, vector<16xf32>,
      %get3A_1786 = arith.constant 0 : i32
      %get3A_1787 = arith.index_cast %get3A_1786 : i32 to index
      %get3A_1788 = arith.constant 20984 : index
      %get3A_1789 = tpu.vector_load %arg11[%get3A_1787, %get3A_1788] {strides = array<i32>} : memref<1x64000xf32, #tpu.memory_space<vmem>>, vector<16xf32>,
      %mul3A_1790 = arith.mulf %get3A_1789, %mul3A_1753 : vector<16xf32>
      %add3A_1791 = arith.addf %scan3A_1749#4, %mul3A_1790 : vector<16xf32>
      %swap3A_1792 = arith.constant 64 : index
      %swap3A_1793 = tpu.vector_load %arg13[%swap3A_1792] {strides = array<i32>} : memref<256xf32, #tpu.memory_space<vmem>>, vector<16xf32>,
      tpu.vector_store %arg13[%swap3A_1792], %add3A_1791 {strides = array<i32>} : memref<256xf32, #tpu.memory_space<vmem>>, vector<16xf32>,
      %get3A_1794 = arith.constant 0 : i32
      %get3A_1795 = arith.index_cast %get3A_1794 : i32 to index
      %get3A_1796 = arith.constant 21984 : index
      %get3A_1797 = tpu.vector_load %arg11[%get3A_1795, %get3A_1796] {strides = array<i32>} : memref<1x64000xf32, #tpu.memory_space<vmem>>, vector<16xf32>,
      %mul3A_1798 = arith.mulf %get3A_1797, %mul3A_1753 : vector<16xf32>
      %add3A_1799 = arith.addf %scan3A_1749#5, %mul3A_1798 : vector<16xf32>
      %swap3A_1800 = arith.constant 80 : index
      %swap3A_1801 = tpu.vector_load %arg13[%swap3A_1800] {strides = array<i32>} : memref<256xf32, #tpu.memory_space<vmem>>, vector<16xf32>,
      tpu.vector_store %arg13[%swap3A_1800], %add3A_1799 {strides = array<i32>} : memref<256xf32, #tpu.memory_space<vmem>>, vector<16xf32>,
      %get3A_1802 = arith.constant 0 : i32
      %get3A_1803 = arith.index_cast %get3A_1802 : i32 to index
      %get3A_1804 = arith.constant 22984 : index
      %get3A_1805 = tpu.vector_load %arg11[%get3A_1803, %get3A_1804] {strides = array<i32>} : memref<1x64000xf32, #tpu.memory_space<vmem>>, vector<16xf32>,
      %mul3A_1806 = arith.mulf %get3A_1805, %mul3A_1753 : vector<16xf32>
      %add3A_1807 = arith.addf %scan3A_1749#6, %mul3A_1806 : vector<16xf32>
      %swap3A_1808 = arith.constant 96 : index
      %swap3A_1809 = tpu.vector_load %arg13[%swap3A_1808] {strides = array<i32>} : memref<256xf32, #tpu.memory_space<vmem>>, vector<16xf32>,
      tpu.vector_store %arg13[%swap3A_1808], %add3A_1807 {strides = array<i32>} : memref<256xf32, #tpu.memory_space<vmem>>, vector<16xf32>,
      %get3A_1810 = arith.constant 0 : i32
      %get3A_1811 = arith.index_cast %get3A_1810 : i32 to index
      %get3A_1812 = arith.constant 23984 : index
      %get3A_1813 = tpu.vector_load %arg11[%get3A_1811, %get3A_1812] {strides = array<i32>} : memref<1x64000xf32, #tpu.memory_space<vmem>>, vector<16xf32>,
      %mul3A_1814 = arith.mulf %get3A_1813, %mul3A_1753 : vector<16xf32>
      %add3A_1815 = arith.addf %scan3A_1749#7, %mul3A_1814 : vector<16xf32>
      %swap3A_1816 = arith.constant 112 : index
      %swap3A_1817 = tpu.vector_load %arg13[%swap3A_1816] {strides = array<i32>} : memref<256xf32, #tpu.memory_space<vmem>>, vector<16xf32>,
      tpu.vector_store %arg13[%swap3A_1816], %add3A_1815 {strides = array<i32>} : memref<256xf32, #tpu.memory_space<vmem>>, vector<16xf32>,
      %get3A_1818 = arith.constant 0 : i32
      %get3A_1819 = arith.index_cast %get3A_1818 : i32 to index
      %get3A_1820 = arith.constant 24984 : index
      %get3A_1821 = tpu.vector_load %arg11[%get3A_1819, %get3A_1820] {strides = array<i32>} : memref<1x64000xf32, #tpu.memory_space<vmem>>, vector<16xf32>,
      %mul3A_1822 = arith.mulf %get3A_1821, %mul3A_1753 : vector<16xf32>
      %add3A_1823 = arith.addf %scan3A_1749#8, %mul3A_1822 : vector<16xf32>
      %swap3A_1824 = arith.constant 128 : index
      %swap3A_1825 = tpu.vector_load %arg13[%swap3A_1824] {strides = array<i32>} : memref<256xf32, #tpu.memory_space<vmem>>, vector<16xf32>,
      tpu.vector_store %arg13[%swap3A_1824], %add3A_1823 {strides = array<i32>} : memref<256xf32, #tpu.memory_space<vmem>>, vector<16xf32>,
      %get3A_1826 = arith.constant 0 : i32
      %get3A_1827 = arith.index_cast %get3A_1826 : i32 to index
      %get3A_1828 = arith.constant 25984 : index
      %get3A_1829 = tpu.vector_load %arg11[%get3A_1827, %get3A_1828] {strides = array<i32>} : memref<1x64000xf32, #tpu.memory_space<vmem>>, vector<16xf32>,
      %mul3A_1830 = arith.mulf %get3A_1829, %mul3A_1753 : vector<16xf32>
      %add3A_1831 = arith.addf %scan3A_1749#9, %mul3A_1830 : vector<16xf32>
      %swap3A_1832 = arith.constant 144 : index
      %swap3A_1833 = tpu.vector_load %arg13[%swap3A_1832] {strides = array<i32>} : memref<256xf32, #tpu.memory_space<vmem>>, vector<16xf32>,
      tpu.vector_store %arg13[%swap3A_1832], %add3A_1831 {strides = array<i32>} : memref<256xf32, #tpu.memory_space<vmem>>, vector<16xf32>,
      %get3A_1834 = arith.constant 0 : i32
      %get3A_1835 = arith.index_cast %get3A_1834 : i32 to index
      %get3A_1836 = arith.constant 26984 : index
      %get3A_1837 = tpu.vector_load %arg11[%get3A_1835, %get3A_1836] {strides = array<i32>} : memref<1x64000xf32, #tpu.memory_space<vmem>>, vector<16xf32>,
      %mul3A_1838 = arith.mulf %get3A_1837, %mul3A_1753 : vector<16xf32>
      %add3A_1839 = arith.addf %scan3A_1749#10, %mul3A_1838 : vector<16xf32>
      %swap3A_1840 = arith.constant 160 : index
      %swap3A_1841 = tpu.vector_load %arg13[%swap3A_1840] {strides = array<i32>} : memref<256xf32, #tpu.memory_space<vmem>>, vector<16xf32>,
      tpu.vector_store %arg13[%swap3A_1840], %add3A_1839 {strides = array<i32>} : memref<256xf32, #tpu.memory_space<vmem>>, vector<16xf32>,
      %get3A_1842 = arith.constant 0 : i32
      %get3A_1843 = arith.index_cast %get3A_1842 : i32 to index
      %get3A_1844 = arith.constant 27984 : index
      %get3A_1845 = tpu.vector_load %arg11[%get3A_1843, %get3A_1844] {strides = array<i32>} : memref<1x64000xf32, #tpu.memory_space<vmem>>, vector<16xf32>,
      %mul3A_1846 = arith.mulf %get3A_1845, %mul3A_1753 : vector<16xf32>
      %add3A_1847 = arith.addf %scan3A_1749#11, %mul3A_1846 : vector<16xf32>
      %swap3A_1848 = arith.constant 176 : index
      %swap3A_1849 = tpu.vector_load %arg13[%swap3A_1848] {strides = array<i32>} : memref<256xf32, #tpu.memory_space<vmem>>, vector<16xf32>,
      tpu.vector_store %arg13[%swap3A_1848], %add3A_1847 {strides = array<i32>} : memref<256xf32, #tpu.memory_space<vmem>>, vector<16xf32>,
      %get3A_1850 = arith.constant 0 : i32
      %get3A_1851 = arith.index_cast %get3A_1850 : i32 to index
      %get3A_1852 = arith.constant 28984 : index
      %get3A_1853 = tpu.vector_load %arg11[%get3A_1851, %get3A_1852] {strides = array<i32>} : memref<1x64000xf32, #tpu.memory_space<vmem>>, vector<16xf32>,
      %mul3A_1854 = arith.mulf %get3A_1853, %mul3A_1753 : vector<16xf32>
      %add3A_1855 = arith.addf %scan3A_1749#12, %mul3A_1854 : vector<16xf32>
      %swap3A_1856 = arith.constant 192 : index
      %swap3A_1857 = tpu.vector_load %arg13[%swap3A_1856] {strides = array<i32>} : memref<256xf32, #tpu.memory_space<vmem>>, vector<16xf32>,
      tpu.vector_store %arg13[%swap3A_1856], %add3A_1855 {strides = array<i32>} : memref<256xf32, #tpu.memory_space<vmem>>, vector<16xf32>,
      %get3A_1858 = arith.constant 0 : i32
      %get3A_1859 = arith.index_cast %get3A_1858 : i32 to index
      %get3A_1860 = arith.constant 29984 : index
      %get3A_1861 = tpu.vector_load %arg11[%get3A_1859, %get3A_1860] {strides = array<i32>} : memref<1x64000xf32, #tpu.memory_space<vmem>>, vector<16xf32>,
      %mul3A_1862 = arith.mulf %get3A_1861, %mul3A_1753 : vector<16xf32>
      %add3A_1863 = arith.addf %scan3A_1749#13, %mul3A_1862 : vector<16xf32>
      %swap3A_1864 = arith.constant 208 : index
      %swap3A_1865 = tpu.vector_load %arg13[%swap3A_1864] {strides = array<i32>} : memref<256xf32, #tpu.memory_space<vmem>>, vector<16xf32>,
      tpu.vector_store %arg13[%swap3A_1864], %add3A_1863 {strides = array<i32>} : memref<256xf32, #tpu.memory_space<vmem>>, vector<16xf32>,
      %get3A_1866 = arith.constant 0 : i32
      %get3A_1867 = arith.index_cast %get3A_1866 : i32 to index
      %get3A_1868 = arith.constant 30984 : index
      %get3A_1869 = tpu.vector_load %arg11[%get3A_1867, %get3A_1868] {strides = array<i32>} : memref<1x64000xf32, #tpu.memory_space<vmem>>, vector<16xf32>,
      %mul3A_1870 = arith.mulf %get3A_1869, %mul3A_1753 : vector<16xf32>
      %add3A_1871 = arith.addf %scan3A_1749#14, %mul3A_1870 : vector<16xf32>
      %swap3A_1872 = arith.constant 224 : index
      %swap3A_1873 = tpu.vector_load %arg13[%swap3A_1872] {strides = array<i32>} : memref<256xf32, #tpu.memory_space<vmem>>, vector<16xf32>,
      tpu.vector_store %arg13[%swap3A_1872], %add3A_1871 {strides = array<i32>} : memref<256xf32, #tpu.memory_space<vmem>>, vector<16xf32>,
      %get3A_1874 = arith.constant 0 : i32
      %get3A_1875 = arith.index_cast %get3A_1874 : i32 to index
      %get3A_1876 = arith.constant 31984 : index
      %get3A_1877 = tpu.vector_load %arg11[%get3A_1875, %get3A_1876] {strides = array<i32>} : memref<1x64000xf32, #tpu.memory_space<vmem>>, vector<16xf32>,
      %mul3A_1878 = arith.mulf %get3A_1877, %mul3A_1753 : vector<16xf32>
      %add3A_1879 = arith.addf %scan3A_1749#15, %mul3A_1878 : vector<16xf32>
      %swap3A_1880 = arith.constant 240 : index
      %swap3A_1881 = tpu.vector_load %arg13[%swap3A_1880] {strides = array<i32>} : memref<256xf32, #tpu.memory_space<vmem>>, vector<16xf32>,
      tpu.vector_store %arg13[%swap3A_1880], %add3A_1879 {strides = array<i32>} : memref<256xf32, #tpu.memory_space<vmem>>, vector<16xf32>,
      %broadcast_in_dim3A_1882 = arith.constant 0.000000e+00 : f32
      %broadcast_in_dim3A_1883 = vector.broadcast %broadcast_in_dim3A_1882 : f32 to vector<16xf32>
      %mul3A_1884 = arith.constant 16 : i32
      %mul3A_1885 = vector.broadcast %mul3A_1884 : i32 to vector<16xi32>
      %mul3A_1886 = arith.muli %iota3A, %mul3A_1885 : vector<16xi32>
      %add3A_1887 = arith.constant 0 : i32
      %add3A_1888 = vector.broadcast %add3A_1887 : i32 to vector<16xi32>
      %add3A_1889 = arith.addi %mul3A_1886, %add3A_1888 : vector<16xi32>
      %gather3A_1890 = tpu.vector_load_idx %arg13[%add3A_1889] : memref<256xf32, #tpu.memory_space<vmem>>[vector<16xi32>], vector<16xf32>,
      %add3A_1891 = arith.addf %broadcast_in_dim3A_1883, %gather3A_1890 : vector<16xf32>
      %mul3A_1892 = arith.constant 16 : i32
      %mul3A_1893 = vector.broadcast %mul3A_1892 : i32 to vector<16xi32>
      %mul3A_1894 = arith.muli %iota3A, %mul3A_1893 : vector<16xi32>
      %add3A_1895 = arith.constant 1 : i32
      %add3A_1896 = vector.broadcast %add3A_1895 : i32 to vector<16xi32>
      %add3A_1897 = arith.addi %mul3A_1894, %add3A_1896 : vector<16xi32>
      %gather3A_1898 = tpu.vector_load_idx %arg13[%add3A_1897] : memref<256xf32, #tpu.memory_space<vmem>>[vector<16xi32>], vector<16xf32>,
      %add3A_1899 = arith.addf %add3A_1891, %gather3A_1898 : vector<16xf32>
      %mul3A_1900 = arith.constant 16 : i32
      %mul3A_1901 = vector.broadcast %mul3A_1900 : i32 to vector<16xi32>
      %mul3A_1902 = arith.muli %iota3A, %mul3A_1901 : vector<16xi32>
      %add3A_1903 = arith.constant 2 : i32
      %add3A_1904 = vector.broadcast %add3A_1903 : i32 to vector<16xi32>
      %add3A_1905 = arith.addi %mul3A_1902, %add3A_1904 : vector<16xi32>
      %gather3A_1906 = tpu.vector_load_idx %arg13[%add3A_1905] : memref<256xf32, #tpu.memory_space<vmem>>[vector<16xi32>], vector<16xf32>,
      %add3A_1907 = arith.addf %add3A_1899, %gather3A_1906 : vector<16xf32>
      %mul3A_1908 = arith.constant 16 : i32
      %mul3A_1909 = vector.broadcast %mul3A_1908 : i32 to vector<16xi32>
      %mul3A_1910 = arith.muli %iota3A, %mul3A_1909 : vector<16xi32>
      %add3A_1911 = arith.constant 3 : i32
      %add3A_1912 = vector.broadcast %add3A_1911 : i32 to vector<16xi32>
      %add3A_1913 = arith.addi %mul3A_1910, %add3A_1912 : vector<16xi32>
      %gather3A_1914 = tpu.vector_load_idx %arg13[%add3A_1913] : memref<256xf32, #tpu.memory_space<vmem>>[vector<16xi32>], vector<16xf32>,
      %add3A_1915 = arith.addf %add3A_1907, %gather3A_1914 : vector<16xf32>
      %mul3A_1916 = arith.constant 16 : i32
      %mul3A_1917 = vector.broadcast %mul3A_1916 : i32 to vector<16xi32>
      %mul3A_1918 = arith.muli %iota3A, %mul3A_1917 : vector<16xi32>
      %add3A_1919 = arith.constant 4 : i32
      %add3A_1920 = vector.broadcast %add3A_1919 : i32 to vector<16xi32>
      %add3A_1921 = arith.addi %mul3A_1918, %add3A_1920 : vector<16xi32>
      %gather3A_1922 = tpu.vector_load_idx %arg13[%add3A_1921] : memref<256xf32, #tpu.memory_space<vmem>>[vector<16xi32>], vector<16xf32>,
      %add3A_1923 = arith.addf %add3A_1915, %gather3A_1922 : vector<16xf32>
      %mul3A_1924 = arith.constant 16 : i32
      %mul3A_1925 = vector.broadcast %mul3A_1924 : i32 to vector<16xi32>
      %mul3A_1926 = arith.muli %iota3A, %mul3A_1925 : vector<16xi32>
      %add3A_1927 = arith.constant 5 : i32
      %add3A_1928 = vector.broadcast %add3A_1927 : i32 to vector<16xi32>
      %add3A_1929 = arith.addi %mul3A_1926, %add3A_1928 : vector<16xi32>
      %gather3A_1930 = tpu.vector_load_idx %arg13[%add3A_1929] : memref<256xf32, #tpu.memory_space<vmem>>[vector<16xi32>], vector<16xf32>,
      %add3A_1931 = arith.addf %add3A_1923, %gather3A_1930 : vector<16xf32>
      %mul3A_1932 = arith.constant 16 : i32
      %mul3A_1933 = vector.broadcast %mul3A_1932 : i32 to vector<16xi32>
      %mul3A_1934 = arith.muli %iota3A, %mul3A_1933 : vector<16xi32>
      %add3A_1935 = arith.constant 6 : i32
      %add3A_1936 = vector.broadcast %add3A_1935 : i32 to vector<16xi32>
      %add3A_1937 = arith.addi %mul3A_1934, %add3A_1936 : vector<16xi32>
      %gather3A_1938 = tpu.vector_load_idx %arg13[%add3A_1937] : memref<256xf32, #tpu.memory_space<vmem>>[vector<16xi32>], vector<16xf32>,
      %add3A_1939 = arith.addf %add3A_1931, %gather3A_1938 : vector<16xf32>
      %mul3A_1940 = arith.constant 16 : i32
      %mul3A_1941 = vector.broadcast %mul3A_1940 : i32 to vector<16xi32>
      %mul3A_1942 = arith.muli %iota3A, %mul3A_1941 : vector<16xi32>
      %add3A_1943 = arith.constant 7 : i32
      %add3A_1944 = vector.broadcast %add3A_1943 : i32 to vector<16xi32>
      %add3A_1945 = arith.addi %mul3A_1942, %add3A_1944 : vector<16xi32>
      %gather3A_1946 = tpu.vector_load_idx %arg13[%add3A_1945] : memref<256xf32, #tpu.memory_space<vmem>>[vector<16xi32>], vector<16xf32>,
      %add3A_1947 = arith.addf %add3A_1939, %gather3A_1946 : vector<16xf32>
      %mul3A_1948 = arith.constant 16 : i32
      %mul3A_1949 = vector.broadcast %mul3A_1948 : i32 to vector<16xi32>
      %mul3A_1950 = arith.muli %iota3A, %mul3A_1949 : vector<16xi32>
      %add3A_1951 = arith.constant 8 : i32
      %add3A_1952 = vector.broadcast %add3A_1951 : i32 to vector<16xi32>
      %add3A_1953 = arith.addi %mul3A_1950, %add3A_1952 : vector<16xi32>
      %gather3A_1954 = tpu.vector_load_idx %arg13[%add3A_1953] : memref<256xf32, #tpu.memory_space<vmem>>[vector<16xi32>], vector<16xf32>,
      %add3A_1955 = arith.addf %add3A_1947, %gather3A_1954 : vector<16xf32>
      %mul3A_1956 = arith.constant 16 : i32
      %mul3A_1957 = vector.broadcast %mul3A_1956 : i32 to vector<16xi32>
      %mul3A_1958 = arith.muli %iota3A, %mul3A_1957 : vector<16xi32>
      %add3A_1959 = arith.constant 9 : i32
      %add3A_1960 = vector.broadcast %add3A_1959 : i32 to vector<16xi32>
      %add3A_1961 = arith.addi %mul3A_1958, %add3A_1960 : vector<16xi32>
      %gather3A_1962 = tpu.vector_load_idx %arg13[%add3A_1961] : memref<256xf32, #tpu.memory_space<vmem>>[vector<16xi32>], vector<16xf32>,
      %add3A_1963 = arith.addf %add3A_1955, %gather3A_1962 : vector<16xf32>
      %mul3A_1964 = arith.constant 16 : i32
      %mul3A_1965 = vector.broadcast %mul3A_1964 : i32 to vector<16xi32>
      %mul3A_1966 = arith.muli %iota3A, %mul3A_1965 : vector<16xi32>
      %add3A_1967 = arith.constant 10 : i32
      %add3A_1968 = vector.broadcast %add3A_1967 : i32 to vector<16xi32>
      %add3A_1969 = arith.addi %mul3A_1966, %add3A_1968 : vector<16xi32>
      %gather3A_1970 = tpu.vector_load_idx %arg13[%add3A_1969] : memref<256xf32, #tpu.memory_space<vmem>>[vector<16xi32>], vector<16xf32>,
      %add3A_1971 = arith.addf %add3A_1963, %gather3A_1970 : vector<16xf32>
      %mul3A_1972 = arith.constant 16 : i32
      %mul3A_1973 = vector.broadcast %mul3A_1972 : i32 to vector<16xi32>
      %mul3A_1974 = arith.muli %iota3A, %mul3A_1973 : vector<16xi32>
      %add3A_1975 = arith.constant 11 : i32
      %add3A_1976 = vector.broadcast %add3A_1975 : i32 to vector<16xi32>
      %add3A_1977 = arith.addi %mul3A_1974, %add3A_1976 : vector<16xi32>
      %gather3A_1978 = tpu.vector_load_idx %arg13[%add3A_1977] : memref<256xf32, #tpu.memory_space<vmem>>[vector<16xi32>], vector<16xf32>,
      %add3A_1979 = arith.addf %add3A_1971, %gather3A_1978 : vector<16xf32>
      %mul3A_1980 = arith.constant 16 : i32
      %mul3A_1981 = vector.broadcast %mul3A_1980 : i32 to vector<16xi32>
      %mul3A_1982 = arith.muli %iota3A, %mul3A_1981 : vector<16xi32>
      %add3A_1983 = arith.constant 12 : i32
      %add3A_1984 = vector.broadcast %add3A_1983 : i32 to vector<16xi32>
      %add3A_1985 = arith.addi %mul3A_1982, %add3A_1984 : vector<16xi32>
      %gather3A_1986 = tpu.vector_load_idx %arg13[%add3A_1985] : memref<256xf32, #tpu.memory_space<vmem>>[vector<16xi32>], vector<16xf32>,
      %add3A_1987 = arith.addf %add3A_1979, %gather3A_1986 : vector<16xf32>
      %mul3A_1988 = arith.constant 16 : i32
      %mul3A_1989 = vector.broadcast %mul3A_1988 : i32 to vector<16xi32>
      %mul3A_1990 = arith.muli %iota3A, %mul3A_1989 : vector<16xi32>
      %add3A_1991 = arith.constant 13 : i32
      %add3A_1992 = vector.broadcast %add3A_1991 : i32 to vector<16xi32>
      %add3A_1993 = arith.addi %mul3A_1990, %add3A_1992 : vector<16xi32>
      %gather3A_1994 = tpu.vector_load_idx %arg13[%add3A_1993] : memref<256xf32, #tpu.memory_space<vmem>>[vector<16xi32>], vector<16xf32>,
      %add3A_1995 = arith.addf %add3A_1987, %gather3A_1994 : vector<16xf32>
      %mul3A_1996 = arith.constant 16 : i32
      %mul3A_1997 = vector.broadcast %mul3A_1996 : i32 to vector<16xi32>
      %mul3A_1998 = arith.muli %iota3A, %mul3A_1997 : vector<16xi32>
      %add3A_1999 = arith.constant 14 : i32
      %add3A_2000 = vector.broadcast %add3A_1999 : i32 to vector<16xi32>
      %add3A_2001 = arith.addi %mul3A_1998, %add3A_2000 : vector<16xi32>
      %gather3A_2002 = tpu.vector_load_idx %arg13[%add3A_2001] : memref<256xf32, #tpu.memory_space<vmem>>[vector<16xi32>], vector<16xf32>,
      %add3A_2003 = arith.addf %add3A_1995, %gather3A_2002 : vector<16xf32>
      %mul3A_2004 = arith.constant 16 : i32
      %mul3A_2005 = vector.broadcast %mul3A_2004 : i32 to vector<16xi32>
      %mul3A_2006 = arith.muli %iota3A, %mul3A_2005 : vector<16xi32>
      %add3A_2007 = arith.constant 15 : i32
      %add3A_2008 = vector.broadcast %add3A_2007 : i32 to vector<16xi32>
      %add3A_2009 = arith.addi %mul3A_2006, %add3A_2008 : vector<16xi32>
      %gather3A_2010 = tpu.vector_load_idx %arg13[%add3A_2009] : memref<256xf32, #tpu.memory_space<vmem>>[vector<16xi32>], vector<16xf32>,
      %add3A_2011 = arith.addf %add3A_2003, %gather3A_2010 : vector<16xf32>
      %jit3A_2012 = arith.constant 4 : i32
      %eq3A_2013 = arith.constant 0 : i32
      %eq3A_2014 = arith.cmpi eq, %jit3A_2012, %eq3A_2013 : i32
      %jit3A_2015 = arith.constant 1 : i32
      %select_n3A_2016 = arith.select %eq3A_2014, %jit3A_2015, %jit3A_2012 : i32
      %rem3A_2017 = arith.remsi %add3A_51, %select_n3A_2016 : i32
      %ne3A_2018 = arith.constant 0 : i32
      %ne3A_2019 = arith.cmpi ne, %rem3A_2017, %ne3A_2018 : i32
      %lt3A_2020 = arith.constant 0 : i32
      %lt3A_2021 = arith.cmpi slt, %rem3A_2017, %lt3A_2020 : i32
      %lt3A_2022 = arith.constant 0 : i32
      %lt3A_2023 = arith.cmpi slt, %select_n3A_2016, %lt3A_2022 : i32
      %ne3A_2024 = arith.xori %lt3A_2021, %lt3A_2023 : i1
      %and3A_2025 = arith.andi %ne3A_2024, %ne3A_2019 : i1
      %add3A_2026 = arith.addi %rem3A_2017, %select_n3A_2016 : i32
      %select_n3A_2027 = arith.select %and3A_2025, %add3A_2026, %rem3A_2017 : i32
      %mul3A_2028 = arith.constant 64 : i32
      %mul3A_2029 = arith.muli %select_n3A_2027, %mul3A_2028 : i32
      %add3A_2030 = arith.constant 16 : i32
      %add3A_2031 = arith.addi %mul3A_2029, %add3A_2030 : i32
      %multiple_of3A_2032 = tpu.assume_multiple %add3A_2031, 16 : i32
      %swap3A_2033 = arith.index_cast %multiple_of3A_2032 : i32 to index
      %swap3A_2034 = tpu.vector_load %arg12[%swap3A_2033] {strides = array<i32>} : memref<256xf32, #tpu.memory_space<vmem>>, vector<16xf32>,
      tpu.vector_store %arg12[%swap3A_2033], %add3A_2011 {strides = array<i32>} : memref<256xf32, #tpu.memory_space<vmem>>, vector<16xf32>,
      %broadcast_in_dim3A_2035 = arith.constant 0.000000e+00 : f32
      %broadcast_in_dim3A_2036 = vector.broadcast %broadcast_in_dim3A_2035 : f32 to vector<16xf32>
      %broadcast_in_dim3A_2037 = arith.constant 0.000000e+00 : f32
      %broadcast_in_dim3A_2038 = vector.broadcast %broadcast_in_dim3A_2037 : f32 to vector<16xf32>
      %broadcast_in_dim3A_2039 = arith.constant 0.000000e+00 : f32
      %broadcast_in_dim3A_2040 = vector.broadcast %broadcast_in_dim3A_2039 : f32 to vector<16xf32>
      %broadcast_in_dim3A_2041 = arith.constant 0.000000e+00 : f32
      %broadcast_in_dim3A_2042 = vector.broadcast %broadcast_in_dim3A_2041 : f32 to vector<16xf32>
      %broadcast_in_dim3A_2043 = arith.constant 0.000000e+00 : f32
      %broadcast_in_dim3A_2044 = vector.broadcast %broadcast_in_dim3A_2043 : f32 to vector<16xf32>
      %broadcast_in_dim3A_2045 = arith.constant 0.000000e+00 : f32
      %broadcast_in_dim3A_2046 = vector.broadcast %broadcast_in_dim3A_2045 : f32 to vector<16xf32>
      %broadcast_in_dim3A_2047 = arith.constant 0.000000e+00 : f32
      %broadcast_in_dim3A_2048 = vector.broadcast %broadcast_in_dim3A_2047 : f32 to vector<16xf32>
      %broadcast_in_dim3A_2049 = arith.constant 0.000000e+00 : f32
      %broadcast_in_dim3A_2050 = vector.broadcast %broadcast_in_dim3A_2049 : f32 to vector<16xf32>
      %broadcast_in_dim3A_2051 = arith.constant 0.000000e+00 : f32
      %broadcast_in_dim3A_2052 = vector.broadcast %broadcast_in_dim3A_2051 : f32 to vector<16xf32>
      %broadcast_in_dim3A_2053 = arith.constant 0.000000e+00 : f32
      %broadcast_in_dim3A_2054 = vector.broadcast %broadcast_in_dim3A_2053 : f32 to vector<16xf32>
      %broadcast_in_dim3A_2055 = arith.constant 0.000000e+00 : f32
      %broadcast_in_dim3A_2056 = vector.broadcast %broadcast_in_dim3A_2055 : f32 to vector<16xf32>
      %broadcast_in_dim3A_2057 = arith.constant 0.000000e+00 : f32
      %broadcast_in_dim3A_2058 = vector.broadcast %broadcast_in_dim3A_2057 : f32 to vector<16xf32>
      %broadcast_in_dim3A_2059 = arith.constant 0.000000e+00 : f32
      %broadcast_in_dim3A_2060 = vector.broadcast %broadcast_in_dim3A_2059 : f32 to vector<16xf32>
      %broadcast_in_dim3A_2061 = arith.constant 0.000000e+00 : f32
      %broadcast_in_dim3A_2062 = vector.broadcast %broadcast_in_dim3A_2061 : f32 to vector<16xf32>
      %broadcast_in_dim3A_2063 = arith.constant 0.000000e+00 : f32
      %broadcast_in_dim3A_2064 = vector.broadcast %broadcast_in_dim3A_2063 : f32 to vector<16xf32>
      %broadcast_in_dim3A_2065 = arith.constant 0.000000e+00 : f32
      %broadcast_in_dim3A_2066 = vector.broadcast %broadcast_in_dim3A_2065 : f32 to vector<16xf32>
      %scan3A_2067 = arith.constant 0 : i32
      %scan3A_2068 = arith.constant 62 : i32
      %scan3A_2069 = arith.addi %scan3A_2067, %scan3A_2068 : i32
      %scan3A_2070 = arith.constant 1 : i32
      %scan3A_2071:16 = scf.for %scan3A_2700 = %scan3A_2067 to %scan3A_2069 step %scan3A_2070 iter_args(%scan3A_2701 = %broadcast_in_dim3A_2036, %scan3A_2702 = %broadcast_in_dim3A_2038, %scan3A_2703 = %broadcast_in_dim3A_2040, %scan3A_2704 = %broadcast_in_dim3A_2042, %scan3A_2705 = %broadcast_in_dim3A_2044, %scan3A_2706 = %broadcast_in_dim3A_2046, %scan3A_2707 = %broadcast_in_dim3A_2048, %scan3A_2708 = %broadcast_in_dim3A_2050, %scan3A_2709 = %broadcast_in_dim3A_2052, %scan3A_2710 = %broadcast_in_dim3A_2054, %scan3A_2711 = %broadcast_in_dim3A_2056, %scan3A_2712 = %broadcast_in_dim3A_2058, %scan3A_2713 = %broadcast_in_dim3A_2060, %scan3A_2714 = %broadcast_in_dim3A_2062, %scan3A_2715 = %broadcast_in_dim3A_2064, %scan3A_2716 = %broadcast_in_dim3A_2066) -> (vector<16xf32>, vector<16xf32>, vector<16xf32>, vector<16xf32>, vector<16xf32>, vector<16xf32>, vector<16xf32>, vector<16xf32>, vector<16xf32>, vector<16xf32>, vector<16xf32>, vector<16xf32>, vector<16xf32>, vector<16xf32>, vector<16xf32>, vector<16xf32>)  : i32 {
        %mul3A_2717 = arith.constant 16 : i32
        %mul3A_2718 = arith.muli %mul3A_2717, %scan3A_2700 : i32
        %multiple_of3A_2719 = tpu.assume_multiple %mul3A_2718, 16 : i32
        %get3A_2720 = arith.index_cast %multiple_of3A_2719 : i32 to index
        %get3A_2721 = tpu.vector_load %arg9[%get3A_2720] {strides = array<i32>} : memref<1024xf32, #tpu.memory_space<vmem>>, vector<16xf32>,
        %add3A_2722 = arith.constant 32000 : i32
        %add3A_2723 = arith.addi %add3A_2722, %multiple_of3A_2719 : i32
        %get3A_2724 = arith.constant 0 : i32
        %get3A_2725 = arith.index_cast %get3A_2724 : i32 to index
        %get3A_2726 = arith.index_cast %add3A_2723 : i32 to index
        %get3A_2727 = tpu.vector_load %arg11[%get3A_2725, %get3A_2726] {strides = array<i32>} : memref<1x64000xf32, #tpu.memory_space<vmem>>, vector<16xf32>,
        %mul3A_2728 = arith.mulf %get3A_2727, %get3A_2721 : vector<16xf32>
        %add3A_2729 = arith.addf %scan3A_2701, %mul3A_2728 : vector<16xf32>
        %add3A_2730 = arith.constant 33000 : i32
        %add3A_2731 = arith.addi %add3A_2730, %multiple_of3A_2719 : i32
        %get3A_2732 = arith.constant 0 : i32
        %get3A_2733 = arith.index_cast %get3A_2732 : i32 to index
        %get3A_2734 = arith.index_cast %add3A_2731 : i32 to index
        %get3A_2735 = tpu.vector_load %arg11[%get3A_2733, %get3A_2734] {strides = array<i32>} : memref<1x64000xf32, #tpu.memory_space<vmem>>, vector<16xf32>,
        %mul3A_2736 = arith.mulf %get3A_2735, %get3A_2721 : vector<16xf32>
        %add3A_2737 = arith.addf %scan3A_2702, %mul3A_2736 : vector<16xf32>
        %add3A_2738 = arith.constant 34000 : i32
        %add3A_2739 = arith.addi %add3A_2738, %multiple_of3A_2719 : i32
        %get3A_2740 = arith.constant 0 : i32
        %get3A_2741 = arith.index_cast %get3A_2740 : i32 to index
        %get3A_2742 = arith.index_cast %add3A_2739 : i32 to index
        %get3A_2743 = tpu.vector_load %arg11[%get3A_2741, %get3A_2742] {strides = array<i32>} : memref<1x64000xf32, #tpu.memory_space<vmem>>, vector<16xf32>,
        %mul3A_2744 = arith.mulf %get3A_2743, %get3A_2721 : vector<16xf32>
        %add3A_2745 = arith.addf %scan3A_2703, %mul3A_2744 : vector<16xf32>
        %add3A_2746 = arith.constant 35000 : i32
        %add3A_2747 = arith.addi %add3A_2746, %multiple_of3A_2719 : i32
        %get3A_2748 = arith.constant 0 : i32
        %get3A_2749 = arith.index_cast %get3A_2748 : i32 to index
        %get3A_2750 = arith.index_cast %add3A_2747 : i32 to index
        %get3A_2751 = tpu.vector_load %arg11[%get3A_2749, %get3A_2750] {strides = array<i32>} : memref<1x64000xf32, #tpu.memory_space<vmem>>, vector<16xf32>,
        %mul3A_2752 = arith.mulf %get3A_2751, %get3A_2721 : vector<16xf32>
        %add3A_2753 = arith.addf %scan3A_2704, %mul3A_2752 : vector<16xf32>
        %add3A_2754 = arith.constant 36000 : i32
        %add3A_2755 = arith.addi %add3A_2754, %multiple_of3A_2719 : i32
        %get3A_2756 = arith.constant 0 : i32
        %get3A_2757 = arith.index_cast %get3A_2756 : i32 to index
        %get3A_2758 = arith.index_cast %add3A_2755 : i32 to index
        %get3A_2759 = tpu.vector_load %arg11[%get3A_2757, %get3A_2758] {strides = array<i32>} : memref<1x64000xf32, #tpu.memory_space<vmem>>, vector<16xf32>,
        %mul3A_2760 = arith.mulf %get3A_2759, %get3A_2721 : vector<16xf32>
        %add3A_2761 = arith.addf %scan3A_2705, %mul3A_2760 : vector<16xf32>
        %add3A_2762 = arith.constant 37000 : i32
        %add3A_2763 = arith.addi %add3A_2762, %multiple_of3A_2719 : i32
        %get3A_2764 = arith.constant 0 : i32
        %get3A_2765 = arith.index_cast %get3A_2764 : i32 to index
        %get3A_2766 = arith.index_cast %add3A_2763 : i32 to index
        %get3A_2767 = tpu.vector_load %arg11[%get3A_2765, %get3A_2766] {strides = array<i32>} : memref<1x64000xf32, #tpu.memory_space<vmem>>, vector<16xf32>,
        %mul3A_2768 = arith.mulf %get3A_2767, %get3A_2721 : vector<16xf32>
        %add3A_2769 = arith.addf %scan3A_2706, %mul3A_2768 : vector<16xf32>
        %add3A_2770 = arith.constant 38000 : i32
        %add3A_2771 = arith.addi %add3A_2770, %multiple_of3A_2719 : i32
        %get3A_2772 = arith.constant 0 : i32
        %get3A_2773 = arith.index_cast %get3A_2772 : i32 to index
        %get3A_2774 = arith.index_cast %add3A_2771 : i32 to index
        %get3A_2775 = tpu.vector_load %arg11[%get3A_2773, %get3A_2774] {strides = array<i32>} : memref<1x64000xf32, #tpu.memory_space<vmem>>, vector<16xf32>,
        %mul3A_2776 = arith.mulf %get3A_2775, %get3A_2721 : vector<16xf32>
        %add3A_2777 = arith.addf %scan3A_2707, %mul3A_2776 : vector<16xf32>
        %add3A_2778 = arith.constant 39000 : i32
        %add3A_2779 = arith.addi %add3A_2778, %multiple_of3A_2719 : i32
        %get3A_2780 = arith.constant 0 : i32
        %get3A_2781 = arith.index_cast %get3A_2780 : i32 to index
        %get3A_2782 = arith.index_cast %add3A_2779 : i32 to index
        %get3A_2783 = tpu.vector_load %arg11[%get3A_2781, %get3A_2782] {strides = array<i32>} : memref<1x64000xf32, #tpu.memory_space<vmem>>, vector<16xf32>,
        %mul3A_2784 = arith.mulf %get3A_2783, %get3A_2721 : vector<16xf32>
        %add3A_2785 = arith.addf %scan3A_2708, %mul3A_2784 : vector<16xf32>
        %add3A_2786 = arith.constant 40000 : i32
        %add3A_2787 = arith.addi %add3A_2786, %multiple_of3A_2719 : i32
        %get3A_2788 = arith.constant 0 : i32
        %get3A_2789 = arith.index_cast %get3A_2788 : i32 to index
        %get3A_2790 = arith.index_cast %add3A_2787 : i32 to index
        %get3A_2791 = tpu.vector_load %arg11[%get3A_2789, %get3A_2790] {strides = array<i32>} : memref<1x64000xf32, #tpu.memory_space<vmem>>, vector<16xf32>,
        %mul3A_2792 = arith.mulf %get3A_2791, %get3A_2721 : vector<16xf32>
        %add3A_2793 = arith.addf %scan3A_2709, %mul3A_2792 : vector<16xf32>
        %add3A_2794 = arith.constant 41000 : i32
        %add3A_2795 = arith.addi %add3A_2794, %multiple_of3A_2719 : i32
        %get3A_2796 = arith.constant 0 : i32
        %get3A_2797 = arith.index_cast %get3A_2796 : i32 to index
        %get3A_2798 = arith.index_cast %add3A_2795 : i32 to index
        %get3A_2799 = tpu.vector_load %arg11[%get3A_2797, %get3A_2798] {strides = array<i32>} : memref<1x64000xf32, #tpu.memory_space<vmem>>, vector<16xf32>,
        %mul3A_2800 = arith.mulf %get3A_2799, %get3A_2721 : vector<16xf32>
        %add3A_2801 = arith.addf %scan3A_2710, %mul3A_2800 : vector<16xf32>
        %add3A_2802 = arith.constant 42000 : i32
        %add3A_2803 = arith.addi %add3A_2802, %multiple_of3A_2719 : i32
        %get3A_2804 = arith.constant 0 : i32
        %get3A_2805 = arith.index_cast %get3A_2804 : i32 to index
        %get3A_2806 = arith.index_cast %add3A_2803 : i32 to index
        %get3A_2807 = tpu.vector_load %arg11[%get3A_2805, %get3A_2806] {strides = array<i32>} : memref<1x64000xf32, #tpu.memory_space<vmem>>, vector<16xf32>,
        %mul3A_2808 = arith.mulf %get3A_2807, %get3A_2721 : vector<16xf32>
        %add3A_2809 = arith.addf %scan3A_2711, %mul3A_2808 : vector<16xf32>
        %add3A_2810 = arith.constant 43000 : i32
        %add3A_2811 = arith.addi %add3A_2810, %multiple_of3A_2719 : i32
        %get3A_2812 = arith.constant 0 : i32
        %get3A_2813 = arith.index_cast %get3A_2812 : i32 to index
        %get3A_2814 = arith.index_cast %add3A_2811 : i32 to index
        %get3A_2815 = tpu.vector_load %arg11[%get3A_2813, %get3A_2814] {strides = array<i32>} : memref<1x64000xf32, #tpu.memory_space<vmem>>, vector<16xf32>,
        %mul3A_2816 = arith.mulf %get3A_2815, %get3A_2721 : vector<16xf32>
        %add3A_2817 = arith.addf %scan3A_2712, %mul3A_2816 : vector<16xf32>
        %add3A_2818 = arith.constant 44000 : i32
        %add3A_2819 = arith.addi %add3A_2818, %multiple_of3A_2719 : i32
        %get3A_2820 = arith.constant 0 : i32
        %get3A_2821 = arith.index_cast %get3A_2820 : i32 to index
        %get3A_2822 = arith.index_cast %add3A_2819 : i32 to index
        %get3A_2823 = tpu.vector_load %arg11[%get3A_2821, %get3A_2822] {strides = array<i32>} : memref<1x64000xf32, #tpu.memory_space<vmem>>, vector<16xf32>,
        %mul3A_2824 = arith.mulf %get3A_2823, %get3A_2721 : vector<16xf32>
        %add3A_2825 = arith.addf %scan3A_2713, %mul3A_2824 : vector<16xf32>
        %add3A_2826 = arith.constant 45000 : i32
        %add3A_2827 = arith.addi %add3A_2826, %multiple_of3A_2719 : i32
        %get3A_2828 = arith.constant 0 : i32
        %get3A_2829 = arith.index_cast %get3A_2828 : i32 to index
        %get3A_2830 = arith.index_cast %add3A_2827 : i32 to index
        %get3A_2831 = tpu.vector_load %arg11[%get3A_2829, %get3A_2830] {strides = array<i32>} : memref<1x64000xf32, #tpu.memory_space<vmem>>, vector<16xf32>,
        %mul3A_2832 = arith.mulf %get3A_2831, %get3A_2721 : vector<16xf32>
        %add3A_2833 = arith.addf %scan3A_2714, %mul3A_2832 : vector<16xf32>
        %add3A_2834 = arith.constant 46000 : i32
        %add3A_2835 = arith.addi %add3A_2834, %multiple_of3A_2719 : i32
        %get3A_2836 = arith.constant 0 : i32
        %get3A_2837 = arith.index_cast %get3A_2836 : i32 to index
        %get3A_2838 = arith.index_cast %add3A_2835 : i32 to index
        %get3A_2839 = tpu.vector_load %arg11[%get3A_2837, %get3A_2838] {strides = array<i32>} : memref<1x64000xf32, #tpu.memory_space<vmem>>, vector<16xf32>,
        %mul3A_2840 = arith.mulf %get3A_2839, %get3A_2721 : vector<16xf32>
        %add3A_2841 = arith.addf %scan3A_2715, %mul3A_2840 : vector<16xf32>
        %add3A_2842 = arith.constant 47000 : i32
        %add3A_2843 = arith.addi %add3A_2842, %multiple_of3A_2719 : i32
        %get3A_2844 = arith.constant 0 : i32
        %get3A_2845 = arith.index_cast %get3A_2844 : i32 to index
        %get3A_2846 = arith.index_cast %add3A_2843 : i32 to index
        %get3A_2847 = tpu.vector_load %arg11[%get3A_2845, %get3A_2846] {strides = array<i32>} : memref<1x64000xf32, #tpu.memory_space<vmem>>, vector<16xf32>,
        %mul3A_2848 = arith.mulf %get3A_2847, %get3A_2721 : vector<16xf32>
        %add3A_2849 = arith.addf %scan3A_2716, %mul3A_2848 : vector<16xf32>
        scf.yield %add3A_2729, %add3A_2737, %add3A_2745, %add3A_2753, %add3A_2761, %add3A_2769, %add3A_2777, %add3A_2785, %add3A_2793, %add3A_2801, %add3A_2809, %add3A_2817, %add3A_2825, %add3A_2833, %add3A_2841, %add3A_2849 : vector<16xf32>, vector<16xf32>, vector<16xf32>, vector<16xf32>, vector<16xf32>, vector<16xf32>, vector<16xf32>, vector<16xf32>, vector<16xf32>, vector<16xf32>, vector<16xf32>, vector<16xf32>, vector<16xf32>, vector<16xf32>, vector<16xf32>, vector<16xf32>
      }
      %scan3A_2072 = arith.constant 62 : i32
      %get3A_2073 = arith.constant 984 : index
      %get3A_2074 = tpu.vector_load %arg9[%get3A_2073] {strides = array<i32>} : memref<1024xf32, #tpu.memory_space<vmem>>, vector<16xf32>,
      %mul3A_2075 = arith.mulf %get3A_2074, %convert_element_type3A_39 : vector<16xf32>
      %get3A_2076 = arith.constant 0 : i32
      %get3A_2077 = arith.index_cast %get3A_2076 : i32 to index
      %get3A_2078 = arith.constant 32984 : index
      %get3A_2079 = tpu.vector_load %arg11[%get3A_2077, %get3A_2078] {strides = array<i32>} : memref<1x64000xf32, #tpu.memory_space<vmem>>, vector<16xf32>,
      %mul3A_2080 = arith.mulf %get3A_2079, %mul3A_2075 : vector<16xf32>
      %add3A_2081 = arith.addf %scan3A_2071#0, %mul3A_2080 : vector<16xf32>
      %swap3A_2082 = arith.constant 0 : index
      %swap3A_2083 = tpu.vector_load %arg13[%swap3A_2082] {strides = array<i32>} : memref<256xf32, #tpu.memory_space<vmem>>, vector<16xf32>,
      tpu.vector_store %arg13[%swap3A_2082], %add3A_2081 {strides = array<i32>} : memref<256xf32, #tpu.memory_space<vmem>>, vector<16xf32>,
      %get3A_2084 = arith.constant 0 : i32
      %get3A_2085 = arith.index_cast %get3A_2084 : i32 to index
      %get3A_2086 = arith.constant 33984 : index
      %get3A_2087 = tpu.vector_load %arg11[%get3A_2085, %get3A_2086] {strides = array<i32>} : memref<1x64000xf32, #tpu.memory_space<vmem>>, vector<16xf32>,
      %mul3A_2088 = arith.mulf %get3A_2087, %mul3A_2075 : vector<16xf32>
      %add3A_2089 = arith.addf %scan3A_2071#1, %mul3A_2088 : vector<16xf32>
      %swap3A_2090 = arith.constant 16 : index
      %swap3A_2091 = tpu.vector_load %arg13[%swap3A_2090] {strides = array<i32>} : memref<256xf32, #tpu.memory_space<vmem>>, vector<16xf32>,
      tpu.vector_store %arg13[%swap3A_2090], %add3A_2089 {strides = array<i32>} : memref<256xf32, #tpu.memory_space<vmem>>, vector<16xf32>,
      %get3A_2092 = arith.constant 0 : i32
      %get3A_2093 = arith.index_cast %get3A_2092 : i32 to index
      %get3A_2094 = arith.constant 34984 : index
      %get3A_2095 = tpu.vector_load %arg11[%get3A_2093, %get3A_2094] {strides = array<i32>} : memref<1x64000xf32, #tpu.memory_space<vmem>>, vector<16xf32>,
      %mul3A_2096 = arith.mulf %get3A_2095, %mul3A_2075 : vector<16xf32>
      %add3A_2097 = arith.addf %scan3A_2071#2, %mul3A_2096 : vector<16xf32>
      %swap3A_2098 = arith.constant 32 : index
      %swap3A_2099 = tpu.vector_load %arg13[%swap3A_2098] {strides = array<i32>} : memref<256xf32, #tpu.memory_space<vmem>>, vector<16xf32>,
      tpu.vector_store %arg13[%swap3A_2098], %add3A_2097 {strides = array<i32>} : memref<256xf32, #tpu.memory_space<vmem>>, vector<16xf32>,
      %get3A_2100 = arith.constant 0 : i32
      %get3A_2101 = arith.index_cast %get3A_2100 : i32 to index
      %get3A_2102 = arith.constant 35984 : index
      %get3A_2103 = tpu.vector_load %arg11[%get3A_2101, %get3A_2102] {strides = array<i32>} : memref<1x64000xf32, #tpu.memory_space<vmem>>, vector<16xf32>,
      %mul3A_2104 = arith.mulf %get3A_2103, %mul3A_2075 : vector<16xf32>
      %add3A_2105 = arith.addf %scan3A_2071#3, %mul3A_2104 : vector<16xf32>
      %swap3A_2106 = arith.constant 48 : index
      %swap3A_2107 = tpu.vector_load %arg13[%swap3A_2106] {strides = array<i32>} : memref<256xf32, #tpu.memory_space<vmem>>, vector<16xf32>,
      tpu.vector_store %arg13[%swap3A_2106], %add3A_2105 {strides = array<i32>} : memref<256xf32, #tpu.memory_space<vmem>>, vector<16xf32>,
      %get3A_2108 = arith.constant 0 : i32
      %get3A_2109 = arith.index_cast %get3A_2108 : i32 to index
      %get3A_2110 = arith.constant 36984 : index
      %get3A_2111 = tpu.vector_load %arg11[%get3A_2109, %get3A_2110] {strides = array<i32>} : memref<1x64000xf32, #tpu.memory_space<vmem>>, vector<16xf32>,
      %mul3A_2112 = arith.mulf %get3A_2111, %mul3A_2075 : vector<16xf32>
      %add3A_2113 = arith.addf %scan3A_2071#4, %mul3A_2112 : vector<16xf32>
      %swap3A_2114 = arith.constant 64 : index
      %swap3A_2115 = tpu.vector_load %arg13[%swap3A_2114] {strides = array<i32>} : memref<256xf32, #tpu.memory_space<vmem>>, vector<16xf32>,
      tpu.vector_store %arg13[%swap3A_2114], %add3A_2113 {strides = array<i32>} : memref<256xf32, #tpu.memory_space<vmem>>, vector<16xf32>,
      %get3A_2116 = arith.constant 0 : i32
      %get3A_2117 = arith.index_cast %get3A_2116 : i32 to index
      %get3A_2118 = arith.constant 37984 : index
      %get3A_2119 = tpu.vector_load %arg11[%get3A_2117, %get3A_2118] {strides = array<i32>} : memref<1x64000xf32, #tpu.memory_space<vmem>>, vector<16xf32>,
      %mul3A_2120 = arith.mulf %get3A_2119, %mul3A_2075 : vector<16xf32>
      %add3A_2121 = arith.addf %scan3A_2071#5, %mul3A_2120 : vector<16xf32>
      %swap3A_2122 = arith.constant 80 : index
      %swap3A_2123 = tpu.vector_load %arg13[%swap3A_2122] {strides = array<i32>} : memref<256xf32, #tpu.memory_space<vmem>>, vector<16xf32>,
      tpu.vector_store %arg13[%swap3A_2122], %add3A_2121 {strides = array<i32>} : memref<256xf32, #tpu.memory_space<vmem>>, vector<16xf32>,
      %get3A_2124 = arith.constant 0 : i32
      %get3A_2125 = arith.index_cast %get3A_2124 : i32 to index
      %get3A_2126 = arith.constant 38984 : index
      %get3A_2127 = tpu.vector_load %arg11[%get3A_2125, %get3A_2126] {strides = array<i32>} : memref<1x64000xf32, #tpu.memory_space<vmem>>, vector<16xf32>,
      %mul3A_2128 = arith.mulf %get3A_2127, %mul3A_2075 : vector<16xf32>
      %add3A_2129 = arith.addf %scan3A_2071#6, %mul3A_2128 : vector<16xf32>
      %swap3A_2130 = arith.constant 96 : index
      %swap3A_2131 = tpu.vector_load %arg13[%swap3A_2130] {strides = array<i32>} : memref<256xf32, #tpu.memory_space<vmem>>, vector<16xf32>,
      tpu.vector_store %arg13[%swap3A_2130], %add3A_2129 {strides = array<i32>} : memref<256xf32, #tpu.memory_space<vmem>>, vector<16xf32>,
      %get3A_2132 = arith.constant 0 : i32
      %get3A_2133 = arith.index_cast %get3A_2132 : i32 to index
      %get3A_2134 = arith.constant 39984 : index
      %get3A_2135 = tpu.vector_load %arg11[%get3A_2133, %get3A_2134] {strides = array<i32>} : memref<1x64000xf32, #tpu.memory_space<vmem>>, vector<16xf32>,
      %mul3A_2136 = arith.mulf %get3A_2135, %mul3A_2075 : vector<16xf32>
      %add3A_2137 = arith.addf %scan3A_2071#7, %mul3A_2136 : vector<16xf32>
      %swap3A_2138 = arith.constant 112 : index
      %swap3A_2139 = tpu.vector_load %arg13[%swap3A_2138] {strides = array<i32>} : memref<256xf32, #tpu.memory_space<vmem>>, vector<16xf32>,
      tpu.vector_store %arg13[%swap3A_2138], %add3A_2137 {strides = array<i32>} : memref<256xf32, #tpu.memory_space<vmem>>, vector<16xf32>,
      %get3A_2140 = arith.constant 0 : i32
      %get3A_2141 = arith.index_cast %get3A_2140 : i32 to index
      %get3A_2142 = arith.constant 40984 : index
      %get3A_2143 = tpu.vector_load %arg11[%get3A_2141, %get3A_2142] {strides = array<i32>} : memref<1x64000xf32, #tpu.memory_space<vmem>>, vector<16xf32>,
      %mul3A_2144 = arith.mulf %get3A_2143, %mul3A_2075 : vector<16xf32>
      %add3A_2145 = arith.addf %scan3A_2071#8, %mul3A_2144 : vector<16xf32>
      %swap3A_2146 = arith.constant 128 : index
      %swap3A_2147 = tpu.vector_load %arg13[%swap3A_2146] {strides = array<i32>} : memref<256xf32, #tpu.memory_space<vmem>>, vector<16xf32>,
      tpu.vector_store %arg13[%swap3A_2146], %add3A_2145 {strides = array<i32>} : memref<256xf32, #tpu.memory_space<vmem>>, vector<16xf32>,
      %get3A_2148 = arith.constant 0 : i32
      %get3A_2149 = arith.index_cast %get3A_2148 : i32 to index
      %get3A_2150 = arith.constant 41984 : index
      %get3A_2151 = tpu.vector_load %arg11[%get3A_2149, %get3A_2150] {strides = array<i32>} : memref<1x64000xf32, #tpu.memory_space<vmem>>, vector<16xf32>,
      %mul3A_2152 = arith.mulf %get3A_2151, %mul3A_2075 : vector<16xf32>
      %add3A_2153 = arith.addf %scan3A_2071#9, %mul3A_2152 : vector<16xf32>
      %swap3A_2154 = arith.constant 144 : index
      %swap3A_2155 = tpu.vector_load %arg13[%swap3A_2154] {strides = array<i32>} : memref<256xf32, #tpu.memory_space<vmem>>, vector<16xf32>,
      tpu.vector_store %arg13[%swap3A_2154], %add3A_2153 {strides = array<i32>} : memref<256xf32, #tpu.memory_space<vmem>>, vector<16xf32>,
      %get3A_2156 = arith.constant 0 : i32
      %get3A_2157 = arith.index_cast %get3A_2156 : i32 to index
      %get3A_2158 = arith.constant 42984 : index
      %get3A_2159 = tpu.vector_load %arg11[%get3A_2157, %get3A_2158] {strides = array<i32>} : memref<1x64000xf32, #tpu.memory_space<vmem>>, vector<16xf32>,
      %mul3A_2160 = arith.mulf %get3A_2159, %mul3A_2075 : vector<16xf32>
      %add3A_2161 = arith.addf %scan3A_2071#10, %mul3A_2160 : vector<16xf32>
      %swap3A_2162 = arith.constant 160 : index
      %swap3A_2163 = tpu.vector_load %arg13[%swap3A_2162] {strides = array<i32>} : memref<256xf32, #tpu.memory_space<vmem>>, vector<16xf32>,
      tpu.vector_store %arg13[%swap3A_2162], %add3A_2161 {strides = array<i32>} : memref<256xf32, #tpu.memory_space<vmem>>, vector<16xf32>,
      %get3A_2164 = arith.constant 0 : i32
      %get3A_2165 = arith.index_cast %get3A_2164 : i32 to index
      %get3A_2166 = arith.constant 43984 : index
      %get3A_2167 = tpu.vector_load %arg11[%get3A_2165, %get3A_2166] {strides = array<i32>} : memref<1x64000xf32, #tpu.memory_space<vmem>>, vector<16xf32>,
      %mul3A_2168 = arith.mulf %get3A_2167, %mul3A_2075 : vector<16xf32>
      %add3A_2169 = arith.addf %scan3A_2071#11, %mul3A_2168 : vector<16xf32>
      %swap3A_2170 = arith.constant 176 : index
      %swap3A_2171 = tpu.vector_load %arg13[%swap3A_2170] {strides = array<i32>} : memref<256xf32, #tpu.memory_space<vmem>>, vector<16xf32>,
      tpu.vector_store %arg13[%swap3A_2170], %add3A_2169 {strides = array<i32>} : memref<256xf32, #tpu.memory_space<vmem>>, vector<16xf32>,
      %get3A_2172 = arith.constant 0 : i32
      %get3A_2173 = arith.index_cast %get3A_2172 : i32 to index
      %get3A_2174 = arith.constant 44984 : index
      %get3A_2175 = tpu.vector_load %arg11[%get3A_2173, %get3A_2174] {strides = array<i32>} : memref<1x64000xf32, #tpu.memory_space<vmem>>, vector<16xf32>,
      %mul3A_2176 = arith.mulf %get3A_2175, %mul3A_2075 : vector<16xf32>
      %add3A_2177 = arith.addf %scan3A_2071#12, %mul3A_2176 : vector<16xf32>
      %swap3A_2178 = arith.constant 192 : index
      %swap3A_2179 = tpu.vector_load %arg13[%swap3A_2178] {strides = array<i32>} : memref<256xf32, #tpu.memory_space<vmem>>, vector<16xf32>,
      tpu.vector_store %arg13[%swap3A_2178], %add3A_2177 {strides = array<i32>} : memref<256xf32, #tpu.memory_space<vmem>>, vector<16xf32>,
      %get3A_2180 = arith.constant 0 : i32
      %get3A_2181 = arith.index_cast %get3A_2180 : i32 to index
      %get3A_2182 = arith.constant 45984 : index
      %get3A_2183 = tpu.vector_load %arg11[%get3A_2181, %get3A_2182] {strides = array<i32>} : memref<1x64000xf32, #tpu.memory_space<vmem>>, vector<16xf32>,
      %mul3A_2184 = arith.mulf %get3A_2183, %mul3A_2075 : vector<16xf32>
      %add3A_2185 = arith.addf %scan3A_2071#13, %mul3A_2184 : vector<16xf32>
      %swap3A_2186 = arith.constant 208 : index
      %swap3A_2187 = tpu.vector_load %arg13[%swap3A_2186] {strides = array<i32>} : memref<256xf32, #tpu.memory_space<vmem>>, vector<16xf32>,
      tpu.vector_store %arg13[%swap3A_2186], %add3A_2185 {strides = array<i32>} : memref<256xf32, #tpu.memory_space<vmem>>, vector<16xf32>,
      %get3A_2188 = arith.constant 0 : i32
      %get3A_2189 = arith.index_cast %get3A_2188 : i32 to index
      %get3A_2190 = arith.constant 46984 : index
      %get3A_2191 = tpu.vector_load %arg11[%get3A_2189, %get3A_2190] {strides = array<i32>} : memref<1x64000xf32, #tpu.memory_space<vmem>>, vector<16xf32>,
      %mul3A_2192 = arith.mulf %get3A_2191, %mul3A_2075 : vector<16xf32>
      %add3A_2193 = arith.addf %scan3A_2071#14, %mul3A_2192 : vector<16xf32>
      %swap3A_2194 = arith.constant 224 : index
      %swap3A_2195 = tpu.vector_load %arg13[%swap3A_2194] {strides = array<i32>} : memref<256xf32, #tpu.memory_space<vmem>>, vector<16xf32>,
      tpu.vector_store %arg13[%swap3A_2194], %add3A_2193 {strides = array<i32>} : memref<256xf32, #tpu.memory_space<vmem>>, vector<16xf32>,
      %get3A_2196 = arith.constant 0 : i32
      %get3A_2197 = arith.index_cast %get3A_2196 : i32 to index
      %get3A_2198 = arith.constant 47984 : index
      %get3A_2199 = tpu.vector_load %arg11[%get3A_2197, %get3A_2198] {strides = array<i32>} : memref<1x64000xf32, #tpu.memory_space<vmem>>, vector<16xf32>,
      %mul3A_2200 = arith.mulf %get3A_2199, %mul3A_2075 : vector<16xf32>
      %add3A_2201 = arith.addf %scan3A_2071#15, %mul3A_2200 : vector<16xf32>
      %swap3A_2202 = arith.constant 240 : index
      %swap3A_2203 = tpu.vector_load %arg13[%swap3A_2202] {strides = array<i32>} : memref<256xf32, #tpu.memory_space<vmem>>, vector<16xf32>,
      tpu.vector_store %arg13[%swap3A_2202], %add3A_2201 {strides = array<i32>} : memref<256xf32, #tpu.memory_space<vmem>>, vector<16xf32>,
      %broadcast_in_dim3A_2204 = arith.constant 0.000000e+00 : f32
      %broadcast_in_dim3A_2205 = vector.broadcast %broadcast_in_dim3A_2204 : f32 to vector<16xf32>
      %mul3A_2206 = arith.constant 16 : i32
      %mul3A_2207 = vector.broadcast %mul3A_2206 : i32 to vector<16xi32>
      %mul3A_2208 = arith.muli %iota3A, %mul3A_2207 : vector<16xi32>
      %add3A_2209 = arith.constant 0 : i32
      %add3A_2210 = vector.broadcast %add3A_2209 : i32 to vector<16xi32>
      %add3A_2211 = arith.addi %mul3A_2208, %add3A_2210 : vector<16xi32>
      %gather3A_2212 = tpu.vector_load_idx %arg13[%add3A_2211] : memref<256xf32, #tpu.memory_space<vmem>>[vector<16xi32>], vector<16xf32>,
      %add3A_2213 = arith.addf %broadcast_in_dim3A_2205, %gather3A_2212 : vector<16xf32>
      %mul3A_2214 = arith.constant 16 : i32
      %mul3A_2215 = vector.broadcast %mul3A_2214 : i32 to vector<16xi32>
      %mul3A_2216 = arith.muli %iota3A, %mul3A_2215 : vector<16xi32>
      %add3A_2217 = arith.constant 1 : i32
      %add3A_2218 = vector.broadcast %add3A_2217 : i32 to vector<16xi32>
      %add3A_2219 = arith.addi %mul3A_2216, %add3A_2218 : vector<16xi32>
      %gather3A_2220 = tpu.vector_load_idx %arg13[%add3A_2219] : memref<256xf32, #tpu.memory_space<vmem>>[vector<16xi32>], vector<16xf32>,
      %add3A_2221 = arith.addf %add3A_2213, %gather3A_2220 : vector<16xf32>
      %mul3A_2222 = arith.constant 16 : i32
      %mul3A_2223 = vector.broadcast %mul3A_2222 : i32 to vector<16xi32>
      %mul3A_2224 = arith.muli %iota3A, %mul3A_2223 : vector<16xi32>
      %add3A_2225 = arith.constant 2 : i32
      %add3A_2226 = vector.broadcast %add3A_2225 : i32 to vector<16xi32>
      %add3A_2227 = arith.addi %mul3A_2224, %add3A_2226 : vector<16xi32>
      %gather3A_2228 = tpu.vector_load_idx %arg13[%add3A_2227] : memref<256xf32, #tpu.memory_space<vmem>>[vector<16xi32>], vector<16xf32>,
      %add3A_2229 = arith.addf %add3A_2221, %gather3A_2228 : vector<16xf32>
      %mul3A_2230 = arith.constant 16 : i32
      %mul3A_2231 = vector.broadcast %mul3A_2230 : i32 to vector<16xi32>
      %mul3A_2232 = arith.muli %iota3A, %mul3A_2231 : vector<16xi32>
      %add3A_2233 = arith.constant 3 : i32
      %add3A_2234 = vector.broadcast %add3A_2233 : i32 to vector<16xi32>
      %add3A_2235 = arith.addi %mul3A_2232, %add3A_2234 : vector<16xi32>
      %gather3A_2236 = tpu.vector_load_idx %arg13[%add3A_2235] : memref<256xf32, #tpu.memory_space<vmem>>[vector<16xi32>], vector<16xf32>,
      %add3A_2237 = arith.addf %add3A_2229, %gather3A_2236 : vector<16xf32>
      %mul3A_2238 = arith.constant 16 : i32
      %mul3A_2239 = vector.broadcast %mul3A_2238 : i32 to vector<16xi32>
      %mul3A_2240 = arith.muli %iota3A, %mul3A_2239 : vector<16xi32>
      %add3A_2241 = arith.constant 4 : i32
      %add3A_2242 = vector.broadcast %add3A_2241 : i32 to vector<16xi32>
      %add3A_2243 = arith.addi %mul3A_2240, %add3A_2242 : vector<16xi32>
      %gather3A_2244 = tpu.vector_load_idx %arg13[%add3A_2243] : memref<256xf32, #tpu.memory_space<vmem>>[vector<16xi32>], vector<16xf32>,
      %add3A_2245 = arith.addf %add3A_2237, %gather3A_2244 : vector<16xf32>
      %mul3A_2246 = arith.constant 16 : i32
      %mul3A_2247 = vector.broadcast %mul3A_2246 : i32 to vector<16xi32>
      %mul3A_2248 = arith.muli %iota3A, %mul3A_2247 : vector<16xi32>
      %add3A_2249 = arith.constant 5 : i32
      %add3A_2250 = vector.broadcast %add3A_2249 : i32 to vector<16xi32>
      %add3A_2251 = arith.addi %mul3A_2248, %add3A_2250 : vector<16xi32>
      %gather3A_2252 = tpu.vector_load_idx %arg13[%add3A_2251] : memref<256xf32, #tpu.memory_space<vmem>>[vector<16xi32>], vector<16xf32>,
      %add3A_2253 = arith.addf %add3A_2245, %gather3A_2252 : vector<16xf32>
      %mul3A_2254 = arith.constant 16 : i32
      %mul3A_2255 = vector.broadcast %mul3A_2254 : i32 to vector<16xi32>
      %mul3A_2256 = arith.muli %iota3A, %mul3A_2255 : vector<16xi32>
      %add3A_2257 = arith.constant 6 : i32
      %add3A_2258 = vector.broadcast %add3A_2257 : i32 to vector<16xi32>
      %add3A_2259 = arith.addi %mul3A_2256, %add3A_2258 : vector<16xi32>
      %gather3A_2260 = tpu.vector_load_idx %arg13[%add3A_2259] : memref<256xf32, #tpu.memory_space<vmem>>[vector<16xi32>], vector<16xf32>,
      %add3A_2261 = arith.addf %add3A_2253, %gather3A_2260 : vector<16xf32>
      %mul3A_2262 = arith.constant 16 : i32
      %mul3A_2263 = vector.broadcast %mul3A_2262 : i32 to vector<16xi32>
      %mul3A_2264 = arith.muli %iota3A, %mul3A_2263 : vector<16xi32>
      %add3A_2265 = arith.constant 7 : i32
      %add3A_2266 = vector.broadcast %add3A_2265 : i32 to vector<16xi32>
      %add3A_2267 = arith.addi %mul3A_2264, %add3A_2266 : vector<16xi32>
      %gather3A_2268 = tpu.vector_load_idx %arg13[%add3A_2267] : memref<256xf32, #tpu.memory_space<vmem>>[vector<16xi32>], vector<16xf32>,
      %add3A_2269 = arith.addf %add3A_2261, %gather3A_2268 : vector<16xf32>
      %mul3A_2270 = arith.constant 16 : i32
      %mul3A_2271 = vector.broadcast %mul3A_2270 : i32 to vector<16xi32>
      %mul3A_2272 = arith.muli %iota3A, %mul3A_2271 : vector<16xi32>
      %add3A_2273 = arith.constant 8 : i32
      %add3A_2274 = vector.broadcast %add3A_2273 : i32 to vector<16xi32>
      %add3A_2275 = arith.addi %mul3A_2272, %add3A_2274 : vector<16xi32>
      %gather3A_2276 = tpu.vector_load_idx %arg13[%add3A_2275] : memref<256xf32, #tpu.memory_space<vmem>>[vector<16xi32>], vector<16xf32>,
      %add3A_2277 = arith.addf %add3A_2269, %gather3A_2276 : vector<16xf32>
      %mul3A_2278 = arith.constant 16 : i32
      %mul3A_2279 = vector.broadcast %mul3A_2278 : i32 to vector<16xi32>
      %mul3A_2280 = arith.muli %iota3A, %mul3A_2279 : vector<16xi32>
      %add3A_2281 = arith.constant 9 : i32
      %add3A_2282 = vector.broadcast %add3A_2281 : i32 to vector<16xi32>
      %add3A_2283 = arith.addi %mul3A_2280, %add3A_2282 : vector<16xi32>
      %gather3A_2284 = tpu.vector_load_idx %arg13[%add3A_2283] : memref<256xf32, #tpu.memory_space<vmem>>[vector<16xi32>], vector<16xf32>,
      %add3A_2285 = arith.addf %add3A_2277, %gather3A_2284 : vector<16xf32>
      %mul3A_2286 = arith.constant 16 : i32
      %mul3A_2287 = vector.broadcast %mul3A_2286 : i32 to vector<16xi32>
      %mul3A_2288 = arith.muli %iota3A, %mul3A_2287 : vector<16xi32>
      %add3A_2289 = arith.constant 10 : i32
      %add3A_2290 = vector.broadcast %add3A_2289 : i32 to vector<16xi32>
      %add3A_2291 = arith.addi %mul3A_2288, %add3A_2290 : vector<16xi32>
      %gather3A_2292 = tpu.vector_load_idx %arg13[%add3A_2291] : memref<256xf32, #tpu.memory_space<vmem>>[vector<16xi32>], vector<16xf32>,
      %add3A_2293 = arith.addf %add3A_2285, %gather3A_2292 : vector<16xf32>
      %mul3A_2294 = arith.constant 16 : i32
      %mul3A_2295 = vector.broadcast %mul3A_2294 : i32 to vector<16xi32>
      %mul3A_2296 = arith.muli %iota3A, %mul3A_2295 : vector<16xi32>
      %add3A_2297 = arith.constant 11 : i32
      %add3A_2298 = vector.broadcast %add3A_2297 : i32 to vector<16xi32>
      %add3A_2299 = arith.addi %mul3A_2296, %add3A_2298 : vector<16xi32>
      %gather3A_2300 = tpu.vector_load_idx %arg13[%add3A_2299] : memref<256xf32, #tpu.memory_space<vmem>>[vector<16xi32>], vector<16xf32>,
      %add3A_2301 = arith.addf %add3A_2293, %gather3A_2300 : vector<16xf32>
      %mul3A_2302 = arith.constant 16 : i32
      %mul3A_2303 = vector.broadcast %mul3A_2302 : i32 to vector<16xi32>
      %mul3A_2304 = arith.muli %iota3A, %mul3A_2303 : vector<16xi32>
      %add3A_2305 = arith.constant 12 : i32
      %add3A_2306 = vector.broadcast %add3A_2305 : i32 to vector<16xi32>
      %add3A_2307 = arith.addi %mul3A_2304, %add3A_2306 : vector<16xi32>
      %gather3A_2308 = tpu.vector_load_idx %arg13[%add3A_2307] : memref<256xf32, #tpu.memory_space<vmem>>[vector<16xi32>], vector<16xf32>,
      %add3A_2309 = arith.addf %add3A_2301, %gather3A_2308 : vector<16xf32>
      %mul3A_2310 = arith.constant 16 : i32
      %mul3A_2311 = vector.broadcast %mul3A_2310 : i32 to vector<16xi32>
      %mul3A_2312 = arith.muli %iota3A, %mul3A_2311 : vector<16xi32>
      %add3A_2313 = arith.constant 13 : i32
      %add3A_2314 = vector.broadcast %add3A_2313 : i32 to vector<16xi32>
      %add3A_2315 = arith.addi %mul3A_2312, %add3A_2314 : vector<16xi32>
      %gather3A_2316 = tpu.vector_load_idx %arg13[%add3A_2315] : memref<256xf32, #tpu.memory_space<vmem>>[vector<16xi32>], vector<16xf32>,
      %add3A_2317 = arith.addf %add3A_2309, %gather3A_2316 : vector<16xf32>
      %mul3A_2318 = arith.constant 16 : i32
      %mul3A_2319 = vector.broadcast %mul3A_2318 : i32 to vector<16xi32>
      %mul3A_2320 = arith.muli %iota3A, %mul3A_2319 : vector<16xi32>
      %add3A_2321 = arith.constant 14 : i32
      %add3A_2322 = vector.broadcast %add3A_2321 : i32 to vector<16xi32>
      %add3A_2323 = arith.addi %mul3A_2320, %add3A_2322 : vector<16xi32>
      %gather3A_2324 = tpu.vector_load_idx %arg13[%add3A_2323] : memref<256xf32, #tpu.memory_space<vmem>>[vector<16xi32>], vector<16xf32>,
      %add3A_2325 = arith.addf %add3A_2317, %gather3A_2324 : vector<16xf32>
      %mul3A_2326 = arith.constant 16 : i32
      %mul3A_2327 = vector.broadcast %mul3A_2326 : i32 to vector<16xi32>
      %mul3A_2328 = arith.muli %iota3A, %mul3A_2327 : vector<16xi32>
      %add3A_2329 = arith.constant 15 : i32
      %add3A_2330 = vector.broadcast %add3A_2329 : i32 to vector<16xi32>
      %add3A_2331 = arith.addi %mul3A_2328, %add3A_2330 : vector<16xi32>
      %gather3A_2332 = tpu.vector_load_idx %arg13[%add3A_2331] : memref<256xf32, #tpu.memory_space<vmem>>[vector<16xi32>], vector<16xf32>,
      %add3A_2333 = arith.addf %add3A_2325, %gather3A_2332 : vector<16xf32>
      %jit3A_2334 = arith.constant 4 : i32
      %eq3A_2335 = arith.constant 0 : i32
      %eq3A_2336 = arith.cmpi eq, %jit3A_2334, %eq3A_2335 : i32
      %jit3A_2337 = arith.constant 1 : i32
      %select_n3A_2338 = arith.select %eq3A_2336, %jit3A_2337, %jit3A_2334 : i32
      %rem3A_2339 = arith.remsi %add3A_51, %select_n3A_2338 : i32
      %ne3A_2340 = arith.constant 0 : i32
      %ne3A_2341 = arith.cmpi ne, %rem3A_2339, %ne3A_2340 : i32
      %lt3A_2342 = arith.constant 0 : i32
      %lt3A_2343 = arith.cmpi slt, %rem3A_2339, %lt3A_2342 : i32
      %lt3A_2344 = arith.constant 0 : i32
      %lt3A_2345 = arith.cmpi slt, %select_n3A_2338, %lt3A_2344 : i32
      %ne3A_2346 = arith.xori %lt3A_2343, %lt3A_2345 : i1
      %and3A_2347 = arith.andi %ne3A_2346, %ne3A_2341 : i1
      %add3A_2348 = arith.addi %rem3A_2339, %select_n3A_2338 : i32
      %select_n3A_2349 = arith.select %and3A_2347, %add3A_2348, %rem3A_2339 : i32
      %mul3A_2350 = arith.constant 64 : i32
      %mul3A_2351 = arith.muli %select_n3A_2349, %mul3A_2350 : i32
      %add3A_2352 = arith.constant 32 : i32
      %add3A_2353 = arith.addi %mul3A_2351, %add3A_2352 : i32
      %multiple_of3A_2354 = tpu.assume_multiple %add3A_2353, 16 : i32
      %swap3A_2355 = arith.index_cast %multiple_of3A_2354 : i32 to index
      %swap3A_2356 = tpu.vector_load %arg12[%swap3A_2355] {strides = array<i32>} : memref<256xf32, #tpu.memory_space<vmem>>, vector<16xf32>,
      tpu.vector_store %arg12[%swap3A_2355], %add3A_2333 {strides = array<i32>} : memref<256xf32, #tpu.memory_space<vmem>>, vector<16xf32>,
      %broadcast_in_dim3A_2357 = arith.constant 0.000000e+00 : f32
      %broadcast_in_dim3A_2358 = vector.broadcast %broadcast_in_dim3A_2357 : f32 to vector<16xf32>
      %broadcast_in_dim3A_2359 = arith.constant 0.000000e+00 : f32
      %broadcast_in_dim3A_2360 = vector.broadcast %broadcast_in_dim3A_2359 : f32 to vector<16xf32>
      %broadcast_in_dim3A_2361 = arith.constant 0.000000e+00 : f32
      %broadcast_in_dim3A_2362 = vector.broadcast %broadcast_in_dim3A_2361 : f32 to vector<16xf32>
      %broadcast_in_dim3A_2363 = arith.constant 0.000000e+00 : f32
      %broadcast_in_dim3A_2364 = vector.broadcast %broadcast_in_dim3A_2363 : f32 to vector<16xf32>
      %broadcast_in_dim3A_2365 = arith.constant 0.000000e+00 : f32
      %broadcast_in_dim3A_2366 = vector.broadcast %broadcast_in_dim3A_2365 : f32 to vector<16xf32>
      %broadcast_in_dim3A_2367 = arith.constant 0.000000e+00 : f32
      %broadcast_in_dim3A_2368 = vector.broadcast %broadcast_in_dim3A_2367 : f32 to vector<16xf32>
      %broadcast_in_dim3A_2369 = arith.constant 0.000000e+00 : f32
      %broadcast_in_dim3A_2370 = vector.broadcast %broadcast_in_dim3A_2369 : f32 to vector<16xf32>
      %broadcast_in_dim3A_2371 = arith.constant 0.000000e+00 : f32
      %broadcast_in_dim3A_2372 = vector.broadcast %broadcast_in_dim3A_2371 : f32 to vector<16xf32>
      %broadcast_in_dim3A_2373 = arith.constant 0.000000e+00 : f32
      %broadcast_in_dim3A_2374 = vector.broadcast %broadcast_in_dim3A_2373 : f32 to vector<16xf32>
      %broadcast_in_dim3A_2375 = arith.constant 0.000000e+00 : f32
      %broadcast_in_dim3A_2376 = vector.broadcast %broadcast_in_dim3A_2375 : f32 to vector<16xf32>
      %broadcast_in_dim3A_2377 = arith.constant 0.000000e+00 : f32
      %broadcast_in_dim3A_2378 = vector.broadcast %broadcast_in_dim3A_2377 : f32 to vector<16xf32>
      %broadcast_in_dim3A_2379 = arith.constant 0.000000e+00 : f32
      %broadcast_in_dim3A_2380 = vector.broadcast %broadcast_in_dim3A_2379 : f32 to vector<16xf32>
      %broadcast_in_dim3A_2381 = arith.constant 0.000000e+00 : f32
      %broadcast_in_dim3A_2382 = vector.broadcast %broadcast_in_dim3A_2381 : f32 to vector<16xf32>
      %broadcast_in_dim3A_2383 = arith.constant 0.000000e+00 : f32
      %broadcast_in_dim3A_2384 = vector.broadcast %broadcast_in_dim3A_2383 : f32 to vector<16xf32>
      %broadcast_in_dim3A_2385 = arith.constant 0.000000e+00 : f32
      %broadcast_in_dim3A_2386 = vector.broadcast %broadcast_in_dim3A_2385 : f32 to vector<16xf32>
      %broadcast_in_dim3A_2387 = arith.constant 0.000000e+00 : f32
      %broadcast_in_dim3A_2388 = vector.broadcast %broadcast_in_dim3A_2387 : f32 to vector<16xf32>
      %scan3A_2389 = arith.constant 0 : i32
      %scan3A_2390 = arith.constant 62 : i32
      %scan3A_2391 = arith.addi %scan3A_2389, %scan3A_2390 : i32
      %scan3A_2392 = arith.constant 1 : i32
      %scan3A_2393:16 = scf.for %scan3A_2700 = %scan3A_2389 to %scan3A_2391 step %scan3A_2392 iter_args(%scan3A_2701 = %broadcast_in_dim3A_2358, %scan3A_2702 = %broadcast_in_dim3A_2360, %scan3A_2703 = %broadcast_in_dim3A_2362, %scan3A_2704 = %broadcast_in_dim3A_2364, %scan3A_2705 = %broadcast_in_dim3A_2366, %scan3A_2706 = %broadcast_in_dim3A_2368, %scan3A_2707 = %broadcast_in_dim3A_2370, %scan3A_2708 = %broadcast_in_dim3A_2372, %scan3A_2709 = %broadcast_in_dim3A_2374, %scan3A_2710 = %broadcast_in_dim3A_2376, %scan3A_2711 = %broadcast_in_dim3A_2378, %scan3A_2712 = %broadcast_in_dim3A_2380, %scan3A_2713 = %broadcast_in_dim3A_2382, %scan3A_2714 = %broadcast_in_dim3A_2384, %scan3A_2715 = %broadcast_in_dim3A_2386, %scan3A_2716 = %broadcast_in_dim3A_2388) -> (vector<16xf32>, vector<16xf32>, vector<16xf32>, vector<16xf32>, vector<16xf32>, vector<16xf32>, vector<16xf32>, vector<16xf32>, vector<16xf32>, vector<16xf32>, vector<16xf32>, vector<16xf32>, vector<16xf32>, vector<16xf32>, vector<16xf32>, vector<16xf32>)  : i32 {
        %mul3A_2717 = arith.constant 16 : i32
        %mul3A_2718 = arith.muli %mul3A_2717, %scan3A_2700 : i32
        %multiple_of3A_2719 = tpu.assume_multiple %mul3A_2718, 16 : i32
        %get3A_2720 = arith.index_cast %multiple_of3A_2719 : i32 to index
        %get3A_2721 = tpu.vector_load %arg9[%get3A_2720] {strides = array<i32>} : memref<1024xf32, #tpu.memory_space<vmem>>, vector<16xf32>,
        %add3A_2722 = arith.constant 48000 : i32
        %add3A_2723 = arith.addi %add3A_2722, %multiple_of3A_2719 : i32
        %get3A_2724 = arith.constant 0 : i32
        %get3A_2725 = arith.index_cast %get3A_2724 : i32 to index
        %get3A_2726 = arith.index_cast %add3A_2723 : i32 to index
        %get3A_2727 = tpu.vector_load %arg11[%get3A_2725, %get3A_2726] {strides = array<i32>} : memref<1x64000xf32, #tpu.memory_space<vmem>>, vector<16xf32>,
        %mul3A_2728 = arith.mulf %get3A_2727, %get3A_2721 : vector<16xf32>
        %add3A_2729 = arith.addf %scan3A_2701, %mul3A_2728 : vector<16xf32>
        %add3A_2730 = arith.constant 49000 : i32
        %add3A_2731 = arith.addi %add3A_2730, %multiple_of3A_2719 : i32
        %get3A_2732 = arith.constant 0 : i32
        %get3A_2733 = arith.index_cast %get3A_2732 : i32 to index
        %get3A_2734 = arith.index_cast %add3A_2731 : i32 to index
        %get3A_2735 = tpu.vector_load %arg11[%get3A_2733, %get3A_2734] {strides = array<i32>} : memref<1x64000xf32, #tpu.memory_space<vmem>>, vector<16xf32>,
        %mul3A_2736 = arith.mulf %get3A_2735, %get3A_2721 : vector<16xf32>
        %add3A_2737 = arith.addf %scan3A_2702, %mul3A_2736 : vector<16xf32>
        %add3A_2738 = arith.constant 50000 : i32
        %add3A_2739 = arith.addi %add3A_2738, %multiple_of3A_2719 : i32
        %get3A_2740 = arith.constant 0 : i32
        %get3A_2741 = arith.index_cast %get3A_2740 : i32 to index
        %get3A_2742 = arith.index_cast %add3A_2739 : i32 to index
        %get3A_2743 = tpu.vector_load %arg11[%get3A_2741, %get3A_2742] {strides = array<i32>} : memref<1x64000xf32, #tpu.memory_space<vmem>>, vector<16xf32>,
        %mul3A_2744 = arith.mulf %get3A_2743, %get3A_2721 : vector<16xf32>
        %add3A_2745 = arith.addf %scan3A_2703, %mul3A_2744 : vector<16xf32>
        %add3A_2746 = arith.constant 51000 : i32
        %add3A_2747 = arith.addi %add3A_2746, %multiple_of3A_2719 : i32
        %get3A_2748 = arith.constant 0 : i32
        %get3A_2749 = arith.index_cast %get3A_2748 : i32 to index
        %get3A_2750 = arith.index_cast %add3A_2747 : i32 to index
        %get3A_2751 = tpu.vector_load %arg11[%get3A_2749, %get3A_2750] {strides = array<i32>} : memref<1x64000xf32, #tpu.memory_space<vmem>>, vector<16xf32>,
        %mul3A_2752 = arith.mulf %get3A_2751, %get3A_2721 : vector<16xf32>
        %add3A_2753 = arith.addf %scan3A_2704, %mul3A_2752 : vector<16xf32>
        %add3A_2754 = arith.constant 52000 : i32
        %add3A_2755 = arith.addi %add3A_2754, %multiple_of3A_2719 : i32
        %get3A_2756 = arith.constant 0 : i32
        %get3A_2757 = arith.index_cast %get3A_2756 : i32 to index
        %get3A_2758 = arith.index_cast %add3A_2755 : i32 to index
        %get3A_2759 = tpu.vector_load %arg11[%get3A_2757, %get3A_2758] {strides = array<i32>} : memref<1x64000xf32, #tpu.memory_space<vmem>>, vector<16xf32>,
        %mul3A_2760 = arith.mulf %get3A_2759, %get3A_2721 : vector<16xf32>
        %add3A_2761 = arith.addf %scan3A_2705, %mul3A_2760 : vector<16xf32>
        %add3A_2762 = arith.constant 53000 : i32
        %add3A_2763 = arith.addi %add3A_2762, %multiple_of3A_2719 : i32
        %get3A_2764 = arith.constant 0 : i32
        %get3A_2765 = arith.index_cast %get3A_2764 : i32 to index
        %get3A_2766 = arith.index_cast %add3A_2763 : i32 to index
        %get3A_2767 = tpu.vector_load %arg11[%get3A_2765, %get3A_2766] {strides = array<i32>} : memref<1x64000xf32, #tpu.memory_space<vmem>>, vector<16xf32>,
        %mul3A_2768 = arith.mulf %get3A_2767, %get3A_2721 : vector<16xf32>
        %add3A_2769 = arith.addf %scan3A_2706, %mul3A_2768 : vector<16xf32>
        %add3A_2770 = arith.constant 54000 : i32
        %add3A_2771 = arith.addi %add3A_2770, %multiple_of3A_2719 : i32
        %get3A_2772 = arith.constant 0 : i32
        %get3A_2773 = arith.index_cast %get3A_2772 : i32 to index
        %get3A_2774 = arith.index_cast %add3A_2771 : i32 to index
        %get3A_2775 = tpu.vector_load %arg11[%get3A_2773, %get3A_2774] {strides = array<i32>} : memref<1x64000xf32, #tpu.memory_space<vmem>>, vector<16xf32>,
        %mul3A_2776 = arith.mulf %get3A_2775, %get3A_2721 : vector<16xf32>
        %add3A_2777 = arith.addf %scan3A_2707, %mul3A_2776 : vector<16xf32>
        %add3A_2778 = arith.constant 55000 : i32
        %add3A_2779 = arith.addi %add3A_2778, %multiple_of3A_2719 : i32
        %get3A_2780 = arith.constant 0 : i32
        %get3A_2781 = arith.index_cast %get3A_2780 : i32 to index
        %get3A_2782 = arith.index_cast %add3A_2779 : i32 to index
        %get3A_2783 = tpu.vector_load %arg11[%get3A_2781, %get3A_2782] {strides = array<i32>} : memref<1x64000xf32, #tpu.memory_space<vmem>>, vector<16xf32>,
        %mul3A_2784 = arith.mulf %get3A_2783, %get3A_2721 : vector<16xf32>
        %add3A_2785 = arith.addf %scan3A_2708, %mul3A_2784 : vector<16xf32>
        %add3A_2786 = arith.constant 56000 : i32
        %add3A_2787 = arith.addi %add3A_2786, %multiple_of3A_2719 : i32
        %get3A_2788 = arith.constant 0 : i32
        %get3A_2789 = arith.index_cast %get3A_2788 : i32 to index
        %get3A_2790 = arith.index_cast %add3A_2787 : i32 to index
        %get3A_2791 = tpu.vector_load %arg11[%get3A_2789, %get3A_2790] {strides = array<i32>} : memref<1x64000xf32, #tpu.memory_space<vmem>>, vector<16xf32>,
        %mul3A_2792 = arith.mulf %get3A_2791, %get3A_2721 : vector<16xf32>
        %add3A_2793 = arith.addf %scan3A_2709, %mul3A_2792 : vector<16xf32>
        %add3A_2794 = arith.constant 57000 : i32
        %add3A_2795 = arith.addi %add3A_2794, %multiple_of3A_2719 : i32
        %get3A_2796 = arith.constant 0 : i32
        %get3A_2797 = arith.index_cast %get3A_2796 : i32 to index
        %get3A_2798 = arith.index_cast %add3A_2795 : i32 to index
        %get3A_2799 = tpu.vector_load %arg11[%get3A_2797, %get3A_2798] {strides = array<i32>} : memref<1x64000xf32, #tpu.memory_space<vmem>>, vector<16xf32>,
        %mul3A_2800 = arith.mulf %get3A_2799, %get3A_2721 : vector<16xf32>
        %add3A_2801 = arith.addf %scan3A_2710, %mul3A_2800 : vector<16xf32>
        %add3A_2802 = arith.constant 58000 : i32
        %add3A_2803 = arith.addi %add3A_2802, %multiple_of3A_2719 : i32
        %get3A_2804 = arith.constant 0 : i32
        %get3A_2805 = arith.index_cast %get3A_2804 : i32 to index
        %get3A_2806 = arith.index_cast %add3A_2803 : i32 to index
        %get3A_2807 = tpu.vector_load %arg11[%get3A_2805, %get3A_2806] {strides = array<i32>} : memref<1x64000xf32, #tpu.memory_space<vmem>>, vector<16xf32>,
        %mul3A_2808 = arith.mulf %get3A_2807, %get3A_2721 : vector<16xf32>
        %add3A_2809 = arith.addf %scan3A_2711, %mul3A_2808 : vector<16xf32>
        %add3A_2810 = arith.constant 59000 : i32
        %add3A_2811 = arith.addi %add3A_2810, %multiple_of3A_2719 : i32
        %get3A_2812 = arith.constant 0 : i32
        %get3A_2813 = arith.index_cast %get3A_2812 : i32 to index
        %get3A_2814 = arith.index_cast %add3A_2811 : i32 to index
        %get3A_2815 = tpu.vector_load %arg11[%get3A_2813, %get3A_2814] {strides = array<i32>} : memref<1x64000xf32, #tpu.memory_space<vmem>>, vector<16xf32>,
        %mul3A_2816 = arith.mulf %get3A_2815, %get3A_2721 : vector<16xf32>
        %add3A_2817 = arith.addf %scan3A_2712, %mul3A_2816 : vector<16xf32>
        %add3A_2818 = arith.constant 60000 : i32
        %add3A_2819 = arith.addi %add3A_2818, %multiple_of3A_2719 : i32
        %get3A_2820 = arith.constant 0 : i32
        %get3A_2821 = arith.index_cast %get3A_2820 : i32 to index
        %get3A_2822 = arith.index_cast %add3A_2819 : i32 to index
        %get3A_2823 = tpu.vector_load %arg11[%get3A_2821, %get3A_2822] {strides = array<i32>} : memref<1x64000xf32, #tpu.memory_space<vmem>>, vector<16xf32>,
        %mul3A_2824 = arith.mulf %get3A_2823, %get3A_2721 : vector<16xf32>
        %add3A_2825 = arith.addf %scan3A_2713, %mul3A_2824 : vector<16xf32>
        %add3A_2826 = arith.constant 61000 : i32
        %add3A_2827 = arith.addi %add3A_2826, %multiple_of3A_2719 : i32
        %get3A_2828 = arith.constant 0 : i32
        %get3A_2829 = arith.index_cast %get3A_2828 : i32 to index
        %get3A_2830 = arith.index_cast %add3A_2827 : i32 to index
        %get3A_2831 = tpu.vector_load %arg11[%get3A_2829, %get3A_2830] {strides = array<i32>} : memref<1x64000xf32, #tpu.memory_space<vmem>>, vector<16xf32>,
        %mul3A_2832 = arith.mulf %get3A_2831, %get3A_2721 : vector<16xf32>
        %add3A_2833 = arith.addf %scan3A_2714, %mul3A_2832 : vector<16xf32>
        %add3A_2834 = arith.constant 62000 : i32
        %add3A_2835 = arith.addi %add3A_2834, %multiple_of3A_2719 : i32
        %get3A_2836 = arith.constant 0 : i32
        %get3A_2837 = arith.index_cast %get3A_2836 : i32 to index
        %get3A_2838 = arith.index_cast %add3A_2835 : i32 to index
        %get3A_2839 = tpu.vector_load %arg11[%get3A_2837, %get3A_2838] {strides = array<i32>} : memref<1x64000xf32, #tpu.memory_space<vmem>>, vector<16xf32>,
        %mul3A_2840 = arith.mulf %get3A_2839, %get3A_2721 : vector<16xf32>
        %add3A_2841 = arith.addf %scan3A_2715, %mul3A_2840 : vector<16xf32>
        %add3A_2842 = arith.constant 63000 : i32
        %add3A_2843 = arith.addi %add3A_2842, %multiple_of3A_2719 : i32
        %get3A_2844 = arith.constant 0 : i32
        %get3A_2845 = arith.index_cast %get3A_2844 : i32 to index
        %get3A_2846 = arith.index_cast %add3A_2843 : i32 to index
        %get3A_2847 = tpu.vector_load %arg11[%get3A_2845, %get3A_2846] {strides = array<i32>} : memref<1x64000xf32, #tpu.memory_space<vmem>>, vector<16xf32>,
        %mul3A_2848 = arith.mulf %get3A_2847, %get3A_2721 : vector<16xf32>
        %add3A_2849 = arith.addf %scan3A_2716, %mul3A_2848 : vector<16xf32>
        scf.yield %add3A_2729, %add3A_2737, %add3A_2745, %add3A_2753, %add3A_2761, %add3A_2769, %add3A_2777, %add3A_2785, %add3A_2793, %add3A_2801, %add3A_2809, %add3A_2817, %add3A_2825, %add3A_2833, %add3A_2841, %add3A_2849 : vector<16xf32>, vector<16xf32>, vector<16xf32>, vector<16xf32>, vector<16xf32>, vector<16xf32>, vector<16xf32>, vector<16xf32>, vector<16xf32>, vector<16xf32>, vector<16xf32>, vector<16xf32>, vector<16xf32>, vector<16xf32>, vector<16xf32>, vector<16xf32>
      }
      %scan3A_2394 = arith.constant 62 : i32
      %get3A_2395 = arith.constant 984 : index
      %get3A_2396 = tpu.vector_load %arg9[%get3A_2395] {strides = array<i32>} : memref<1024xf32, #tpu.memory_space<vmem>>, vector<16xf32>,
      %mul3A_2397 = arith.mulf %get3A_2396, %convert_element_type3A_39 : vector<16xf32>
      %get3A_2398 = arith.constant 0 : i32
      %get3A_2399 = arith.index_cast %get3A_2398 : i32 to index
      %get3A_2400 = arith.constant 48984 : index
      %get3A_2401 = tpu.vector_load %arg11[%get3A_2399, %get3A_2400] {strides = array<i32>} : memref<1x64000xf32, #tpu.memory_space<vmem>>, vector<16xf32>,
      %mul3A_2402 = arith.mulf %get3A_2401, %mul3A_2397 : vector<16xf32>
      %add3A_2403 = arith.addf %scan3A_2393#0, %mul3A_2402 : vector<16xf32>
      %swap3A_2404 = arith.constant 0 : index
      %swap3A_2405 = tpu.vector_load %arg13[%swap3A_2404] {strides = array<i32>} : memref<256xf32, #tpu.memory_space<vmem>>, vector<16xf32>,
      tpu.vector_store %arg13[%swap3A_2404], %add3A_2403 {strides = array<i32>} : memref<256xf32, #tpu.memory_space<vmem>>, vector<16xf32>,
      %get3A_2406 = arith.constant 0 : i32
      %get3A_2407 = arith.index_cast %get3A_2406 : i32 to index
      %get3A_2408 = arith.constant 49984 : index
      %get3A_2409 = tpu.vector_load %arg11[%get3A_2407, %get3A_2408] {strides = array<i32>} : memref<1x64000xf32, #tpu.memory_space<vmem>>, vector<16xf32>,
      %mul3A_2410 = arith.mulf %get3A_2409, %mul3A_2397 : vector<16xf32>
      %add3A_2411 = arith.addf %scan3A_2393#1, %mul3A_2410 : vector<16xf32>
      %swap3A_2412 = arith.constant 16 : index
      %swap3A_2413 = tpu.vector_load %arg13[%swap3A_2412] {strides = array<i32>} : memref<256xf32, #tpu.memory_space<vmem>>, vector<16xf32>,
      tpu.vector_store %arg13[%swap3A_2412], %add3A_2411 {strides = array<i32>} : memref<256xf32, #tpu.memory_space<vmem>>, vector<16xf32>,
      %get3A_2414 = arith.constant 0 : i32
      %get3A_2415 = arith.index_cast %get3A_2414 : i32 to index
      %get3A_2416 = arith.constant 50984 : index
      %get3A_2417 = tpu.vector_load %arg11[%get3A_2415, %get3A_2416] {strides = array<i32>} : memref<1x64000xf32, #tpu.memory_space<vmem>>, vector<16xf32>,
      %mul3A_2418 = arith.mulf %get3A_2417, %mul3A_2397 : vector<16xf32>
      %add3A_2419 = arith.addf %scan3A_2393#2, %mul3A_2418 : vector<16xf32>
      %swap3A_2420 = arith.constant 32 : index
      %swap3A_2421 = tpu.vector_load %arg13[%swap3A_2420] {strides = array<i32>} : memref<256xf32, #tpu.memory_space<vmem>>, vector<16xf32>,
      tpu.vector_store %arg13[%swap3A_2420], %add3A_2419 {strides = array<i32>} : memref<256xf32, #tpu.memory_space<vmem>>, vector<16xf32>,
      %get3A_2422 = arith.constant 0 : i32
      %get3A_2423 = arith.index_cast %get3A_2422 : i32 to index
      %get3A_2424 = arith.constant 51984 : index
      %get3A_2425 = tpu.vector_load %arg11[%get3A_2423, %get3A_2424] {strides = array<i32>} : memref<1x64000xf32, #tpu.memory_space<vmem>>, vector<16xf32>,
      %mul3A_2426 = arith.mulf %get3A_2425, %mul3A_2397 : vector<16xf32>
      %add3A_2427 = arith.addf %scan3A_2393#3, %mul3A_2426 : vector<16xf32>
      %swap3A_2428 = arith.constant 48 : index
      %swap3A_2429 = tpu.vector_load %arg13[%swap3A_2428] {strides = array<i32>} : memref<256xf32, #tpu.memory_space<vmem>>, vector<16xf32>,
      tpu.vector_store %arg13[%swap3A_2428], %add3A_2427 {strides = array<i32>} : memref<256xf32, #tpu.memory_space<vmem>>, vector<16xf32>,
      %get3A_2430 = arith.constant 0 : i32
      %get3A_2431 = arith.index_cast %get3A_2430 : i32 to index
      %get3A_2432 = arith.constant 52984 : index
      %get3A_2433 = tpu.vector_load %arg11[%get3A_2431, %get3A_2432] {strides = array<i32>} : memref<1x64000xf32, #tpu.memory_space<vmem>>, vector<16xf32>,
      %mul3A_2434 = arith.mulf %get3A_2433, %mul3A_2397 : vector<16xf32>
      %add3A_2435 = arith.addf %scan3A_2393#4, %mul3A_2434 : vector<16xf32>
      %swap3A_2436 = arith.constant 64 : index
      %swap3A_2437 = tpu.vector_load %arg13[%swap3A_2436] {strides = array<i32>} : memref<256xf32, #tpu.memory_space<vmem>>, vector<16xf32>,
      tpu.vector_store %arg13[%swap3A_2436], %add3A_2435 {strides = array<i32>} : memref<256xf32, #tpu.memory_space<vmem>>, vector<16xf32>,
      %get3A_2438 = arith.constant 0 : i32
      %get3A_2439 = arith.index_cast %get3A_2438 : i32 to index
      %get3A_2440 = arith.constant 53984 : index
      %get3A_2441 = tpu.vector_load %arg11[%get3A_2439, %get3A_2440] {strides = array<i32>} : memref<1x64000xf32, #tpu.memory_space<vmem>>, vector<16xf32>,
      %mul3A_2442 = arith.mulf %get3A_2441, %mul3A_2397 : vector<16xf32>
      %add3A_2443 = arith.addf %scan3A_2393#5, %mul3A_2442 : vector<16xf32>
      %swap3A_2444 = arith.constant 80 : index
      %swap3A_2445 = tpu.vector_load %arg13[%swap3A_2444] {strides = array<i32>} : memref<256xf32, #tpu.memory_space<vmem>>, vector<16xf32>,
      tpu.vector_store %arg13[%swap3A_2444], %add3A_2443 {strides = array<i32>} : memref<256xf32, #tpu.memory_space<vmem>>, vector<16xf32>,
      %get3A_2446 = arith.constant 0 : i32
      %get3A_2447 = arith.index_cast %get3A_2446 : i32 to index
      %get3A_2448 = arith.constant 54984 : index
      %get3A_2449 = tpu.vector_load %arg11[%get3A_2447, %get3A_2448] {strides = array<i32>} : memref<1x64000xf32, #tpu.memory_space<vmem>>, vector<16xf32>,
      %mul3A_2450 = arith.mulf %get3A_2449, %mul3A_2397 : vector<16xf32>
      %add3A_2451 = arith.addf %scan3A_2393#6, %mul3A_2450 : vector<16xf32>
      %swap3A_2452 = arith.constant 96 : index
      %swap3A_2453 = tpu.vector_load %arg13[%swap3A_2452] {strides = array<i32>} : memref<256xf32, #tpu.memory_space<vmem>>, vector<16xf32>,
      tpu.vector_store %arg13[%swap3A_2452], %add3A_2451 {strides = array<i32>} : memref<256xf32, #tpu.memory_space<vmem>>, vector<16xf32>,
      %get3A_2454 = arith.constant 0 : i32
      %get3A_2455 = arith.index_cast %get3A_2454 : i32 to index
      %get3A_2456 = arith.constant 55984 : index
      %get3A_2457 = tpu.vector_load %arg11[%get3A_2455, %get3A_2456] {strides = array<i32>} : memref<1x64000xf32, #tpu.memory_space<vmem>>, vector<16xf32>,
      %mul3A_2458 = arith.mulf %get3A_2457, %mul3A_2397 : vector<16xf32>
      %add3A_2459 = arith.addf %scan3A_2393#7, %mul3A_2458 : vector<16xf32>
      %swap3A_2460 = arith.constant 112 : index
      %swap3A_2461 = tpu.vector_load %arg13[%swap3A_2460] {strides = array<i32>} : memref<256xf32, #tpu.memory_space<vmem>>, vector<16xf32>,
      tpu.vector_store %arg13[%swap3A_2460], %add3A_2459 {strides = array<i32>} : memref<256xf32, #tpu.memory_space<vmem>>, vector<16xf32>,
      %get3A_2462 = arith.constant 0 : i32
      %get3A_2463 = arith.index_cast %get3A_2462 : i32 to index
      %get3A_2464 = arith.constant 56984 : index
      %get3A_2465 = tpu.vector_load %arg11[%get3A_2463, %get3A_2464] {strides = array<i32>} : memref<1x64000xf32, #tpu.memory_space<vmem>>, vector<16xf32>,
      %mul3A_2466 = arith.mulf %get3A_2465, %mul3A_2397 : vector<16xf32>
      %add3A_2467 = arith.addf %scan3A_2393#8, %mul3A_2466 : vector<16xf32>
      %swap3A_2468 = arith.constant 128 : index
      %swap3A_2469 = tpu.vector_load %arg13[%swap3A_2468] {strides = array<i32>} : memref<256xf32, #tpu.memory_space<vmem>>, vector<16xf32>,
      tpu.vector_store %arg13[%swap3A_2468], %add3A_2467 {strides = array<i32>} : memref<256xf32, #tpu.memory_space<vmem>>, vector<16xf32>,
      %get3A_2470 = arith.constant 0 : i32
      %get3A_2471 = arith.index_cast %get3A_2470 : i32 to index
      %get3A_2472 = arith.constant 57984 : index
      %get3A_2473 = tpu.vector_load %arg11[%get3A_2471, %get3A_2472] {strides = array<i32>} : memref<1x64000xf32, #tpu.memory_space<vmem>>, vector<16xf32>,
      %mul3A_2474 = arith.mulf %get3A_2473, %mul3A_2397 : vector<16xf32>
      %add3A_2475 = arith.addf %scan3A_2393#9, %mul3A_2474 : vector<16xf32>
      %swap3A_2476 = arith.constant 144 : index
      %swap3A_2477 = tpu.vector_load %arg13[%swap3A_2476] {strides = array<i32>} : memref<256xf32, #tpu.memory_space<vmem>>, vector<16xf32>,
      tpu.vector_store %arg13[%swap3A_2476], %add3A_2475 {strides = array<i32>} : memref<256xf32, #tpu.memory_space<vmem>>, vector<16xf32>,
      %get3A_2478 = arith.constant 0 : i32
      %get3A_2479 = arith.index_cast %get3A_2478 : i32 to index
      %get3A_2480 = arith.constant 58984 : index
      %get3A_2481 = tpu.vector_load %arg11[%get3A_2479, %get3A_2480] {strides = array<i32>} : memref<1x64000xf32, #tpu.memory_space<vmem>>, vector<16xf32>,
      %mul3A_2482 = arith.mulf %get3A_2481, %mul3A_2397 : vector<16xf32>
      %add3A_2483 = arith.addf %scan3A_2393#10, %mul3A_2482 : vector<16xf32>
      %swap3A_2484 = arith.constant 160 : index
      %swap3A_2485 = tpu.vector_load %arg13[%swap3A_2484] {strides = array<i32>} : memref<256xf32, #tpu.memory_space<vmem>>, vector<16xf32>,
      tpu.vector_store %arg13[%swap3A_2484], %add3A_2483 {strides = array<i32>} : memref<256xf32, #tpu.memory_space<vmem>>, vector<16xf32>,
      %get3A_2486 = arith.constant 0 : i32
      %get3A_2487 = arith.index_cast %get3A_2486 : i32 to index
      %get3A_2488 = arith.constant 59984 : index
      %get3A_2489 = tpu.vector_load %arg11[%get3A_2487, %get3A_2488] {strides = array<i32>} : memref<1x64000xf32, #tpu.memory_space<vmem>>, vector<16xf32>,
      %mul3A_2490 = arith.mulf %get3A_2489, %mul3A_2397 : vector<16xf32>
      %add3A_2491 = arith.addf %scan3A_2393#11, %mul3A_2490 : vector<16xf32>
      %swap3A_2492 = arith.constant 176 : index
      %swap3A_2493 = tpu.vector_load %arg13[%swap3A_2492] {strides = array<i32>} : memref<256xf32, #tpu.memory_space<vmem>>, vector<16xf32>,
      tpu.vector_store %arg13[%swap3A_2492], %add3A_2491 {strides = array<i32>} : memref<256xf32, #tpu.memory_space<vmem>>, vector<16xf32>,
      %get3A_2494 = arith.constant 0 : i32
      %get3A_2495 = arith.index_cast %get3A_2494 : i32 to index
      %get3A_2496 = arith.constant 60984 : index
      %get3A_2497 = tpu.vector_load %arg11[%get3A_2495, %get3A_2496] {strides = array<i32>} : memref<1x64000xf32, #tpu.memory_space<vmem>>, vector<16xf32>,
      %mul3A_2498 = arith.mulf %get3A_2497, %mul3A_2397 : vector<16xf32>
      %add3A_2499 = arith.addf %scan3A_2393#12, %mul3A_2498 : vector<16xf32>
      %swap3A_2500 = arith.constant 192 : index
      %swap3A_2501 = tpu.vector_load %arg13[%swap3A_2500] {strides = array<i32>} : memref<256xf32, #tpu.memory_space<vmem>>, vector<16xf32>,
      tpu.vector_store %arg13[%swap3A_2500], %add3A_2499 {strides = array<i32>} : memref<256xf32, #tpu.memory_space<vmem>>, vector<16xf32>,
      %get3A_2502 = arith.constant 0 : i32
      %get3A_2503 = arith.index_cast %get3A_2502 : i32 to index
      %get3A_2504 = arith.constant 61984 : index
      %get3A_2505 = tpu.vector_load %arg11[%get3A_2503, %get3A_2504] {strides = array<i32>} : memref<1x64000xf32, #tpu.memory_space<vmem>>, vector<16xf32>,
      %mul3A_2506 = arith.mulf %get3A_2505, %mul3A_2397 : vector<16xf32>
      %add3A_2507 = arith.addf %scan3A_2393#13, %mul3A_2506 : vector<16xf32>
      %swap3A_2508 = arith.constant 208 : index
      %swap3A_2509 = tpu.vector_load %arg13[%swap3A_2508] {strides = array<i32>} : memref<256xf32, #tpu.memory_space<vmem>>, vector<16xf32>,
      tpu.vector_store %arg13[%swap3A_2508], %add3A_2507 {strides = array<i32>} : memref<256xf32, #tpu.memory_space<vmem>>, vector<16xf32>,
      %get3A_2510 = arith.constant 0 : i32
      %get3A_2511 = arith.index_cast %get3A_2510 : i32 to index
      %get3A_2512 = arith.constant 62984 : index
      %get3A_2513 = tpu.vector_load %arg11[%get3A_2511, %get3A_2512] {strides = array<i32>} : memref<1x64000xf32, #tpu.memory_space<vmem>>, vector<16xf32>,
      %mul3A_2514 = arith.mulf %get3A_2513, %mul3A_2397 : vector<16xf32>
      %add3A_2515 = arith.addf %scan3A_2393#14, %mul3A_2514 : vector<16xf32>
      %swap3A_2516 = arith.constant 224 : index
      %swap3A_2517 = tpu.vector_load %arg13[%swap3A_2516] {strides = array<i32>} : memref<256xf32, #tpu.memory_space<vmem>>, vector<16xf32>,
      tpu.vector_store %arg13[%swap3A_2516], %add3A_2515 {strides = array<i32>} : memref<256xf32, #tpu.memory_space<vmem>>, vector<16xf32>,
      %get3A_2518 = arith.constant 0 : i32
      %get3A_2519 = arith.index_cast %get3A_2518 : i32 to index
      %get3A_2520 = arith.constant 63984 : index
      %get3A_2521 = tpu.vector_load %arg11[%get3A_2519, %get3A_2520] {strides = array<i32>} : memref<1x64000xf32, #tpu.memory_space<vmem>>, vector<16xf32>,
      %mul3A_2522 = arith.mulf %get3A_2521, %mul3A_2397 : vector<16xf32>
      %add3A_2523 = arith.addf %scan3A_2393#15, %mul3A_2522 : vector<16xf32>
      %swap3A_2524 = arith.constant 240 : index
      %swap3A_2525 = tpu.vector_load %arg13[%swap3A_2524] {strides = array<i32>} : memref<256xf32, #tpu.memory_space<vmem>>, vector<16xf32>,
      tpu.vector_store %arg13[%swap3A_2524], %add3A_2523 {strides = array<i32>} : memref<256xf32, #tpu.memory_space<vmem>>, vector<16xf32>,
      %broadcast_in_dim3A_2526 = arith.constant 0.000000e+00 : f32
      %broadcast_in_dim3A_2527 = vector.broadcast %broadcast_in_dim3A_2526 : f32 to vector<16xf32>
      %mul3A_2528 = arith.constant 16 : i32
      %mul3A_2529 = vector.broadcast %mul3A_2528 : i32 to vector<16xi32>
      %mul3A_2530 = arith.muli %iota3A, %mul3A_2529 : vector<16xi32>
      %add3A_2531 = arith.constant 0 : i32
      %add3A_2532 = vector.broadcast %add3A_2531 : i32 to vector<16xi32>
      %add3A_2533 = arith.addi %mul3A_2530, %add3A_2532 : vector<16xi32>
      %gather3A_2534 = tpu.vector_load_idx %arg13[%add3A_2533] : memref<256xf32, #tpu.memory_space<vmem>>[vector<16xi32>], vector<16xf32>,
      %add3A_2535 = arith.addf %broadcast_in_dim3A_2527, %gather3A_2534 : vector<16xf32>
      %mul3A_2536 = arith.constant 16 : i32
      %mul3A_2537 = vector.broadcast %mul3A_2536 : i32 to vector<16xi32>
      %mul3A_2538 = arith.muli %iota3A, %mul3A_2537 : vector<16xi32>
      %add3A_2539 = arith.constant 1 : i32
      %add3A_2540 = vector.broadcast %add3A_2539 : i32 to vector<16xi32>
      %add3A_2541 = arith.addi %mul3A_2538, %add3A_2540 : vector<16xi32>
      %gather3A_2542 = tpu.vector_load_idx %arg13[%add3A_2541] : memref<256xf32, #tpu.memory_space<vmem>>[vector<16xi32>], vector<16xf32>,
      %add3A_2543 = arith.addf %add3A_2535, %gather3A_2542 : vector<16xf32>
      %mul3A_2544 = arith.constant 16 : i32
      %mul3A_2545 = vector.broadcast %mul3A_2544 : i32 to vector<16xi32>
      %mul3A_2546 = arith.muli %iota3A, %mul3A_2545 : vector<16xi32>
      %add3A_2547 = arith.constant 2 : i32
      %add3A_2548 = vector.broadcast %add3A_2547 : i32 to vector<16xi32>
      %add3A_2549 = arith.addi %mul3A_2546, %add3A_2548 : vector<16xi32>
      %gather3A_2550 = tpu.vector_load_idx %arg13[%add3A_2549] : memref<256xf32, #tpu.memory_space<vmem>>[vector<16xi32>], vector<16xf32>,
      %add3A_2551 = arith.addf %add3A_2543, %gather3A_2550 : vector<16xf32>
      %mul3A_2552 = arith.constant 16 : i32
      %mul3A_2553 = vector.broadcast %mul3A_2552 : i32 to vector<16xi32>
      %mul3A_2554 = arith.muli %iota3A, %mul3A_2553 : vector<16xi32>
      %add3A_2555 = arith.constant 3 : i32
      %add3A_2556 = vector.broadcast %add3A_2555 : i32 to vector<16xi32>
      %add3A_2557 = arith.addi %mul3A_2554, %add3A_2556 : vector<16xi32>
      %gather3A_2558 = tpu.vector_load_idx %arg13[%add3A_2557] : memref<256xf32, #tpu.memory_space<vmem>>[vector<16xi32>], vector<16xf32>,
      %add3A_2559 = arith.addf %add3A_2551, %gather3A_2558 : vector<16xf32>
      %mul3A_2560 = arith.constant 16 : i32
      %mul3A_2561 = vector.broadcast %mul3A_2560 : i32 to vector<16xi32>
      %mul3A_2562 = arith.muli %iota3A, %mul3A_2561 : vector<16xi32>
      %add3A_2563 = arith.constant 4 : i32
      %add3A_2564 = vector.broadcast %add3A_2563 : i32 to vector<16xi32>
      %add3A_2565 = arith.addi %mul3A_2562, %add3A_2564 : vector<16xi32>
      %gather3A_2566 = tpu.vector_load_idx %arg13[%add3A_2565] : memref<256xf32, #tpu.memory_space<vmem>>[vector<16xi32>], vector<16xf32>,
      %add3A_2567 = arith.addf %add3A_2559, %gather3A_2566 : vector<16xf32>
      %mul3A_2568 = arith.constant 16 : i32
      %mul3A_2569 = vector.broadcast %mul3A_2568 : i32 to vector<16xi32>
      %mul3A_2570 = arith.muli %iota3A, %mul3A_2569 : vector<16xi32>
      %add3A_2571 = arith.constant 5 : i32
      %add3A_2572 = vector.broadcast %add3A_2571 : i32 to vector<16xi32>
      %add3A_2573 = arith.addi %mul3A_2570, %add3A_2572 : vector<16xi32>
      %gather3A_2574 = tpu.vector_load_idx %arg13[%add3A_2573] : memref<256xf32, #tpu.memory_space<vmem>>[vector<16xi32>], vector<16xf32>,
      %add3A_2575 = arith.addf %add3A_2567, %gather3A_2574 : vector<16xf32>
      %mul3A_2576 = arith.constant 16 : i32
      %mul3A_2577 = vector.broadcast %mul3A_2576 : i32 to vector<16xi32>
      %mul3A_2578 = arith.muli %iota3A, %mul3A_2577 : vector<16xi32>
      %add3A_2579 = arith.constant 6 : i32
      %add3A_2580 = vector.broadcast %add3A_2579 : i32 to vector<16xi32>
      %add3A_2581 = arith.addi %mul3A_2578, %add3A_2580 : vector<16xi32>
      %gather3A_2582 = tpu.vector_load_idx %arg13[%add3A_2581] : memref<256xf32, #tpu.memory_space<vmem>>[vector<16xi32>], vector<16xf32>,
      %add3A_2583 = arith.addf %add3A_2575, %gather3A_2582 : vector<16xf32>
      %mul3A_2584 = arith.constant 16 : i32
      %mul3A_2585 = vector.broadcast %mul3A_2584 : i32 to vector<16xi32>
      %mul3A_2586 = arith.muli %iota3A, %mul3A_2585 : vector<16xi32>
      %add3A_2587 = arith.constant 7 : i32
      %add3A_2588 = vector.broadcast %add3A_2587 : i32 to vector<16xi32>
      %add3A_2589 = arith.addi %mul3A_2586, %add3A_2588 : vector<16xi32>
      %gather3A_2590 = tpu.vector_load_idx %arg13[%add3A_2589] : memref<256xf32, #tpu.memory_space<vmem>>[vector<16xi32>], vector<16xf32>,
      %add3A_2591 = arith.addf %add3A_2583, %gather3A_2590 : vector<16xf32>
      %mul3A_2592 = arith.constant 16 : i32
      %mul3A_2593 = vector.broadcast %mul3A_2592 : i32 to vector<16xi32>
      %mul3A_2594 = arith.muli %iota3A, %mul3A_2593 : vector<16xi32>
      %add3A_2595 = arith.constant 8 : i32
      %add3A_2596 = vector.broadcast %add3A_2595 : i32 to vector<16xi32>
      %add3A_2597 = arith.addi %mul3A_2594, %add3A_2596 : vector<16xi32>
      %gather3A_2598 = tpu.vector_load_idx %arg13[%add3A_2597] : memref<256xf32, #tpu.memory_space<vmem>>[vector<16xi32>], vector<16xf32>,
      %add3A_2599 = arith.addf %add3A_2591, %gather3A_2598 : vector<16xf32>
      %mul3A_2600 = arith.constant 16 : i32
      %mul3A_2601 = vector.broadcast %mul3A_2600 : i32 to vector<16xi32>
      %mul3A_2602 = arith.muli %iota3A, %mul3A_2601 : vector<16xi32>
      %add3A_2603 = arith.constant 9 : i32
      %add3A_2604 = vector.broadcast %add3A_2603 : i32 to vector<16xi32>
      %add3A_2605 = arith.addi %mul3A_2602, %add3A_2604 : vector<16xi32>
      %gather3A_2606 = tpu.vector_load_idx %arg13[%add3A_2605] : memref<256xf32, #tpu.memory_space<vmem>>[vector<16xi32>], vector<16xf32>,
      %add3A_2607 = arith.addf %add3A_2599, %gather3A_2606 : vector<16xf32>
      %mul3A_2608 = arith.constant 16 : i32
      %mul3A_2609 = vector.broadcast %mul3A_2608 : i32 to vector<16xi32>
      %mul3A_2610 = arith.muli %iota3A, %mul3A_2609 : vector<16xi32>
      %add3A_2611 = arith.constant 10 : i32
      %add3A_2612 = vector.broadcast %add3A_2611 : i32 to vector<16xi32>
      %add3A_2613 = arith.addi %mul3A_2610, %add3A_2612 : vector<16xi32>
      %gather3A_2614 = tpu.vector_load_idx %arg13[%add3A_2613] : memref<256xf32, #tpu.memory_space<vmem>>[vector<16xi32>], vector<16xf32>,
      %add3A_2615 = arith.addf %add3A_2607, %gather3A_2614 : vector<16xf32>
      %mul3A_2616 = arith.constant 16 : i32
      %mul3A_2617 = vector.broadcast %mul3A_2616 : i32 to vector<16xi32>
      %mul3A_2618 = arith.muli %iota3A, %mul3A_2617 : vector<16xi32>
      %add3A_2619 = arith.constant 11 : i32
      %add3A_2620 = vector.broadcast %add3A_2619 : i32 to vector<16xi32>
      %add3A_2621 = arith.addi %mul3A_2618, %add3A_2620 : vector<16xi32>
      %gather3A_2622 = tpu.vector_load_idx %arg13[%add3A_2621] : memref<256xf32, #tpu.memory_space<vmem>>[vector<16xi32>], vector<16xf32>,
      %add3A_2623 = arith.addf %add3A_2615, %gather3A_2622 : vector<16xf32>
      %mul3A_2624 = arith.constant 16 : i32
      %mul3A_2625 = vector.broadcast %mul3A_2624 : i32 to vector<16xi32>
      %mul3A_2626 = arith.muli %iota3A, %mul3A_2625 : vector<16xi32>
      %add3A_2627 = arith.constant 12 : i32
      %add3A_2628 = vector.broadcast %add3A_2627 : i32 to vector<16xi32>
      %add3A_2629 = arith.addi %mul3A_2626, %add3A_2628 : vector<16xi32>
      %gather3A_2630 = tpu.vector_load_idx %arg13[%add3A_2629] : memref<256xf32, #tpu.memory_space<vmem>>[vector<16xi32>], vector<16xf32>,
      %add3A_2631 = arith.addf %add3A_2623, %gather3A_2630 : vector<16xf32>
      %mul3A_2632 = arith.constant 16 : i32
      %mul3A_2633 = vector.broadcast %mul3A_2632 : i32 to vector<16xi32>
      %mul3A_2634 = arith.muli %iota3A, %mul3A_2633 : vector<16xi32>
      %add3A_2635 = arith.constant 13 : i32
      %add3A_2636 = vector.broadcast %add3A_2635 : i32 to vector<16xi32>
      %add3A_2637 = arith.addi %mul3A_2634, %add3A_2636 : vector<16xi32>
      %gather3A_2638 = tpu.vector_load_idx %arg13[%add3A_2637] : memref<256xf32, #tpu.memory_space<vmem>>[vector<16xi32>], vector<16xf32>,
      %add3A_2639 = arith.addf %add3A_2631, %gather3A_2638 : vector<16xf32>
      %mul3A_2640 = arith.constant 16 : i32
      %mul3A_2641 = vector.broadcast %mul3A_2640 : i32 to vector<16xi32>
      %mul3A_2642 = arith.muli %iota3A, %mul3A_2641 : vector<16xi32>
      %add3A_2643 = arith.constant 14 : i32
      %add3A_2644 = vector.broadcast %add3A_2643 : i32 to vector<16xi32>
      %add3A_2645 = arith.addi %mul3A_2642, %add3A_2644 : vector<16xi32>
      %gather3A_2646 = tpu.vector_load_idx %arg13[%add3A_2645] : memref<256xf32, #tpu.memory_space<vmem>>[vector<16xi32>], vector<16xf32>,
      %add3A_2647 = arith.addf %add3A_2639, %gather3A_2646 : vector<16xf32>
      %mul3A_2648 = arith.constant 16 : i32
      %mul3A_2649 = vector.broadcast %mul3A_2648 : i32 to vector<16xi32>
      %mul3A_2650 = arith.muli %iota3A, %mul3A_2649 : vector<16xi32>
      %add3A_2651 = arith.constant 15 : i32
      %add3A_2652 = vector.broadcast %add3A_2651 : i32 to vector<16xi32>
      %add3A_2653 = arith.addi %mul3A_2650, %add3A_2652 : vector<16xi32>
      %gather3A_2654 = tpu.vector_load_idx %arg13[%add3A_2653] : memref<256xf32, #tpu.memory_space<vmem>>[vector<16xi32>], vector<16xf32>,
      %add3A_2655 = arith.addf %add3A_2647, %gather3A_2654 : vector<16xf32>
      %jit3A_2656 = arith.constant 4 : i32
      %eq3A_2657 = arith.constant 0 : i32
      %eq3A_2658 = arith.cmpi eq, %jit3A_2656, %eq3A_2657 : i32
      %jit3A_2659 = arith.constant 1 : i32
      %select_n3A_2660 = arith.select %eq3A_2658, %jit3A_2659, %jit3A_2656 : i32
      %rem3A_2661 = arith.remsi %add3A_51, %select_n3A_2660 : i32
      %ne3A_2662 = arith.constant 0 : i32
      %ne3A_2663 = arith.cmpi ne, %rem3A_2661, %ne3A_2662 : i32
      %lt3A_2664 = arith.constant 0 : i32
      %lt3A_2665 = arith.cmpi slt, %rem3A_2661, %lt3A_2664 : i32
      %lt3A_2666 = arith.constant 0 : i32
      %lt3A_2667 = arith.cmpi slt, %select_n3A_2660, %lt3A_2666 : i32
      %ne3A_2668 = arith.xori %lt3A_2665, %lt3A_2667 : i1
      %and3A_2669 = arith.andi %ne3A_2668, %ne3A_2663 : i1
      %add3A_2670 = arith.addi %rem3A_2661, %select_n3A_2660 : i32
      %select_n3A_2671 = arith.select %and3A_2669, %add3A_2670, %rem3A_2661 : i32
      %mul3A_2672 = arith.constant 64 : i32
      %mul3A_2673 = arith.muli %select_n3A_2671, %mul3A_2672 : i32
      %add3A_2674 = arith.constant 48 : i32
      %add3A_2675 = arith.addi %mul3A_2673, %add3A_2674 : i32
      %multiple_of3A_2676 = tpu.assume_multiple %add3A_2675, 16 : i32
      %swap3A_2677 = arith.index_cast %multiple_of3A_2676 : i32 to index
      %swap3A_2678 = tpu.vector_load %arg12[%swap3A_2677] {strides = array<i32>} : memref<256xf32, #tpu.memory_space<vmem>>, vector<16xf32>,
      tpu.vector_store %arg12[%swap3A_2677], %add3A_2655 {strides = array<i32>} : memref<256xf32, #tpu.memory_space<vmem>>, vector<16xf32>,
      %jit3A_2679 = arith.constant 2 : i32
      %eq3A_2680 = arith.constant 0 : i32
      %eq3A_2681 = arith.cmpi eq, %jit3A_2679, %eq3A_2680 : i32
      %jit3A_2682 = arith.constant 1 : i32
      %select_n3A_2683 = arith.select %eq3A_2681, %jit3A_2682, %jit3A_2679 : i32
      %rem3A_2684 = arith.remsi %scan3A_45, %select_n3A_2683 : i32
      %ne3A_2685 = arith.constant 0 : i32
      %ne3A_2686 = arith.cmpi ne, %rem3A_2684, %ne3A_2685 : i32
      %lt3A_2687 = arith.constant 0 : i32
      %lt3A_2688 = arith.cmpi slt, %rem3A_2684, %lt3A_2687 : i32
      %lt3A_2689 = arith.constant 0 : i32
      %lt3A_2690 = arith.cmpi slt, %select_n3A_2683, %lt3A_2689 : i32
      %ne3A_2691 = arith.xori %lt3A_2688, %lt3A_2690 : i1
      %and3A_2692 = arith.andi %ne3A_2691, %ne3A_2686 : i1
      %add3A_2693 = arith.addi %rem3A_2684, %select_n3A_2683 : i32
      %select_n3A_2694 = arith.select %and3A_2692, %add3A_2693, %rem3A_2684 : i32
      %eq3A_2695 = arith.constant 1 : i32
      %eq3A_2696 = arith.cmpi eq, %select_n3A_2694, %eq3A_2695 : i32
      %convert_element_type3A_2697 = arith.extui %eq3A_2696 : i1 to i32
      %cond3A_2698 = arith.constant 0 : i32
      %cond3A_2699 = arith.cmpi ne, %convert_element_type3A_2697, %cond3A_2698 : i32
      scf.if %cond3A_2699 {
        %jit3A_2700 = arith.constant 2 : i32
        %div3A_2701 = arith.divsi %scan3A_45, %jit3A_2700 : i32
        %sign3A_2702 = arith.constant 0 : i32
        %sign3A_2703 = arith.cmpi sgt, %scan3A_45, %sign3A_2702 : i32
        %sign3A_2704 = arith.extui %sign3A_2703 : i1 to i32
        %sign3A_2705 = arith.constant 0 : i32
        %sign3A_2706 = arith.cmpi slt, %scan3A_45, %sign3A_2705 : i32
        %sign3A_2707 = arith.extui %sign3A_2706 : i1 to i32
        %sign3A_2708 = arith.subi %sign3A_2704, %sign3A_2707 : i32
        %sign3A_2709 = arith.constant 0 : i32
        %sign3A_2710 = arith.cmpi sgt, %jit3A_2700, %sign3A_2709 : i32
        %sign3A_2711 = arith.extui %sign3A_2710 : i1 to i32
        %sign3A_2712 = arith.constant 0 : i32
        %sign3A_2713 = arith.cmpi slt, %jit3A_2700, %sign3A_2712 : i32
        %sign3A_2714 = arith.extui %sign3A_2713 : i1 to i32
        %sign3A_2715 = arith.subi %sign3A_2711, %sign3A_2714 : i32
        %ne3A_2716 = arith.cmpi ne, %sign3A_2708, %sign3A_2715 : i32
        %rem3A_2717 = arith.remsi %scan3A_45, %jit3A_2700 : i32
        %ne3A_2718 = arith.constant 0 : i32
        %ne3A_2719 = arith.cmpi ne, %rem3A_2717, %ne3A_2718 : i32
        %and3A_2720 = arith.andi %ne3A_2716, %ne3A_2719 : i1
        %sub3A_2721 = arith.constant 1 : i32
        %sub3A_2722 = arith.subi %div3A_2701, %sub3A_2721 : i32
        %select_n3A_2723 = arith.select %and3A_2720, %sub3A_2722, %div3A_2701 : i32
        %mul3A_2724 = arith.constant 4 : i32
        %mul3A_2725 = arith.muli %mul3A_2724, %select_n3A_2723 : i32
        %add3A_2726 = arith.addi %mul3A_36, %mul3A_2725 : i32
        %mul3A_2727 = arith.constant 64 : i32
        %mul3A_2728 = arith.muli %add3A_2726, %mul3A_2727 : i32
        "tpu.region"() ({
          %run_scoped3A = tpu.sem_alloc : memref<!tpu.dma_semaphore, #tpu.memory_space<semaphore_mem>>
          %dma_start3A_2729 = tpu.memref_slice %arg5[%mul3A_2728] : memref<65536xf32, #tpu.memory_space<hbm>> -> memref<256xf32, #tpu.memory_space<hbm>>
          %dma_start3A_2730 = tpu.memref_slice %arg5[%mul3A_2728] : memref<65536xf32, #tpu.memory_space<hbm>> -> memref<256xf32, #tpu.memory_space<hbm>>
          tpu.enqueue_dma source(%arg12 : memref<256xf32, #tpu.memory_space<vmem>>) target(%dma_start3A_2730 : memref<256xf32, #tpu.memory_space<hbm>>) target_semaphore(%run_scoped3A : memref<!tpu.dma_semaphore, #tpu.memory_space<semaphore_mem>>)
          %dma_wait3A_2731 = tpu.memref_slice %arg5[%mul3A_2728] : memref<65536xf32, #tpu.memory_space<hbm>> -> memref<256xf32, #tpu.memory_space<hbm>>
          %dma_wait3A_2732 = tpu.memref_slice %arg5[%mul3A_2728] : memref<65536xf32, #tpu.memory_space<hbm>> -> memref<256xf32, #tpu.memory_space<hbm>>
          tpu.wait_dma2 semaphore(%run_scoped3A : memref<!tpu.dma_semaphore, #tpu.memory_space<semaphore_mem>>) src(%arg12 : memref<256xf32, #tpu.memory_space<vmem>>) dst(%dma_wait3A_2732 : memref<256xf32, #tpu.memory_space<hbm>>)
          tpu.yield
        }) : () -> ()
      } else {
      }
    }
    %scan3A_44 = arith.constant 16 : i32
    return
  }
}

module attributes {stable_mosaic.version = 14 : i64} {
  func.func @_prologue_body(%arg0: memref<1024x1xi32, #tpu.memory_space<vmem>>, %arg1: memref<1024x1000xf32, #tpu.memory_space<vmem>>, %arg2: memref<1024x1024xf32, #tpu.memory_space<vmem>>) attributes {dimension_semantics = [], scalar_prefetch = 0 : i64, scratch_operands = 0 : i64, tpu.core_type = #tpu.core_type<tc>} {
    %get3A = arith.constant 0 : index
    %get3A_0 = arith.constant 0 : index
    %get3A_1 = vector.load %arg0[%get3A, %get3A_0] : memref<1024x1xi32, #tpu.memory_space<vmem>>, vector<1024x1xi32>
    %iota3A = tpu.iota {dimensions = array<i32: 1>} : vector<1x1000xi32>
    %eq3A = vector.broadcast %get3A_1 : vector<1024x1xi32> to vector<1024x1000xi32>
    %eq3A_2 = vector.broadcast %iota3A : vector<1x1000xi32> to vector<1024x1000xi32>
    %eq3A_3 = arith.cmpi eq, %eq3A, %eq3A_2 : vector<1024x1000xi32>
    %reduce_or3A = arith.constant 1.000000e+00 : f32
    %reduce_or3A_4 = arith.constant 0.000000e+00 : f32
    %reduce_or3A_5 = vector.broadcast %reduce_or3A : f32 to vector<1024x1000xf32>
    %reduce_or3A_6 = vector.broadcast %reduce_or3A_4 : f32 to vector<1024x1000xf32>
    %reduce_or3A_7 = arith.select %eq3A_3, %reduce_or3A_5, %reduce_or3A_6 : vector<1024x1000xi1>, vector<1024x1000xf32>
    %reduce_or3A_8 = arith.constant dense<0xFF800000> : vector<1000xf32>
    %reduce_or3A_9 = vector.multi_reduction <maximumf>, %reduce_or3A_7, %reduce_or3A_8 [0] : vector<1024x1000xf32> to vector<1000xf32>
    %reduce_or3A_10 = arith.constant 0.000000e+00 : f32
    %reduce_or3A_11 = vector.broadcast %reduce_or3A_10 : f32 to vector<1000xf32>
    %reduce_or3A_12 = arith.cmpf ogt, %reduce_or3A_9, %reduce_or3A_11 : vector<1000xf32>
    %broadcast_in_dim3A = vector.shape_cast %reduce_or3A_12 : vector<1000xi1> to vector<1x1000xi1>
    %jit3A = arith.constant 0.000000e+00 : f32
    %jit3A_13 = arith.constant 1.000000e+00 : f32
    %broadcast_in_dim3A_14 = vector.broadcast %jit3A : f32 to vector<1x1000xf32>
    %broadcast_in_dim3A_15 = vector.broadcast %jit3A_13 : f32 to vector<1x1000xf32>
    %select_n3A = arith.select %broadcast_in_dim3A, %broadcast_in_dim3A_14, %broadcast_in_dim3A_15 : vector<1x1000xi1>, vector<1x1000xf32>
    %get3A_16 = arith.constant 0 : index
    %get3A_17 = arith.constant 0 : index
    %get3A_18 = vector.load %arg1[%get3A_16, %get3A_17] : memref<1024x1000xf32, #tpu.memory_space<vmem>>, vector<1024x1000xf32>
    %mul3A = vector.broadcast %select_n3A : vector<1x1000xf32> to vector<1024x1000xf32>
    %mul3A_19 = arith.mulf %get3A_18, %mul3A : vector<1024x1000xf32>
    %log1p3A = math.log1p %mul3A_19 : vector<1024x1000xf32>
    %swap3A = arith.constant 0 : index
    %swap3A_20 = arith.constant 0 : index
    %swap3A_21 = vector.load %arg2[%swap3A, %swap3A_20] : memref<1024x1024xf32, #tpu.memory_space<vmem>>, vector<1024x1000xf32>
    tpu.vector_store %arg2[%swap3A, %swap3A_20], %log1p3A {strides = array<i32>} : memref<1024x1024xf32, #tpu.memory_space<vmem>>, vector<1024x1000xf32>,
    %broadcast_in_dim3A_22 = arith.constant 0.000000e+00 : f32
    %broadcast_in_dim3A_23 = vector.broadcast %broadcast_in_dim3A_22 : f32 to vector<1024x24xf32>
    %swap3A_24 = arith.constant 0 : index
    %swap3A_25 = arith.constant 1000 : index
    %swap3A_26 = vector.load %arg2[%swap3A_24, %swap3A_25] : memref<1024x1024xf32, #tpu.memory_space<vmem>>, vector<1024x24xf32>
    tpu.vector_store %arg2[%swap3A_24, %swap3A_25], %broadcast_in_dim3A_23 {strides = array<i32>} : memref<1024x1024xf32, #tpu.memory_space<vmem>>, vector<1024x24xf32>,
    return
  }
}

module attributes {stable_mosaic.version = 14 : i64} {
  func.func @_epilogue_body(%arg0: memref<1024x64xf32, #tpu.memory_space<vmem>>, %arg1: memref<1024x1xi32, #tpu.memory_space<vmem>>, %arg2: memref<1000x64xf32, #tpu.memory_space<vmem>>, %arg3: memref<64x64xf32, #tpu.memory_space<vmem>>, %arg4: memref<1x64xf32, #tpu.memory_space<vmem>>, %arg5: memref<1x64xf32, #tpu.memory_space<vmem>>, %arg6: memref<1x64xf32, #tpu.memory_space<vmem>>, %arg7: memref<64x32xf32, #tpu.memory_space<vmem>>, %arg8: memref<1x32xf32, #tpu.memory_space<vmem>>, %arg9: memref<64x32xf32, #tpu.memory_space<vmem>>, %arg10: memref<1x32xf32, #tpu.memory_space<vmem>>, %arg11: memref<1024x32xf32, #tpu.memory_space<vmem>>, %arg12: memref<1024x32xf32, #tpu.memory_space<vmem>>) attributes {dimension_semantics = [], scalar_prefetch = 0 : i64, scratch_operands = 0 : i64, tpu.core_type = #tpu.core_type<tc>} {
    %iota3A = tpu.iota {dimensions = array<i32: 1>} : vector<1024x1000xi32>
    %get3A = arith.constant 0 : index
    %get3A_0 = arith.constant 0 : index
    %get3A_1 = vector.load %arg1[%get3A, %get3A_0] : memref<1024x1xi32, #tpu.memory_space<vmem>>, vector<1024x1xi32>
    %eq3A = vector.broadcast %get3A_1 : vector<1024x1xi32> to vector<1024x1000xi32>
    %eq3A_2 = arith.cmpi eq, %eq3A, %iota3A : vector<1024x1000xi32>
    %convert_element_type3A = arith.extui %eq3A_2 : vector<1024x1000xi1> to vector<1024x1000xi32>
    %convert_element_type3A_3 = arith.sitofp %convert_element_type3A : vector<1024x1000xi32> to vector<1024x1000xf32>
    %get3A_4 = arith.constant 0 : index
    %get3A_5 = arith.constant 0 : index
    %get3A_6 = vector.load %arg0[%get3A_4, %get3A_5] : memref<1024x64xf32, #tpu.memory_space<vmem>>, vector<1024x64xf32>
    %get3A_7 = arith.constant 0 : index
    %get3A_8 = arith.constant 0 : index
    %get3A_9 = vector.load %arg2[%get3A_7, %get3A_8] : memref<1000x64xf32, #tpu.memory_space<vmem>>, vector<1000x64xf32>
    %dot_general3A = arith.constant dense<0.000000e+00> : vector<1024x64xf32>
    %dot_general3A_10 = tpu.matmul %convert_element_type3A_3, %get3A_9, %dot_general3A {dimension_numbers = #tpu.dot_dimension_numbers<[1], [0], [0], [1], [0, 0, 1, 1], [], []>, transpose_lhs_hint = false} : vector<1024x1000xf32>, vector<1000x64xf32>, vector<1024x64xf32> -> vector<1024x64xf32>
    %add3A = arith.addf %get3A_6, %dot_general3A_10 : vector<1024x64xf32>
    %get3A_11 = arith.constant 0 : index
    %get3A_12 = arith.constant 0 : index
    %get3A_13 = vector.load %arg3[%get3A_11, %get3A_12] : memref<64x64xf32, #tpu.memory_space<vmem>>, vector<64x64xf32>
    %dot_general3A_14 = arith.constant dense<0.000000e+00> : vector<1024x64xf32>
    %dot_general3A_15 = tpu.matmul %add3A, %get3A_13, %dot_general3A_14 {dimension_numbers = #tpu.dot_dimension_numbers<[1], [0], [0], [1], [0, 0, 1, 1], [], []>, transpose_lhs_hint = false} : vector<1024x64xf32>, vector<64x64xf32>, vector<1024x64xf32> -> vector<1024x64xf32>
    %get3A_16 = arith.constant 0 : index
    %get3A_17 = arith.constant 0 : index
    %get3A_18 = vector.load %arg4[%get3A_16, %get3A_17] : memref<1x64xf32, #tpu.memory_space<vmem>>, vector<1x64xf32>
    %add3A_19 = vector.broadcast %get3A_18 : vector<1x64xf32> to vector<1024x64xf32>
    %add3A_20 = arith.addf %dot_general3A_15, %add3A_19 : vector<1024x64xf32>
    %reduce_sum3A = arith.constant dense<0.000000e+00> : vector<1024xf32>
    %reduce_sum3A_21 = vector.multi_reduction <add>, %add3A_20, %reduce_sum3A [1] : vector<1024x64xf32> to vector<1024xf32>
    %broadcast_in_dim3A = vector.shape_cast %reduce_sum3A_21 : vector<1024xf32> to vector<1024x1xf32>
    %div3A = arith.constant 6.400000e+01 : f32
    %div3A_22 = vector.broadcast %div3A : f32 to vector<1024x1xf32>
    %div3A_23 = arith.divf %broadcast_in_dim3A, %div3A_22 : vector<1024x1xf32>
    %sub3A = vector.broadcast %div3A_23 : vector<1024x1xf32> to vector<1024x64xf32>
    %sub3A_24 = arith.subf %add3A_20, %sub3A : vector<1024x64xf32>
    %integer_pow3A = arith.mulf %sub3A_24, %sub3A_24 : vector<1024x64xf32>
    %reduce_sum3A_25 = arith.constant dense<0.000000e+00> : vector<1024xf32>
    %reduce_sum3A_26 = vector.multi_reduction <add>, %integer_pow3A, %reduce_sum3A_25 [1] : vector<1024x64xf32> to vector<1024xf32>
    %broadcast_in_dim3A_27 = vector.shape_cast %reduce_sum3A_26 : vector<1024xf32> to vector<1024x1xf32>
    %div3A_28 = arith.constant 6.400000e+01 : f32
    %div3A_29 = vector.broadcast %div3A_28 : f32 to vector<1024x1xf32>
    %div3A_30 = arith.divf %broadcast_in_dim3A_27, %div3A_29 : vector<1024x1xf32>
    %sub3A_31 = vector.broadcast %div3A_23 : vector<1024x1xf32> to vector<1024x64xf32>
    %sub3A_32 = arith.subf %add3A_20, %sub3A_31 : vector<1024x64xf32>
    %add3A_33 = arith.constant 9.99999997E-7 : f32
    %add3A_34 = vector.broadcast %add3A_33 : f32 to vector<1024x1xf32>
    %add3A_35 = arith.addf %div3A_30, %add3A_34 : vector<1024x1xf32>
    %rsqrt3A = math.rsqrt %add3A_35 : vector<1024x1xf32>
    %mul3A = vector.broadcast %rsqrt3A : vector<1024x1xf32> to vector<1024x64xf32>
    %mul3A_36 = arith.mulf %sub3A_32, %mul3A : vector<1024x64xf32>
    %get3A_37 = arith.constant 0 : index
    %get3A_38 = arith.constant 0 : index
    %get3A_39 = vector.load %arg5[%get3A_37, %get3A_38] : memref<1x64xf32, #tpu.memory_space<vmem>>, vector<1x64xf32>
    %mul3A_40 = vector.broadcast %get3A_39 : vector<1x64xf32> to vector<1024x64xf32>
    %mul3A_41 = arith.mulf %mul3A_36, %mul3A_40 : vector<1024x64xf32>
    %get3A_42 = arith.constant 0 : index
    %get3A_43 = arith.constant 0 : index
    %get3A_44 = vector.load %arg6[%get3A_42, %get3A_43] : memref<1x64xf32, #tpu.memory_space<vmem>>, vector<1x64xf32>
    %add3A_45 = vector.broadcast %get3A_44 : vector<1x64xf32> to vector<1024x64xf32>
    %add3A_46 = arith.addf %mul3A_41, %add3A_45 : vector<1024x64xf32>
    %max3A = arith.constant 0.000000e+00 : f32
    %max3A_47 = vector.broadcast %max3A : f32 to vector<1024x64xf32>
    %max3A_48 = arith.maximumf %add3A_46, %max3A_47 : vector<1024x64xf32>
    %get3A_49 = arith.constant 0 : index
    %get3A_50 = arith.constant 0 : index
    %get3A_51 = vector.load %arg7[%get3A_49, %get3A_50] : memref<64x32xf32, #tpu.memory_space<vmem>>, vector<64x32xf32>
    %dot_general3A_52 = arith.constant dense<0.000000e+00> : vector<1024x32xf32>
    %dot_general3A_53 = tpu.matmul %max3A_48, %get3A_51, %dot_general3A_52 {dimension_numbers = #tpu.dot_dimension_numbers<[1], [0], [0], [1], [0, 0, 1, 1], [], []>, transpose_lhs_hint = false} : vector<1024x64xf32>, vector<64x32xf32>, vector<1024x32xf32> -> vector<1024x32xf32>
    %get3A_54 = arith.constant 0 : index
    %get3A_55 = arith.constant 0 : index
    %get3A_56 = vector.load %arg8[%get3A_54, %get3A_55] : memref<1x32xf32, #tpu.memory_space<vmem>>, vector<1x32xf32>
    %add3A_57 = vector.broadcast %get3A_56 : vector<1x32xf32> to vector<1024x32xf32>
    %add3A_58 = arith.addf %dot_general3A_53, %add3A_57 : vector<1024x32xf32>
    %swap3A = arith.constant 0 : index
    %swap3A_59 = arith.constant 0 : index
    %swap3A_60 = vector.load %arg11[%swap3A, %swap3A_59] : memref<1024x32xf32, #tpu.memory_space<vmem>>, vector<1024x32xf32>
    tpu.vector_store %arg11[%swap3A, %swap3A_59], %add3A_58 {strides = array<i32>} : memref<1024x32xf32, #tpu.memory_space<vmem>>, vector<1024x32xf32>,
    %get3A_61 = arith.constant 0 : index
    %get3A_62 = arith.constant 0 : index
    %get3A_63 = vector.load %arg9[%get3A_61, %get3A_62] : memref<64x32xf32, #tpu.memory_space<vmem>>, vector<64x32xf32>
    %dot_general3A_64 = arith.constant dense<0.000000e+00> : vector<1024x32xf32>
    %dot_general3A_65 = tpu.matmul %max3A_48, %get3A_63, %dot_general3A_64 {dimension_numbers = #tpu.dot_dimension_numbers<[1], [0], [0], [1], [0, 0, 1, 1], [], []>, transpose_lhs_hint = false} : vector<1024x64xf32>, vector<64x32xf32>, vector<1024x32xf32> -> vector<1024x32xf32>
    %get3A_66 = arith.constant 0 : index
    %get3A_67 = arith.constant 0 : index
    %get3A_68 = vector.load %arg10[%get3A_66, %get3A_67] : memref<1x32xf32, #tpu.memory_space<vmem>>, vector<1x32xf32>
    %add3A_69 = vector.broadcast %get3A_68 : vector<1x32xf32> to vector<1024x32xf32>
    %add3A_70 = arith.addf %dot_general3A_65, %add3A_69 : vector<1024x32xf32>
    %exp3A = math.exp %add3A_70 : vector<1024x32xf32>
    %swap3A_71 = arith.constant 0 : index
    %swap3A_72 = arith.constant 0 : index
    %swap3A_73 = vector.load %arg12[%swap3A_71, %swap3A_72] : memref<1024x32xf32, #tpu.memory_space<vmem>>, vector<1024x32xf32>
    tpu.vector_store %arg12[%swap3A_71, %swap3A_72], %exp3A {strides = array<i32>} : memref<1024x32xf32, #tpu.memory_space<vmem>>, vector<1024x32xf32>,
    return
  }
}

</mosaic_0001>

<sc_bundles>
// kernel: kernel.5.cloned.1.call-start
scs
__scs_entry_jumppad:
0x0: {  	(pc) =	sbr.rel $0x88, $3  }
0x1: {  	(tag) =	ssettag $0x0;
	lr =	simm.s32 $0x1  }
0x2: {  	[smem:$0x3F95] =	sst lr;
	_ =	strace $0xD0000000  }
0x3: {  	_ = 	snop  }
0x4: {  	_ = 	snop  }
0x5: {  	_ = 	snop  }
0x6: {  	_ = 	snop  }
0x7: {  	_ = 	snop  }
__scs_overlays_trampoline_lowered:
0x8: {  	[smem:$0x3FA4] =	sst s0  }
0x9: {  	[smem:$0x3FA5] =	sst s1  }
0xa: {  	[smem:$0x3FA6] =	sst s2  }
0xb: {  	[smem:$0x3FA7] =	sst s3  }
0xc: {  	[smem:$0x3FA8] =	sst s4  }
0xd: {  	[smem:$0x3FA9] =	sst s5  }
0xe: {  	[smem:$0x3FAA] =	sst s6  }
0xf: {  	[smem:$0x3FAB] =	sst s7  }
0x10: {  	[smem:$0x3FAC] =	sst s8  }
0x11: {  	[smem:$0x3FAD] =	sst s9;
	s0 =	simm.s32 @!p0 $0x0  }
0x12: {  	s1 =	sld [smem:$0x3F93];
	s0 =	simm.s32 @p0 $0x1  }
0x13: {  	[smem:$0x3FAE] =	sst s0;
	s0 =	simm.s32 @!p1 $0x0  }
0x14: {  	s2 =	sld [smem:$0x3F92];
	s0 =	simm.s32 @p1 $0x1  }
0x15: {  	[smem:$0x3FAF] =	sst s0;
	s0 =	simm.s32 @!p2 $0x0  }
0x16: {  	s3 =	sld [smem:$0x3FDB];
	s0 =	simm.s32 @p2 $0x1  }
0x17: {  	s4 =	simm.s32 $0x1BF5;
	[smem:$0x3FB1] =	sst s0  }
0x18: {  	s0 =	sld [smem:$0x3F94];
	_ =	swait.ge [sflag:s4], $0x0  }
0x19: {  	s7 =	sld [smem:$0x3F95]  }
0x1a: {  	s8 =	sadd.s32 $0xFFFFE003, lr  }
0x1b: {  	s9 =	sadd.s32 $0xFFFFFEF7, lr;
	s5 =	simm.s32 $0xFFFFFFFF;
	p2 =	slt.u32 s8, $0xFFFFF086  }
0x1c: {  	p1 =	slt.u32 s9, $0xF7A;
	s5 =	simm.s32 @!p2 $0x0  }
0x1d: {  	s5 =	simm.s32 @p1 $0x1;
	p0 =	seq.s32 s7, s2  }
0x1e: {  	s7 =	smul.u32 @!p0 $0xF7A, s2;
	p2 =	seq.s32 @!p0 s5, $0x0  }
0x1f: {  	s9 =	smul.u32 $0xF7A, s1;
	s8 =	simm.s32 @!p0 $0x1BF5;
	p2 =	por !p2, p0  }
0x20: {  	[sflag:s8] =	ssyncset.s32 @!p0 $0xFFFFF086;
	s6 =	sadd.s32 @!p0 s3, s7;
	s7 =	simm.s32 @!p0 $0x108  }
0x21: {  	s3 =	sadd.s32 s3, s9;
	s6 =	sadd.s32 @!p0 $0x88, s6;
	s7 =	simm.s32 @p2 $0x1082  }
0x22: {  	[simem:s7], [sflag:s8] =	dma.local @!p0 [hbm:s6], $0xF7A  }
0x23: {  	s9 =	sor.u32 $0xD0000000, s2;
	s6 =	simm.s32 $0x108;
	_ =	swait.ge @!p0 [sflag:s8], $0x0  }
0x24: {  	s3 =	sadd.s32 $0x88, s3;
	s6 =	simm.s32 @!p1 $0x1082;
	[sflag:s4] =	ssyncset.s32 $0xFFFFF086  }
0x25: {  	[simem:s6], [sflag:s4] =	dma.local [hbm:s3], $0xF7A  }
0x26: {  	[smem:$0x3F95] =	sst s1;
	(tag) =	ssettag s2;
	_ =	strace s9  }
0x27: {  	s1 =	sld [smem:$0x3FA5]  }
0x28: {  	s2 =	sld [smem:$0x3FA6]  }
0x29: {  	s4 =	sld [smem:$0x3FA8]  }
0x2a: {  	p0 =	seq.s32 s5, $0x0;
	s5 =	sld [smem:$0x3FA9]  }
0x2b: {  	s6 =	sld [smem:$0x3FAA]  }
0x2c: {  	s7 =	sld [smem:$0x3FAB]  }
0x2d: {  	s3 =	simm.s32 $0x108;
	s8 =	sld [smem:$0x3FAC]  }
0x2e: {  	s3 =	simm.s32 @!p0 $0x1082;
	s9 =	sld [smem:$0x3FAD]  }
0x2f: {  	lr =	sadd.s32 s0, s3;
	s0 =	sld [smem:$0x3FA4]  }
0x30: {  	s3 =	sld [smem:$0x3FA7]  }
0x31: {  	[smem:$0x3FB0] =	sst s10  }
0x32: {  	s10 =	sld [smem:$0x3FAE];
	_ =	sdelay $0x3  }
0x33: {  	p0 =	seq.s32 s10, $0x1;
	s10 =	sld [smem:$0x3FB0];
	_ =	sdelay $0x3  }
0x34: {  	[smem:$0x3FB0] =	sst s10  }
0x35: {  	s10 =	sld [smem:$0x3FAF];
	_ =	sdelay $0x3  }
0x36: {  	p1 =	seq.s32 s10, $0x1;
	s10 =	sld [smem:$0x3FB0];
	_ =	sdelay $0x3  }
0x37: {  	[smem:$0x3FB0] =	sst s10  }
0x38: {  	s10 =	sld [smem:$0x3FB1]  }
0x39: {  	_ = 	snop;
	(pc) =	sbr.ind lr, $3  }
0x3a: {  	_ = 	snop  }
0x3b: {  	_ = 	snop  }
0x3c: {  	p2 =	seq.s32 s10, $0x1;
	s10 =	sld [smem:$0x3FB0]  }
0x3d: {  	_ =	shalt  }
0x3e: {  	_ =	shalt  }
0x3f: {  	_ =	shalt  }
0x40: {  	_ =	shalt  }
0x41: {  	_ =	shalt  }
0x42: {  	_ =	shalt  }
0x43: {  	_ =	shalt  }
0x44: {  	_ =	shalt  }
0x45: {  	_ =	shalt  }
0x46: {  	_ =	shalt  }
0x47: {  	_ =	shalt  }
0x48: {  	_ =	shalt  }
0x49: {  	_ =	shalt  }
0x4a: {  	_ =	shalt  }
0x4b: {  	_ =	shalt  }
0x4c: {  	_ =	shalt  }
0x4d: {  	_ =	shalt  }
0x4e: {  	_ =	shalt  }
0x4f: {  	_ =	shalt  }
0x50: {  	_ =	shalt  }
0x51: {  	_ =	shalt  }
0x52: {  	_ =	shalt  }
0x53: {  	_ =	shalt  }
0x54: {  	_ =	shalt  }
0x55: {  	_ =	shalt  }
0x56: {  	_ =	shalt  }
0x57: {  	_ =	shalt  }
0x58: {  	_ =	shalt  }
0x59: {  	_ =	shalt  }
0x5a: {  	_ =	shalt  }
0x5b: {  	_ =	shalt  }
0x5c: {  	_ =	shalt  }
0x5d: {  	_ =	shalt  }
0x5e: {  	_ =	shalt  }
0x5f: {  	_ =	shalt  }
0x60: {  	_ =	shalt  }
0x61: {  	_ =	shalt  }
0x62: {  	_ =	shalt  }
0x63: {  	_ =	shalt  }
0x64: {  	_ =	shalt  }
0x65: {  	_ =	shalt  }
0x66: {  	_ =	shalt  }
0x67: {  	_ =	shalt  }
0x68: {  	_ =	shalt  }
0x69: {  	_ =	shalt  }
0x6a: {  	_ =	shalt  }
0x6b: {  	_ =	shalt  }
0x6c: {  	_ =	shalt  }
0x6d: {  	_ =	shalt  }
0x6e: {  	_ =	shalt  }
0x6f: {  	_ =	shalt  }
0x70: {  	_ =	shalt  }
0x71: {  	_ =	shalt  }
0x72: {  	_ =	shalt  }
0x73: {  	_ =	shalt  }
0x74: {  	_ =	shalt  }
0x75: {  	_ =	shalt  }
0x76: {  	_ =	shalt  }
0x77: {  	_ =	shalt  }
0x78: {  	_ =	shalt  }
0x79: {  	_ =	shalt  }
0x7a: {  	_ =	shalt  }
0x7b: {  	_ =	shalt  }
0x7c: {  	_ =	shalt  }
0x7d: {  	_ =	shalt  }
0x7e: {  	_ =	shalt  }
0x7f: {  	_ =	shalt  }
0x80: {  	_ =	shalt  }
0x81: {  	_ =	shalt  }
0x82: {  	_ =	shalt  }
0x83: {  	_ =	shalt  }
0x84: {  	_ =	shalt  }
0x85: {  	_ =	shalt  }
0x86: {  	_ =	shalt  }
0x87: {  	_ =	shalt  }
.Lfunc_end0:
.L_simem_size_0:
called_computation_lowered:
.L_overlay_start_0:
0x88: {  	s2 =	sld [smem:$0x3FD9]  }
0x89: {  	s3 =	sld [smem:$0x3FFE];
	_ =	sdelay $0x1  }
0x8a: {  	s1 =	srdreg.scid  }
0x8b: {  	s0 =	sand.u32 $0x1, s1  }
0x8c: {  	s17 =	sshll.u32 s0, $0xA;
	s2 =	sadd.s32 s3, s2  }
0x8d: {  	s2 =	sadd.s32 s2, s17  }
0x8e: {  	[smem:$0x3FBC] =	sst s2  }
0x8f: {  	_ = 	snop  }
0x90: {  	s2 =	sld [smem:$0x3FC8]  }
0x91: {  	s18 =	sld [smem:$0x3FC7];
	(tm) =	ssettm $0x1  }
0x92: {  	s4 =	sld [smem:$0x3FFB];
	_ =	sdelay $0x3  }
0x93: {  	_ =	strace s4  }
0x94: {  	s4 =	sld [smem:$0x3FFC];
	_ =	sdelay $0x3  }
0x95: {  	_ =	strace s4  }
0x96: {  	s4 =	sld [smem:$0x3FFD];
	_ =	sdelay $0x3  }
0x97: {  	_ =	strace s4  }
0x98: {  	_ =	strace $0x8FFFFFFF  }
0x99: {  	s19 =	sld [smem:$0x3FDB];
	_ =	sdelay $0x1  }
0x9a: {  	s5 =	simm.s32 $_scs_section_size  }
0x9b: {  	s6 =	simm.s32 $_size__tile_overlayer_lowered;
	s7 =	simm.s32 $_tile_overlayer_lowered  }
0x9c: {  	s22 =	simm.s32 $0x1BFF;
	s21 =	sshll.u32 s7, $0x1;
	s4 =	sadd.s32 s5, s19  }
0x9d: {  	s8 =	simm.s32 $0x0;
	s20 =	sshll.u32 s6, $0x1;
	s6 =	sadd.s32 s21, s4  }
0x9e: {  	[timem:s8], [sflag:s22] =	dma.local [hbm:s6], s20  }
0x9f: {  	_ =	swait.ge [sflag:s22], s20  }
0xa0: {  	s5 =	ssub.s32 $0x0, s20;
	[sflag:s22] =	ssyncset.done $0x0  }
0xa1: {  	[sflag:s22] =	ssyncadd.s32 s5;
	_ =	sdelay $0x1  }
0xa2: {  	s23 =	simm.s32 $0x1B8B  }
0xa3: {  	_ =	swait.ge [sflag:s23], $0x1  }
0xa4: {  	[sflag:s23] =	ssyncset.done $0x0  }
0xa5: {  	s25 =	simm.s32 $0x1B8E;
	s24 =	sld [smem:$0x3FFE];
	[sflag:s23] =	ssyncadd.s32 $0xFFFFFFFF  }
0xa6: {  	s26 =	simm.s32 $execute0_lowered;
	[smem:$0x3FD2] =	sst s25  }
0xa7: {  	s6 =	sshll.u32 s26, $0x1;
	_ =	strace $0x80000046;
	[dreg:$0x1] =	wrdreg $0xFFFFFFFF  }
0xa8: {  	s28 =	simm.s32 $_size_execute0_lowered;
	s4 =	sadd.s32 s4, s6;
	[dreg:$0x0] =	wrdreg $0x0  }
0xa9: {  	s6 =	sshll.u32 s28, $0x1;
	[dreg:$0x2] =	wrdreg s4  }
0xaa: {  	[dreg:$0x3] =	wrdreg s6  }
0xab: {  	[dreg:$0x4] =	wrdreg $0xC0  }
0xac: {  	_ =	task [dreg:s8], $0x5FFFF  }
0xad: {  	[dreg:$0x1] =	wrdreg $0xFFFFFFFF  }
0xae: {  	[dreg:$0x0] =	wrdreg $0x60  }
0xaf: {  	[dreg:$0x2] =	wrdreg s24  }
0xb0: {  	[dreg:$0x3] =	wrdreg s2  }
0xb1: {  	[dreg:$0x4] =	wrdreg s18  }
0xb2: {  	[dreg:$0x5] =	wrdreg $0x9  }
0xb3: {  	_ =	task.clear_ibuf [dreg:s8], $0x6FFFF;
	_ =	strace $0x90000046  }
0xb4: {  	s29 =	simm.s32 $0x9;
	_ =	strace $0x80000048  }
0xb5: {  	_ =	swait.ge [sflag:s29], $0x1  }
0xb6: {  	[sflag:s29] =	ssyncadd.s32 $0xFFFFFFFF  }
0xb7: {  	_ =	strace $0x90000048  }
0xb8: {  	_ =	sfence  }
0xb9: {  	s30 =	sld [smem:$0x0];
	_ =	sdelay $0x2  }
0xba: {  	s31 =	sshll.u32 s1, $0xD;
	s1 =	sshrl.u32 s1, $0x2  }
0xbb: {  	s3 =	sand.u32 $0x4000, s31;
	s1 =	sadd.s32 s1, s30  }
0xbc: {  	s0 =	sor.u32 s3, s0;
	s1 =	sshll.u32 s1, $0x11  }
0xbd: {  	s0 =	sor.u32 s1, s0  }
0xbe: {  	s0 =	sadd.s32 $0x8F2B, s0  }
0xbf: {  	[sflag:s0] =	ssyncadd.remote.s32 $0x1  }
0xc0: {  	_ =	sfence.sel $0xFFFF  }
0xc1: {  	[dreg:$0x0] =	wrdreg $0xFFFFFFFF;
	(pc) =	sbr.abs _section_cstart, $3  }
0xc2: {  	[dreg:$0x1] =	wrdreg $0xFFFFFFFF  }
0xc3: {  	_ =	task.clear_ibuf [dreg:s8], $0x2FFFF;
	_ =	strace $0x9FFFFFFF  }
0xc4: {  	(tm) =	ssettm $0x7FFFFFFF  }
0xc5: {  	_ =	shalt  }
tec
execute0_lowered:
.L_overlay_start_1:
0x0: {  	(tag) =	ssettag $0x1  }
0x1: {  	s0 =	rddreg [dreg:$0x0]  }
0x2: {  	s1 =	rddreg [dreg:$0x1]  }
0x3: {  	s10 =	rddreg [dreg:$0x2]  }
0x4: {  	s2 =	simm.s32 $0x0;
	s3 =	srdreg.scid;
	s7 =	stileid.u32  }
0x5: {  	[smem:$0x7FF] =	sst s2;
	s4 =	sadd.s32 $0x5E00, s0;
	s3 =	sand.u32 $0x1, s3  }
0x6: {  	s0 =	sadd.s32 $0x25E00, s0;
	s5 =	sshll.u32 s7, $0x1;
	s13 =	sshll.u32 s7, $0x3  }
0x7: {  	s15 =	sadd.s32 $0x800, s10;
	_ =	strace $0x80000047;
	[dreg:$0x4] =	wrdreg s0  }
0x8: {  	s16 =	sadd.s32 $0x1000, s10;
	s17 =	sadd.s32 $0x1800, s10;
	[dreg:$0x8] =	wrdreg s15  }
0x9: {  	s18 =	sadd.s32 $0x2000, s10;
	s19 =	sadd.s32 $0x2800, s10;
	[dreg:$0x9] =	wrdreg s16  }
0xa: {  	s20 =	sadd.s32 $0x3000, s10;
	s21 =	sadd.s32 $0x3800, s10;
	[dreg:$0xa] =	wrdreg s17  }
0xb: {  	s22 =	sadd.s32 $0x4000, s10;
	s23 =	sadd.s32 $0x4800, s10;
	[dreg:$0xb] =	wrdreg s18  }
0xc: {  	s24 =	sadd.s32 $0x5000, s10;
	s25 =	sadd.s32 $0x5800, s10;
	[dreg:$0xc] =	wrdreg s19  }
0xd: {  	s28 =	sadd.s32 $0x8800, s10;
	s29 =	sadd.s32 $0x9000, s10;
	[dreg:$0xd] =	wrdreg s20  }
0xe: {  	s30 =	sadd.s32 $0x9800, s10;
	s31 =	sadd.s32 $0xA000, s10;
	[dreg:$0xe] =	wrdreg s21  }
0xf: {  	s7 =	sadd.s32 $0xB800, s10;
	s8 =	sadd.s32 $0xE800, s10;
	[dreg:$0xf] =	wrdreg s22  }
0x10: {  	s9 =	sadd.s32 $0xF000, s10;
	s12 =	ssub.s32 $0x2, s3;
	[dreg:$0x10] =	wrdreg s23  }
0x11: {  	s3 =	sor.u32 s3, s5;
	s5 =	sand.u32 $0x70, s13;
	[dreg:$0x11] =	wrdreg s24  }
0x12: {  	[dreg:$0x12] =	wrdreg s25;
	s20 =	sadd.s32 $0x6000, s10;
	s21 =	sadd.s32 $0x6800, s10  }
0x13: {  	s22 =	sadd.s32 $0x7000, s10;
	s23 =	sadd.s32 $0x7800, s10;
	s25 =	sadd.s32 $0xC000, s10  }
0x14: {  	v2 =	vlaneseq.u32;
	v0 =	vimm.s32 $0x0;
	v3 =	vimm.f32 $1.000000000e+00;
	s24 =	sadd.s32 $0xE000, s10;
	s13 =	simm.s32 $0x0;
	s6 =	sshrl.u32 s12, $0x1  }
0x15: {  	vm2 =	vcmask $0x1F00;
	v1 =	vmul.u32 $0x8, v2;
	v2 =	vmul.u32 $0x10, v2;
	s14 =	sshll.u32 s3, $0x5;
	s1 =	sadd.s32 s1, s5;
	s26 =	sshll.u32 s3, $0xB  }
0x16: {  	vm0 =	vmmov $0xffff;
	vm1 =	vmmov $0xf;
	v3 =	vsel vm2, $0x0, v3;
	s3 =	sadd.s32 $0xB000, s10;
	s5 =	sadd.s32 $0xD000, s10;
	[dreg:$0x6] =	wrdreg s1  }
0x17: {  	v4 =	vor.u32 $0x1, v2;
	v5 =	vor.u32 $0x2, v2;
	v6 =	vor.u32 $0x3, v2;
	s0 =	ssub.s32 s12, s6;
	[dreg:$0x5] =	wrdreg s14;
	s11 =	sand.u32 $0x60, s14  }
0x18: {  	v7 =	vor.u32 $0x4, v2;
	v8 =	vor.u32 $0x5, v2;
	v9 =	vor.u32 $0x6, v2;
	[dreg:$0x13] =	wrdreg s26;
	s26 =	sadd.s32 $0x8000, s10;
	s1 =	sadd.s32 $0xC800, s10  }
0x19: {  	v10 =	vor.u32 $0x7, v2;
	v11 =	vor.u32 $0x8, v2;
	v12 =	vor.u32 $0x9, v2;
	s6 =	sadd.s32 $0xD800, s10;
	s0 =	smax.u32 s0, $0x1;
	[dreg:$0x7] =	wrdreg s11  }
0x1a: {  	v13 =	vor.u32 $0xA, v2;
	v14 =	vor.u32 $0xB, v2;
	v15 =	vor.u32 $0xC, v2;
	s11 =	sor.u32 $0x2, s11;
	[dreg:$0x14] =	wrdreg s0;
	s0 =	sadd.s32 $0xA800, s10  }
0x1b: {  	v16 =	vor.u32 $0xD, v2;
	v17 =	vor.u32 $0xE, v2;
	v18 =	vor.u32 $0xF, v2;
	s10 =	sadd.s32 $0xF800, s10;
	[dreg:$0x15] =	wrdreg s11;
	s11 =	simm.s32 $0x1FE00  }
.LBB2_1:
0x1c: {  	[dreg:$0x16] =	wrdreg s13  }
0x1d: {  	s12 =	rddreg [dreg:$0x6];
	s19 =	simm.s32 $0x5  }
0x1e: {  	[tilespmem:s2], [sflag:$0x5] =	stream.linear.gather [hbm4b:s12+s2], $0x80, $0x38;
	[tilespmem:$0x1FF00] =	vst v63  }
0x1f: {  	_ =	swait.ge [sflag:s19], $0x80  }
0x20: {  	[sflag:s19] =	ssyncset.done $0x0  }
0x21: {  	s12 =	simm.s32 $0x0;
	[sflag:s19] =	ssyncadd.s32 $0xFFFFFF80  }
.LBB2_2:
0x22: {  	s14 =	sshll.u32 s12, $0x1;
	s13 =	rddreg [dreg:$0x5]  }
0x23: {  	s15 =	sshll.u32 s12, $0x5;
	s13 =	sadd.s32 s13, s14  }
0x24: {  	s15 =	sand.u32 $0x60, s15;
	s13 =	sshll.u32 s13, $0x7  }
0x25: {  	s18 =	simm.s32 $0x80;
	s15 =	sadd.s32 s4, s15;
	s16 =	sand.u32 $0xFFFFC00, s13  }
0x26: {  	s19 =	simm.s32 $0x400;
	s17 =	simm.s32 $0x100;
	s15 =	sadd.s32 s16, s15  }
0x27: {  	[tilespmem:s17], [sflag:$0x3] =	stream.strided.gather [hbm4b:s15+s18], $0x400, s19, s18, $0x38;
	[tilespmem:$0x1FF00] =	vst v63  }
0x28: {  	s13 =	sshllo.u32 s12, $0x1;
	s17 =	rddreg [dreg:$0x7]  }
0x29: {  	s17 =	sor.u32 s17, s13  }
0x2a: {  	p0 =	sne.s32 s12, $0x0;
	s15 =	sshll.u32 s13, $0x4;
	v19 =	vmov s17  }
.Ltmp0:
0x2b: {  	s15 =	sand.u32 $0x70, s15;
	(pc) =	sbr.rel @p0 .LBB2_4-.Ltmp0, $4  }
0x2c: {  	s15 =	sadd.s32 s4, s15  }
0x2d: {  	s17 =	simm.s32 $0x500;
	s15 =	sadd.s32 s16, s15  }
0x2e: {  	[tilespmem:s17], [sflag:$0x4] =	stream.strided.gather [hbm4b:s15+s18], $0x400, s19, s18, $0x38;
	[tilespmem:$0x1FF00] =	vst v63  }
0x2f: {  	v19 =	vld.idx.msk [tilespmem:v19+s2+$0x0], $0xffff  }
0x30: {  	s15 =	rddreg [dreg:$0x7]  }
0x31: {  	s15 =	sor.u32 s15, s14  }
0x32: {  	v20 =	vmov s15  }
0x33: {  	v20 =	vand.u32 $0xFFFFFFFE, v20  }
0x34: {  	v20 =	vbroadcast v20, $0x0;
	_ =	sdelay $0x5  }
0x35: {  	v20 =	vld.idx.msk [tilespmem:v20+s2+$0x0], $0xffff;
	_ =	sdelay $0x4  }
0x36: {  	[tilespmem:$0x80] =	vst v20  }
0x37: {  	v20 =	vld.msk [tilespmem:$0x80], $0x1;
	_ =	sdelay $0x4  }
0x38: {  	v21 =	vshrl.u32 v20, $0x3  }
0x39: {  	v21 =	vmul.u32 $0xFA0, v21  }
0x3a: {  	v20 =	vand.u32 $0x7, v20  }
0x3b: {  	v20 =	vor.u32 v20, v21  }
0x3c: {  	v20 =	vperm.xlane v20, v0;
	_ =	sdelay $0x1  }
0x3d: {  	v20 =	vadd.s32 v1, v20;
	_ =	sdelay $0x3  }
0x3e: {  	s17 =	rddreg [dreg:$0x2];
	s16 =	simm.s32 $0x900  }
0x3f: {  	[tilespmem:s16], [sflag:$0x1] =	stream.indirect_vreg.gather [hbm4b:s17+s2], $0x80, v20, vm0, $0xb8;
	[tilespmem:$0x1FF00] =	vst v63  }
0x40: {  	s18 =	rddreg [dreg:$0x8];
	s19 =	simm.s32 $0x1100  }
0x41: {  	[tilespmem:s19], [sflag:$0x1] =	stream.indirect_vreg.gather [hbm4b:s18+s2], $0x80, v20, vm0, $0xb8;
	[tilespmem:$0x1FF00] =	vst v63  }
0x42: {  	s16 =	rddreg [dreg:$0x9];
	s17 =	simm.s32 $0x1900  }
0x43: {  	[tilespmem:s17], [sflag:$0x1] =	stream.indirect_vreg.gather [hbm4b:s16+s2], $0x80, v20, vm0, $0xb8;
	[tilespmem:$0x1FF00] =	vst v63  }
0x44: {  	s18 =	rddreg [dreg:$0xa];
	s19 =	simm.s32 $0x2100  }
0x45: {  	[tilespmem:s19], [sflag:$0x1] =	stream.indirect_vreg.gather [hbm4b:s18+s2], $0x80, v20, vm0, $0xb8;
	[tilespmem:$0x1FF00] =	vst v63  }
0x46: {  	s16 =	rddreg [dreg:$0xb];
	s17 =	simm.s32 $0x2900  }
0x47: {  	[tilespmem:s17], [sflag:$0x1] =	stream.indirect_vreg.gather [hbm4b:s16+s2], $0x80, v20, vm0, $0xb8;
	[tilespmem:$0x1FF00] =	vst v63  }
0x48: {  	s18 =	rddreg [dreg:$0xc];
	s19 =	simm.s32 $0x3100  }
0x49: {  	[tilespmem:s19], [sflag:$0x1] =	stream.indirect_vreg.gather [hbm4b:s18+s2], $0x80, v20, vm0, $0xb8;
	[tilespmem:$0x1FF00] =	vst v63  }
0x4a: {  	s16 =	rddreg [dreg:$0xd];
	s17 =	simm.s32 $0x3900  }
0x4b: {  	[tilespmem:s17], [sflag:$0x1] =	stream.indirect_vreg.gather [hbm4b:s16+s2], $0x80, v20, vm0, $0xb8;
	[tilespmem:$0x1FF00] =	vst v63  }
0x4c: {  	s18 =	rddreg [dreg:$0xe];
	s19 =	simm.s32 $0x4100  }
0x4d: {  	[tilespmem:s19], [sflag:$0x1] =	stream.indirect_vreg.gather [hbm4b:s18+s2], $0x80, v20, vm0, $0xb8;
	[tilespmem:$0x1FF00] =	vst v63  }
0x4e: {  	s16 =	rddreg [dreg:$0xf];
	s17 =	simm.s32 $0x4900  }
0x4f: {  	[tilespmem:s17], [sflag:$0x1] =	stream.indirect_vreg.gather [hbm4b:s16+s2], $0x80, v20, vm0, $0xb8;
	[tilespmem:$0x1FF00] =	vst v63  }
0x50: {  	s18 =	rddreg [dreg:$0x10];
	s19 =	simm.s32 $0x5100  }
0x51: {  	[tilespmem:s19], [sflag:$0x1] =	stream.indirect_vreg.gather [hbm4b:s18+s2], $0x80, v20, vm0, $0xb8;
	[tilespmem:$0x1FF00] =	vst v63  }
0x52: {  	s16 =	rddreg [dreg:$0x11];
	s17 =	simm.s32 $0x5900  }
0x53: {  	[tilespmem:s17], [sflag:$0x1] =	stream.indirect_vreg.gather [hbm4b:s16+s2], $0x80, v20, vm0, $0xb8;
	[tilespmem:$0x1FF00] =	vst v63  }
0x54: {  	s18 =	rddreg [dreg:$0x12];
	s19 =	simm.s32 $0x6100  }
0x55: {  	[tilespmem:s19], [sflag:$0x1] =	stream.indirect_vreg.gather [hbm4b:s18+s2], $0x80, v20, vm0, $0xb8;
	[tilespmem:$0x1FF00] =	vst v63  }
0x56: {  	s16 =	simm.s32 $0x6900  }
0x57: {  	[tilespmem:s16], [sflag:$0x1] =	stream.indirect_vreg.gather [hbm4b:s20+s2], $0x80, v20, vm0, $0xb8;
	[tilespmem:$0x1FF00] =	vst v63  }
0x58: {  	s17 =	simm.s32 $0x7100  }
0x59: {  	[tilespmem:s17], [sflag:$0x1] =	stream.indirect_vreg.gather [hbm4b:s21+s2], $0x80, v20, vm0, $0xb8;
	[tilespmem:$0x1FF00] =	vst v63  }
0x5a: {  	s18 =	simm.s32 $0x7900  }
0x5b: {  	[tilespmem:s18], [sflag:$0x1] =	stream.indirect_vreg.gather [hbm4b:s22+s2], $0x80, v20, vm0, $0xb8;
	[tilespmem:$0x1FF00] =	vst v63  }
0x5c: {  	s19 =	simm.s32 $0x8100  }
0x5d: {  	[tilespmem:s19], [sflag:$0x1] =	stream.indirect_vreg.gather [hbm4b:s23+s2], $0x80, v20, vm0, $0xb8;
	[tilespmem:$0x1FF00] =	vst v63  }
0x5e: {  	s16 =	simm.s32 $0x8900  }
0x5f: {  	[tilespmem:s16], [sflag:$0x1] =	stream.indirect_vreg.gather [hbm4b:s26+s2], $0x80, v20, vm0, $0xb8;
	[tilespmem:$0x1FF00] =	vst v63  }
0x60: {  	s17 =	simm.s32 $0x9100  }
0x61: {  	[tilespmem:s17], [sflag:$0x1] =	stream.indirect_vreg.gather [hbm4b:s28+s2], $0x80, v20, vm0, $0xb8;
	[tilespmem:$0x1FF00] =	vst v63  }
0x62: {  	s18 =	simm.s32 $0x9900  }
0x63: {  	[tilespmem:s18], [sflag:$0x1] =	stream.indirect_vreg.gather [hbm4b:s29+s2], $0x80, v20, vm0, $0xb8;
	[tilespmem:$0x1FF00] =	vst v63  }
0x64: {  	s19 =	simm.s32 $0xA100  }
0x65: {  	[tilespmem:s19], [sflag:$0x1] =	stream.indirect_vreg.gather [hbm4b:s30+s2], $0x80, v20, vm0, $0xb8;
	[tilespmem:$0x1FF00] =	vst v63  }
0x66: {  	s16 =	simm.s32 $0xA900  }
0x67: {  	[tilespmem:s16], [sflag:$0x1] =	stream.indirect_vreg.gather [hbm4b:s31+s2], $0x80, v20, vm0, $0xb8;
	[tilespmem:$0x1FF00] =	vst v63  }
0x68: {  	s17 =	simm.s32 $0xB100  }
0x69: {  	[tilespmem:s17], [sflag:$0x1] =	stream.indirect_vreg.gather [hbm4b:s0+s2], $0x80, v20, vm0, $0xb8;
	[tilespmem:$0x1FF00] =	vst v63  }
0x6a: {  	s18 =	simm.s32 $0xB900  }
0x6b: {  	[tilespmem:s18], [sflag:$0x1] =	stream.indirect_vreg.gather [hbm4b:s3+s2], $0x80, v20, vm0, $0xb8;
	[tilespmem:$0x1FF00] =	vst v63  }
0x6c: {  	s19 =	simm.s32 $0xC100  }
0x6d: {  	[tilespmem:s19], [sflag:$0x1] =	stream.indirect_vreg.gather [hbm4b:s7+s2], $0x80, v20, vm0, $0xb8;
	[tilespmem:$0x1FF00] =	vst v63  }
0x6e: {  	s16 =	simm.s32 $0xC900  }
0x6f: {  	[tilespmem:s16], [sflag:$0x1] =	stream.indirect_vreg.gather [hbm4b:s25+s2], $0x80, v20, vm0, $0xb8;
	[tilespmem:$0x1FF00] =	vst v63  }
0x70: {  	s17 =	simm.s32 $0xD100  }
0x71: {  	[tilespmem:s17], [sflag:$0x1] =	stream.indirect_vreg.gather [hbm4b:s1+s2], $0x80, v20, vm0, $0xb8;
	[tilespmem:$0x1FF00] =	vst v63  }
0x72: {  	s18 =	simm.s32 $0xD900  }
0x73: {  	[tilespmem:s18], [sflag:$0x1] =	stream.indirect_vreg.gather [hbm4b:s5+s2], $0x80, v20, vm0, $0xb8;
	[tilespmem:$0x1FF00] =	vst v63  }
0x74: {  	s19 =	simm.s32 $0xE100  }
0x75: {  	[tilespmem:s19], [sflag:$0x1] =	stream.indirect_vreg.gather [hbm4b:s6+s2], $0x80, v20, vm0, $0xb8;
	[tilespmem:$0x1FF00] =	vst v63  }
0x76: {  	s16 =	simm.s32 $0xE900  }
0x77: {  	[tilespmem:s16], [sflag:$0x1] =	stream.indirect_vreg.gather [hbm4b:s24+s2], $0x80, v20, vm0, $0xb8;
	[tilespmem:$0x1FF00] =	vst v63  }
0x78: {  	s17 =	simm.s32 $0xF100  }
0x79: {  	[tilespmem:s17], [sflag:$0x1] =	stream.indirect_vreg.gather [hbm4b:s8+s2], $0x80, v20, vm0, $0xb8;
	[tilespmem:$0x1FF00] =	vst v63  }
0x7a: {  	s18 =	simm.s32 $0xF900  }
0x7b: {  	[tilespmem:s18], [sflag:$0x1] =	stream.indirect_vreg.gather [hbm4b:s9+s2], $0x80, v20, vm0, $0xb8;
	[tilespmem:$0x1FF00] =	vst v63  }
0x7c: {  	s19 =	simm.s32 $0x10100  }
0x7d: {  	[tilespmem:s19], [sflag:$0x1] =	stream.indirect_vreg.gather [hbm4b:s10+s2], $0x80, v20, vm1, $0xb8;
	[tilespmem:$0x1FF00] =	vst v63  }
.LBB2_4:
0x7e: {  	_ =	sdelay $0x3  }
0x7f: {  	[tilespmem:$0x90] =	vst v19  }
0x80: {  	v19 =	vld.msk [tilespmem:$0x90], $0x1;
	_ =	sdelay $0x4  }
0x81: {  	v20 =	vshrl.u32 v19, $0x3  }
0x82: {  	v20 =	vmul.u32 $0xFA0, v20  }
0x83: {  	v19 =	vand.u32 $0x7, v19  }
0x84: {  	v19 =	vor.u32 v19, v20  }
0x85: {  	v19 =	vperm.xlane v19, v0;
	_ =	sdelay $0x1  }
0x86: {  	v19 =	vadd.s32 v1, v19;
	_ =	sdelay $0x3  }
0x87: {  	s15 =	simm.s32 $0x0;
	s16 =	rddreg [dreg:$0x2];
	s17 =	simm.s32 $0x10300  }
0x88: {  	[tilespmem:s17], [sflag:$0x2] =	stream.indirect_vreg.gather [hbm4b:s16+s15], $0x80, v19, vm0, $0xb8;
	[tilespmem:$0x1FF00] =	vst v63  }
0x89: {  	s18 =	rddreg [dreg:$0x8];
	s19 =	simm.s32 $0x10B00  }
0x8a: {  	[tilespmem:s19], [sflag:$0x2] =	stream.indirect_vreg.gather [hbm4b:s18+s15], $0x80, v19, vm0, $0xb8;
	[tilespmem:$0x1FF00] =	vst v63  }
0x8b: {  	s18 =	rddreg [dreg:$0x9];
	s19 =	simm.s32 $0x11300  }
0x8c: {  	[tilespmem:s19], [sflag:$0x2] =	stream.indirect_vreg.gather [hbm4b:s18+s15], $0x80, v19, vm0, $0xb8;
	[tilespmem:$0x1FF00] =	vst v63  }
0x8d: {  	s18 =	rddreg [dreg:$0xa];
	s19 =	simm.s32 $0x11B00  }
0x8e: {  	[tilespmem:s19], [sflag:$0x2] =	stream.indirect_vreg.gather [hbm4b:s18+s15], $0x80, v19, vm0, $0xb8;
	[tilespmem:$0x1FF00] =	vst v63  }
0x8f: {  	s18 =	rddreg [dreg:$0xb];
	s19 =	simm.s32 $0x12300  }
0x90: {  	[tilespmem:s19], [sflag:$0x2] =	stream.indirect_vreg.gather [hbm4b:s18+s15], $0x80, v19, vm0, $0xb8;
	[tilespmem:$0x1FF00] =	vst v63  }
0x91: {  	s18 =	rddreg [dreg:$0xc];
	s19 =	simm.s32 $0x12B00  }
0x92: {  	[tilespmem:s19], [sflag:$0x2] =	stream.indirect_vreg.gather [hbm4b:s18+s15], $0x80, v19, vm0, $0xb8;
	[tilespmem:$0x1FF00] =	vst v63  }
0x93: {  	s18 =	rddreg [dreg:$0xd];
	s19 =	simm.s32 $0x13300  }
0x94: {  	[tilespmem:s19], [sflag:$0x2] =	stream.indirect_vreg.gather [hbm4b:s18+s15], $0x80, v19, vm0, $0xb8;
	[tilespmem:$0x1FF00] =	vst v63  }
0x95: {  	s18 =	rddreg [dreg:$0xe];
	s19 =	simm.s32 $0x13B00  }
0x96: {  	[tilespmem:s19], [sflag:$0x2] =	stream.indirect_vreg.gather [hbm4b:s18+s15], $0x80, v19, vm0, $0xb8;
	[tilespmem:$0x1FF00] =	vst v63  }
0x97: {  	s18 =	rddreg [dreg:$0xf];
	s19 =	simm.s32 $0x14300  }
0x98: {  	[tilespmem:s19], [sflag:$0x2] =	stream.indirect_vreg.gather [hbm4b:s18+s15], $0x80, v19, vm0, $0xb8;
	[tilespmem:$0x1FF00] =	vst v63  }
0x99: {  	s18 =	rddreg [dreg:$0x10];
	s19 =	simm.s32 $0x14B00  }
0x9a: {  	[tilespmem:s19], [sflag:$0x2] =	stream.indirect_vreg.gather [hbm4b:s18+s15], $0x80, v19, vm0, $0xb8;
	[tilespmem:$0x1FF00] =	vst v63  }
0x9b: {  	s18 =	rddreg [dreg:$0x11];
	s19 =	simm.s32 $0x15300  }
0x9c: {  	[tilespmem:s19], [sflag:$0x2] =	stream.indirect_vreg.gather [hbm4b:s18+s15], $0x80, v19, vm0, $0xb8;
	[tilespmem:$0x1FF00] =	vst v63  }
0x9d: {  	s18 =	rddreg [dreg:$0x12];
	s19 =	simm.s32 $0x15B00  }
0x9e: {  	[tilespmem:s19], [sflag:$0x2] =	stream.indirect_vreg.gather [hbm4b:s18+s15], $0x80, v19, vm0, $0xb8;
	[tilespmem:$0x1FF00] =	vst v63  }
0x9f: {  	s18 =	simm.s32 $0x16300  }
0xa0: {  	[tilespmem:s18], [sflag:$0x2] =	stream.indirect_vreg.gather [hbm4b:s20+s15], $0x80, v19, vm0, $0xb8;
	[tilespmem:$0x1FF00] =	vst v63  }
0xa1: {  	s19 =	simm.s32 $0x16B00  }
0xa2: {  	[tilespmem:s19], [sflag:$0x2] =	stream.indirect_vreg.gather [hbm4b:s21+s15], $0x80, v19, vm0, $0xb8;
	[tilespmem:$0x1FF00] =	vst v63  }
0xa3: {  	s17 =	simm.s32 $0x17300  }
0xa4: {  	[tilespmem:s17], [sflag:$0x2] =	stream.indirect_vreg.gather [hbm4b:s22+s15], $0x80, v19, vm0, $0xb8;
	[tilespmem:$0x1FF00] =	vst v63  }
0xa5: {  	s18 =	simm.s32 $0x17B00  }
0xa6: {  	[tilespmem:s18], [sflag:$0x2] =	stream.indirect_vreg.gather [hbm4b:s23+s15], $0x80, v19, vm0, $0xb8;
	[tilespmem:$0x1FF00] =	vst v63  }
0xa7: {  	s19 =	simm.s32 $0x18300  }
0xa8: {  	[tilespmem:s19], [sflag:$0x2] =	stream.indirect_vreg.gather [hbm4b:s26+s15], $0x80, v19, vm0, $0xb8;
	[tilespmem:$0x1FF00] =	vst v63  }
0xa9: {  	s17 =	simm.s32 $0x18B00  }
0xaa: {  	[tilespmem:s17], [sflag:$0x2] =	stream.indirect_vreg.gather [hbm4b:s28+s15], $0x80, v19, vm0, $0xb8;
	[tilespmem:$0x1FF00] =	vst v63  }
0xab: {  	s18 =	simm.s32 $0x19300  }
0xac: {  	[tilespmem:s18], [sflag:$0x2] =	stream.indirect_vreg.gather [hbm4b:s29+s15], $0x80, v19, vm0, $0xb8;
	[tilespmem:$0x1FF00] =	vst v63  }
0xad: {  	s19 =	simm.s32 $0x19B00  }
0xae: {  	[tilespmem:s19], [sflag:$0x2] =	stream.indirect_vreg.gather [hbm4b:s30+s15], $0x80, v19, vm0, $0xb8;
	[tilespmem:$0x1FF00] =	vst v63  }
0xaf: {  	s17 =	simm.s32 $0x1A300  }
0xb0: {  	[tilespmem:s17], [sflag:$0x2] =	stream.indirect_vreg.gather [hbm4b:s31+s15], $0x80, v19, vm0, $0xb8;
	[tilespmem:$0x1FF00] =	vst v63  }
0xb1: {  	s18 =	simm.s32 $0x1AB00  }
0xb2: {  	[tilespmem:s18], [sflag:$0x2] =	stream.indirect_vreg.gather [hbm4b:s0+s15], $0x80, v19, vm0, $0xb8;
	[tilespmem:$0x1FF00] =	vst v63  }
0xb3: {  	s19 =	simm.s32 $0x1B300  }
0xb4: {  	[tilespmem:s19], [sflag:$0x2] =	stream.indirect_vreg.gather [hbm4b:s3+s15], $0x80, v19, vm0, $0xb8;
	[tilespmem:$0x1FF00] =	vst v63  }
0xb5: {  	s17 =	simm.s32 $0x1BB00  }
0xb6: {  	[tilespmem:s17], [sflag:$0x2] =	stream.indirect_vreg.gather [hbm4b:s7+s15], $0x80, v19, vm0, $0xb8;
	[tilespmem:$0x1FF00] =	vst v63  }
0xb7: {  	s18 =	simm.s32 $0x1C300  }
0xb8: {  	[tilespmem:s18], [sflag:$0x2] =	stream.indirect_vreg.gather [hbm4b:s25+s15], $0x80, v19, vm0, $0xb8;
	[tilespmem:$0x1FF00] =	vst v63  }
0xb9: {  	s19 =	simm.s32 $0x1CB00  }
0xba: {  	[tilespmem:s19], [sflag:$0x2] =	stream.indirect_vreg.gather [hbm4b:s1+s15], $0x80, v19, vm0, $0xb8;
	[tilespmem:$0x1FF00] =	vst v63  }
0xbb: {  	s17 =	simm.s32 $0x1D300  }
0xbc: {  	[tilespmem:s17], [sflag:$0x2] =	stream.indirect_vreg.gather [hbm4b:s5+s15], $0x80, v19, vm0, $0xb8;
	[tilespmem:$0x1FF00] =	vst v63  }
0xbd: {  	s18 =	simm.s32 $0x1DB00  }
0xbe: {  	[tilespmem:s18], [sflag:$0x2] =	stream.indirect_vreg.gather [hbm4b:s6+s15], $0x80, v19, vm0, $0xb8;
	[tilespmem:$0x1FF00] =	vst v63  }
0xbf: {  	s19 =	simm.s32 $0x1E300  }
0xc0: {  	[tilespmem:s19], [sflag:$0x2] =	stream.indirect_vreg.gather [hbm4b:s24+s15], $0x80, v19, vm0, $0xb8;
	[tilespmem:$0x1FF00] =	vst v63  }
0xc1: {  	s17 =	simm.s32 $0x1EB00  }
0xc2: {  	[tilespmem:s17], [sflag:$0x2] =	stream.indirect_vreg.gather [hbm4b:s8+s15], $0x80, v19, vm0, $0xb8;
	[tilespmem:$0x1FF00] =	vst v63  }
0xc3: {  	s18 =	simm.s32 $0x1F300  }
0xc4: {  	[tilespmem:s18], [sflag:$0x2] =	stream.indirect_vreg.gather [hbm4b:s9+s15], $0x80, v19, vm0, $0xb8;
	[tilespmem:$0x1FF00] =	vst v63  }
0xc5: {  	s19 =	simm.s32 $0x1FB00;
	s17 =	simm.s32 $0x1  }
0xc6: {  	[tilespmem:s19], [sflag:$0x2] =	stream.indirect_vreg.gather [hbm4b:s10+s15], $0x80, v19, vm1, $0xb8;
	[tilespmem:$0x1FF00] =	vst v63  }
0xc7: {  	_ =	swait.ge [sflag:s17], $0xFA00  }
0xc8: {  	[sflag:s17] =	ssyncset.done $0x0  }
0xc9: {  	s18 =	simm.s32 $0x3;
	[sflag:s17] =	ssyncadd.s32 $0xFFFF0600  }
0xca: {  	_ =	swait.ge [sflag:s18], $0x400  }
0xcb: {  	[sflag:s18] =	ssyncset.done $0x0  }
0xcc: {  	s19 =	simm.s32 $0x0;
	[sflag:s18] =	ssyncadd.s32 $0xFFFFFC00  }
0xcd: {  	v20 =	vld [tilespmem:s19+$0x100]  }
0xce: {  	v19 =	vld [tilespmem:s19+$0x4398]  }
0xcf: {  	v21 =	vld [tilespmem:s19+$0x900]  }
0xd0: {  	v22 =	vld [tilespmem:s19+$0xCE8]  }
0xd1: {  	v23 =	vld [tilespmem:s19+$0x10D0]  }
0xd2: {  	v24 =	vld [tilespmem:s19+$0x14B8]  }
0xd3: {  	v25 =	vld [tilespmem:s19+$0x18A0]  }
0xd4: {  	v34 =	vld [tilespmem:s19+$0x2C28]  }
0xd5: {  	v35 =	vld [tilespmem:s19+$0x3010]  }
0xd6: {  	v26 =	vld [tilespmem:s19+$0x1C88]  }
0xd7: {  	v29 =	vld [tilespmem:s19+$0x2070];
	v19 =	vmul.f32 v19, v20  }
0xd8: {  	v31 =	vimm.f32 $0.0e+00;
	v32 =	vld [tilespmem:s19+$0x2458];
	v21 =	vmul.f32 v21, v20;
	v22 =	vmul.f32 v22, v20  }
0xd9: {  	v36 =	vimm.f32 $0.0e+00;
	v33 =	vld [tilespmem:s19+$0x2840];
	v23 =	vmul.f32 v23, v20;
	v41 =	vmul.f32 v34, v20  }
0xda: {  	v42 =	vmul.f32 v35, v20;
	v35 =	vimm.f32 $0.0e+00;
	v34 =	vimm.f32 $0.0e+00  }
0xdb: {  	v27 =	vadd.f32 v21, v31;
	v21 =	vmul.f32 v24, v20;
	v30 =	vadd.f32 v22, v31  }
0xdc: {  	v38 =	vld [tilespmem:s19+$0x33F8];
	v28 =	vadd.f32 v23, v31;
	v22 =	vmul.f32 v25, v20;
	v23 =	vmul.f32 v26, v20  }
0xdd: {  	v39 =	vld [tilespmem:s19+$0x37E0];
	v19 =	vadd.f32 v19, v31;
	v25 =	vmul.f32 v29, v20;
	v26 =	vmul.f32 v32, v20  }
0xde: {  	v37 =	vld [tilespmem:s19+$0x3BC8];
	v29 =	vmul.f32 v33, v20;
	v24 =	vadd.f32 v21, v31;
	v21 =	vadd.f32 v22, v31  }
0xdf: {  	s15 =	simm.s32 $0x10;
	v40 =	vld [tilespmem:s19+$0x3FB0];
	v32 =	vimm.f32 $0.0e+00;
	v22 =	vadd.f32 v23, v31;
	v25 =	vadd.f32 v25, v31  }
0xe0: {  	s16 =	simm.s32 $0x80;
	v33 =	vimm.f32 $0.0e+00;
	v23 =	vadd.f32 v26, v31;
	v26 =	vadd.f32 v29, v31;
	v29 =	vld [tilespmem:s15+$0x100]  }
.LBB2_5:
0xe1: {  	p0 =	sne.s32 s16, $0xF40;
	v43 =	vld [tilespmem:s15+$0x4398];
	v31 =	vadd.f32 v41, v31;
	v38 =	vmul.f32 v38, v20  }
0xe2: {  	v41 =	vld [tilespmem:s15+$0x900];
	v36 =	vadd.f32 v42, v36;
	v39 =	vmul.f32 v39, v20  }
0xe3: {  	v42 =	vld [tilespmem:s15+$0xCE8];
	v35 =	vadd.f32 v38, v35;
	v37 =	vmul.f32 v37, v20  }
0xe4: {  	v38 =	vld [tilespmem:s15+$0x10D0];
	v34 =	vadd.f32 v39, v34;
	v39 =	vmul.f32 v40, v20  }
0xe5: {  	v40 =	vld [tilespmem:s15+$0x14B8];
	v32 =	vadd.f32 v37, v32;
	v20 =	vmov v29  }
0xe6: {  	v29 =	vld [tilespmem:s15+$0x18A0];
	v37 =	vmul.f32 v43, v20;
	v33 =	vadd.f32 v39, v33  }
0xe7: {  	v39 =	vmul.f32 v41, v20;
	v41 =	vld [tilespmem:s15+$0x1C88]  }
0xe8: {  	v42 =	vmul.f32 v42, v20;
	v43 =	vld [tilespmem:s15+$0x2070];
	v19 =	vadd.f32 v37, v19  }
0xe9: {  	v27 =	vadd.f32 v39, v27;
	v37 =	vmul.f32 v38, v20;
	v39 =	vld [tilespmem:s15+$0x2458]  }
0xea: {  	v30 =	vadd.f32 v42, v30;
	v38 =	vmul.f32 v40, v20;
	v40 =	vld [tilespmem:s15+$0x2840]  }
0xeb: {  	v28 =	vadd.f32 v37, v28;
	v29 =	vmul.f32 v29, v20;
	v42 =	vld [tilespmem:s15+$0x2C28]  }
0xec: {  	v24 =	vadd.f32 v38, v24;
	v37 =	vmul.f32 v41, v20;
	v44 =	vld [tilespmem:s15+$0x3010]  }
.Ltmp1:
0xed: {  	v21 =	vadd.f32 v29, v21;
	v29 =	vmul.f32 v43, v20;
	v38 =	vld [tilespmem:s15+$0x33F8];
	(pc) =	sbr.rel @p0 .LBB2_5-.Ltmp1, $4  }
0xee: {  	v22 =	vadd.f32 v37, v22;
	v41 =	vmul.f32 v39, v20;
	v39 =	vld [tilespmem:s15+$0x37E0]  }
0xef: {  	v25 =	vadd.f32 v29, v25;
	v43 =	vmul.f32 v40, v20;
	v37 =	vld [tilespmem:s15+$0x3BC8]  }
0xf0: {  	v23 =	vadd.f32 v41, v23;
	v41 =	vmul.f32 v42, v20;
	v40 =	vld [tilespmem:s15+$0x3FB0];
	s15 =	sshra.s32 s16, $0x2  }
0xf1: {  	s16 =	sadd.s32 $0x40, s16;
	v29 =	vld [tilespmem:s15+$0x100];
	v26 =	vadd.f32 v43, v26;
	v42 =	vmul.f32 v44, v20  }
0xf2: {  	v43 =	vld [tilespmem:s15+$0x4398]  }
0xf3: {  	v44 =	vld [tilespmem:s15+$0x900]  }
0xf4: {  	v45 =	vld [tilespmem:s15+$0xCE8]  }
0xf5: {  	v46 =	vld [tilespmem:s15+$0x10D0]  }
0xf6: {  	v47 =	vld [tilespmem:s15+$0x14B8]  }
0xf7: {  	v48 =	vld [tilespmem:s15+$0x18A0]  }
0xf8: {  	v49 =	vld [tilespmem:s15+$0x1C88]  }
0xf9: {  	v50 =	vld [tilespmem:s15+$0x2070]  }
0xfa: {  	v51 =	vld [tilespmem:s15+$0x2458]  }
0xfb: {  	v52 =	vld [tilespmem:s15+$0x2840]  }
0xfc: {  	v53 =	vld [tilespmem:s15+$0x2C28]  }
0xfd: {  	v54 =	vld [tilespmem:s15+$0x3010]  }
0xfe: {  	v55 =	vld [tilespmem:s15+$0x33F8]  }
0xff: {  	v38 =	vmul.f32 v38, v20;
	v56 =	vld [tilespmem:s15+$0x37E0]  }
0x100: {  	v31 =	vadd.f32 v41, v31;
	v41 =	vld [tilespmem:s15+$0x3BC8]  }
0x101: {  	v39 =	vmul.f32 v39, v20;
	v35 =	vadd.f32 v38, v35;
	v38 =	vld [tilespmem:$0x4D8]  }
0x102: {  	v59 =	vld [tilespmem:$0x10C0];
	v36 =	vadd.f32 v42, v36;
	v37 =	vmul.f32 v37, v20;
	v20 =	vmul.f32 v40, v20  }
0x103: {  	v42 =	vld [tilespmem:s15+$0x3FB0];
	v34 =	vadd.f32 v39, v34;
	v63 =	vmul.f32 v44, v29;
	v45 =	vmul.f32 v45, v29  }
0x104: {  	v32 =	vadd.f32 v37, v32;
	v37 =	vld [tilespmem:$0xCD8];
	v57 =	vmul.f32 v46, v29;
	v58 =	vmul.f32 v47, v29  }
0x105: {  	v20 =	vadd.f32 v20, v33;
	v60 =	vmul.f32 v48, v29;
	v61 =	vmul.f32 v49, v29;
	v46 =	vld [tilespmem:$0x1890]  }
0x106: {  	v62 =	vmul.f32 v50, v29;
	v30 =	vadd.f32 v45, v30;
	v45 =	vld [tilespmem:$0x14A8];
	v38 =	vmul.f32 v3, v38  }
0x107: {  	v27 =	vadd.f32 v63, v27;
	v24 =	vadd.f32 v58, v24;
	v63 =	vmul.f32 v51, v29;
	v58 =	vld [tilespmem:$0x2060]  }
0x108: {  	v52 =	vmul.f32 v52, v29;
	v28 =	vadd.f32 v57, v28;
	v57 =	vld [tilespmem:$0x1C78];
	v59 =	vmul.f32 v59, v38  }
0x109: {  	v21 =	vadd.f32 v60, v21;
	v37 =	vmul.f32 v38, v37;
	v23 =	vadd.f32 v63, v23;
	v63 =	vld [tilespmem:$0x2830]  }
0x10a: {  	v22 =	vadd.f32 v61, v22;
	v60 =	vld [tilespmem:$0x2448];
	v50 =	vmul.f32 v46, v38;
	v30 =	vadd.f32 v59, v30  }
0x10b: {  	v25 =	vadd.f32 v62, v25;
	v51 =	vld [tilespmem:$0x2C18];
	v27 =	vadd.f32 v37, v27;
	v62 =	vmul.f32 v45, v38  }
0x10c: {  	v26 =	vadd.f32 v52, v26;
	v52 =	vld [tilespmem:$0x3000];
	v24 =	vadd.f32 v50, v24;
	[tilespmem:$0x1FE10] =	vst v30;
	v30 =	vmul.f32 v58, v38  }
0x10d: {  	v61 =	vmul.f32 v53, v29;
	[tilespmem:$0x1FE00] =	vst v27;
	v27 =	vadd.f32 v62, v28;
	v28 =	vmul.f32 v57, v38  }
0x10e: {  	v49 =	vmul.f32 v54, v29;
	v54 =	vld [tilespmem:$0x37D0];
	[tilespmem:$0x1FE30] =	vst v24;
	v22 =	vadd.f32 v30, v22;
	v30 =	vmul.f32 v63, v38  }
0x10f: {  	v53 =	vld [tilespmem:$0x33E8];
	v31 =	vadd.f32 v61, v31;
	[tilespmem:$0x1FE20] =	vst v27;
	v21 =	vadd.f32 v28, v21;
	v28 =	vmul.f32 v60, v38  }
0x110: {  	v59 =	vmul.f32 v41, v29;
	v58 =	vld [tilespmem:$0x3FA0];
	v24 =	vmul.f32 v55, v29;
	[tilespmem:$0x1FE50] =	vst v22;
	v22 =	vadd.f32 v30, v23  }
0x111: {  	v57 =	vld [tilespmem:$0x3BB8];
	v23 =	vmul.f32 v52, v38;
	[tilespmem:$0x1FE40] =	vst v21;
	v25 =	vadd.f32 v28, v25;
	v28 =	vmul.f32 v51, v38  }
0x112: {  	v27 =	vmul.f32 v43, v29;
	v24 =	vadd.f32 v24, v35;
	v30 =	vld [tilespmem:$0x4388];
	v21 =	vmul.f32 v56, v29;
	[tilespmem:$0x1FE70] =	vst v22  }
0x113: {  	v22 =	vadd.f32 v23, v31;
	v23 =	vmul.f32 v54, v38;
	[tilespmem:$0x1FE60] =	vst v25;
	v25 =	vadd.f32 v28, v26;
	v28 =	vld [tilespmem:$0x4770]  }
0x114: {  	v36 =	vadd.f32 v49, v36;
	v29 =	vmul.f32 v42, v29;
	v26 =	vmul.f32 v53, v38  }
0x115: {  	v31 =	vadd.f32 v59, v32;
	[tilespmem:$0x1FE90] =	vst v22;
	v22 =	vadd.f32 v23, v24;
	v23 =	vmul.f32 v58, v38  }
0x116: {  	v21 =	vadd.f32 v21, v34;
	[tilespmem:$0x1FE80] =	vst v25;
	v25 =	vadd.f32 v26, v36;
	v26 =	vmul.f32 v57, v38  }
0x117: {  	v20 =	vadd.f32 v29, v20;
	v24 =	vmul.f32 v30, v38;
	[tilespmem:$0x1FEB0] =	vst v22;
	v22 =	vadd.f32 v23, v31  }
0x118: {  	v19 =	vadd.f32 v27, v19;
	[tilespmem:$0x1FEA0] =	vst v25;
	v21 =	vadd.f32 v26, v21;
	v23 =	vmul.f32 v28, v38  }
0x119: {  	v20 =	vadd.f32 v24, v20;
	[tilespmem:$0x1FED0] =	vst v22  }
0x11a: {  	[tilespmem:$0x1FEC0] =	vst v21;
	v19 =	vadd.f32 v23, v19  }
0x11b: {  	[tilespmem:$0x1FEE0] =	vst v20  }
0x11c: {  	[tilespmem:$0x1FEF0] =	vst v19  }
0x11d: {  	v19 =	vld.idx.msk [tilespmem:v2+s11+$0x0], $0xffff;
	_ =	sdelay $0x1  }
0x11e: {  	v20 =	vld.idx.msk [tilespmem:v4+s11+$0x0], $0xffff;
	_ =	sdelay $0x1  }
0x11f: {  	v21 =	vld.idx.msk [tilespmem:v5+s11+$0x0], $0xffff  }
0x120: {  	v19 =	vadd.f32 $0.0e+00, v19  }
0x121: {  	v22 =	vld.idx.msk [tilespmem:v6+s11+$0x0], $0xffff  }
0x122: {  	v19 =	vadd.f32 v20, v19  }
0x123: {  	v20 =	vld.idx.msk [tilespmem:v7+s11+$0x0], $0xffff  }
0x124: {  	v19 =	vadd.f32 v21, v19  }
0x125: {  	v21 =	vld.idx.msk [tilespmem:v8+s11+$0x0], $0xffff  }
0x126: {  	v19 =	vadd.f32 v22, v19  }
0x127: {  	v22 =	vld.idx.msk [tilespmem:v9+s11+$0x0], $0xffff  }
0x128: {  	v19 =	vadd.f32 v20, v19  }
0x129: {  	v20 =	vld.idx.msk [tilespmem:v10+s11+$0x0], $0xffff  }
0x12a: {  	v19 =	vadd.f32 v21, v19  }
0x12b: {  	v21 =	vld.idx.msk [tilespmem:v11+s11+$0x0], $0xffff  }
0x12c: {  	v19 =	vadd.f32 v22, v19  }
0x12d: {  	v22 =	vld.idx.msk [tilespmem:v12+s11+$0x0], $0xffff  }
0x12e: {  	v19 =	vadd.f32 v20, v19  }
0x12f: {  	v20 =	vld.idx.msk [tilespmem:v13+s11+$0x0], $0xffff  }
0x130: {  	v19 =	vadd.f32 v21, v19  }
0x131: {  	v21 =	vld.idx.msk [tilespmem:v14+s11+$0x0], $0xffff  }
0x132: {  	v19 =	vadd.f32 v22, v19  }
0x133: {  	v22 =	vld.idx.msk [tilespmem:v15+s11+$0x0], $0xffff  }
0x134: {  	v19 =	vadd.f32 v20, v19  }
0x135: {  	v20 =	vld.idx.msk [tilespmem:v16+s11+$0x0], $0xffff  }
0x136: {  	v19 =	vadd.f32 v21, v19  }
0x137: {  	v21 =	vld.idx.msk [tilespmem:v17+s11+$0x0], $0xffff  }
0x138: {  	v19 =	vadd.f32 v22, v19  }
0x139: {  	v22 =	vld.idx.msk [tilespmem:v18+s11+$0x0], $0xffff  }
0x13a: {  	v19 =	vadd.f32 v20, v19;
	_ =	sdelay $0x1  }
0x13b: {  	v19 =	vadd.f32 v21, v19;
	_ =	sdelay $0x1  }
0x13c: {  	s19 =	sshll.u32 s12, $0x7;
	v19 =	vadd.f32 v22, v19  }
0x13d: {  	s16 =	simm.s32 $0x0;
	s15 =	sand.u32 $0x80, s19  }
0x13e: {  	s16 =	sand.u32 $0x3F0, s16;
	[tilespmem:s15+$0x1FD00] =	vst v19  }
0x13f: {  	s18 =	simm.s32 $0x0;
	v19 =	vld [tilespmem:s16+$0x4780]  }
0x140: {  	v28 =	vld [tilespmem:s18+$0x100]  }
0x141: {  	v20 =	vld [tilespmem:s18+$0x8218]  }
0x142: {  	v21 =	vld [tilespmem:s18+$0x4B68]  }
0x143: {  	v22 =	vld [tilespmem:s18+$0x4F50]  }
0x144: {  	v23 =	vld [tilespmem:s18+$0x5338]  }
0x145: {  	v25 =	vld [tilespmem:s18+$0x5720]  }
0x146: {  	v27 =	vld [tilespmem:s18+$0x5B08]  }
0x147: {  	v29 =	vld [tilespmem:s18+$0x5EF0]  }
0x148: {  	v33 =	vimm.f32 $0.0e+00;
	v35 =	vimm.f32 $0.0e+00;
	v31 =	vld [tilespmem:s18+$0x62D8]  }
0x149: {  	v32 =	vimm.f32 $0.0e+00;
	v60 =	vld [tilespmem:s18+$0x66C0];
	v19 =	vmul.f32 v19, v28;
	v20 =	vmul.f32 v20, v28  }
0x14a: {  	v34 =	vimm.f32 $0.0e+00;
	v61 =	vld [tilespmem:s18+$0x6AA8];
	v21 =	vmul.f32 v21, v28;
	v22 =	vmul.f32 v22, v28  }
0x14b: {  	v62 =	vld [tilespmem:s18+$0x6E90];
	v24 =	vadd.f32 v19, v32;
	v19 =	vadd.f32 v20, v32;
	v20 =	vmul.f32 v23, v28  }
0x14c: {  	v36 =	vimm.f32 $0.0e+00;
	v63 =	vld [tilespmem:s18+$0x7278];
	v30 =	vadd.f32 v21, v32;
	v21 =	vmul.f32 v25, v28  }
0x14d: {  	v37 =	vld [tilespmem:s18+$0x7660];
	v26 =	vadd.f32 v22, v32;
	v25 =	vadd.f32 v20, v32;
	v20 =	vmul.f32 v27, v28  }
0x14e: {  	s17 =	simm.s32 $0x10;
	v38 =	vld [tilespmem:s18+$0x7A48];
	v23 =	vmul.f32 v29, v28;
	v29 =	vmul.f32 v60, v28;
	v21 =	vadd.f32 v21, v32  }
0x14f: {  	s19 =	sand.u32 $0x3F0, s17;
	v40 =	vld [tilespmem:s18+$0x7E30];
	v27 =	vmul.f32 v31, v28;
	v22 =	vadd.f32 v20, v32;
	v20 =	vmul.f32 v61, v28  }
0x150: {  	s16 =	simm.s32 $0x10;
	v39 =	vld [tilespmem:s19+$0x4780];
	v41 =	vmul.f32 v62, v28;
	v23 =	vadd.f32 v23, v32;
	v29 =	vadd.f32 v29, v32  }
0x151: {  	s18 =	simm.s32 $0x80;
	v42 =	vmul.f32 v63, v28;
	v31 =	vld [tilespmem:s16+$0x100];
	v27 =	vadd.f32 v27, v32;
	v20 =	vadd.f32 v20, v32  }
.LBB2_7:
0x152: {  	p0 =	sne.s32 s18, $0xF40;
	v43 =	vld [tilespmem:s16+$0x8218];
	v32 =	vadd.f32 v41, v32;
	v37 =	vmul.f32 v37, v28  }
0x153: {  	v41 =	vld [tilespmem:s16+$0x4B68];
	v36 =	vadd.f32 v42, v36;
	v38 =	vmul.f32 v38, v28  }
0x154: {  	v42 =	vld [tilespmem:s16+$0x4F50];
	v35 =	vadd.f32 v37, v35;
	v40 =	vmul.f32 v40, v28  }
0x155: {  	v37 =	vld [tilespmem:s16+$0x5338];
	v33 =	vadd.f32 v38, v33  }
0x156: {  	v38 =	vmul.f32 v39, v31;
	v39 =	vld [tilespmem:s16+$0x5720];
	v34 =	vadd.f32 v40, v34;
	v28 =	vmov v31  }
0x157: {  	v31 =	vld [tilespmem:s16+$0x5B08];
	v40 =	vmul.f32 v43, v28  }
0x158: {  	v24 =	vadd.f32 v38, v24;
	v38 =	vmul.f32 v41, v28;
	v41 =	vld [tilespmem:s16+$0x5EF0]  }
0x159: {  	v42 =	vmul.f32 v42, v28;
	v43 =	vld [tilespmem:s16+$0x62D8];
	v19 =	vadd.f32 v40, v19  }
0x15a: {  	v30 =	vadd.f32 v38, v30;
	v37 =	vmul.f32 v37, v28;
	v38 =	vld [tilespmem:s16+$0x66C0]  }
0x15b: {  	v26 =	vadd.f32 v42, v26;
	v39 =	vmul.f32 v39, v28;
	v40 =	vld [tilespmem:s16+$0x6AA8]  }
0x15c: {  	v25 =	vadd.f32 v37, v25;
	v31 =	vmul.f32 v31, v28;
	v42 =	vld [tilespmem:s16+$0x6E90]  }
0x15d: {  	v21 =	vadd.f32 v39, v21;
	v39 =	vmul.f32 v41, v28;
	v44 =	vld [tilespmem:s16+$0x7278]  }
.Ltmp2:
0x15e: {  	v22 =	vadd.f32 v31, v22;
	v31 =	vmul.f32 v43, v28;
	v37 =	vld [tilespmem:s16+$0x7660];
	(pc) =	sbr.rel @p0 .LBB2_7-.Ltmp2, $4  }
0x15f: {  	s17 =	sadd.s32 $0x10, s17;
	v23 =	vadd.f32 v39, v23;
	v41 =	vmul.f32 v38, v28;
	v38 =	vld [tilespmem:s16+$0x7A48]  }
0x160: {  	s19 =	sand.u32 $0x3F0, s17;
	v27 =	vadd.f32 v31, v27;
	v43 =	vmul.f32 v40, v28;
	v40 =	vld [tilespmem:s16+$0x7E30]  }
0x161: {  	s16 =	sshra.s32 s18, $0x2;
	v39 =	vld [tilespmem:s19+$0x4780];
	v29 =	vadd.f32 v41, v29;
	v41 =	vmul.f32 v42, v28  }
0x162: {  	s18 =	sadd.s32 $0x40, s18;
	v31 =	vld [tilespmem:s16+$0x100];
	v20 =	vadd.f32 v43, v20;
	v42 =	vmul.f32 v44, v28  }
0x163: {  	v43 =	vld [tilespmem:s16+$0x8218]  }
0x164: {  	v44 =	vld [tilespmem:s16+$0x4B68]  }
0x165: {  	v45 =	vld [tilespmem:s16+$0x4F50]  }
0x166: {  	v46 =	vld [tilespmem:s16+$0x5338]  }
0x167: {  	v47 =	vld [tilespmem:s16+$0x5720]  }
0x168: {  	v48 =	vld [tilespmem:s16+$0x5B08]  }
0x169: {  	v49 =	vld [tilespmem:s16+$0x5EF0]  }
0x16a: {  	v50 =	vld [tilespmem:s16+$0x62D8]  }
0x16b: {  	v51 =	vld [tilespmem:s16+$0x66C0]  }
0x16c: {  	v52 =	vld [tilespmem:s16+$0x6AA8]  }
0x16d: {  	v53 =	vld [tilespmem:s16+$0x6E90]  }
0x16e: {  	v54 =	vld [tilespmem:s16+$0x7278]  }
0x16f: {  	v55 =	vld [tilespmem:s16+$0x7660]  }
0x170: {  	v32 =	vadd.f32 v41, v32;
	v37 =	vmul.f32 v37, v28;
	v41 =	vld [tilespmem:s16+$0x7A48]  }
0x171: {  	v36 =	vadd.f32 v42, v36;
	v38 =	vmul.f32 v38, v28;
	v28 =	vmul.f32 v40, v28;
	v40 =	vld [tilespmem:$0x4D8]  }
0x172: {  	v57 =	vld [tilespmem:$0x4B58];
	v35 =	vadd.f32 v37, v35;
	v62 =	vmul.f32 v39, v31;
	v63 =	vmul.f32 v44, v31  }
0x173: {  	v33 =	vadd.f32 v38, v33;
	v39 =	vld [tilespmem:$0x4F40];
	v56 =	vmul.f32 v45, v31;
	v58 =	vmul.f32 v46, v31  }
0x174: {  	v28 =	vadd.f32 v28, v34;
	v59 =	vmul.f32 v47, v31;
	v60 =	vmul.f32 v48, v31;
	v45 =	vld [tilespmem:$0x5328]  }
0x175: {  	v61 =	vmul.f32 v49, v31;
	v46 =	vld [tilespmem:$0x5710];
	v49 =	vmul.f32 v53, v31;
	v24 =	vadd.f32 v62, v24  }
0x176: {  	v42 =	vld [tilespmem:s16+$0x7E30];
	v62 =	vmul.f32 v50, v31;
	v30 =	vadd.f32 v63, v30;
	v40 =	vmul.f32 v3, v40  }
0x177: {  	v26 =	vadd.f32 v56, v26;
	v25 =	vadd.f32 v58, v25;
	v63 =	vmul.f32 v51, v31;
	v56 =	vld [tilespmem:$0x5AF8]  }
0x178: {  	v21 =	vadd.f32 v59, v21;
	v22 =	vadd.f32 v60, v22;
	v58 =	vld [tilespmem:$0x5EE0];
	v57 =	vmul.f32 v40, v57  }
0x179: {  	v60 =	vld [tilespmem:$0x62C8];
	v27 =	vadd.f32 v62, v27;
	v29 =	vadd.f32 v63, v29;
	v59 =	vmul.f32 v39, v40  }
0x17a: {  	v63 =	vld [tilespmem:$0x66B0];
	v62 =	vmul.f32 v45, v40;
	v50 =	vmul.f32 v46, v40;
	v24 =	vadd.f32 v57, v24  }
0x17b: {  	v23 =	vadd.f32 v61, v23;
	v61 =	vmul.f32 v52, v31;
	v51 =	vld [tilespmem:$0x6A98];
	v30 =	vadd.f32 v59, v30  }
0x17c: {  	v52 =	vld [tilespmem:$0x6E80];
	v25 =	vadd.f32 v50, v25;
	[tilespmem:$0x1FE00] =	vst v24;
	v24 =	vadd.f32 v62, v26;
	v26 =	vmul.f32 v56, v40  }
0x17d: {  	v53 =	vld [tilespmem:$0x7268];
	v32 =	vadd.f32 v49, v32;
	v20 =	vadd.f32 v61, v20;
	[tilespmem:$0x1FE10] =	vst v30;
	v30 =	vmul.f32 v58, v40  }
0x17e: {  	v59 =	vmul.f32 v41, v31;
	v56 =	vld [tilespmem:$0x7650];
	[tilespmem:$0x1FE30] =	vst v25;
	v21 =	vadd.f32 v26, v21;
	v26 =	vmul.f32 v60, v40  }
0x17f: {  	v57 =	vld [tilespmem:$0x7A38];
	v25 =	vmul.f32 v54, v31;
	[tilespmem:$0x1FE20] =	vst v24;
	v22 =	vadd.f32 v30, v22;
	v30 =	vmul.f32 v63, v40  }
0x180: {  	v58 =	vld [tilespmem:$0x7E20];
	v24 =	vmul.f32 v43, v31;
	[tilespmem:$0x1FE40] =	vst v21;
	v23 =	vadd.f32 v26, v23;
	v26 =	vmul.f32 v51, v40  }
0x181: {  	v21 =	vmul.f32 v55, v31;
	[tilespmem:$0x1FE50] =	vst v22;
	v22 =	vadd.f32 v30, v27;
	v27 =	vmul.f32 v52, v40;
	v30 =	vld [tilespmem:$0x8208]  }
0x182: {  	v25 =	vadd.f32 v25, v36;
	[tilespmem:$0x1FE60] =	vst v23;
	v23 =	vadd.f32 v26, v29;
	v26 =	vmul.f32 v53, v40;
	v29 =	vld [tilespmem:$0x85F0]  }
0x183: {  	v21 =	vadd.f32 v21, v35;
	[tilespmem:$0x1FE70] =	vst v22;
	v20 =	vadd.f32 v27, v20;
	v22 =	vmul.f32 v56, v40  }
0x184: {  	v27 =	vmul.f32 v42, v31;
	[tilespmem:$0x1FE80] =	vst v23;
	v23 =	vadd.f32 v26, v32;
	v26 =	vmul.f32 v57, v40  }
0x185: {  	v31 =	vadd.f32 v59, v33;
	[tilespmem:$0x1FE90] =	vst v20;
	v20 =	vadd.f32 v22, v25;
	v22 =	vmul.f32 v58, v40  }
0x186: {  	v25 =	vadd.f32 v27, v28;
	[tilespmem:$0x1FEA0] =	vst v23;
	v21 =	vadd.f32 v26, v21;
	v23 =	vmul.f32 v30, v40  }
0x187: {  	v19 =	vadd.f32 v24, v19;
	[tilespmem:$0x1FEB0] =	vst v20;
	v20 =	vadd.f32 v22, v31;
	v22 =	vmul.f32 v29, v40  }
0x188: {  	[tilespmem:$0x1FEC0] =	vst v21;
	v21 =	vadd.f32 v23, v25  }
0x189: {  	[tilespmem:$0x1FED0] =	vst v20;
	v19 =	vadd.f32 v22, v19  }
0x18a: {  	[tilespmem:$0x1FEE0] =	vst v21  }
0x18b: {  	[tilespmem:$0x1FEF0] =	vst v19  }
0x18c: {  	v19 =	vld.idx.msk [tilespmem:v2+s11+$0x0], $0xffff;
	_ =	sdelay $0x1  }
0x18d: {  	v20 =	vld.idx.msk [tilespmem:v4+s11+$0x0], $0xffff;
	_ =	sdelay $0x1  }
0x18e: {  	v21 =	vld.idx.msk [tilespmem:v5+s11+$0x0], $0xffff  }
0x18f: {  	v19 =	vadd.f32 $0.0e+00, v19  }
0x190: {  	v22 =	vld.idx.msk [tilespmem:v6+s11+$0x0], $0xffff  }
0x191: {  	v19 =	vadd.f32 v20, v19  }
0x192: {  	v20 =	vld.idx.msk [tilespmem:v7+s11+$0x0], $0xffff  }
0x193: {  	v19 =	vadd.f32 v21, v19  }
0x194: {  	v21 =	vld.idx.msk [tilespmem:v8+s11+$0x0], $0xffff  }
0x195: {  	v19 =	vadd.f32 v22, v19  }
0x196: {  	v22 =	vld.idx.msk [tilespmem:v9+s11+$0x0], $0xffff  }
0x197: {  	v19 =	vadd.f32 v20, v19  }
0x198: {  	v20 =	vld.idx.msk [tilespmem:v10+s11+$0x0], $0xffff  }
0x199: {  	v19 =	vadd.f32 v21, v19  }
0x19a: {  	v21 =	vld.idx.msk [tilespmem:v11+s11+$0x0], $0xffff  }
0x19b: {  	v19 =	vadd.f32 v22, v19  }
0x19c: {  	v22 =	vld.idx.msk [tilespmem:v12+s11+$0x0], $0xffff  }
0x19d: {  	v19 =	vadd.f32 v20, v19  }
0x19e: {  	v20 =	vld.idx.msk [tilespmem:v13+s11+$0x0], $0xffff  }
0x19f: {  	v19 =	vadd.f32 v21, v19  }
0x1a0: {  	v21 =	vld.idx.msk [tilespmem:v14+s11+$0x0], $0xffff  }
0x1a1: {  	v19 =	vadd.f32 v22, v19  }
0x1a2: {  	v22 =	vld.idx.msk [tilespmem:v15+s11+$0x0], $0xffff  }
0x1a3: {  	v19 =	vadd.f32 v20, v19  }
0x1a4: {  	v20 =	vld.idx.msk [tilespmem:v16+s11+$0x0], $0xffff  }
0x1a5: {  	v19 =	vadd.f32 v21, v19  }
0x1a6: {  	v21 =	vld.idx.msk [tilespmem:v17+s11+$0x0], $0xffff  }
0x1a7: {  	v19 =	vadd.f32 v22, v19  }
0x1a8: {  	v22 =	vld.idx.msk [tilespmem:v18+s11+$0x0], $0xffff  }
0x1a9: {  	v19 =	vadd.f32 v20, v19;
	_ =	sdelay $0x1  }
0x1aa: {  	v19 =	vadd.f32 v21, v19;
	_ =	sdelay $0x1  }
0x1ab: {  	v19 =	vadd.f32 v22, v19  }
0x1ac: {  	s19 =	simm.s32 $0x0  }
0x1ad: {  	s16 =	sand.u32 $0x3F0, s19;
	[tilespmem:s15+$0x1FD10] =	vst v19  }
0x1ae: {  	s18 =	simm.s32 $0x0;
	v19 =	vld [tilespmem:s16+$0x8600]  }
0x1af: {  	v28 =	vld [tilespmem:s18+$0x100]  }
0x1b0: {  	v20 =	vld [tilespmem:s18+$0xC098]  }
0x1b1: {  	v21 =	vld [tilespmem:s18+$0x89E8]  }
0x1b2: {  	v22 =	vld [tilespmem:s18+$0x8DD0]  }
0x1b3: {  	v23 =	vld [tilespmem:s18+$0x91B8]  }
0x1b4: {  	v25 =	vld [tilespmem:s18+$0x95A0]  }
0x1b5: {  	v27 =	vld [tilespmem:s18+$0x9988]  }
0x1b6: {  	v29 =	vld [tilespmem:s18+$0x9D70]  }
0x1b7: {  	v34 =	vimm.f32 $0.0e+00;
	v36 =	vimm.f32 $0.0e+00;
	v31 =	vld [tilespmem:s18+$0xA158]  }
0x1b8: {  	v35 =	vimm.f32 $0.0e+00;
	v60 =	vld [tilespmem:s18+$0xA540];
	v19 =	vmul.f32 v19, v28;
	v20 =	vmul.f32 v20, v28  }
0x1b9: {  	v32 =	vimm.f32 $0.0e+00;
	v61 =	vld [tilespmem:s18+$0xA928];
	v21 =	vmul.f32 v21, v28;
	v22 =	vmul.f32 v22, v28  }
0x1ba: {  	v62 =	vld [tilespmem:s18+$0xAD10];
	v24 =	vadd.f32 v19, v32;
	v19 =	vadd.f32 v20, v32;
	v20 =	vmul.f32 v23, v28  }
0x1bb: {  	v33 =	vimm.f32 $0.0e+00;
	v63 =	vld [tilespmem:s18+$0xB0F8];
	v30 =	vadd.f32 v21, v32;
	v21 =	vmul.f32 v25, v28  }
0x1bc: {  	v37 =	vld [tilespmem:s18+$0xB4E0];
	v26 =	vadd.f32 v22, v32;
	v25 =	vadd.f32 v20, v32;
	v20 =	vmul.f32 v27, v28  }
0x1bd: {  	s17 =	simm.s32 $0x10;
	v38 =	vld [tilespmem:s18+$0xB8C8];
	v23 =	vmul.f32 v29, v28;
	v29 =	vmul.f32 v60, v28;
	v21 =	vadd.f32 v21, v32  }
0x1be: {  	s19 =	sand.u32 $0x3F0, s17;
	v40 =	vld [tilespmem:s18+$0xBCB0];
	v27 =	vmul.f32 v31, v28;
	v22 =	vadd.f32 v20, v32;
	v20 =	vmul.f32 v61, v28  }
0x1bf: {  	s16 =	simm.s32 $0x10;
	v39 =	vld [tilespmem:s19+$0x8600];
	v41 =	vmul.f32 v62, v28;
	v23 =	vadd.f32 v23, v32;
	v29 =	vadd.f32 v29, v32  }
0x1c0: {  	s18 =	simm.s32 $0x80;
	v42 =	vmul.f32 v63, v28;
	v31 =	vld [tilespmem:s16+$0x100];
	v27 =	vadd.f32 v27, v32;
	v20 =	vadd.f32 v20, v32  }
.LBB2_9:
0x1c1: {  	p0 =	sne.s32 s18, $0xF40;
	v43 =	vld [tilespmem:s16+$0xC098];
	v32 =	vadd.f32 v41, v32;
	v37 =	vmul.f32 v37, v28  }
0x1c2: {  	v41 =	vld [tilespmem:s16+$0x89E8];
	v36 =	vadd.f32 v42, v36;
	v38 =	vmul.f32 v38, v28  }
0x1c3: {  	v42 =	vld [tilespmem:s16+$0x8DD0];
	v35 =	vadd.f32 v37, v35;
	v40 =	vmul.f32 v40, v28  }
0x1c4: {  	v37 =	vld [tilespmem:s16+$0x91B8];
	v33 =	vadd.f32 v38, v33  }
0x1c5: {  	v38 =	vmul.f32 v39, v31;
	v39 =	vld [tilespmem:s16+$0x95A0];
	v34 =	vadd.f32 v40, v34;
	v28 =	vmov v31  }
0x1c6: {  	v31 =	vld [tilespmem:s16+$0x9988];
	v40 =	vmul.f32 v43, v28  }
0x1c7: {  	v24 =	vadd.f32 v38, v24;
	v38 =	vmul.f32 v41, v28;
	v41 =	vld [tilespmem:s16+$0x9D70]  }
0x1c8: {  	v42 =	vmul.f32 v42, v28;
	v43 =	vld [tilespmem:s16+$0xA158];
	v19 =	vadd.f32 v40, v19  }
0x1c9: {  	v30 =	vadd.f32 v38, v30;
	v37 =	vmul.f32 v37, v28;
	v38 =	vld [tilespmem:s16+$0xA540]  }
0x1ca: {  	v26 =	vadd.f32 v42, v26;
	v39 =	vmul.f32 v39, v28;
	v40 =	vld [tilespmem:s16+$0xA928]  }
0x1cb: {  	v25 =	vadd.f32 v37, v25;
	v31 =	vmul.f32 v31, v28;
	v42 =	vld [tilespmem:s16+$0xAD10]  }
0x1cc: {  	v21 =	vadd.f32 v39, v21;
	v39 =	vmul.f32 v41, v28;
	v44 =	vld [tilespmem:s16+$0xB0F8]  }
.Ltmp3:
0x1cd: {  	v22 =	vadd.f32 v31, v22;
	v31 =	vmul.f32 v43, v28;
	v37 =	vld [tilespmem:s16+$0xB4E0];
	(pc) =	sbr.rel @p0 .LBB2_9-.Ltmp3, $4  }
0x1ce: {  	s17 =	sadd.s32 $0x10, s17;
	v23 =	vadd.f32 v39, v23;
	v41 =	vmul.f32 v38, v28;
	v38 =	vld [tilespmem:s16+$0xB8C8]  }
0x1cf: {  	s19 =	sand.u32 $0x3F0, s17;
	v27 =	vadd.f32 v31, v27;
	v43 =	vmul.f32 v40, v28;
	v40 =	vld [tilespmem:s16+$0xBCB0]  }
0x1d0: {  	s16 =	sshra.s32 s18, $0x2;
	v39 =	vld [tilespmem:s19+$0x8600];
	v29 =	vadd.f32 v41, v29;
	v41 =	vmul.f32 v42, v28  }
0x1d1: {  	s18 =	sadd.s32 $0x40, s18;
	v31 =	vld [tilespmem:s16+$0x100];
	v20 =	vadd.f32 v43, v20;
	v42 =	vmul.f32 v44, v28  }
0x1d2: {  	v43 =	vld [tilespmem:s16+$0xC098]  }
0x1d3: {  	v44 =	vld [tilespmem:s16+$0x89E8]  }
0x1d4: {  	v45 =	vld [tilespmem:s16+$0x8DD0]  }
0x1d5: {  	v46 =	vld [tilespmem:s16+$0x91B8]  }
0x1d6: {  	v47 =	vld [tilespmem:s16+$0x95A0]  }
0x1d7: {  	v48 =	vld [tilespmem:s16+$0x9988]  }
0x1d8: {  	v49 =	vld [tilespmem:s16+$0x9D70]  }
0x1d9: {  	v50 =	vld [tilespmem:s16+$0xA158]  }
0x1da: {  	v51 =	vld [tilespmem:s16+$0xA540]  }
0x1db: {  	v52 =	vld [tilespmem:s16+$0xA928]  }
0x1dc: {  	v53 =	vld [tilespmem:s16+$0xAD10]  }
0x1dd: {  	v54 =	vld [tilespmem:s16+$0xB0F8]  }
0x1de: {  	v55 =	vld [tilespmem:s16+$0xB4E0]  }
0x1df: {  	v32 =	vadd.f32 v41, v32;
	v37 =	vmul.f32 v37, v28;
	v41 =	vld [tilespmem:s16+$0xB8C8]  }
0x1e0: {  	v36 =	vadd.f32 v42, v36;
	v38 =	vmul.f32 v38, v28;
	v28 =	vmul.f32 v40, v28;
	v40 =	vld [tilespmem:$0x4D8]  }
0x1e1: {  	v57 =	vld [tilespmem:$0x89D8];
	v35 =	vadd.f32 v37, v35;
	v62 =	vmul.f32 v39, v31;
	v63 =	vmul.f32 v44, v31  }
0x1e2: {  	v33 =	vadd.f32 v38, v33;
	v39 =	vld [tilespmem:$0x8DC0];
	v56 =	vmul.f32 v45, v31;
	v58 =	vmul.f32 v46, v31  }
0x1e3: {  	v28 =	vadd.f32 v28, v34;
	v59 =	vmul.f32 v47, v31;
	v60 =	vmul.f32 v48, v31;
	v45 =	vld [tilespmem:$0x91A8]  }
0x1e4: {  	v61 =	vmul.f32 v49, v31;
	v46 =	vld [tilespmem:$0x9590];
	v49 =	vmul.f32 v53, v31;
	v24 =	vadd.f32 v62, v24  }
0x1e5: {  	v42 =	vld [tilespmem:s16+$0xBCB0];
	v62 =	vmul.f32 v50, v31;
	v30 =	vadd.f32 v63, v30;
	v40 =	vmul.f32 v3, v40  }
0x1e6: {  	v26 =	vadd.f32 v56, v26;
	v25 =	vadd.f32 v58, v25;
	v63 =	vmul.f32 v51, v31;
	v56 =	vld [tilespmem:$0x9978]  }
0x1e7: {  	v21 =	vadd.f32 v59, v21;
	v22 =	vadd.f32 v60, v22;
	v58 =	vld [tilespmem:$0x9D60];
	v57 =	vmul.f32 v40, v57  }
0x1e8: {  	v60 =	vld [tilespmem:$0xA148];
	v27 =	vadd.f32 v62, v27;
	v29 =	vadd.f32 v63, v29;
	v59 =	vmul.f32 v39, v40  }
0x1e9: {  	v63 =	vld [tilespmem:$0xA530];
	v62 =	vmul.f32 v45, v40;
	v50 =	vmul.f32 v46, v40;
	v24 =	vadd.f32 v57, v24  }
0x1ea: {  	v23 =	vadd.f32 v61, v23;
	v61 =	vmul.f32 v52, v31;
	v51 =	vld [tilespmem:$0xA918];
	v30 =	vadd.f32 v59, v30  }
0x1eb: {  	v52 =	vld [tilespmem:$0xAD00];
	v25 =	vadd.f32 v50, v25;
	[tilespmem:$0x1FE00] =	vst v24;
	v24 =	vadd.f32 v62, v26;
	v26 =	vmul.f32 v56, v40  }
0x1ec: {  	v53 =	vld [tilespmem:$0xB0E8];
	v32 =	vadd.f32 v49, v32;
	v20 =	vadd.f32 v61, v20;
	[tilespmem:$0x1FE10] =	vst v30;
	v30 =	vmul.f32 v58, v40  }
0x1ed: {  	v59 =	vmul.f32 v41, v31;
	v56 =	vld [tilespmem:$0xB4D0];
	[tilespmem:$0x1FE30] =	vst v25;
	v21 =	vadd.f32 v26, v21;
	v26 =	vmul.f32 v60, v40  }
0x1ee: {  	v57 =	vld [tilespmem:$0xB8B8];
	v25 =	vmul.f32 v54, v31;
	[tilespmem:$0x1FE20] =	vst v24;
	v22 =	vadd.f32 v30, v22;
	v30 =	vmul.f32 v63, v40  }
0x1ef: {  	v58 =	vld [tilespmem:$0xBCA0];
	v24 =	vmul.f32 v43, v31;
	[tilespmem:$0x1FE40] =	vst v21;
	v23 =	vadd.f32 v26, v23;
	v26 =	vmul.f32 v51, v40  }
0x1f0: {  	v21 =	vmul.f32 v55, v31;
	[tilespmem:$0x1FE50] =	vst v22;
	v22 =	vadd.f32 v30, v27;
	v27 =	vmul.f32 v52, v40;
	v30 =	vld [tilespmem:$0xC088]  }
0x1f1: {  	v25 =	vadd.f32 v25, v36;
	[tilespmem:$0x1FE60] =	vst v23;
	v23 =	vadd.f32 v26, v29;
	v26 =	vmul.f32 v53, v40;
	v29 =	vld [tilespmem:$0xC470]  }
0x1f2: {  	v21 =	vadd.f32 v21, v35;
	[tilespmem:$0x1FE70] =	vst v22;
	v20 =	vadd.f32 v27, v20;
	v22 =	vmul.f32 v56, v40  }
0x1f3: {  	v27 =	vmul.f32 v42, v31;
	[tilespmem:$0x1FE80] =	vst v23;
	v23 =	vadd.f32 v26, v32;
	v26 =	vmul.f32 v57, v40  }
0x1f4: {  	v31 =	vadd.f32 v59, v33;
	[tilespmem:$0x1FE90] =	vst v20;
	v20 =	vadd.f32 v22, v25;
	v22 =	vmul.f32 v58, v40  }
0x1f5: {  	v25 =	vadd.f32 v27, v28;
	[tilespmem:$0x1FEA0] =	vst v23;
	v21 =	vadd.f32 v26, v21;
	v23 =	vmul.f32 v30, v40  }
0x1f6: {  	v19 =	vadd.f32 v24, v19;
	[tilespmem:$0x1FEB0] =	vst v20;
	v20 =	vadd.f32 v22, v31;
	v22 =	vmul.f32 v29, v40  }
0x1f7: {  	[tilespmem:$0x1FEC0] =	vst v21;
	v21 =	vadd.f32 v23, v25  }
0x1f8: {  	[tilespmem:$0x1FED0] =	vst v20;
	v19 =	vadd.f32 v22, v19  }
0x1f9: {  	[tilespmem:$0x1FEE0] =	vst v21  }
0x1fa: {  	[tilespmem:$0x1FEF0] =	vst v19  }
0x1fb: {  	v19 =	vld.idx.msk [tilespmem:v2+s11+$0x0], $0xffff;
	_ =	sdelay $0x1  }
0x1fc: {  	v20 =	vld.idx.msk [tilespmem:v4+s11+$0x0], $0xffff;
	_ =	sdelay $0x1  }
0x1fd: {  	v21 =	vld.idx.msk [tilespmem:v5+s11+$0x0], $0xffff  }
0x1fe: {  	v19 =	vadd.f32 $0.0e+00, v19  }
0x1ff: {  	v22 =	vld.idx.msk [tilespmem:v6+s11+$0x0], $0xffff  }
0x200: {  	v19 =	vadd.f32 v20, v19  }
0x201: {  	v20 =	vld.idx.msk [tilespmem:v7+s11+$0x0], $0xffff  }
0x202: {  	v19 =	vadd.f32 v21, v19  }
0x203: {  	v21 =	vld.idx.msk [tilespmem:v8+s11+$0x0], $0xffff  }
0x204: {  	v19 =	vadd.f32 v22, v19  }
0x205: {  	v22 =	vld.idx.msk [tilespmem:v9+s11+$0x0], $0xffff  }
0x206: {  	v19 =	vadd.f32 v20, v19  }
0x207: {  	v20 =	vld.idx.msk [tilespmem:v10+s11+$0x0], $0xffff  }
0x208: {  	v19 =	vadd.f32 v21, v19  }
0x209: {  	v21 =	vld.idx.msk [tilespmem:v11+s11+$0x0], $0xffff  }
0x20a: {  	v19 =	vadd.f32 v22, v19  }
0x20b: {  	v22 =	vld.idx.msk [tilespmem:v12+s11+$0x0], $0xffff  }
0x20c: {  	v19 =	vadd.f32 v20, v19  }
0x20d: {  	v20 =	vld.idx.msk [tilespmem:v13+s11+$0x0], $0xffff  }
0x20e: {  	v19 =	vadd.f32 v21, v19  }
0x20f: {  	v21 =	vld.idx.msk [tilespmem:v14+s11+$0x0], $0xffff  }
0x210: {  	v19 =	vadd.f32 v22, v19  }
0x211: {  	v22 =	vld.idx.msk [tilespmem:v15+s11+$0x0], $0xffff  }
0x212: {  	v19 =	vadd.f32 v20, v19  }
0x213: {  	v20 =	vld.idx.msk [tilespmem:v16+s11+$0x0], $0xffff  }
0x214: {  	v19 =	vadd.f32 v21, v19  }
0x215: {  	v21 =	vld.idx.msk [tilespmem:v17+s11+$0x0], $0xffff  }
0x216: {  	v19 =	vadd.f32 v22, v19  }
0x217: {  	v22 =	vld.idx.msk [tilespmem:v18+s11+$0x0], $0xffff  }
0x218: {  	v19 =	vadd.f32 v20, v19;
	_ =	sdelay $0x1  }
0x219: {  	v19 =	vadd.f32 v21, v19;
	_ =	sdelay $0x1  }
0x21a: {  	v19 =	vadd.f32 v22, v19  }
0x21b: {  	s19 =	simm.s32 $0x0  }
0x21c: {  	s16 =	sand.u32 $0x3F0, s19;
	[tilespmem:s15+$0x1FD20] =	vst v19  }
0x21d: {  	s18 =	simm.s32 $0x0;
	v19 =	vld [tilespmem:s16+$0xC480]  }
0x21e: {  	v28 =	vld [tilespmem:s18+$0x100]  }
0x21f: {  	v20 =	vld [tilespmem:s18+$0xFF18]  }
0x220: {  	v21 =	vld [tilespmem:s18+$0xC868]  }
0x221: {  	v22 =	vld [tilespmem:s18+$0xCC50]  }
0x222: {  	v23 =	vld [tilespmem:s18+$0xD038]  }
0x223: {  	v25 =	vld [tilespmem:s18+$0xD420]  }
0x224: {  	v27 =	vld [tilespmem:s18+$0xD808]  }
0x225: {  	v29 =	vld [tilespmem:s18+$0xDBF0]  }
0x226: {  	v34 =	vimm.f32 $0.0e+00;
	v36 =	vimm.f32 $0.0e+00;
	v31 =	vld [tilespmem:s18+$0xDFD8]  }
0x227: {  	v35 =	vimm.f32 $0.0e+00;
	v60 =	vld [tilespmem:s18+$0xE3C0];
	v19 =	vmul.f32 v19, v28;
	v20 =	vmul.f32 v20, v28  }
0x228: {  	v32 =	vimm.f32 $0.0e+00;
	v61 =	vld [tilespmem:s18+$0xE7A8];
	v21 =	vmul.f32 v21, v28;
	v22 =	vmul.f32 v22, v28  }
0x229: {  	v62 =	vld [tilespmem:s18+$0xEB90];
	v24 =	vadd.f32 v19, v32;
	v19 =	vadd.f32 v20, v32;
	v20 =	vmul.f32 v23, v28  }
0x22a: {  	v33 =	vimm.f32 $0.0e+00;
	v63 =	vld [tilespmem:s18+$0xEF78];
	v30 =	vadd.f32 v21, v32;
	v21 =	vmul.f32 v25, v28  }
0x22b: {  	v37 =	vld [tilespmem:s18+$0xF360];
	v26 =	vadd.f32 v22, v32;
	v25 =	vadd.f32 v20, v32;
	v20 =	vmul.f32 v27, v28  }
0x22c: {  	s17 =	simm.s32 $0x10;
	v38 =	vld [tilespmem:s18+$0xF748];
	v23 =	vmul.f32 v29, v28;
	v29 =	vmul.f32 v60, v28;
	v21 =	vadd.f32 v21, v32  }
0x22d: {  	s19 =	sand.u32 $0x3F0, s17;
	v40 =	vld [tilespmem:s18+$0xFB30];
	v27 =	vmul.f32 v31, v28;
	v22 =	vadd.f32 v20, v32;
	v20 =	vmul.f32 v61, v28  }
0x22e: {  	s16 =	simm.s32 $0x10;
	v39 =	vld [tilespmem:s19+$0xC480];
	v41 =	vmul.f32 v62, v28;
	v23 =	vadd.f32 v23, v32;
	v29 =	vadd.f32 v29, v32  }
0x22f: {  	s18 =	simm.s32 $0x80;
	v42 =	vmul.f32 v63, v28;
	v31 =	vld [tilespmem:s16+$0x100];
	v27 =	vadd.f32 v27, v32;
	v20 =	vadd.f32 v20, v32  }
.LBB2_11:
0x230: {  	p0 =	sne.s32 s18, $0xF40;
	v43 =	vld [tilespmem:s16+$0xFF18];
	v32 =	vadd.f32 v41, v32;
	v37 =	vmul.f32 v37, v28  }
0x231: {  	v41 =	vld [tilespmem:s16+$0xC868];
	v36 =	vadd.f32 v42, v36;
	v38 =	vmul.f32 v38, v28  }
0x232: {  	v42 =	vld [tilespmem:s16+$0xCC50];
	v35 =	vadd.f32 v37, v35;
	v40 =	vmul.f32 v40, v28  }
0x233: {  	v37 =	vld [tilespmem:s16+$0xD038];
	v33 =	vadd.f32 v38, v33  }
0x234: {  	v38 =	vmul.f32 v39, v31;
	v39 =	vld [tilespmem:s16+$0xD420];
	v34 =	vadd.f32 v40, v34;
	v28 =	vmov v31  }
0x235: {  	v31 =	vld [tilespmem:s16+$0xD808];
	v40 =	vmul.f32 v43, v28  }
0x236: {  	v24 =	vadd.f32 v38, v24;
	v38 =	vmul.f32 v41, v28;
	v41 =	vld [tilespmem:s16+$0xDBF0]  }
0x237: {  	v42 =	vmul.f32 v42, v28;
	v43 =	vld [tilespmem:s16+$0xDFD8];
	v19 =	vadd.f32 v40, v19  }
0x238: {  	v30 =	vadd.f32 v38, v30;
	v37 =	vmul.f32 v37, v28;
	v38 =	vld [tilespmem:s16+$0xE3C0]  }
0x239: {  	v26 =	vadd.f32 v42, v26;
	v39 =	vmul.f32 v39, v28;
	v40 =	vld [tilespmem:s16+$0xE7A8]  }
0x23a: {  	v25 =	vadd.f32 v37, v25;
	v31 =	vmul.f32 v31, v28;
	v42 =	vld [tilespmem:s16+$0xEB90]  }
0x23b: {  	v21 =	vadd.f32 v39, v21;
	v39 =	vmul.f32 v41, v28;
	v44 =	vld [tilespmem:s16+$0xEF78]  }
.Ltmp4:
0x23c: {  	v22 =	vadd.f32 v31, v22;
	v31 =	vmul.f32 v43, v28;
	v37 =	vld [tilespmem:s16+$0xF360];
	(pc) =	sbr.rel @p0 .LBB2_11-.Ltmp4, $4  }
0x23d: {  	s17 =	sadd.s32 $0x10, s17;
	v23 =	vadd.f32 v39, v23;
	v41 =	vmul.f32 v38, v28;
	v38 =	vld [tilespmem:s16+$0xF748]  }
0x23e: {  	s19 =	sand.u32 $0x3F0, s17;
	v27 =	vadd.f32 v31, v27;
	v43 =	vmul.f32 v40, v28;
	v40 =	vld [tilespmem:s16+$0xFB30]  }
0x23f: {  	s16 =	sshra.s32 s18, $0x2;
	v39 =	vld [tilespmem:s19+$0xC480];
	v29 =	vadd.f32 v41, v29;
	v41 =	vmul.f32 v42, v28  }
0x240: {  	s18 =	sadd.s32 $0x40, s18;
	v31 =	vld [tilespmem:s16+$0x100];
	v20 =	vadd.f32 v43, v20;
	v42 =	vmul.f32 v44, v28  }
0x241: {  	v43 =	vld [tilespmem:s16+$0xFF18]  }
0x242: {  	v44 =	vld [tilespmem:s16+$0xC868]  }
0x243: {  	v45 =	vld [tilespmem:s16+$0xCC50]  }
0x244: {  	v46 =	vld [tilespmem:s16+$0xD038]  }
0x245: {  	v47 =	vld [tilespmem:s16+$0xD420]  }
0x246: {  	v48 =	vld [tilespmem:s16+$0xD808]  }
0x247: {  	v49 =	vld [tilespmem:s16+$0xDBF0]  }
0x248: {  	v50 =	vld [tilespmem:s16+$0xDFD8]  }
0x249: {  	v51 =	vld [tilespmem:s16+$0xE3C0]  }
0x24a: {  	v52 =	vld [tilespmem:s16+$0xE7A8]  }
0x24b: {  	v53 =	vld [tilespmem:s16+$0xEB90]  }
0x24c: {  	v54 =	vld [tilespmem:s16+$0xEF78]  }
0x24d: {  	v55 =	vld [tilespmem:s16+$0xF360]  }
0x24e: {  	v37 =	vmul.f32 v37, v28;
	v36 =	vadd.f32 v42, v36;
	v42 =	vld [tilespmem:s16+$0xFB30]  }
0x24f: {  	v32 =	vadd.f32 v41, v32;
	v38 =	vmul.f32 v38, v28;
	v59 =	vmul.f32 v40, v28;
	v40 =	vld [tilespmem:$0x4D8]  }
0x250: {  	v41 =	vld [tilespmem:s16+$0xF748];
	v35 =	vadd.f32 v37, v35;
	v60 =	vmul.f32 v39, v31;
	v61 =	vmul.f32 v44, v31  }
0x251: {  	v33 =	vadd.f32 v38, v33;
	v38 =	vld [tilespmem:$0xC858];
	v62 =	vmul.f32 v45, v31;
	v63 =	vmul.f32 v46, v31  }
0x252: {  	v56 =	vld [tilespmem:$0xCC40];
	v28 =	vadd.f32 v59, v34;
	v57 =	vmul.f32 v47, v31;
	v58 =	vmul.f32 v48, v31  }
0x253: {  	v59 =	vld [tilespmem:$0xD028];
	v24 =	vadd.f32 v60, v24;
	v60 =	vmul.f32 v49, v31;
	v46 =	vmul.f32 v42, v31  }
0x254: {  	v48 =	vld [tilespmem:$0xD7F8];
	v30 =	vadd.f32 v61, v30;
	v26 =	vadd.f32 v62, v26;
	v40 =	vmul.f32 v3, v40  }
0x255: {  	v25 =	vadd.f32 v63, v25;
	v61 =	vld [tilespmem:$0xD410];
	v21 =	vadd.f32 v57, v21;
	v62 =	vmul.f32 v50, v31  }
0x256: {  	v63 =	vmul.f32 v51, v31;
	v22 =	vadd.f32 v58, v22;
	v50 =	vld [tilespmem:$0xDBE0];
	v49 =	vmul.f32 v40, v38  }
0x257: {  	v57 =	vmul.f32 v52, v31;
	v23 =	vadd.f32 v60, v23;
	v51 =	vmul.f32 v56, v40;
	v56 =	vld [tilespmem:$0xDFC8]  }
0x258: {  	v60 =	vmul.f32 v53, v31;
	v58 =	vmul.f32 v59, v40;
	v59 =	vld [tilespmem:$0xE3B0];
	v24 =	vadd.f32 v49, v24  }
0x259: {  	v27 =	vadd.f32 v62, v27;
	v62 =	vld [tilespmem:$0xE798];
	v44 =	vmul.f32 v48, v40;
	v30 =	vadd.f32 v51, v30  }
0x25a: {  	v29 =	vadd.f32 v63, v29;
	v48 =	vld [tilespmem:$0xEB80];
	v63 =	vadd.f32 v58, v26;
	v61 =	vmul.f32 v61, v40;
	[tilespmem:$0x1FE00] =	vst v24  }
0x25b: {  	v53 =	vmul.f32 v54, v31;
	v49 =	vmul.f32 v50, v40;
	v50 =	vld [tilespmem:$0xEF68];
	v21 =	vadd.f32 v44, v21;
	[tilespmem:$0x1FE10] =	vst v30  }
0x25c: {  	v52 =	vld [tilespmem:$0xF350];
	v20 =	vadd.f32 v57, v20;
	[tilespmem:$0x1FE20] =	vst v63;
	v25 =	vadd.f32 v61, v25;
	v51 =	vmul.f32 v56, v40  }
0x25d: {  	v57 =	vmul.f32 v55, v31;
	v44 =	vld [tilespmem:$0x102F0];
	v22 =	vadd.f32 v49, v22;
	v54 =	vmul.f32 v59, v40;
	[tilespmem:$0x1FE40] =	vst v21  }
0x25e: {  	v32 =	vadd.f32 v60, v32;
	v56 =	vld [tilespmem:$0xF738];
	v58 =	vmul.f32 v62, v40;
	[tilespmem:$0x1FE30] =	vst v25;
	v23 =	vadd.f32 v51, v23  }
0x25f: {  	v24 =	vmul.f32 v43, v31;
	v59 =	vld [tilespmem:$0xFB20];
	v61 =	vmul.f32 v48, v40;
	[tilespmem:$0x1FE50] =	vst v22;
	v60 =	vadd.f32 v54, v27  }
0x260: {  	v63 =	vmul.f32 v41, v31;
	v62 =	vld [tilespmem:$0xFF08];
	v37 =	vadd.f32 v58, v29;
	v41 =	vmul.f32 v50, v40;
	[tilespmem:$0x1FE60] =	vst v23  }
0x261: {  	v45 =	vmul.f32 v52, v40;
	v25 =	vadd.f32 v53, v36;
	v20 =	vadd.f32 v61, v20;
	[tilespmem:$0x1FE70] =	vst v60  }
0x262: {  	v19 =	vadd.f32 v24, v19;
	v53 =	vmul.f32 v44, v40;
	[tilespmem:$0x1FE80] =	vst v37;
	v47 =	vadd.f32 v41, v32  }
0x263: {  	v21 =	vadd.f32 v57, v35;
	v48 =	vmul.f32 v56, v40;
	[tilespmem:$0x1FE90] =	vst v20;
	v20 =	vadd.f32 v45, v25  }
0x264: {  	v49 =	vadd.f32 v63, v33;
	v50 =	vmul.f32 v59, v40;
	v19 =	vadd.f32 v53, v19;
	[tilespmem:$0x1FEA0] =	vst v47  }
0x265: {  	v51 =	vadd.f32 v46, v28;
	v52 =	vmul.f32 v62, v40;
	v21 =	vadd.f32 v48, v21;
	[tilespmem:$0x1FEB0] =	vst v20  }
0x266: {  	v20 =	vadd.f32 v50, v49;
	[tilespmem:$0x1FEF0] =	vst v19  }
0x267: {  	v54 =	vadd.f32 v52, v51;
	[tilespmem:$0x1FEC0] =	vst v21  }
0x268: {  	[tilespmem:$0x1FED0] =	vst v20  }
0x269: {  	[tilespmem:$0x1FEE0] =	vst v54  }
0x26a: {  	v19 =	vld.idx.msk [tilespmem:v2+s11+$0x0], $0xffff;
	_ =	sdelay $0x1  }
0x26b: {  	v20 =	vld.idx.msk [tilespmem:v4+s11+$0x0], $0xffff;
	_ =	sdelay $0x1  }
0x26c: {  	v21 =	vld.idx.msk [tilespmem:v5+s11+$0x0], $0xffff  }
0x26d: {  	v19 =	vadd.f32 $0.0e+00, v19  }
0x26e: {  	v55 =	vld.idx.msk [tilespmem:v6+s11+$0x0], $0xffff  }
0x26f: {  	v19 =	vadd.f32 v20, v19  }
0x270: {  	v20 =	vld.idx.msk [tilespmem:v7+s11+$0x0], $0xffff  }
0x271: {  	v19 =	vadd.f32 v21, v19  }
0x272: {  	v56 =	vld.idx.msk [tilespmem:v8+s11+$0x0], $0xffff  }
0x273: {  	v19 =	vadd.f32 v55, v19  }
0x274: {  	v57 =	vld.idx.msk [tilespmem:v9+s11+$0x0], $0xffff  }
0x275: {  	v19 =	vadd.f32 v20, v19  }
0x276: {  	v20 =	vld.idx.msk [tilespmem:v10+s11+$0x0], $0xffff  }
0x277: {  	v19 =	vadd.f32 v56, v19  }
0x278: {  	v58 =	vld.idx.msk [tilespmem:v11+s11+$0x0], $0xffff  }
0x279: {  	v19 =	vadd.f32 v57, v19  }
0x27a: {  	v59 =	vld.idx.msk [tilespmem:v12+s11+$0x0], $0xffff  }
0x27b: {  	v19 =	vadd.f32 v20, v19  }
0x27c: {  	v20 =	vld.idx.msk [tilespmem:v13+s11+$0x0], $0xffff  }
0x27d: {  	v19 =	vadd.f32 v58, v19  }
0x27e: {  	v60 =	vld.idx.msk [tilespmem:v14+s11+$0x0], $0xffff  }
0x27f: {  	v19 =	vadd.f32 v59, v19  }
0x280: {  	v61 =	vld.idx.msk [tilespmem:v15+s11+$0x0], $0xffff  }
0x281: {  	v19 =	vadd.f32 v20, v19  }
0x282: {  	v20 =	vld.idx.msk [tilespmem:v16+s11+$0x0], $0xffff  }
0x283: {  	v19 =	vadd.f32 v60, v19  }
0x284: {  	v62 =	vld.idx.msk [tilespmem:v17+s11+$0x0], $0xffff  }
0x285: {  	v19 =	vadd.f32 v61, v19  }
0x286: {  	v63 =	vld.idx.msk [tilespmem:v18+s11+$0x0], $0xffff  }
0x287: {  	v19 =	vadd.f32 v20, v19  }
0x288: {  	p0 =	seq.s32 s12, $0xF  }
.Ltmp5:
0x289: {  	v19 =	vadd.f32 v62, v19;
	(pc) =	sbr.rel @p0 .LBB2_14-.Ltmp5, $3  }
0x28a: {  	_ = 	snop  }
0x28b: {  	v19 =	vadd.f32 v63, v19;
	_ =	sdelay $0x1  }
0x28c: {  	[tilespmem:s15+$0x1FD30] =	vst v19  }
0x28d: {  	s15 =	rddreg [dreg:$0x15]  }
0x28e: {  	s14 =	sadd.s32 s14, s15  }
0x28f: {  	v19 =	vmov s14  }
0x290: {  	v19 =	vand.u32 $0xFFFFFFFE, v19  }
0x291: {  	v19 =	vbroadcast v19, $0x0;
	_ =	sdelay $0x5  }
0x292: {  	v19 =	vld.idx.msk [tilespmem:v19+s2+$0x0], $0xffff;
	_ =	sdelay $0x4  }
0x293: {  	[tilespmem:$0x80] =	vst v19  }
0x294: {  	v19 =	vld.msk [tilespmem:$0x80], $0x1;
	_ =	sdelay $0x4  }
0x295: {  	v20 =	vshrl.u32 v19, $0x3  }
0x296: {  	v20 =	vmul.u32 $0xFA0, v20  }
0x297: {  	v19 =	vand.u32 $0x7, v19  }
0x298: {  	v19 =	vor.u32 v19, v20  }
0x299: {  	v19 =	vperm.xlane v19, v0;
	_ =	sdelay $0x1  }
0x29a: {  	v19 =	vadd.s32 v1, v19;
	_ =	sdelay $0x3  }
0x29b: {  	s16 =	rddreg [dreg:$0x2];
	s17 =	simm.s32 $0x900  }
0x29c: {  	[tilespmem:s17], [sflag:$0x1] =	stream.indirect_vreg.gather [hbm4b:s16+s2], $0x80, v19, vm0, $0xb8;
	[tilespmem:$0x1FF00] =	vst v63  }
0x29d: {  	s18 =	rddreg [dreg:$0x8];
	s19 =	simm.s32 $0x1100  }
0x29e: {  	[tilespmem:s19], [sflag:$0x1] =	stream.indirect_vreg.gather [hbm4b:s18+s2], $0x80, v19, vm0, $0xb8;
	[tilespmem:$0x1FF00] =	vst v63  }
0x29f: {  	s16 =	rddreg [dreg:$0x9];
	s17 =	simm.s32 $0x1900  }
0x2a0: {  	[tilespmem:s17], [sflag:$0x1] =	stream.indirect_vreg.gather [hbm4b:s16+s2], $0x80, v19, vm0, $0xb8;
	[tilespmem:$0x1FF00] =	vst v63  }
0x2a1: {  	s18 =	rddreg [dreg:$0xa];
	s19 =	simm.s32 $0x2100  }
0x2a2: {  	[tilespmem:s19], [sflag:$0x1] =	stream.indirect_vreg.gather [hbm4b:s18+s2], $0x80, v19, vm0, $0xb8;
	[tilespmem:$0x1FF00] =	vst v63  }
0x2a3: {  	s16 =	rddreg [dreg:$0xb];
	s17 =	simm.s32 $0x2900  }
0x2a4: {  	[tilespmem:s17], [sflag:$0x1] =	stream.indirect_vreg.gather [hbm4b:s16+s2], $0x80, v19, vm0, $0xb8;
	[tilespmem:$0x1FF00] =	vst v63  }
0x2a5: {  	s18 =	rddreg [dreg:$0xc];
	s19 =	simm.s32 $0x3100  }
0x2a6: {  	[tilespmem:s19], [sflag:$0x1] =	stream.indirect_vreg.gather [hbm4b:s18+s2], $0x80, v19, vm0, $0xb8;
	[tilespmem:$0x1FF00] =	vst v63  }
0x2a7: {  	s16 =	rddreg [dreg:$0xd];
	s17 =	simm.s32 $0x3900  }
0x2a8: {  	[tilespmem:s17], [sflag:$0x1] =	stream.indirect_vreg.gather [hbm4b:s16+s2], $0x80, v19, vm0, $0xb8;
	[tilespmem:$0x1FF00] =	vst v63  }
0x2a9: {  	s18 =	rddreg [dreg:$0xe];
	s19 =	simm.s32 $0x4100  }
0x2aa: {  	[tilespmem:s19], [sflag:$0x1] =	stream.indirect_vreg.gather [hbm4b:s18+s2], $0x80, v19, vm0, $0xb8;
	[tilespmem:$0x1FF00] =	vst v63  }
0x2ab: {  	s16 =	rddreg [dreg:$0xf];
	s17 =	simm.s32 $0x4900  }
0x2ac: {  	[tilespmem:s17], [sflag:$0x1] =	stream.indirect_vreg.gather [hbm4b:s16+s2], $0x80, v19, vm0, $0xb8;
	[tilespmem:$0x1FF00] =	vst v63  }
0x2ad: {  	s18 =	rddreg [dreg:$0x10];
	s19 =	simm.s32 $0x5100  }
0x2ae: {  	[tilespmem:s19], [sflag:$0x1] =	stream.indirect_vreg.gather [hbm4b:s18+s2], $0x80, v19, vm0, $0xb8;
	[tilespmem:$0x1FF00] =	vst v63  }
0x2af: {  	s16 =	rddreg [dreg:$0x11];
	s17 =	simm.s32 $0x5900  }
0x2b0: {  	[tilespmem:s17], [sflag:$0x1] =	stream.indirect_vreg.gather [hbm4b:s16+s2], $0x80, v19, vm0, $0xb8;
	[tilespmem:$0x1FF00] =	vst v63  }
0x2b1: {  	s18 =	rddreg [dreg:$0x12];
	s19 =	simm.s32 $0x6100  }
0x2b2: {  	[tilespmem:s19], [sflag:$0x1] =	stream.indirect_vreg.gather [hbm4b:s18+s2], $0x80, v19, vm0, $0xb8;
	[tilespmem:$0x1FF00] =	vst v63  }
0x2b3: {  	s15 =	simm.s32 $0x6900  }
0x2b4: {  	[tilespmem:s15], [sflag:$0x1] =	stream.indirect_vreg.gather [hbm4b:s20+s2], $0x80, v19, vm0, $0xb8;
	[tilespmem:$0x1FF00] =	vst v63  }
0x2b5: {  	s16 =	simm.s32 $0x7100  }
0x2b6: {  	[tilespmem:s16], [sflag:$0x1] =	stream.indirect_vreg.gather [hbm4b:s21+s2], $0x80, v19, vm0, $0xb8;
	[tilespmem:$0x1FF00] =	vst v63  }
0x2b7: {  	s17 =	simm.s32 $0x7900  }
0x2b8: {  	[tilespmem:s17], [sflag:$0x1] =	stream.indirect_vreg.gather [hbm4b:s22+s2], $0x80, v19, vm0, $0xb8;
	[tilespmem:$0x1FF00] =	vst v63  }
0x2b9: {  	s18 =	simm.s32 $0x8100  }
0x2ba: {  	[tilespmem:s18], [sflag:$0x1] =	stream.indirect_vreg.gather [hbm4b:s23+s2], $0x80, v19, vm0, $0xb8;
	[tilespmem:$0x1FF00] =	vst v63  }
0x2bb: {  	s19 =	simm.s32 $0x8900  }
0x2bc: {  	[tilespmem:s19], [sflag:$0x1] =	stream.indirect_vreg.gather [hbm4b:s26+s2], $0x80, v19, vm0, $0xb8;
	[tilespmem:$0x1FF00] =	vst v63  }
0x2bd: {  	s15 =	simm.s32 $0x9100  }
0x2be: {  	[tilespmem:s15], [sflag:$0x1] =	stream.indirect_vreg.gather [hbm4b:s28+s2], $0x80, v19, vm0, $0xb8;
	[tilespmem:$0x1FF00] =	vst v63  }
0x2bf: {  	s16 =	simm.s32 $0x9900  }
0x2c0: {  	[tilespmem:s16], [sflag:$0x1] =	stream.indirect_vreg.gather [hbm4b:s29+s2], $0x80, v19, vm0, $0xb8;
	[tilespmem:$0x1FF00] =	vst v63  }
0x2c1: {  	s17 =	simm.s32 $0xA100  }
0x2c2: {  	[tilespmem:s17], [sflag:$0x1] =	stream.indirect_vreg.gather [hbm4b:s30+s2], $0x80, v19, vm0, $0xb8;
	[tilespmem:$0x1FF00] =	vst v63  }
0x2c3: {  	s18 =	simm.s32 $0xA900  }
0x2c4: {  	[tilespmem:s18], [sflag:$0x1] =	stream.indirect_vreg.gather [hbm4b:s31+s2], $0x80, v19, vm0, $0xb8;
	[tilespmem:$0x1FF00] =	vst v63  }
0x2c5: {  	s19 =	simm.s32 $0xB100  }
0x2c6: {  	[tilespmem:s19], [sflag:$0x1] =	stream.indirect_vreg.gather [hbm4b:s0+s2], $0x80, v19, vm0, $0xb8;
	[tilespmem:$0x1FF00] =	vst v63  }
0x2c7: {  	s15 =	simm.s32 $0xB900  }
0x2c8: {  	[tilespmem:s15], [sflag:$0x1] =	stream.indirect_vreg.gather [hbm4b:s3+s2], $0x80, v19, vm0, $0xb8;
	[tilespmem:$0x1FF00] =	vst v63  }
0x2c9: {  	s16 =	simm.s32 $0xC100  }
0x2ca: {  	[tilespmem:s16], [sflag:$0x1] =	stream.indirect_vreg.gather [hbm4b:s7+s2], $0x80, v19, vm0, $0xb8;
	[tilespmem:$0x1FF00] =	vst v63  }
0x2cb: {  	s17 =	simm.s32 $0xC900  }
0x2cc: {  	[tilespmem:s17], [sflag:$0x1] =	stream.indirect_vreg.gather [hbm4b:s25+s2], $0x80, v19, vm0, $0xb8;
	[tilespmem:$0x1FF00] =	vst v63  }
0x2cd: {  	s18 =	simm.s32 $0xD100  }
0x2ce: {  	[tilespmem:s18], [sflag:$0x1] =	stream.indirect_vreg.gather [hbm4b:s1+s2], $0x80, v19, vm0, $0xb8;
	[tilespmem:$0x1FF00] =	vst v63  }
0x2cf: {  	s19 =	simm.s32 $0xD900  }
0x2d0: {  	[tilespmem:s19], [sflag:$0x1] =	stream.indirect_vreg.gather [hbm4b:s5+s2], $0x80, v19, vm0, $0xb8;
	[tilespmem:$0x1FF00] =	vst v63  }
0x2d1: {  	s15 =	simm.s32 $0xE100  }
0x2d2: {  	[tilespmem:s15], [sflag:$0x1] =	stream.indirect_vreg.gather [hbm4b:s6+s2], $0x80, v19, vm0, $0xb8;
	[tilespmem:$0x1FF00] =	vst v63  }
0x2d3: {  	s16 =	simm.s32 $0xE900  }
0x2d4: {  	[tilespmem:s16], [sflag:$0x1] =	stream.indirect_vreg.gather [hbm4b:s24+s2], $0x80, v19, vm0, $0xb8;
	[tilespmem:$0x1FF00] =	vst v63  }
0x2d5: {  	s17 =	simm.s32 $0xF100  }
0x2d6: {  	[tilespmem:s17], [sflag:$0x1] =	stream.indirect_vreg.gather [hbm4b:s8+s2], $0x80, v19, vm0, $0xb8;
	[tilespmem:$0x1FF00] =	vst v63  }
0x2d7: {  	s18 =	simm.s32 $0xF900  }
0x2d8: {  	[tilespmem:s18], [sflag:$0x1] =	stream.indirect_vreg.gather [hbm4b:s9+s2], $0x80, v19, vm0, $0xb8;
	[tilespmem:$0x1FF00] =	vst v63  }
0x2d9: {  	s19 =	simm.s32 $0x10100  }
0x2da: {  	[tilespmem:s19], [sflag:$0x1] =	stream.indirect_vreg.gather [hbm4b:s10+s2], $0x80, v19, vm1, $0xb8;
	[tilespmem:$0x1FF00] =	vst v63  }
.LBB2_14:
0x2db: {  	s14 =	simm.s32 $0x2  }
0x2dc: {  	_ =	swait.ge [sflag:s14], $0xFA00  }
0x2dd: {  	[sflag:s14] =	ssyncset.done $0x0  }
0x2de: {  	s19 =	simm.s32 $0x4;
	[sflag:s14] =	ssyncadd.s32 $0xFFFF0600  }
0x2df: {  	_ =	swait.ge [sflag:s19], $0x400  }
0x2e0: {  	[sflag:s19] =	ssyncset.done $0x0  }
0x2e1: {  	s15 =	simm.s32 $0x0;
	[sflag:s19] =	ssyncadd.s32 $0xFFFFFC00  }
0x2e2: {  	v20 =	vld [tilespmem:s15+$0x500]  }
0x2e3: {  	v19 =	vld [tilespmem:s15+$0x13D98]  }
0x2e4: {  	v21 =	vld [tilespmem:s15+$0x10300]  }
0x2e5: {  	v22 =	vld [tilespmem:s15+$0x106E8]  }
0x2e6: {  	v23 =	vld [tilespmem:s15+$0x10AD0]  }
0x2e7: {  	v24 =	vld [tilespmem:s15+$0x10EB8]  }
0x2e8: {  	v25 =	vld [tilespmem:s15+$0x112A0]  }
0x2e9: {  	v34 =	vld [tilespmem:s15+$0x12628]  }
0x2ea: {  	v35 =	vld [tilespmem:s15+$0x12A10]  }
0x2eb: {  	v26 =	vld [tilespmem:s15+$0x11688]  }
0x2ec: {  	v29 =	vld [tilespmem:s15+$0x11A70];
	v19 =	vmul.f32 v19, v20  }
0x2ed: {  	v31 =	vimm.f32 $0.0e+00;
	v32 =	vld [tilespmem:s15+$0x11E58];
	v21 =	vmul.f32 v21, v20;
	v22 =	vmul.f32 v22, v20  }
0x2ee: {  	v36 =	vimm.f32 $0.0e+00;
	v33 =	vld [tilespmem:s15+$0x12240];
	v23 =	vmul.f32 v23, v20;
	v41 =	vmul.f32 v34, v20  }
0x2ef: {  	v42 =	vmul.f32 v35, v20;
	v35 =	vimm.f32 $0.0e+00;
	v34 =	vimm.f32 $0.0e+00  }
0x2f0: {  	v27 =	vadd.f32 v21, v31;
	v21 =	vmul.f32 v24, v20;
	v30 =	vadd.f32 v22, v31  }
0x2f1: {  	v38 =	vld [tilespmem:s15+$0x12DF8];
	v28 =	vadd.f32 v23, v31;
	v22 =	vmul.f32 v25, v20;
	v23 =	vmul.f32 v26, v20  }
0x2f2: {  	v39 =	vld [tilespmem:s15+$0x131E0];
	v19 =	vadd.f32 v19, v31;
	v25 =	vmul.f32 v29, v20;
	v26 =	vmul.f32 v32, v20  }
0x2f3: {  	v37 =	vld [tilespmem:s15+$0x135C8];
	v29 =	vmul.f32 v33, v20;
	v24 =	vadd.f32 v21, v31;
	v21 =	vadd.f32 v22, v31  }
0x2f4: {  	s14 =	simm.s32 $0x10;
	v40 =	vld [tilespmem:s15+$0x139B0];
	v32 =	vimm.f32 $0.0e+00;
	v22 =	vadd.f32 v23, v31;
	v25 =	vadd.f32 v25, v31  }
0x2f5: {  	s15 =	simm.s32 $0x80;
	v33 =	vimm.f32 $0.0e+00;
	v23 =	vadd.f32 v26, v31;
	v26 =	vadd.f32 v29, v31;
	v29 =	vld [tilespmem:s14+$0x500]  }
.LBB2_15:
0x2f6: {  	p0 =	sne.s32 s15, $0xF40;
	v43 =	vld [tilespmem:s14+$0x13D98];
	v31 =	vadd.f32 v41, v31;
	v38 =	vmul.f32 v38, v20  }
0x2f7: {  	v41 =	vld [tilespmem:s14+$0x10300];
	v36 =	vadd.f32 v42, v36;
	v39 =	vmul.f32 v39, v20  }
0x2f8: {  	v42 =	vld [tilespmem:s14+$0x106E8];
	v35 =	vadd.f32 v38, v35;
	v37 =	vmul.f32 v37, v20  }
0x2f9: {  	v38 =	vld [tilespmem:s14+$0x10AD0];
	v34 =	vadd.f32 v39, v34;
	v39 =	vmul.f32 v40, v20  }
0x2fa: {  	v40 =	vld [tilespmem:s14+$0x10EB8];
	v32 =	vadd.f32 v37, v32;
	v20 =	vmov v29  }
0x2fb: {  	v29 =	vld [tilespmem:s14+$0x112A0];
	v37 =	vmul.f32 v43, v20;
	v33 =	vadd.f32 v39, v33  }
0x2fc: {  	v39 =	vmul.f32 v41, v20;
	v41 =	vld [tilespmem:s14+$0x11688]  }
0x2fd: {  	v42 =	vmul.f32 v42, v20;
	v43 =	vld [tilespmem:s14+$0x11A70];
	v19 =	vadd.f32 v37, v19  }
0x2fe: {  	v27 =	vadd.f32 v39, v27;
	v37 =	vmul.f32 v38, v20;
	v39 =	vld [tilespmem:s14+$0x11E58]  }
0x2ff: {  	v30 =	vadd.f32 v42, v30;
	v38 =	vmul.f32 v40, v20;
	v40 =	vld [tilespmem:s14+$0x12240]  }
0x300: {  	v28 =	vadd.f32 v37, v28;
	v29 =	vmul.f32 v29, v20;
	v42 =	vld [tilespmem:s14+$0x12628]  }
0x301: {  	v24 =	vadd.f32 v38, v24;
	v37 =	vmul.f32 v41, v20;
	v44 =	vld [tilespmem:s14+$0x12A10]  }
.Ltmp6:
0x302: {  	v21 =	vadd.f32 v29, v21;
	v29 =	vmul.f32 v43, v20;
	v38 =	vld [tilespmem:s14+$0x12DF8];
	(pc) =	sbr.rel @p0 .LBB2_15-.Ltmp6, $4  }
0x303: {  	v22 =	vadd.f32 v37, v22;
	v41 =	vmul.f32 v39, v20;
	v39 =	vld [tilespmem:s14+$0x131E0]  }
0x304: {  	v25 =	vadd.f32 v29, v25;
	v43 =	vmul.f32 v40, v20;
	v37 =	vld [tilespmem:s14+$0x135C8]  }
0x305: {  	v23 =	vadd.f32 v41, v23;
	v41 =	vmul.f32 v42, v20;
	v40 =	vld [tilespmem:s14+$0x139B0];
	s14 =	sshra.s32 s15, $0x2  }
0x306: {  	s15 =	sadd.s32 $0x40, s15;
	v29 =	vld [tilespmem:s14+$0x500];
	v26 =	vadd.f32 v43, v26;
	v42 =	vmul.f32 v44, v20  }
0x307: {  	v43 =	vld [tilespmem:s14+$0x13D98]  }
0x308: {  	v44 =	vld [tilespmem:s14+$0x10300]  }
0x309: {  	v45 =	vld [tilespmem:s14+$0x106E8]  }
0x30a: {  	v46 =	vld [tilespmem:s14+$0x10AD0]  }
0x30b: {  	v47 =	vld [tilespmem:s14+$0x10EB8]  }
0x30c: {  	v48 =	vld [tilespmem:s14+$0x112A0]  }
0x30d: {  	v49 =	vld [tilespmem:s14+$0x11688]  }
0x30e: {  	v50 =	vld [tilespmem:s14+$0x11A70]  }
0x30f: {  	v51 =	vld [tilespmem:s14+$0x11E58]  }
0x310: {  	v52 =	vld [tilespmem:s14+$0x12240]  }
0x311: {  	v53 =	vld [tilespmem:s14+$0x12628]  }
0x312: {  	v54 =	vld [tilespmem:s14+$0x12A10]  }
0x313: {  	v55 =	vld [tilespmem:s14+$0x12DF8]  }
0x314: {  	v38 =	vmul.f32 v38, v20;
	v56 =	vld [tilespmem:s14+$0x131E0]  }
0x315: {  	v31 =	vadd.f32 v41, v31;
	v41 =	vld [tilespmem:s14+$0x135C8]  }
0x316: {  	v39 =	vmul.f32 v39, v20;
	v35 =	vadd.f32 v38, v35;
	v38 =	vld [tilespmem:$0x8D8]  }
0x317: {  	v59 =	vld [tilespmem:$0x10AC0];
	v36 =	vadd.f32 v42, v36;
	v37 =	vmul.f32 v37, v20;
	v20 =	vmul.f32 v40, v20  }
0x318: {  	v42 =	vld [tilespmem:s14+$0x139B0];
	v34 =	vadd.f32 v39, v34;
	v63 =	vmul.f32 v44, v29;
	v45 =	vmul.f32 v45, v29  }
0x319: {  	v32 =	vadd.f32 v37, v32;
	v37 =	vld [tilespmem:$0x106D8];
	v57 =	vmul.f32 v46, v29;
	v58 =	vmul.f32 v47, v29  }
0x31a: {  	v20 =	vadd.f32 v20, v33;
	v60 =	vmul.f32 v48, v29;
	v61 =	vmul.f32 v49, v29;
	v46 =	vld [tilespmem:$0x11290]  }
0x31b: {  	v62 =	vmul.f32 v50, v29;
	v30 =	vadd.f32 v45, v30;
	v45 =	vld [tilespmem:$0x10EA8];
	v38 =	vmul.f32 v3, v38  }
0x31c: {  	v27 =	vadd.f32 v63, v27;
	v24 =	vadd.f32 v58, v24;
	v63 =	vmul.f32 v51, v29;
	v58 =	vld [tilespmem:$0x11A60]  }
0x31d: {  	v52 =	vmul.f32 v52, v29;
	v28 =	vadd.f32 v57, v28;
	v57 =	vld [tilespmem:$0x11678];
	v59 =	vmul.f32 v59, v38  }
0x31e: {  	v21 =	vadd.f32 v60, v21;
	v37 =	vmul.f32 v38, v37;
	v23 =	vadd.f32 v63, v23;
	v63 =	vld [tilespmem:$0x12230]  }
0x31f: {  	v22 =	vadd.f32 v61, v22;
	v60 =	vld [tilespmem:$0x11E48];
	v50 =	vmul.f32 v46, v38;
	v30 =	vadd.f32 v59, v30  }
0x320: {  	v25 =	vadd.f32 v62, v25;
	v51 =	vld [tilespmem:$0x12618];
	v27 =	vadd.f32 v37, v27;
	v62 =	vmul.f32 v45, v38  }
0x321: {  	v26 =	vadd.f32 v52, v26;
	v52 =	vld [tilespmem:$0x12A00];
	v24 =	vadd.f32 v50, v24;
	[tilespmem:$0x1FE10] =	vst v30;
	v30 =	vmul.f32 v58, v38  }
0x322: {  	v61 =	vmul.f32 v53, v29;
	[tilespmem:$0x1FE00] =	vst v27;
	v27 =	vadd.f32 v62, v28;
	v28 =	vmul.f32 v57, v38  }
0x323: {  	v49 =	vmul.f32 v54, v29;
	v54 =	vld [tilespmem:$0x131D0];
	[tilespmem:$0x1FE30] =	vst v24;
	v22 =	vadd.f32 v30, v22;
	v30 =	vmul.f32 v63, v38  }
0x324: {  	v53 =	vld [tilespmem:$0x12DE8];
	v31 =	vadd.f32 v61, v31;
	[tilespmem:$0x1FE20] =	vst v27;
	v21 =	vadd.f32 v28, v21;
	v28 =	vmul.f32 v60, v38  }
0x325: {  	v59 =	vmul.f32 v41, v29;
	v58 =	vld [tilespmem:$0x139A0];
	v24 =	vmul.f32 v55, v29;
	[tilespmem:$0x1FE50] =	vst v22;
	v22 =	vadd.f32 v30, v23  }
0x326: {  	v57 =	vld [tilespmem:$0x135B8];
	v23 =	vmul.f32 v52, v38;
	[tilespmem:$0x1FE40] =	vst v21;
	v25 =	vadd.f32 v28, v25;
	v28 =	vmul.f32 v51, v38  }
0x327: {  	v27 =	vmul.f32 v43, v29;
	v24 =	vadd.f32 v24, v35;
	v30 =	vld [tilespmem:$0x13D88];
	v21 =	vmul.f32 v56, v29;
	[tilespmem:$0x1FE70] =	vst v22  }
0x328: {  	v22 =	vadd.f32 v23, v31;
	v23 =	vmul.f32 v54, v38;
	[tilespmem:$0x1FE60] =	vst v25;
	v25 =	vadd.f32 v28, v26;
	v28 =	vld [tilespmem:$0x14170]  }
0x329: {  	v36 =	vadd.f32 v49, v36;
	v29 =	vmul.f32 v42, v29;
	v26 =	vmul.f32 v53, v38  }
0x32a: {  	v31 =	vadd.f32 v59, v32;
	[tilespmem:$0x1FE90] =	vst v22;
	v22 =	vadd.f32 v23, v24;
	v23 =	vmul.f32 v58, v38  }
0x32b: {  	v21 =	vadd.f32 v21, v34;
	[tilespmem:$0x1FE80] =	vst v25;
	v25 =	vadd.f32 v26, v36;
	v26 =	vmul.f32 v57, v38  }
0x32c: {  	v20 =	vadd.f32 v29, v20;
	v24 =	vmul.f32 v30, v38;
	[tilespmem:$0x1FEB0] =	vst v22;
	v22 =	vadd.f32 v23, v31  }
0x32d: {  	v19 =	vadd.f32 v27, v19;
	[tilespmem:$0x1FEA0] =	vst v25;
	v21 =	vadd.f32 v26, v21;
	v23 =	vmul.f32 v28, v38  }
0x32e: {  	v20 =	vadd.f32 v24, v20;
	[tilespmem:$0x1FED0] =	vst v22  }
0x32f: {  	[tilespmem:$0x1FEC0] =	vst v21;
	v19 =	vadd.f32 v23, v19  }
0x330: {  	[tilespmem:$0x1FEE0] =	vst v20  }
0x331: {  	[tilespmem:$0x1FEF0] =	vst v19  }
0x332: {  	v19 =	vld.idx.msk [tilespmem:v2+s11+$0x0], $0xffff;
	_ =	sdelay $0x1  }
0x333: {  	v20 =	vld.idx.msk [tilespmem:v4+s11+$0x0], $0xffff;
	_ =	sdelay $0x1  }
0x334: {  	v21 =	vld.idx.msk [tilespmem:v5+s11+$0x0], $0xffff  }
0x335: {  	v19 =	vadd.f32 $0.0e+00, v19  }
0x336: {  	v22 =	vld.idx.msk [tilespmem:v6+s11+$0x0], $0xffff  }
0x337: {  	v19 =	vadd.f32 v20, v19  }
0x338: {  	v20 =	vld.idx.msk [tilespmem:v7+s11+$0x0], $0xffff  }
0x339: {  	v19 =	vadd.f32 v21, v19  }
0x33a: {  	v21 =	vld.idx.msk [tilespmem:v8+s11+$0x0], $0xffff  }
0x33b: {  	v19 =	vadd.f32 v22, v19  }
0x33c: {  	v22 =	vld.idx.msk [tilespmem:v9+s11+$0x0], $0xffff  }
0x33d: {  	v19 =	vadd.f32 v20, v19  }
0x33e: {  	v20 =	vld.idx.msk [tilespmem:v10+s11+$0x0], $0xffff  }
0x33f: {  	v19 =	vadd.f32 v21, v19  }
0x340: {  	v21 =	vld.idx.msk [tilespmem:v11+s11+$0x0], $0xffff  }
0x341: {  	v19 =	vadd.f32 v22, v19  }
0x342: {  	v22 =	vld.idx.msk [tilespmem:v12+s11+$0x0], $0xffff  }
0x343: {  	v19 =	vadd.f32 v20, v19  }
0x344: {  	v20 =	vld.idx.msk [tilespmem:v13+s11+$0x0], $0xffff  }
0x345: {  	v19 =	vadd.f32 v21, v19  }
0x346: {  	v21 =	vld.idx.msk [tilespmem:v14+s11+$0x0], $0xffff  }
0x347: {  	v19 =	vadd.f32 v22, v19  }
0x348: {  	v22 =	vld.idx.msk [tilespmem:v15+s11+$0x0], $0xffff  }
0x349: {  	v19 =	vadd.f32 v20, v19  }
0x34a: {  	v20 =	vld.idx.msk [tilespmem:v16+s11+$0x0], $0xffff  }
0x34b: {  	v19 =	vadd.f32 v21, v19  }
0x34c: {  	v21 =	vld.idx.msk [tilespmem:v17+s11+$0x0], $0xffff  }
0x34d: {  	v19 =	vadd.f32 v22, v19  }
0x34e: {  	v22 =	vld.idx.msk [tilespmem:v18+s11+$0x0], $0xffff  }
0x34f: {  	v19 =	vadd.f32 v20, v19;
	_ =	sdelay $0x1  }
0x350: {  	v19 =	vadd.f32 v21, v19;
	_ =	sdelay $0x1  }
0x351: {  	s13 =	sshll.u32 s13, $0x6;
	v19 =	vadd.f32 v22, v19  }
0x352: {  	s15 =	simm.s32 $0x0;
	s18 =	sand.u32 $0xC0, s13  }
0x353: {  	s19 =	sand.u32 $0x3F0, s15;
	[tilespmem:s18+$0x1FD00] =	vst v19  }
0x354: {  	s16 =	simm.s32 $0x0;
	v19 =	vld [tilespmem:s19+$0x14180]  }
0x355: {  	v28 =	vld [tilespmem:s16+$0x500]  }
0x356: {  	v20 =	vld [tilespmem:s16+$0x17C18]  }
0x357: {  	v21 =	vld [tilespmem:s16+$0x14568]  }
0x358: {  	v22 =	vld [tilespmem:s16+$0x14950]  }
0x359: {  	v23 =	vld [tilespmem:s16+$0x14D38]  }
0x35a: {  	v25 =	vld [tilespmem:s16+$0x15120]  }
0x35b: {  	v27 =	vld [tilespmem:s16+$0x15508]  }
0x35c: {  	v29 =	vld [tilespmem:s16+$0x158F0]  }
0x35d: {  	v33 =	vimm.f32 $0.0e+00;
	v35 =	vimm.f32 $0.0e+00;
	v31 =	vld [tilespmem:s16+$0x15CD8]  }
0x35e: {  	v32 =	vimm.f32 $0.0e+00;
	v60 =	vld [tilespmem:s16+$0x160C0];
	v19 =	vmul.f32 v19, v28;
	v20 =	vmul.f32 v20, v28  }
0x35f: {  	v34 =	vimm.f32 $0.0e+00;
	v61 =	vld [tilespmem:s16+$0x164A8];
	v21 =	vmul.f32 v21, v28;
	v22 =	vmul.f32 v22, v28  }
0x360: {  	v62 =	vld [tilespmem:s16+$0x16890];
	v24 =	vadd.f32 v19, v32;
	v19 =	vadd.f32 v20, v32;
	v20 =	vmul.f32 v23, v28  }
0x361: {  	v36 =	vimm.f32 $0.0e+00;
	v63 =	vld [tilespmem:s16+$0x16C78];
	v30 =	vadd.f32 v21, v32;
	v21 =	vmul.f32 v25, v28  }
0x362: {  	v37 =	vld [tilespmem:s16+$0x17060];
	v26 =	vadd.f32 v22, v32;
	v25 =	vadd.f32 v20, v32;
	v20 =	vmul.f32 v27, v28  }
0x363: {  	s15 =	simm.s32 $0x10;
	v38 =	vld [tilespmem:s16+$0x17448];
	v23 =	vmul.f32 v29, v28;
	v29 =	vmul.f32 v60, v28;
	v21 =	vadd.f32 v21, v32  }
0x364: {  	s17 =	sand.u32 $0x3F0, s15;
	v40 =	vld [tilespmem:s16+$0x17830];
	v27 =	vmul.f32 v31, v28;
	v22 =	vadd.f32 v20, v32;
	v20 =	vmul.f32 v61, v28  }
0x365: {  	s14 =	simm.s32 $0x10;
	v39 =	vld [tilespmem:s17+$0x14180];
	v41 =	vmul.f32 v62, v28;
	v23 =	vadd.f32 v23, v32;
	v29 =	vadd.f32 v29, v32  }
0x366: {  	s16 =	simm.s32 $0x80;
	v42 =	vmul.f32 v63, v28;
	v31 =	vld [tilespmem:s14+$0x500];
	v27 =	vadd.f32 v27, v32;
	v20 =	vadd.f32 v20, v32  }
.LBB2_17:
0x367: {  	p0 =	sne.s32 s16, $0xF40;
	v43 =	vld [tilespmem:s14+$0x17C18];
	v32 =	vadd.f32 v41, v32;
	v37 =	vmul.f32 v37, v28  }
0x368: {  	v41 =	vld [tilespmem:s14+$0x14568];
	v36 =	vadd.f32 v42, v36;
	v38 =	vmul.f32 v38, v28  }
0x369: {  	v42 =	vld [tilespmem:s14+$0x14950];
	v35 =	vadd.f32 v37, v35;
	v40 =	vmul.f32 v40, v28  }
0x36a: {  	v37 =	vld [tilespmem:s14+$0x14D38];
	v33 =	vadd.f32 v38, v33  }
0x36b: {  	v38 =	vmul.f32 v39, v31;
	v39 =	vld [tilespmem:s14+$0x15120];
	v34 =	vadd.f32 v40, v34;
	v28 =	vmov v31  }
0x36c: {  	v31 =	vld [tilespmem:s14+$0x15508];
	v40 =	vmul.f32 v43, v28  }
0x36d: {  	v24 =	vadd.f32 v38, v24;
	v38 =	vmul.f32 v41, v28;
	v41 =	vld [tilespmem:s14+$0x158F0]  }
0x36e: {  	v42 =	vmul.f32 v42, v28;
	v43 =	vld [tilespmem:s14+$0x15CD8];
	v19 =	vadd.f32 v40, v19  }
0x36f: {  	v30 =	vadd.f32 v38, v30;
	v37 =	vmul.f32 v37, v28;
	v38 =	vld [tilespmem:s14+$0x160C0]  }
0x370: {  	v26 =	vadd.f32 v42, v26;
	v39 =	vmul.f32 v39, v28;
	v40 =	vld [tilespmem:s14+$0x164A8]  }
0x371: {  	v25 =	vadd.f32 v37, v25;
	v31 =	vmul.f32 v31, v28;
	v42 =	vld [tilespmem:s14+$0x16890]  }
0x372: {  	v21 =	vadd.f32 v39, v21;
	v39 =	vmul.f32 v41, v28;
	v44 =	vld [tilespmem:s14+$0x16C78]  }
.Ltmp7:
0x373: {  	v22 =	vadd.f32 v31, v22;
	v31 =	vmul.f32 v43, v28;
	v37 =	vld [tilespmem:s14+$0x17060];
	(pc) =	sbr.rel @p0 .LBB2_17-.Ltmp7, $4  }
0x374: {  	s15 =	sadd.s32 $0x10, s15;
	v23 =	vadd.f32 v39, v23;
	v41 =	vmul.f32 v38, v28;
	v38 =	vld [tilespmem:s14+$0x17448]  }
0x375: {  	s17 =	sand.u32 $0x3F0, s15;
	v27 =	vadd.f32 v31, v27;
	v43 =	vmul.f32 v40, v28;
	v40 =	vld [tilespmem:s14+$0x17830]  }
0x376: {  	s14 =	sshra.s32 s16, $0x2;
	v39 =	vld [tilespmem:s17+$0x14180];
	v29 =	vadd.f32 v41, v29;
	v41 =	vmul.f32 v42, v28  }
0x377: {  	s16 =	sadd.s32 $0x40, s16;
	v31 =	vld [tilespmem:s14+$0x500];
	v20 =	vadd.f32 v43, v20;
	v42 =	vmul.f32 v44, v28  }
0x378: {  	v43 =	vld [tilespmem:s14+$0x17C18]  }
0x379: {  	v44 =	vld [tilespmem:s14+$0x14568]  }
0x37a: {  	v45 =	vld [tilespmem:s14+$0x14950]  }
0x37b: {  	v46 =	vld [tilespmem:s14+$0x14D38]  }
0x37c: {  	v47 =	vld [tilespmem:s14+$0x15120]  }
0x37d: {  	v48 =	vld [tilespmem:s14+$0x15508]  }
0x37e: {  	v49 =	vld [tilespmem:s14+$0x158F0]  }
0x37f: {  	v50 =	vld [tilespmem:s14+$0x15CD8]  }
0x380: {  	v51 =	vld [tilespmem:s14+$0x160C0]  }
0x381: {  	v52 =	vld [tilespmem:s14+$0x164A8]  }
0x382: {  	v53 =	vld [tilespmem:s14+$0x16890]  }
0x383: {  	v54 =	vld [tilespmem:s14+$0x16C78]  }
0x384: {  	v55 =	vld [tilespmem:s14+$0x17060]  }
0x385: {  	v32 =	vadd.f32 v41, v32;
	v37 =	vmul.f32 v37, v28;
	v41 =	vld [tilespmem:s14+$0x17448]  }
0x386: {  	v36 =	vadd.f32 v42, v36;
	v38 =	vmul.f32 v38, v28;
	v28 =	vmul.f32 v40, v28;
	v40 =	vld [tilespmem:$0x8D8]  }
0x387: {  	v57 =	vld [tilespmem:$0x14558];
	v35 =	vadd.f32 v37, v35;
	v62 =	vmul.f32 v39, v31;
	v63 =	vmul.f32 v44, v31  }
0x388: {  	v33 =	vadd.f32 v38, v33;
	v39 =	vld [tilespmem:$0x14940];
	v56 =	vmul.f32 v45, v31;
	v58 =	vmul.f32 v46, v31  }
0x389: {  	v28 =	vadd.f32 v28, v34;
	v59 =	vmul.f32 v47, v31;
	v60 =	vmul.f32 v48, v31;
	v45 =	vld [tilespmem:$0x14D28]  }
0x38a: {  	v61 =	vmul.f32 v49, v31;
	v46 =	vld [tilespmem:$0x15110];
	v49 =	vmul.f32 v53, v31;
	v24 =	vadd.f32 v62, v24  }
0x38b: {  	v42 =	vld [tilespmem:s14+$0x17830];
	v62 =	vmul.f32 v50, v31;
	v30 =	vadd.f32 v63, v30;
	v40 =	vmul.f32 v3, v40  }
0x38c: {  	v26 =	vadd.f32 v56, v26;
	v25 =	vadd.f32 v58, v25;
	v63 =	vmul.f32 v51, v31;
	v56 =	vld [tilespmem:$0x154F8]  }
0x38d: {  	v21 =	vadd.f32 v59, v21;
	v22 =	vadd.f32 v60, v22;
	v58 =	vld [tilespmem:$0x158E0];
	v57 =	vmul.f32 v40, v57  }
0x38e: {  	v60 =	vld [tilespmem:$0x15CC8];
	v27 =	vadd.f32 v62, v27;
	v29 =	vadd.f32 v63, v29;
	v59 =	vmul.f32 v39, v40  }
0x38f: {  	v63 =	vld [tilespmem:$0x160B0];
	v62 =	vmul.f32 v45, v40;
	v50 =	vmul.f32 v46, v40;
	v24 =	vadd.f32 v57, v24  }
0x390: {  	v23 =	vadd.f32 v61, v23;
	v61 =	vmul.f32 v52, v31;
	v51 =	vld [tilespmem:$0x16498];
	v30 =	vadd.f32 v59, v30  }
0x391: {  	v52 =	vld [tilespmem:$0x16880];
	v25 =	vadd.f32 v50, v25;
	[tilespmem:$0x1FE00] =	vst v24;
	v24 =	vadd.f32 v62, v26;
	v26 =	vmul.f32 v56, v40  }
0x392: {  	v53 =	vld [tilespmem:$0x16C68];
	v32 =	vadd.f32 v49, v32;
	v20 =	vadd.f32 v61, v20;
	[tilespmem:$0x1FE10] =	vst v30;
	v30 =	vmul.f32 v58, v40  }
0x393: {  	v59 =	vmul.f32 v41, v31;
	v56 =	vld [tilespmem:$0x17050];
	[tilespmem:$0x1FE30] =	vst v25;
	v21 =	vadd.f32 v26, v21;
	v26 =	vmul.f32 v60, v40  }
0x394: {  	v57 =	vld [tilespmem:$0x17438];
	v25 =	vmul.f32 v54, v31;
	[tilespmem:$0x1FE20] =	vst v24;
	v22 =	vadd.f32 v30, v22;
	v30 =	vmul.f32 v63, v40  }
0x395: {  	v58 =	vld [tilespmem:$0x17820];
	v24 =	vmul.f32 v43, v31;
	[tilespmem:$0x1FE40] =	vst v21;
	v23 =	vadd.f32 v26, v23;
	v26 =	vmul.f32 v51, v40  }
0x396: {  	v21 =	vmul.f32 v55, v31;
	[tilespmem:$0x1FE50] =	vst v22;
	v22 =	vadd.f32 v30, v27;
	v27 =	vmul.f32 v52, v40;
	v30 =	vld [tilespmem:$0x17C08]  }
0x397: {  	v25 =	vadd.f32 v25, v36;
	[tilespmem:$0x1FE60] =	vst v23;
	v23 =	vadd.f32 v26, v29;
	v26 =	vmul.f32 v53, v40;
	v29 =	vld [tilespmem:$0x17FF0]  }
0x398: {  	v21 =	vadd.f32 v21, v35;
	[tilespmem:$0x1FE70] =	vst v22;
	v20 =	vadd.f32 v27, v20;
	v22 =	vmul.f32 v56, v40  }
0x399: {  	v27 =	vmul.f32 v42, v31;
	[tilespmem:$0x1FE80] =	vst v23;
	v23 =	vadd.f32 v26, v32;
	v26 =	vmul.f32 v57, v40  }
0x39a: {  	v31 =	vadd.f32 v59, v33;
	[tilespmem:$0x1FE90] =	vst v20;
	v20 =	vadd.f32 v22, v25;
	v22 =	vmul.f32 v58, v40  }
0x39b: {  	v25 =	vadd.f32 v27, v28;
	[tilespmem:$0x1FEA0] =	vst v23;
	v21 =	vadd.f32 v26, v21;
	v23 =	vmul.f32 v30, v40  }
0x39c: {  	v19 =	vadd.f32 v24, v19;
	[tilespmem:$0x1FEB0] =	vst v20;
	v20 =	vadd.f32 v22, v31;
	v22 =	vmul.f32 v29, v40  }
0x39d: {  	[tilespmem:$0x1FEC0] =	vst v21;
	v21 =	vadd.f32 v23, v25  }
0x39e: {  	[tilespmem:$0x1FED0] =	vst v20;
	v19 =	vadd.f32 v22, v19  }
0x39f: {  	[tilespmem:$0x1FEE0] =	vst v21  }
0x3a0: {  	[tilespmem:$0x1FEF0] =	vst v19  }
0x3a1: {  	v19 =	vld.idx.msk [tilespmem:v2+s11+$0x0], $0xffff;
	_ =	sdelay $0x1  }
0x3a2: {  	v20 =	vld.idx.msk [tilespmem:v4+s11+$0x0], $0xffff;
	_ =	sdelay $0x1  }
0x3a3: {  	v21 =	vld.idx.msk [tilespmem:v5+s11+$0x0], $0xffff  }
0x3a4: {  	v19 =	vadd.f32 $0.0e+00, v19  }
0x3a5: {  	v22 =	vld.idx.msk [tilespmem:v6+s11+$0x0], $0xffff  }
0x3a6: {  	v19 =	vadd.f32 v20, v19  }
0x3a7: {  	v20 =	vld.idx.msk [tilespmem:v7+s11+$0x0], $0xffff  }
0x3a8: {  	v19 =	vadd.f32 v21, v19  }
0x3a9: {  	v21 =	vld.idx.msk [tilespmem:v8+s11+$0x0], $0xffff  }
0x3aa: {  	v19 =	vadd.f32 v22, v19  }
0x3ab: {  	v22 =	vld.idx.msk [tilespmem:v9+s11+$0x0], $0xffff  }
0x3ac: {  	v19 =	vadd.f32 v20, v19  }
0x3ad: {  	v20 =	vld.idx.msk [tilespmem:v10+s11+$0x0], $0xffff  }
0x3ae: {  	v19 =	vadd.f32 v21, v19  }
0x3af: {  	v21 =	vld.idx.msk [tilespmem:v11+s11+$0x0], $0xffff  }
0x3b0: {  	v19 =	vadd.f32 v22, v19  }
0x3b1: {  	v22 =	vld.idx.msk [tilespmem:v12+s11+$0x0], $0xffff  }
0x3b2: {  	v19 =	vadd.f32 v20, v19  }
0x3b3: {  	v20 =	vld.idx.msk [tilespmem:v13+s11+$0x0], $0xffff  }
0x3b4: {  	v19 =	vadd.f32 v21, v19  }
0x3b5: {  	v21 =	vld.idx.msk [tilespmem:v14+s11+$0x0], $0xffff  }
0x3b6: {  	v19 =	vadd.f32 v22, v19  }
0x3b7: {  	v22 =	vld.idx.msk [tilespmem:v15+s11+$0x0], $0xffff  }
0x3b8: {  	v19 =	vadd.f32 v20, v19  }
0x3b9: {  	v20 =	vld.idx.msk [tilespmem:v16+s11+$0x0], $0xffff  }
0x3ba: {  	v19 =	vadd.f32 v21, v19  }
0x3bb: {  	v21 =	vld.idx.msk [tilespmem:v17+s11+$0x0], $0xffff  }
0x3bc: {  	v19 =	vadd.f32 v22, v19  }
0x3bd: {  	v22 =	vld.idx.msk [tilespmem:v18+s11+$0x0], $0xffff  }
0x3be: {  	v19 =	vadd.f32 v20, v19;
	_ =	sdelay $0x1  }
0x3bf: {  	v19 =	vadd.f32 v21, v19;
	_ =	sdelay $0x1  }
0x3c0: {  	v19 =	vadd.f32 v22, v19  }
0x3c1: {  	s13 =	sand.u32 $0x80, s13;
	s19 =	simm.s32 $0x0  }
0x3c2: {  	s14 =	sand.u32 $0x3F0, s19;
	[tilespmem:s13+$0x1FD50] =	vst v19  }
0x3c3: {  	s16 =	simm.s32 $0x0;
	v19 =	vld [tilespmem:s14+$0x18000]  }
0x3c4: {  	v28 =	vld [tilespmem:s16+$0x500]  }
0x3c5: {  	v20 =	vld [tilespmem:s16+$0x1BA98]  }
0x3c6: {  	v21 =	vld [tilespmem:s16+$0x183E8]  }
0x3c7: {  	v22 =	vld [tilespmem:s16+$0x187D0]  }
0x3c8: {  	v23 =	vld [tilespmem:s16+$0x18BB8]  }
0x3c9: {  	v25 =	vld [tilespmem:s16+$0x18FA0]  }
0x3ca: {  	v27 =	vld [tilespmem:s16+$0x19388]  }
0x3cb: {  	v29 =	vld [tilespmem:s16+$0x19770]  }
0x3cc: {  	v34 =	vimm.f32 $0.0e+00;
	v36 =	vimm.f32 $0.0e+00;
	v31 =	vld [tilespmem:s16+$0x19B58]  }
0x3cd: {  	v35 =	vimm.f32 $0.0e+00;
	v60 =	vld [tilespmem:s16+$0x19F40];
	v19 =	vmul.f32 v19, v28;
	v20 =	vmul.f32 v20, v28  }
0x3ce: {  	v32 =	vimm.f32 $0.0e+00;
	v61 =	vld [tilespmem:s16+$0x1A328];
	v21 =	vmul.f32 v21, v28;
	v22 =	vmul.f32 v22, v28  }
0x3cf: {  	v62 =	vld [tilespmem:s16+$0x1A710];
	v24 =	vadd.f32 v19, v32;
	v19 =	vadd.f32 v20, v32;
	v20 =	vmul.f32 v23, v28  }
0x3d0: {  	v33 =	vimm.f32 $0.0e+00;
	v63 =	vld [tilespmem:s16+$0x1AAF8];
	v30 =	vadd.f32 v21, v32;
	v21 =	vmul.f32 v25, v28  }
0x3d1: {  	v37 =	vld [tilespmem:s16+$0x1AEE0];
	v26 =	vadd.f32 v22, v32;
	v25 =	vadd.f32 v20, v32;
	v20 =	vmul.f32 v27, v28  }
0x3d2: {  	s15 =	simm.s32 $0x10;
	v38 =	vld [tilespmem:s16+$0x1B2C8];
	v23 =	vmul.f32 v29, v28;
	v29 =	vmul.f32 v60, v28;
	v21 =	vadd.f32 v21, v32  }
0x3d3: {  	s17 =	sand.u32 $0x3F0, s15;
	v40 =	vld [tilespmem:s16+$0x1B6B0];
	v27 =	vmul.f32 v31, v28;
	v22 =	vadd.f32 v20, v32;
	v20 =	vmul.f32 v61, v28  }
0x3d4: {  	s14 =	simm.s32 $0x10;
	v39 =	vld [tilespmem:s17+$0x18000];
	v41 =	vmul.f32 v62, v28;
	v23 =	vadd.f32 v23, v32;
	v29 =	vadd.f32 v29, v32  }
0x3d5: {  	s16 =	simm.s32 $0x80;
	v42 =	vmul.f32 v63, v28;
	v31 =	vld [tilespmem:s14+$0x500];
	v27 =	vadd.f32 v27, v32;
	v20 =	vadd.f32 v20, v32  }
.LBB2_19:
0x3d6: {  	p0 =	sne.s32 s16, $0xF40;
	v43 =	vld [tilespmem:s14+$0x1BA98];
	v32 =	vadd.f32 v41, v32;
	v37 =	vmul.f32 v37, v28  }
0x3d7: {  	v41 =	vld [tilespmem:s14+$0x183E8];
	v36 =	vadd.f32 v42, v36;
	v38 =	vmul.f32 v38, v28  }
0x3d8: {  	v42 =	vld [tilespmem:s14+$0x187D0];
	v35 =	vadd.f32 v37, v35;
	v40 =	vmul.f32 v40, v28  }
0x3d9: {  	v37 =	vld [tilespmem:s14+$0x18BB8];
	v33 =	vadd.f32 v38, v33  }
0x3da: {  	v38 =	vmul.f32 v39, v31;
	v39 =	vld [tilespmem:s14+$0x18FA0];
	v34 =	vadd.f32 v40, v34;
	v28 =	vmov v31  }
0x3db: {  	v31 =	vld [tilespmem:s14+$0x19388];
	v40 =	vmul.f32 v43, v28  }
0x3dc: {  	v24 =	vadd.f32 v38, v24;
	v38 =	vmul.f32 v41, v28;
	v41 =	vld [tilespmem:s14+$0x19770]  }
0x3dd: {  	v42 =	vmul.f32 v42, v28;
	v43 =	vld [tilespmem:s14+$0x19B58];
	v19 =	vadd.f32 v40, v19  }
0x3de: {  	v30 =	vadd.f32 v38, v30;
	v37 =	vmul.f32 v37, v28;
	v38 =	vld [tilespmem:s14+$0x19F40]  }
0x3df: {  	v26 =	vadd.f32 v42, v26;
	v39 =	vmul.f32 v39, v28;
	v40 =	vld [tilespmem:s14+$0x1A328]  }
0x3e0: {  	v25 =	vadd.f32 v37, v25;
	v31 =	vmul.f32 v31, v28;
	v42 =	vld [tilespmem:s14+$0x1A710]  }
0x3e1: {  	v21 =	vadd.f32 v39, v21;
	v39 =	vmul.f32 v41, v28;
	v44 =	vld [tilespmem:s14+$0x1AAF8]  }
.Ltmp8:
0x3e2: {  	v22 =	vadd.f32 v31, v22;
	v31 =	vmul.f32 v43, v28;
	v37 =	vld [tilespmem:s14+$0x1AEE0];
	(pc) =	sbr.rel @p0 .LBB2_19-.Ltmp8, $4  }
0x3e3: {  	s15 =	sadd.s32 $0x10, s15;
	v23 =	vadd.f32 v39, v23;
	v41 =	vmul.f32 v38, v28;
	v38 =	vld [tilespmem:s14+$0x1B2C8]  }
0x3e4: {  	s17 =	sand.u32 $0x3F0, s15;
	v27 =	vadd.f32 v31, v27;
	v43 =	vmul.f32 v40, v28;
	v40 =	vld [tilespmem:s14+$0x1B6B0]  }
0x3e5: {  	s14 =	sshra.s32 s16, $0x2;
	v39 =	vld [tilespmem:s17+$0x18000];
	v29 =	vadd.f32 v41, v29;
	v41 =	vmul.f32 v42, v28  }
0x3e6: {  	s16 =	sadd.s32 $0x40, s16;
	v31 =	vld [tilespmem:s14+$0x500];
	v20 =	vadd.f32 v43, v20;
	v42 =	vmul.f32 v44, v28  }
0x3e7: {  	v43 =	vld [tilespmem:s14+$0x1BA98]  }
0x3e8: {  	v44 =	vld [tilespmem:s14+$0x183E8]  }
0x3e9: {  	v45 =	vld [tilespmem:s14+$0x187D0]  }
0x3ea: {  	v46 =	vld [tilespmem:s14+$0x18BB8]  }
0x3eb: {  	v47 =	vld [tilespmem:s14+$0x18FA0]  }
0x3ec: {  	v48 =	vld [tilespmem:s14+$0x19388]  }
0x3ed: {  	v49 =	vld [tilespmem:s14+$0x19770]  }
0x3ee: {  	v50 =	vld [tilespmem:s14+$0x19B58]  }
0x3ef: {  	v51 =	vld [tilespmem:s14+$0x19F40]  }
0x3f0: {  	v52 =	vld [tilespmem:s14+$0x1A328]  }
0x3f1: {  	v53 =	vld [tilespmem:s14+$0x1A710]  }
0x3f2: {  	v54 =	vld [tilespmem:s14+$0x1AAF8]  }
0x3f3: {  	v55 =	vld [tilespmem:s14+$0x1AEE0]  }
0x3f4: {  	v32 =	vadd.f32 v41, v32;
	v37 =	vmul.f32 v37, v28;
	v41 =	vld [tilespmem:s14+$0x1B2C8]  }
0x3f5: {  	v36 =	vadd.f32 v42, v36;
	v38 =	vmul.f32 v38, v28;
	v28 =	vmul.f32 v40, v28;
	v40 =	vld [tilespmem:$0x8D8]  }
0x3f6: {  	v57 =	vld [tilespmem:$0x183D8];
	v35 =	vadd.f32 v37, v35;
	v62 =	vmul.f32 v39, v31;
	v63 =	vmul.f32 v44, v31  }
0x3f7: {  	v33 =	vadd.f32 v38, v33;
	v39 =	vld [tilespmem:$0x187C0];
	v56 =	vmul.f32 v45, v31;
	v58 =	vmul.f32 v46, v31  }
0x3f8: {  	v28 =	vadd.f32 v28, v34;
	v59 =	vmul.f32 v47, v31;
	v60 =	vmul.f32 v48, v31;
	v45 =	vld [tilespmem:$0x18BA8]  }
0x3f9: {  	v61 =	vmul.f32 v49, v31;
	v46 =	vld [tilespmem:$0x18F90];
	v49 =	vmul.f32 v53, v31;
	v24 =	vadd.f32 v62, v24  }
0x3fa: {  	v42 =	vld [tilespmem:s14+$0x1B6B0];
	v62 =	vmul.f32 v50, v31;
	v30 =	vadd.f32 v63, v30;
	v40 =	vmul.f32 v3, v40  }
0x3fb: {  	v26 =	vadd.f32 v56, v26;
	v25 =	vadd.f32 v58, v25;
	v63 =	vmul.f32 v51, v31;
	v56 =	vld [tilespmem:$0x19378]  }
0x3fc: {  	v21 =	vadd.f32 v59, v21;
	v22 =	vadd.f32 v60, v22;
	v58 =	vld [tilespmem:$0x19760];
	v57 =	vmul.f32 v40, v57  }
0x3fd: {  	v60 =	vld [tilespmem:$0x19B48];
	v27 =	vadd.f32 v62, v27;
	v29 =	vadd.f32 v63, v29;
	v59 =	vmul.f32 v39, v40  }
0x3fe: {  	v63 =	vld [tilespmem:$0x19F30];
	v62 =	vmul.f32 v45, v40;
	v50 =	vmul.f32 v46, v40;
	v24 =	vadd.f32 v57, v24  }
0x3ff: {  	v23 =	vadd.f32 v61, v23;
	v61 =	vmul.f32 v52, v31;
	v51 =	vld [tilespmem:$0x1A318];
	v30 =	vadd.f32 v59, v30  }
0x400: {  	v52 =	vld [tilespmem:$0x1A700];
	v25 =	vadd.f32 v50, v25;
	[tilespmem:$0x1FE00] =	vst v24;
	v24 =	vadd.f32 v62, v26;
	v26 =	vmul.f32 v56, v40  }
0x401: {  	v53 =	vld [tilespmem:$0x1AAE8];
	v32 =	vadd.f32 v49, v32;
	v20 =	vadd.f32 v61, v20;
	[tilespmem:$0x1FE10] =	vst v30;
	v30 =	vmul.f32 v58, v40  }
0x402: {  	v59 =	vmul.f32 v41, v31;
	v56 =	vld [tilespmem:$0x1AED0];
	[tilespmem:$0x1FE30] =	vst v25;
	v21 =	vadd.f32 v26, v21;
	v26 =	vmul.f32 v60, v40  }
0x403: {  	v57 =	vld [tilespmem:$0x1B2B8];
	v25 =	vmul.f32 v54, v31;
	[tilespmem:$0x1FE20] =	vst v24;
	v22 =	vadd.f32 v30, v22;
	v30 =	vmul.f32 v63, v40  }
0x404: {  	v58 =	vld [tilespmem:$0x1B6A0];
	v24 =	vmul.f32 v43, v31;
	[tilespmem:$0x1FE40] =	vst v21;
	v23 =	vadd.f32 v26, v23;
	v26 =	vmul.f32 v51, v40  }
0x405: {  	v21 =	vmul.f32 v55, v31;
	[tilespmem:$0x1FE50] =	vst v22;
	v22 =	vadd.f32 v30, v27;
	v27 =	vmul.f32 v52, v40;
	v30 =	vld [tilespmem:$0x1BA88]  }
0x406: {  	v25 =	vadd.f32 v25, v36;
	[tilespmem:$0x1FE60] =	vst v23;
	v23 =	vadd.f32 v26, v29;
	v26 =	vmul.f32 v53, v40;
	v29 =	vld [tilespmem:$0x1BE70]  }
0x407: {  	v21 =	vadd.f32 v21, v35;
	[tilespmem:$0x1FE70] =	vst v22;
	v20 =	vadd.f32 v27, v20;
	v22 =	vmul.f32 v56, v40  }
0x408: {  	v27 =	vmul.f32 v42, v31;
	[tilespmem:$0x1FE80] =	vst v23;
	v23 =	vadd.f32 v26, v32;
	v26 =	vmul.f32 v57, v40  }
0x409: {  	v31 =	vadd.f32 v59, v33;
	[tilespmem:$0x1FE90] =	vst v20;
	v20 =	vadd.f32 v22, v25;
	v22 =	vmul.f32 v58, v40  }
0x40a: {  	v25 =	vadd.f32 v27, v28;
	[tilespmem:$0x1FEA0] =	vst v23;
	v21 =	vadd.f32 v26, v21;
	v23 =	vmul.f32 v30, v40  }
0x40b: {  	v19 =	vadd.f32 v24, v19;
	[tilespmem:$0x1FEB0] =	vst v20;
	v20 =	vadd.f32 v22, v31;
	v22 =	vmul.f32 v29, v40  }
0x40c: {  	[tilespmem:$0x1FEC0] =	vst v21;
	v21 =	vadd.f32 v23, v25  }
0x40d: {  	[tilespmem:$0x1FED0] =	vst v20;
	v19 =	vadd.f32 v22, v19  }
0x40e: {  	[tilespmem:$0x1FEE0] =	vst v21  }
0x40f: {  	[tilespmem:$0x1FEF0] =	vst v19  }
0x410: {  	v19 =	vld.idx.msk [tilespmem:v2+s11+$0x0], $0xffff;
	_ =	sdelay $0x1  }
0x411: {  	v20 =	vld.idx.msk [tilespmem:v4+s11+$0x0], $0xffff;
	_ =	sdelay $0x1  }
0x412: {  	v21 =	vld.idx.msk [tilespmem:v5+s11+$0x0], $0xffff  }
0x413: {  	v19 =	vadd.f32 $0.0e+00, v19  }
0x414: {  	v22 =	vld.idx.msk [tilespmem:v6+s11+$0x0], $0xffff  }
0x415: {  	v19 =	vadd.f32 v20, v19  }
0x416: {  	v20 =	vld.idx.msk [tilespmem:v7+s11+$0x0], $0xffff  }
0x417: {  	v19 =	vadd.f32 v21, v19  }
0x418: {  	v21 =	vld.idx.msk [tilespmem:v8+s11+$0x0], $0xffff  }
0x419: {  	v19 =	vadd.f32 v22, v19  }
0x41a: {  	v22 =	vld.idx.msk [tilespmem:v9+s11+$0x0], $0xffff  }
0x41b: {  	v19 =	vadd.f32 v20, v19  }
0x41c: {  	v20 =	vld.idx.msk [tilespmem:v10+s11+$0x0], $0xffff  }
0x41d: {  	v19 =	vadd.f32 v21, v19  }
0x41e: {  	v21 =	vld.idx.msk [tilespmem:v11+s11+$0x0], $0xffff  }
0x41f: {  	v19 =	vadd.f32 v22, v19  }
0x420: {  	v22 =	vld.idx.msk [tilespmem:v12+s11+$0x0], $0xffff  }
0x421: {  	v19 =	vadd.f32 v20, v19  }
0x422: {  	v20 =	vld.idx.msk [tilespmem:v13+s11+$0x0], $0xffff  }
0x423: {  	v19 =	vadd.f32 v21, v19  }
0x424: {  	v21 =	vld.idx.msk [tilespmem:v14+s11+$0x0], $0xffff  }
0x425: {  	v19 =	vadd.f32 v22, v19  }
0x426: {  	v22 =	vld.idx.msk [tilespmem:v15+s11+$0x0], $0xffff  }
0x427: {  	v19 =	vadd.f32 v20, v19  }
0x428: {  	v20 =	vld.idx.msk [tilespmem:v16+s11+$0x0], $0xffff  }
0x429: {  	v19 =	vadd.f32 v21, v19  }
0x42a: {  	v21 =	vld.idx.msk [tilespmem:v17+s11+$0x0], $0xffff  }
0x42b: {  	v19 =	vadd.f32 v22, v19  }
0x42c: {  	v22 =	vld.idx.msk [tilespmem:v18+s11+$0x0], $0xffff  }
0x42d: {  	v19 =	vadd.f32 v20, v19;
	_ =	sdelay $0x1  }
0x42e: {  	v19 =	vadd.f32 v21, v19;
	_ =	sdelay $0x1  }
0x42f: {  	v19 =	vadd.f32 v22, v19  }
0x430: {  	s19 =	simm.s32 $0x0  }
0x431: {  	s14 =	sand.u32 $0x3F0, s19;
	[tilespmem:s13+$0x1FD60] =	vst v19  }
0x432: {  	s16 =	simm.s32 $0x0;
	v19 =	vld [tilespmem:s14+$0x1BE80]  }
0x433: {  	v28 =	vld [tilespmem:s16+$0x500]  }
0x434: {  	v20 =	vld [tilespmem:s16+$0x1F918]  }
0x435: {  	v21 =	vld [tilespmem:s16+$0x1C268]  }
0x436: {  	v22 =	vld [tilespmem:s16+$0x1C650]  }
0x437: {  	v23 =	vld [tilespmem:s16+$0x1CA38]  }
0x438: {  	v25 =	vld [tilespmem:s16+$0x1CE20]  }
0x439: {  	v27 =	vld [tilespmem:s16+$0x1D208]  }
0x43a: {  	v29 =	vld [tilespmem:s16+$0x1D5F0]  }
0x43b: {  	v34 =	vimm.f32 $0.0e+00;
	v36 =	vimm.f32 $0.0e+00;
	v31 =	vld [tilespmem:s16+$0x1D9D8]  }
0x43c: {  	v35 =	vimm.f32 $0.0e+00;
	v60 =	vld [tilespmem:s16+$0x1DDC0];
	v19 =	vmul.f32 v19, v28;
	v20 =	vmul.f32 v20, v28  }
0x43d: {  	v32 =	vimm.f32 $0.0e+00;
	v61 =	vld [tilespmem:s16+$0x1E1A8];
	v21 =	vmul.f32 v21, v28;
	v22 =	vmul.f32 v22, v28  }
0x43e: {  	v62 =	vld [tilespmem:s16+$0x1E590];
	v24 =	vadd.f32 v19, v32;
	v19 =	vadd.f32 v20, v32;
	v20 =	vmul.f32 v23, v28  }
0x43f: {  	v33 =	vimm.f32 $0.0e+00;
	v63 =	vld [tilespmem:s16+$0x1E978];
	v30 =	vadd.f32 v21, v32;
	v21 =	vmul.f32 v25, v28  }
0x440: {  	v37 =	vld [tilespmem:s16+$0x1ED60];
	v26 =	vadd.f32 v22, v32;
	v25 =	vadd.f32 v20, v32;
	v20 =	vmul.f32 v27, v28  }
0x441: {  	s15 =	simm.s32 $0x10;
	v38 =	vld [tilespmem:s16+$0x1F148];
	v23 =	vmul.f32 v29, v28;
	v29 =	vmul.f32 v60, v28;
	v21 =	vadd.f32 v21, v32  }
0x442: {  	s17 =	sand.u32 $0x3F0, s15;
	v40 =	vld [tilespmem:s16+$0x1F530];
	v27 =	vmul.f32 v31, v28;
	v22 =	vadd.f32 v20, v32;
	v20 =	vmul.f32 v61, v28  }
0x443: {  	s14 =	simm.s32 $0x10;
	v39 =	vld [tilespmem:s17+$0x1BE80];
	v41 =	vmul.f32 v62, v28;
	v23 =	vadd.f32 v23, v32;
	v29 =	vadd.f32 v29, v32  }
0x444: {  	s16 =	simm.s32 $0x80;
	v42 =	vmul.f32 v63, v28;
	v31 =	vld [tilespmem:s14+$0x500];
	v27 =	vadd.f32 v27, v32;
	v20 =	vadd.f32 v20, v32  }
.LBB2_21:
0x445: {  	p0 =	sne.s32 s16, $0xF40;
	v43 =	vld [tilespmem:s14+$0x1F918];
	v32 =	vadd.f32 v41, v32;
	v37 =	vmul.f32 v37, v28  }
0x446: {  	v41 =	vld [tilespmem:s14+$0x1C268];
	v36 =	vadd.f32 v42, v36;
	v38 =	vmul.f32 v38, v28  }
0x447: {  	v42 =	vld [tilespmem:s14+$0x1C650];
	v35 =	vadd.f32 v37, v35;
	v40 =	vmul.f32 v40, v28  }
0x448: {  	v37 =	vld [tilespmem:s14+$0x1CA38];
	v33 =	vadd.f32 v38, v33  }
0x449: {  	v38 =	vmul.f32 v39, v31;
	v39 =	vld [tilespmem:s14+$0x1CE20];
	v34 =	vadd.f32 v40, v34;
	v28 =	vmov v31  }
0x44a: {  	v31 =	vld [tilespmem:s14+$0x1D208];
	v40 =	vmul.f32 v43, v28  }
0x44b: {  	v24 =	vadd.f32 v38, v24;
	v38 =	vmul.f32 v41, v28;
	v41 =	vld [tilespmem:s14+$0x1D5F0]  }
0x44c: {  	v42 =	vmul.f32 v42, v28;
	v43 =	vld [tilespmem:s14+$0x1D9D8];
	v19 =	vadd.f32 v40, v19  }
0x44d: {  	v30 =	vadd.f32 v38, v30;
	v37 =	vmul.f32 v37, v28;
	v38 =	vld [tilespmem:s14+$0x1DDC0]  }
0x44e: {  	v26 =	vadd.f32 v42, v26;
	v39 =	vmul.f32 v39, v28;
	v40 =	vld [tilespmem:s14+$0x1E1A8]  }
0x44f: {  	v25 =	vadd.f32 v37, v25;
	v31 =	vmul.f32 v31, v28;
	v42 =	vld [tilespmem:s14+$0x1E590]  }
0x450: {  	v21 =	vadd.f32 v39, v21;
	v39 =	vmul.f32 v41, v28;
	v44 =	vld [tilespmem:s14+$0x1E978]  }
.Ltmp9:
0x451: {  	v22 =	vadd.f32 v31, v22;
	v31 =	vmul.f32 v43, v28;
	v37 =	vld [tilespmem:s14+$0x1ED60];
	(pc) =	sbr.rel @p0 .LBB2_21-.Ltmp9, $4  }
0x452: {  	s15 =	sadd.s32 $0x10, s15;
	v23 =	vadd.f32 v39, v23;
	v41 =	vmul.f32 v38, v28;
	v38 =	vld [tilespmem:s14+$0x1F148]  }
0x453: {  	s17 =	sand.u32 $0x3F0, s15;
	v27 =	vadd.f32 v31, v27;
	v43 =	vmul.f32 v40, v28;
	v40 =	vld [tilespmem:s14+$0x1F530]  }
0x454: {  	s14 =	sshra.s32 s16, $0x2;
	v39 =	vld [tilespmem:s17+$0x1BE80];
	v29 =	vadd.f32 v41, v29;
	v41 =	vmul.f32 v42, v28  }
0x455: {  	s16 =	sadd.s32 $0x40, s16;
	v31 =	vld [tilespmem:s14+$0x500];
	v20 =	vadd.f32 v43, v20;
	v42 =	vmul.f32 v44, v28  }
0x456: {  	v43 =	vld [tilespmem:s14+$0x1F918]  }
0x457: {  	v44 =	vld [tilespmem:s14+$0x1C268]  }
0x458: {  	v45 =	vld [tilespmem:s14+$0x1C650]  }
0x459: {  	v46 =	vld [tilespmem:s14+$0x1CA38]  }
0x45a: {  	v47 =	vld [tilespmem:s14+$0x1CE20]  }
0x45b: {  	v48 =	vld [tilespmem:s14+$0x1D208]  }
0x45c: {  	v49 =	vld [tilespmem:s14+$0x1D5F0]  }
0x45d: {  	v50 =	vld [tilespmem:s14+$0x1D9D8]  }
0x45e: {  	v51 =	vld [tilespmem:s14+$0x1DDC0]  }
0x45f: {  	v52 =	vld [tilespmem:s14+$0x1E1A8]  }
0x460: {  	v53 =	vld [tilespmem:s14+$0x1E590]  }
0x461: {  	v54 =	vld [tilespmem:s14+$0x1E978]  }
0x462: {  	v55 =	vld [tilespmem:s14+$0x1ED60]  }
0x463: {  	v37 =	vmul.f32 v37, v28;
	v36 =	vadd.f32 v42, v36;
	v42 =	vld [tilespmem:s14+$0x1F530]  }
0x464: {  	v32 =	vadd.f32 v41, v32;
	v38 =	vmul.f32 v38, v28;
	v59 =	vmul.f32 v40, v28;
	v40 =	vld [tilespmem:$0x8D8]  }
0x465: {  	v41 =	vld [tilespmem:s14+$0x1F148];
	v35 =	vadd.f32 v37, v35;
	v60 =	vmul.f32 v39, v31;
	v61 =	vmul.f32 v44, v31  }
0x466: {  	v33 =	vadd.f32 v38, v33;
	v38 =	vld [tilespmem:$0x1C258];
	v62 =	vmul.f32 v45, v31;
	v63 =	vmul.f32 v46, v31  }
0x467: {  	v56 =	vld [tilespmem:$0x1C640];
	v28 =	vadd.f32 v59, v34;
	v57 =	vmul.f32 v47, v31;
	v58 =	vmul.f32 v48, v31  }
0x468: {  	v59 =	vld [tilespmem:$0x1CA28];
	v24 =	vadd.f32 v60, v24;
	v60 =	vmul.f32 v49, v31;
	v46 =	vmul.f32 v42, v31  }
0x469: {  	v48 =	vld [tilespmem:$0x1D1F8];
	v30 =	vadd.f32 v61, v30;
	v26 =	vadd.f32 v62, v26;
	v40 =	vmul.f32 v3, v40  }
0x46a: {  	v25 =	vadd.f32 v63, v25;
	v61 =	vld [tilespmem:$0x1CE10];
	v21 =	vadd.f32 v57, v21;
	v62 =	vmul.f32 v50, v31  }
0x46b: {  	v63 =	vmul.f32 v51, v31;
	v22 =	vadd.f32 v58, v22;
	v50 =	vld [tilespmem:$0x1D5E0];
	v49 =	vmul.f32 v40, v38  }
0x46c: {  	v57 =	vmul.f32 v52, v31;
	v23 =	vadd.f32 v60, v23;
	v51 =	vmul.f32 v56, v40;
	v56 =	vld [tilespmem:$0x1D9C8]  }
0x46d: {  	v60 =	vmul.f32 v53, v31;
	v58 =	vmul.f32 v59, v40;
	v59 =	vld [tilespmem:$0x1DDB0];
	v24 =	vadd.f32 v49, v24  }
0x46e: {  	v27 =	vadd.f32 v62, v27;
	v62 =	vld [tilespmem:$0x1E198];
	v44 =	vmul.f32 v48, v40;
	v30 =	vadd.f32 v51, v30  }
0x46f: {  	v29 =	vadd.f32 v63, v29;
	v48 =	vld [tilespmem:$0x1E580];
	v63 =	vadd.f32 v58, v26;
	v61 =	vmul.f32 v61, v40;
	[tilespmem:$0x1FE00] =	vst v24  }
0x470: {  	v53 =	vmul.f32 v54, v31;
	v49 =	vmul.f32 v50, v40;
	v50 =	vld [tilespmem:$0x1E968];
	v21 =	vadd.f32 v44, v21;
	[tilespmem:$0x1FE10] =	vst v30  }
0x471: {  	v52 =	vld [tilespmem:$0x1ED50];
	v20 =	vadd.f32 v57, v20;
	[tilespmem:$0x1FE20] =	vst v63;
	v25 =	vadd.f32 v61, v25;
	v51 =	vmul.f32 v56, v40  }
0x472: {  	v57 =	vmul.f32 v55, v31;
	v44 =	vld [tilespmem:$0x1FCF0];
	v22 =	vadd.f32 v49, v22;
	v54 =	vmul.f32 v59, v40;
	[tilespmem:$0x1FE40] =	vst v21  }
0x473: {  	v32 =	vadd.f32 v60, v32;
	v56 =	vld [tilespmem:$0x1F138];
	v58 =	vmul.f32 v62, v40;
	[tilespmem:$0x1FE30] =	vst v25;
	v23 =	vadd.f32 v51, v23  }
0x474: {  	v24 =	vmul.f32 v43, v31;
	v59 =	vld [tilespmem:$0x1F520];
	v61 =	vmul.f32 v48, v40;
	[tilespmem:$0x1FE50] =	vst v22;
	v60 =	vadd.f32 v54, v27  }
0x475: {  	v63 =	vmul.f32 v41, v31;
	v62 =	vld [tilespmem:$0x1F908];
	v37 =	vadd.f32 v58, v29;
	v41 =	vmul.f32 v50, v40;
	[tilespmem:$0x1FE60] =	vst v23  }
0x476: {  	v45 =	vmul.f32 v52, v40;
	v25 =	vadd.f32 v53, v36;
	v20 =	vadd.f32 v61, v20;
	[tilespmem:$0x1FE70] =	vst v60  }
0x477: {  	v19 =	vadd.f32 v24, v19;
	v53 =	vmul.f32 v44, v40;
	[tilespmem:$0x1FE80] =	vst v37;
	v47 =	vadd.f32 v41, v32  }
0x478: {  	v21 =	vadd.f32 v57, v35;
	v48 =	vmul.f32 v56, v40;
	[tilespmem:$0x1FE90] =	vst v20;
	v20 =	vadd.f32 v45, v25  }
0x479: {  	v49 =	vadd.f32 v63, v33;
	v50 =	vmul.f32 v59, v40;
	v19 =	vadd.f32 v53, v19;
	[tilespmem:$0x1FEA0] =	vst v47  }
0x47a: {  	v51 =	vadd.f32 v46, v28;
	v52 =	vmul.f32 v62, v40;
	v21 =	vadd.f32 v48, v21;
	[tilespmem:$0x1FEB0] =	vst v20  }
0x47b: {  	v20 =	vadd.f32 v50, v49;
	[tilespmem:$0x1FEF0] =	vst v19  }
0x47c: {  	v54 =	vadd.f32 v52, v51;
	[tilespmem:$0x1FEC0] =	vst v21  }
0x47d: {  	[tilespmem:$0x1FED0] =	vst v20  }
0x47e: {  	[tilespmem:$0x1FEE0] =	vst v54  }
0x47f: {  	v19 =	vld.idx.msk [tilespmem:v2+s11+$0x0], $0xffff;
	_ =	sdelay $0x1  }
0x480: {  	v20 =	vld.idx.msk [tilespmem:v4+s11+$0x0], $0xffff;
	_ =	sdelay $0x1  }
0x481: {  	v21 =	vld.idx.msk [tilespmem:v5+s11+$0x0], $0xffff  }
0x482: {  	v19 =	vadd.f32 $0.0e+00, v19  }
0x483: {  	v55 =	vld.idx.msk [tilespmem:v6+s11+$0x0], $0xffff  }
0x484: {  	v19 =	vadd.f32 v20, v19  }
0x485: {  	v20 =	vld.idx.msk [tilespmem:v7+s11+$0x0], $0xffff  }
0x486: {  	v19 =	vadd.f32 v21, v19  }
0x487: {  	v56 =	vld.idx.msk [tilespmem:v8+s11+$0x0], $0xffff  }
0x488: {  	v19 =	vadd.f32 v55, v19  }
0x489: {  	v57 =	vld.idx.msk [tilespmem:v9+s11+$0x0], $0xffff  }
0x48a: {  	v19 =	vadd.f32 v20, v19  }
0x48b: {  	v20 =	vld.idx.msk [tilespmem:v10+s11+$0x0], $0xffff  }
0x48c: {  	v19 =	vadd.f32 v56, v19  }
0x48d: {  	v58 =	vld.idx.msk [tilespmem:v11+s11+$0x0], $0xffff  }
0x48e: {  	v19 =	vadd.f32 v57, v19  }
0x48f: {  	v59 =	vld.idx.msk [tilespmem:v12+s11+$0x0], $0xffff  }
0x490: {  	v19 =	vadd.f32 v20, v19  }
0x491: {  	v20 =	vld.idx.msk [tilespmem:v13+s11+$0x0], $0xffff  }
0x492: {  	v19 =	vadd.f32 v58, v19  }
0x493: {  	v60 =	vld.idx.msk [tilespmem:v14+s11+$0x0], $0xffff  }
0x494: {  	v19 =	vadd.f32 v59, v19  }
0x495: {  	v61 =	vld.idx.msk [tilespmem:v15+s11+$0x0], $0xffff  }
0x496: {  	v19 =	vadd.f32 v20, v19  }
0x497: {  	v20 =	vld.idx.msk [tilespmem:v16+s11+$0x0], $0xffff  }
0x498: {  	v19 =	vadd.f32 v60, v19  }
0x499: {  	v62 =	vld.idx.msk [tilespmem:v17+s11+$0x0], $0xffff  }
0x49a: {  	s19 =	sand.u32 $0x1, s12;
	v19 =	vadd.f32 v61, v19  }
0x49b: {  	p0 =	seq.s32 s19, $0x0;
	v63 =	vld.idx.msk [tilespmem:v18+s11+$0x0], $0xffff  }
0x49c: {  	p1 =	seq.s32 @!p0 s12, $0x0;
	v19 =	vadd.f32 v20, v19  }
0x49d: {  	s14 =	simm.s32 @!p0 $0x1;
	p1 =	por !p1, p0  }
0x49e: {  	s15 =	sshrl.u32 @!p0 s12, $0x1;
	s14 =	simm.s32 @p1 $0x0;
	v19 =	vadd.f32 v62, v19  }
0x49f: {  	s14 =	ssub.s32 @!p0 s15, s14  }
0x4a0: {  	s15 =	rddreg [dreg:$0x13];
	s14 =	sshll.u32 @!p0 s14, $0x8;
	v19 =	vadd.f32 v63, v19  }
0x4a1: {  	s12 =	sadd.s32 $0x1, s12;
	s14 =	sadd.s32 @!p0 s15, s14  }
0x4a2: {  	p1 =	sne.s32 s12, $0x10;
	s14 =	sshrl.u32 @!p0 s14, $0x3;
	[tilespmem:s13+$0x1FD70] =	vst v19;
	s13 =	rddreg [dreg:$0x4]  }
0x4a3: {  	s15 =	simm.s32 @!p0 $0x1FD00;
	s13 =	sadd.s32 @!p0 s13, s14;
	s14 =	simm.s32 @!p0 $0x0  }
0x4a4: {  	[hbm4b:s13+s14] =	stream.linear.scatter @!p0 [tilespmem:s15], [sflag:$0x5], $0x100, $0x38;
	[tilespmem:$0x1FF00] =	vst v63  }
.Ltmp10:
0x4a5: {  	_ = 	snop;
	(pc) =	sbr.rel @p1 .LBB2_2-.Ltmp10, $4  }
0x4a6: {  	s13 =	simm.s32 @!p0 $0x5  }
0x4a7: {  	_ =	swait.ge @!p0 [sflag:s13], $0x100  }
0x4a8: {  	[sflag:s13] =	ssyncset.done @!p0 $0x0  }
0x4a9: {  	[sflag:s13] =	ssyncadd.s32 @!p0 $0xFFFFFF00  }
0x4aa: {  	s13 =	rddreg [dreg:$0x16]  }
0x4ab: {  	s12 =	rddreg [dreg:$0x14];
	s13 =	sadd.s32 $0x1, s13  }
0x4ac: {  	p0 =	sne.s32 s13, s12  }
.Ltmp11:
0x4ad: {  	_ = 	snop;
	(pc) =	sbr.rel @p0 .LBB2_1-.Ltmp11, $1  }
0x4ae: {  	_ =	sdelay $0x3  }
0x4af: {  	_ =	sfence.sel $0x180000  }
0x4b0: {  	[bflag:$0x0] =	sbarrier.arrive $0xFFFF  }
0x4b1: {  	_ =	strace $0x90000047  }
0x4b2: {  	s0 =	stileid.u32;
	[bflag:$0x2] =	sbarrier.arrive $0xFFFF  }
0x4b3: {  	p0 =	sne.s32 s0, $0x0;
	s0 =	rddreg [dreg:$0x3]  }
0x4b4: {  	s0 =	sadd.s32 @!p0 $0x100000, s0  }
0x4b5: {  	[sflag:s0] =	ssyncadd.tile.s32 @!p0 $0x1;
	_ =	shalt  }
.Lfunc_end2:
_tile_overlayer_lowered:
.L_overlay_start_2:
0x4b6: {  	(tag) =	ssettag $0x2  }
0x4b7: {  	s0 =	rddreg [dreg:$0x0];
	s2 =	stileid.u32  }
0x4b8: {  	s1 =	rddreg [dreg:$0x1];
	p0 =	sne.s32 s2, $0x0  }
0x4b9: {  	s3 =	rddreg [dreg:$0x2];
	[bflag:$0x3] =	sbarrier.arrive $0xFFFF;
	s2 =	simm.s32 @!p0 $0x1C05  }
0x4ba: {  	[timem:s3], [sflag:s2] =	dma.local @!p0 [hbm:s0], s1  }
0x4bb: {  	s0 =	simm.s32 @!p0 $0x5  }
0x4bc: {  	_ =	swait.ge @!p0 [sflag:s0], s1  }
0x4bd: {  	s1 =	ssub.s32 @!p0 $0x0, s1;
	[sflag:s0] =	ssyncset.done @!p0 $0x0  }
0x4be: {  	[sflag:s0] =	ssyncadd.s32 @!p0 s1  }
0x4bf: {  	[bflag:$0x3] =	sbarrier.arrive $0xFFFF  }
0x4c0: {  	_ =	shalt  }

</sc_bundles>
